<compile_context>
chip_gen: v7x
topology: tpu7x:2x2x1
jax: 0.10.2.dev20260603
libtpu: 0.0.44.dev20260713+nightly
codegen_flags: <defaults>
</compile_context>

<pallas_src>
import functools

import jax
import jax.numpy as jnp
from jax import lax
from jax.experimental import pallas as pl
from jax.experimental.pallas import tpu as pltpu
from jax.experimental.pallas import tpu_sc as plsc

_L = 16


def _tc_linear_t(batch, gt, W, b):
    Bn, D = batch.shape
    blk = 2048
    grid = Bn // blk

    def body(batch_ref, W_ref, b_ref, out_ref):
        out_ref[...] = jnp.dot(batch_ref[...], W_ref[...],
                               preferred_element_type=jnp.float32) + b_ref[...]

    out = pl.pallas_call(
        body,
        grid=(grid,),
        in_specs=[
            pl.BlockSpec((blk, D), lambda i: (i, 0)),
            pl.BlockSpec((D, D), lambda i: (0, 0)),
            pl.BlockSpec((1, D), lambda i: (0, 0)),
        ],
        out_specs=pl.BlockSpec((blk, D), lambda i: (i, 0)),
        out_shape=jax.ShapeDtypeStruct((Bn, D), jnp.float32),
    )(batch, W, b.reshape(1, D))
    return jnp.transpose(out), jnp.transpose(gt)


def _sc_partials(out_T, gt_T, n_tiles, rows_per_tile):
    D, Bn = out_T.shape
    groups = rows_per_tile // _L

    mesh = plsc.VectorSubcoreMesh(core_axis_name="c", subcore_axis_name="s")

    @functools.partial(
        pl.kernel,
        out_type=jax.ShapeDtypeStruct((n_tiles, _L), jnp.float32),
        mesh=mesh,
        compiler_params=pltpu.CompilerParams(needs_layout_passes=False),
        scratch_types=[
            pltpu.VMEM((D, rows_per_tile), jnp.float32),
            pltpu.VMEM((D, rows_per_tile), jnp.float32),
            pltpu.VMEM((D * _L,), jnp.float32),
            pltpu.VMEM((_L,), jnp.float32),
        ],
    )
    def sc_kernel(outT_hbm, gtT_hbm, part_hbm, oT_v, gT_v, rgt_v, acc_v):
        num_cores = lax.axis_size("c")
        wid = lax.axis_index("s") * num_cores + lax.axis_index("c")
        base = wid * rows_per_tile

        pltpu.sync_copy(outT_hbm.at[:, pl.ds(base, rows_per_tile)], oT_v)
        pltpu.sync_copy(gtT_hbm.at[:, pl.ds(base, rows_per_tile)], gT_v)

        def group_body(g, acc):
            g16 = g * _L

            gcols = [gT_v[d, pl.ds(g16, _L)] for d in range(D)]
            rg = [jnp.full((_L,), float(j), jnp.float32) for j in range(D)]
            for a in range(D):
                for c in range(a + 1, D):
                    t = (gcols[c] < gcols[a]).astype(jnp.float32)
                    rg[a] = rg[a] + t
                    rg[c] = rg[c] - t
            for j in range(D):
                rgt_v[pl.ds(j * _L, _L)] = rg[j]

            o = [oT_v[d, pl.ds(g16, _L)] for d in range(D)]
            ro = [jnp.full((_L,), float(j), jnp.float32) for j in range(D)]
            for a in range(D):
                for c in range(a + 1, D):
                    t = (o[c] > o[a]).astype(jnp.float32)
                    ro[a] = ro[a] + t
                    ro[c] = ro[c] - t

            for j in range(D):
                rgj = rgt_v[pl.ds(j * _L, _L)]
                w = jnp.exp(-rgj)
                dif = ro[j] - rgj - o[j]
                acc = acc + jnp.maximum(dif, 0.0) * w
            return acc

        acc = lax.fori_loop(0, groups, group_body,
                            jnp.zeros((_L,), jnp.float32))
        acc_v[...] = acc
        pltpu.sync_copy(acc_v, part_hbm.at[wid])

    return sc_kernel(out_T, gt_T)


def kernel(batch, gt, W, b):
    Bn, D = batch.shape
    n_tiles = 32
    rows_per_tile = Bn // n_tiles
    out_T, gt_T = _tc_linear_t(batch, gt, W, b)
    parts = _sc_partials(out_T, gt_T, n_tiles, rows_per_tile)
    return jnp.sum(parts) * (1.0 / Bn)

# --- scband reference (transcript-rebuilt; emitter-appended) ---
"""Pipeline reference for scband-re-ranking-trainer-2817498546722 (READ-ONLY COPY).

The authoritative reference and input builder live on the scoring server;
editing this copy changes nothing except your own understanding.
"""

import jax, jax.numpy as jnp
import numpy as np

B = 16384
D = 25

def setup_inputs(seed: int = 0) -> dict:
    key = jax.random.key(seed)
    k1, k2, k3, k4 = jax.random.split(key, 4)
    batch = jax.random.uniform(k1, (B, D), dtype=jnp.float32)
    gt = jax.random.uniform(k2, (B, D), dtype=jnp.float32)
    # learned params of the FC(25) re-ranking model (linear 25 -> 25)
    W = jax.random.normal(k3, (D, D), dtype=jnp.float32) * (1.0 / np.sqrt(D))
    b = jax.random.normal(k4, (D,), dtype=jnp.float32) * 0.01
    return {"batch": batch, "gt": gt, "W": W, "b": b}

def reference(batch, gt, W, b):
    # out = self.model(batch)  (FC(25))
    out = batch @ W + b
    # sortout_ = torch.argsort(out, descending=True)
    sortout_ = jnp.argsort(-out, axis=-1)
    # gt = F.softmin(gt, dim=1)
    gt_sm = jax.nn.softmax(-gt, axis=1)
    # sortgt_ = torch.argsort(gt, dim=-1, descending=True)
    sortgt_ = jnp.argsort(-gt_sm, axis=-1)
    # xx = torch.argsort(sortout_); xx_ = torch.argsort(sortgt_)
    xx = jnp.argsort(sortout_, axis=-1)
    xx_ = jnp.argsort(sortgt_, axis=-1)
    # weights = torch.exp(-torch.arange(0, 25, 1))
    weights = jnp.exp(-jnp.arange(0, D, 1, dtype=out.dtype))
    # weigths_[i, sortgt_[i]] = weights   (row-wise scatter-overwrite)
    rows = jnp.arange(B)[:, None]
    weigths_ = jnp.zeros_like(out).at[rows, sortgt_].set(jnp.broadcast_to(weights, out.shape))
    # idx_dif = xx - xx_.clip(min=0) - out
    idx_dif = xx.astype(out.dtype) - jnp.clip(xx_.astype(out.dtype), 0) - out
    # value = idx_dif.clip(min=0) * weigths_
    value = jnp.clip(idx_dif, 0) * weigths_
    value = jnp.sum(value, axis=-1)
    loss = jnp.mean(value)
    return loss

if __name__ == "__main__":
    import jax
    _d = setup_inputs()
    print(jax.jit(kernel)(*tuple(_d.values())))

</pallas_src>

<mosaic_0001>
#map = affine_map<(d0, d1) -> (0, 0)>
module attributes {stable_mosaic.version = 14 : i64} {
  func.func @sc_kernel(%arg0: i32, %arg1: i32, %arg2: memref<25x16384xf32, #tpu.memory_space<hbm>>, %arg3: memref<25x16384xf32, #tpu.memory_space<hbm>>, %arg4: memref<32x16xf32, #tpu.memory_space<hbm>>, %arg5: memref<25x512xf32, #tpu.memory_space<vmem>>, %arg6: memref<25x512xf32, #tpu.memory_space<vmem>>, %arg7: memref<400xf32, #tpu.memory_space<vmem>>, %arg8: memref<16xf32, #tpu.memory_space<vmem>>) attributes {dimension_semantics = [#tpu.dimension_semantics<core_parallel>, #tpu.dimension_semantics<subcore_parallel>], iteration_bounds = array<i64: 2, 16>, scalar_prefetch = 0 : i64, scratch_operands = 4 : i64, tpu.core_type = #tpu.core_type<sc_vector_subcore>, window_params = [{transform_indices = #map}, {transform_indices = #map}, {transform_indices = #map}]} {
    %mul3A = arith.constant 2 : i32
    %mul3A_0 = arith.muli %arg1, %mul3A : i32
    %add3A = arith.addi %mul3A_0, %arg0 : i32
    %mul3A_1 = arith.constant 512 : i32
    %mul3A_2 = arith.muli %add3A, %mul3A_1 : i32
    "tpu.region"() ({
      %run_scoped3A = tpu.sem_alloc : memref<!tpu.dma_semaphore, #tpu.memory_space<semaphore_mem>>
      %dma_start3A = arith.constant 0 : i32
      %dma_start3A_10 = tpu.memref_slice %arg2[%dma_start3A, %mul3A_2] : memref<25x16384xf32, #tpu.memory_space<hbm>> -> memref<25x512xf32, #tpu.memory_space<hbm>>
      %dma_start3A_11 = arith.constant 0 : i32
      %dma_start3A_12 = tpu.memref_slice %arg2[%dma_start3A_11, %mul3A_2] : memref<25x16384xf32, #tpu.memory_space<hbm>> -> memref<25x512xf32, #tpu.memory_space<hbm>>
      tpu.enqueue_dma source(%dma_start3A_12 : memref<25x512xf32, #tpu.memory_space<hbm>>) target(%arg5 : memref<25x512xf32, #tpu.memory_space<vmem>>) target_semaphore(%run_scoped3A : memref<!tpu.dma_semaphore, #tpu.memory_space<semaphore_mem>>)
      %dma_wait3A = arith.constant 0 : i32
      %dma_wait3A_13 = tpu.memref_slice %arg2[%dma_wait3A, %mul3A_2] : memref<25x16384xf32, #tpu.memory_space<hbm>> -> memref<25x512xf32, #tpu.memory_space<hbm>>
      %dma_wait3A_14 = arith.constant 0 : i32
      %dma_wait3A_15 = tpu.memref_slice %arg2[%dma_wait3A_14, %mul3A_2] : memref<25x16384xf32, #tpu.memory_space<hbm>> -> memref<25x512xf32, #tpu.memory_space<hbm>>
      tpu.wait_dma2 semaphore(%run_scoped3A : memref<!tpu.dma_semaphore, #tpu.memory_space<semaphore_mem>>) src(%dma_wait3A_15 : memref<25x512xf32, #tpu.memory_space<hbm>>) dst(%arg5 : memref<25x512xf32, #tpu.memory_space<vmem>>)
      tpu.yield
    }) : () -> ()
    "tpu.region"() ({
      %run_scoped3A = tpu.sem_alloc : memref<!tpu.dma_semaphore, #tpu.memory_space<semaphore_mem>>
      %dma_start3A = arith.constant 0 : i32
      %dma_start3A_10 = tpu.memref_slice %arg3[%dma_start3A, %mul3A_2] : memref<25x16384xf32, #tpu.memory_space<hbm>> -> memref<25x512xf32, #tpu.memory_space<hbm>>
      %dma_start3A_11 = arith.constant 0 : i32
      %dma_start3A_12 = tpu.memref_slice %arg3[%dma_start3A_11, %mul3A_2] : memref<25x16384xf32, #tpu.memory_space<hbm>> -> memref<25x512xf32, #tpu.memory_space<hbm>>
      tpu.enqueue_dma source(%dma_start3A_12 : memref<25x512xf32, #tpu.memory_space<hbm>>) target(%arg6 : memref<25x512xf32, #tpu.memory_space<vmem>>) target_semaphore(%run_scoped3A : memref<!tpu.dma_semaphore, #tpu.memory_space<semaphore_mem>>)
      %dma_wait3A = arith.constant 0 : i32
      %dma_wait3A_13 = tpu.memref_slice %arg3[%dma_wait3A, %mul3A_2] : memref<25x16384xf32, #tpu.memory_space<hbm>> -> memref<25x512xf32, #tpu.memory_space<hbm>>
      %dma_wait3A_14 = arith.constant 0 : i32
      %dma_wait3A_15 = tpu.memref_slice %arg3[%dma_wait3A_14, %mul3A_2] : memref<25x16384xf32, #tpu.memory_space<hbm>> -> memref<25x512xf32, #tpu.memory_space<hbm>>
      tpu.wait_dma2 semaphore(%run_scoped3A : memref<!tpu.dma_semaphore, #tpu.memory_space<semaphore_mem>>) src(%dma_wait3A_15 : memref<25x512xf32, #tpu.memory_space<hbm>>) dst(%arg6 : memref<25x512xf32, #tpu.memory_space<vmem>>)
      tpu.yield
    }) : () -> ()
    %broadcast_in_dim3A = arith.constant 0.000000e+00 : f32
    %broadcast_in_dim3A_3 = vector.broadcast %broadcast_in_dim3A : f32 to vector<16xf32>
    %scan3A = arith.constant 0 : i32
    %scan3A_4 = arith.constant 32 : i32
    %scan3A_5 = arith.addi %scan3A, %scan3A_4 : i32
    %scan3A_6 = arith.constant 1 : i32
    %scan3A_7 = scf.for %scan3A_10 = %scan3A to %scan3A_5 step %scan3A_6 iter_args(%scan3A_11 = %broadcast_in_dim3A_3) -> (vector<16xf32>)  : i32 {
      %mul3A_12 = arith.constant 16 : i32
      %mul3A_13 = arith.muli %scan3A_10, %mul3A_12 : i32
      %get3A = arith.constant 0 : i32
      %get3A_14 = arith.index_cast %get3A : i32 to index
      %get3A_15 = arith.index_cast %mul3A_13 : i32 to index
      %get3A_16 = tpu.vector_load %arg6[%get3A_14, %get3A_15] {strides = array<i32>} : memref<25x512xf32, #tpu.memory_space<vmem>>, vector<16xf32>,
      %get3A_17 = arith.constant 1 : i32
      %get3A_18 = arith.index_cast %get3A_17 : i32 to index
      %get3A_19 = arith.index_cast %mul3A_13 : i32 to index
      %get3A_20 = tpu.vector_load %arg6[%get3A_18, %get3A_19] {strides = array<i32>} : memref<25x512xf32, #tpu.memory_space<vmem>>, vector<16xf32>,
      %get3A_21 = arith.constant 2 : i32
      %get3A_22 = arith.index_cast %get3A_21 : i32 to index
      %get3A_23 = arith.index_cast %mul3A_13 : i32 to index
      %get3A_24 = tpu.vector_load %arg6[%get3A_22, %get3A_23] {strides = array<i32>} : memref<25x512xf32, #tpu.memory_space<vmem>>, vector<16xf32>,
      %get3A_25 = arith.constant 3 : i32
      %get3A_26 = arith.index_cast %get3A_25 : i32 to index
      %get3A_27 = arith.index_cast %mul3A_13 : i32 to index
      %get3A_28 = tpu.vector_load %arg6[%get3A_26, %get3A_27] {strides = array<i32>} : memref<25x512xf32, #tpu.memory_space<vmem>>, vector<16xf32>,
      %get3A_29 = arith.constant 4 : i32
      %get3A_30 = arith.index_cast %get3A_29 : i32 to index
      %get3A_31 = arith.index_cast %mul3A_13 : i32 to index
      %get3A_32 = tpu.vector_load %arg6[%get3A_30, %get3A_31] {strides = array<i32>} : memref<25x512xf32, #tpu.memory_space<vmem>>, vector<16xf32>,
      %get3A_33 = arith.constant 5 : i32
      %get3A_34 = arith.index_cast %get3A_33 : i32 to index
      %get3A_35 = arith.index_cast %mul3A_13 : i32 to index
      %get3A_36 = tpu.vector_load %arg6[%get3A_34, %get3A_35] {strides = array<i32>} : memref<25x512xf32, #tpu.memory_space<vmem>>, vector<16xf32>,
      %get3A_37 = arith.constant 6 : i32
      %get3A_38 = arith.index_cast %get3A_37 : i32 to index
      %get3A_39 = arith.index_cast %mul3A_13 : i32 to index
      %get3A_40 = tpu.vector_load %arg6[%get3A_38, %get3A_39] {strides = array<i32>} : memref<25x512xf32, #tpu.memory_space<vmem>>, vector<16xf32>,
      %get3A_41 = arith.constant 7 : i32
      %get3A_42 = arith.index_cast %get3A_41 : i32 to index
      %get3A_43 = arith.index_cast %mul3A_13 : i32 to index
      %get3A_44 = tpu.vector_load %arg6[%get3A_42, %get3A_43] {strides = array<i32>} : memref<25x512xf32, #tpu.memory_space<vmem>>, vector<16xf32>,
      %get3A_45 = arith.constant 8 : i32
      %get3A_46 = arith.index_cast %get3A_45 : i32 to index
      %get3A_47 = arith.index_cast %mul3A_13 : i32 to index
      %get3A_48 = tpu.vector_load %arg6[%get3A_46, %get3A_47] {strides = array<i32>} : memref<25x512xf32, #tpu.memory_space<vmem>>, vector<16xf32>,
      %get3A_49 = arith.constant 9 : i32
      %get3A_50 = arith.index_cast %get3A_49 : i32 to index
      %get3A_51 = arith.index_cast %mul3A_13 : i32 to index
      %get3A_52 = tpu.vector_load %arg6[%get3A_50, %get3A_51] {strides = array<i32>} : memref<25x512xf32, #tpu.memory_space<vmem>>, vector<16xf32>,
      %get3A_53 = arith.constant 10 : i32
      %get3A_54 = arith.index_cast %get3A_53 : i32 to index
      %get3A_55 = arith.index_cast %mul3A_13 : i32 to index
      %get3A_56 = tpu.vector_load %arg6[%get3A_54, %get3A_55] {strides = array<i32>} : memref<25x512xf32, #tpu.memory_space<vmem>>, vector<16xf32>,
      %get3A_57 = arith.constant 11 : i32
      %get3A_58 = arith.index_cast %get3A_57 : i32 to index
      %get3A_59 = arith.index_cast %mul3A_13 : i32 to index
      %get3A_60 = tpu.vector_load %arg6[%get3A_58, %get3A_59] {strides = array<i32>} : memref<25x512xf32, #tpu.memory_space<vmem>>, vector<16xf32>,
      %get3A_61 = arith.constant 12 : i32
      %get3A_62 = arith.index_cast %get3A_61 : i32 to index
      %get3A_63 = arith.index_cast %mul3A_13 : i32 to index
      %get3A_64 = tpu.vector_load %arg6[%get3A_62, %get3A_63] {strides = array<i32>} : memref<25x512xf32, #tpu.memory_space<vmem>>, vector<16xf32>,
      %get3A_65 = arith.constant 13 : i32
      %get3A_66 = arith.index_cast %get3A_65 : i32 to index
      %get3A_67 = arith.index_cast %mul3A_13 : i32 to index
      %get3A_68 = tpu.vector_load %arg6[%get3A_66, %get3A_67] {strides = array<i32>} : memref<25x512xf32, #tpu.memory_space<vmem>>, vector<16xf32>,
      %get3A_69 = arith.constant 14 : i32
      %get3A_70 = arith.index_cast %get3A_69 : i32 to index
      %get3A_71 = arith.index_cast %mul3A_13 : i32 to index
      %get3A_72 = tpu.vector_load %arg6[%get3A_70, %get3A_71] {strides = array<i32>} : memref<25x512xf32, #tpu.memory_space<vmem>>, vector<16xf32>,
      %get3A_73 = arith.constant 15 : i32
      %get3A_74 = arith.index_cast %get3A_73 : i32 to index
      %get3A_75 = arith.index_cast %mul3A_13 : i32 to index
      %get3A_76 = tpu.vector_load %arg6[%get3A_74, %get3A_75] {strides = array<i32>} : memref<25x512xf32, #tpu.memory_space<vmem>>, vector<16xf32>,
      %get3A_77 = arith.constant 16 : i32
      %get3A_78 = arith.index_cast %get3A_77 : i32 to index
      %get3A_79 = arith.index_cast %mul3A_13 : i32 to index
      %get3A_80 = tpu.vector_load %arg6[%get3A_78, %get3A_79] {strides = array<i32>} : memref<25x512xf32, #tpu.memory_space<vmem>>, vector<16xf32>,
      %get3A_81 = arith.constant 17 : i32
      %get3A_82 = arith.index_cast %get3A_81 : i32 to index
      %get3A_83 = arith.index_cast %mul3A_13 : i32 to index
      %get3A_84 = tpu.vector_load %arg6[%get3A_82, %get3A_83] {strides = array<i32>} : memref<25x512xf32, #tpu.memory_space<vmem>>, vector<16xf32>,
      %get3A_85 = arith.constant 18 : i32
      %get3A_86 = arith.index_cast %get3A_85 : i32 to index
      %get3A_87 = arith.index_cast %mul3A_13 : i32 to index
      %get3A_88 = tpu.vector_load %arg6[%get3A_86, %get3A_87] {strides = array<i32>} : memref<25x512xf32, #tpu.memory_space<vmem>>, vector<16xf32>,
      %get3A_89 = arith.constant 19 : i32
      %get3A_90 = arith.index_cast %get3A_89 : i32 to index
      %get3A_91 = arith.index_cast %mul3A_13 : i32 to index
      %get3A_92 = tpu.vector_load %arg6[%get3A_90, %get3A_91] {strides = array<i32>} : memref<25x512xf32, #tpu.memory_space<vmem>>, vector<16xf32>,
      %get3A_93 = arith.constant 20 : i32
      %get3A_94 = arith.index_cast %get3A_93 : i32 to index
      %get3A_95 = arith.index_cast %mul3A_13 : i32 to index
      %get3A_96 = tpu.vector_load %arg6[%get3A_94, %get3A_95] {strides = array<i32>} : memref<25x512xf32, #tpu.memory_space<vmem>>, vector<16xf32>,
      %get3A_97 = arith.constant 21 : i32
      %get3A_98 = arith.index_cast %get3A_97 : i32 to index
      %get3A_99 = arith.index_cast %mul3A_13 : i32 to index
      %get3A_100 = tpu.vector_load %arg6[%get3A_98, %get3A_99] {strides = array<i32>} : memref<25x512xf32, #tpu.memory_space<vmem>>, vector<16xf32>,
      %get3A_101 = arith.constant 22 : i32
      %get3A_102 = arith.index_cast %get3A_101 : i32 to index
      %get3A_103 = arith.index_cast %mul3A_13 : i32 to index
      %get3A_104 = tpu.vector_load %arg6[%get3A_102, %get3A_103] {strides = array<i32>} : memref<25x512xf32, #tpu.memory_space<vmem>>, vector<16xf32>,
      %get3A_105 = arith.constant 23 : i32
      %get3A_106 = arith.index_cast %get3A_105 : i32 to index
      %get3A_107 = arith.index_cast %mul3A_13 : i32 to index
      %get3A_108 = tpu.vector_load %arg6[%get3A_106, %get3A_107] {strides = array<i32>} : memref<25x512xf32, #tpu.memory_space<vmem>>, vector<16xf32>,
      %get3A_109 = arith.constant 24 : i32
      %get3A_110 = arith.index_cast %get3A_109 : i32 to index
      %get3A_111 = arith.index_cast %mul3A_13 : i32 to index
      %get3A_112 = tpu.vector_load %arg6[%get3A_110, %get3A_111] {strides = array<i32>} : memref<25x512xf32, #tpu.memory_space<vmem>>, vector<16xf32>,
      %broadcast_in_dim3A_113 = arith.constant 0.000000e+00 : f32
      %broadcast_in_dim3A_114 = vector.broadcast %broadcast_in_dim3A_113 : f32 to vector<16xf32>
      %broadcast_in_dim3A_115 = arith.constant 1.000000e+00 : f32
      %broadcast_in_dim3A_116 = vector.broadcast %broadcast_in_dim3A_115 : f32 to vector<16xf32>
      %broadcast_in_dim3A_117 = arith.constant 2.000000e+00 : f32
      %broadcast_in_dim3A_118 = vector.broadcast %broadcast_in_dim3A_117 : f32 to vector<16xf32>
      %broadcast_in_dim3A_119 = arith.constant 3.000000e+00 : f32
      %broadcast_in_dim3A_120 = vector.broadcast %broadcast_in_dim3A_119 : f32 to vector<16xf32>
      %broadcast_in_dim3A_121 = arith.constant 4.000000e+00 : f32
      %broadcast_in_dim3A_122 = vector.broadcast %broadcast_in_dim3A_121 : f32 to vector<16xf32>
      %broadcast_in_dim3A_123 = arith.constant 5.000000e+00 : f32
      %broadcast_in_dim3A_124 = vector.broadcast %broadcast_in_dim3A_123 : f32 to vector<16xf32>
      %broadcast_in_dim3A_125 = arith.constant 6.000000e+00 : f32
      %broadcast_in_dim3A_126 = vector.broadcast %broadcast_in_dim3A_125 : f32 to vector<16xf32>
      %broadcast_in_dim3A_127 = arith.constant 7.000000e+00 : f32
      %broadcast_in_dim3A_128 = vector.broadcast %broadcast_in_dim3A_127 : f32 to vector<16xf32>
      %broadcast_in_dim3A_129 = arith.constant 8.000000e+00 : f32
      %broadcast_in_dim3A_130 = vector.broadcast %broadcast_in_dim3A_129 : f32 to vector<16xf32>
      %broadcast_in_dim3A_131 = arith.constant 9.000000e+00 : f32
      %broadcast_in_dim3A_132 = vector.broadcast %broadcast_in_dim3A_131 : f32 to vector<16xf32>
      %broadcast_in_dim3A_133 = arith.constant 1.000000e+01 : f32
      %broadcast_in_dim3A_134 = vector.broadcast %broadcast_in_dim3A_133 : f32 to vector<16xf32>
      %broadcast_in_dim3A_135 = arith.constant 1.100000e+01 : f32
      %broadcast_in_dim3A_136 = vector.broadcast %broadcast_in_dim3A_135 : f32 to vector<16xf32>
      %broadcast_in_dim3A_137 = arith.constant 1.200000e+01 : f32
      %broadcast_in_dim3A_138 = vector.broadcast %broadcast_in_dim3A_137 : f32 to vector<16xf32>
      %broadcast_in_dim3A_139 = arith.constant 1.300000e+01 : f32
      %broadcast_in_dim3A_140 = vector.broadcast %broadcast_in_dim3A_139 : f32 to vector<16xf32>
      %broadcast_in_dim3A_141 = arith.constant 1.400000e+01 : f32
      %broadcast_in_dim3A_142 = vector.broadcast %broadcast_in_dim3A_141 : f32 to vector<16xf32>
      %broadcast_in_dim3A_143 = arith.constant 1.500000e+01 : f32
      %broadcast_in_dim3A_144 = vector.broadcast %broadcast_in_dim3A_143 : f32 to vector<16xf32>
      %broadcast_in_dim3A_145 = arith.constant 1.600000e+01 : f32
      %broadcast_in_dim3A_146 = vector.broadcast %broadcast_in_dim3A_145 : f32 to vector<16xf32>
      %broadcast_in_dim3A_147 = arith.constant 1.700000e+01 : f32
      %broadcast_in_dim3A_148 = vector.broadcast %broadcast_in_dim3A_147 : f32 to vector<16xf32>
      %broadcast_in_dim3A_149 = arith.constant 1.800000e+01 : f32
      %broadcast_in_dim3A_150 = vector.broadcast %broadcast_in_dim3A_149 : f32 to vector<16xf32>
      %broadcast_in_dim3A_151 = arith.constant 1.900000e+01 : f32
      %broadcast_in_dim3A_152 = vector.broadcast %broadcast_in_dim3A_151 : f32 to vector<16xf32>
      %broadcast_in_dim3A_153 = arith.constant 2.000000e+01 : f32
      %broadcast_in_dim3A_154 = vector.broadcast %broadcast_in_dim3A_153 : f32 to vector<16xf32>
      %broadcast_in_dim3A_155 = arith.constant 2.100000e+01 : f32
      %broadcast_in_dim3A_156 = vector.broadcast %broadcast_in_dim3A_155 : f32 to vector<16xf32>
      %broadcast_in_dim3A_157 = arith.constant 2.200000e+01 : f32
      %broadcast_in_dim3A_158 = vector.broadcast %broadcast_in_dim3A_157 : f32 to vector<16xf32>
      %broadcast_in_dim3A_159 = arith.constant 2.300000e+01 : f32
      %broadcast_in_dim3A_160 = vector.broadcast %broadcast_in_dim3A_159 : f32 to vector<16xf32>
      %broadcast_in_dim3A_161 = arith.constant 2.400000e+01 : f32
      %broadcast_in_dim3A_162 = vector.broadcast %broadcast_in_dim3A_161 : f32 to vector<16xf32>
      %lt3A = arith.cmpf olt, %get3A_20, %get3A_16 : vector<16xf32>
      %convert_element_type3A = arith.extui %lt3A : vector<16xi1> to vector<16xi32>
      %convert_element_type3A_163 = arith.sitofp %convert_element_type3A : vector<16xi32> to vector<16xf32>
      %add3A_164 = arith.addf %broadcast_in_dim3A_114, %convert_element_type3A_163 : vector<16xf32>
      %sub3A = arith.subf %broadcast_in_dim3A_116, %convert_element_type3A_163 : vector<16xf32>
      %lt3A_165 = arith.cmpf olt, %get3A_24, %get3A_16 : vector<16xf32>
      %convert_element_type3A_166 = arith.extui %lt3A_165 : vector<16xi1> to vector<16xi32>
      %convert_element_type3A_167 = arith.sitofp %convert_element_type3A_166 : vector<16xi32> to vector<16xf32>
      %add3A_168 = arith.addf %add3A_164, %convert_element_type3A_167 : vector<16xf32>
      %sub3A_169 = arith.subf %broadcast_in_dim3A_118, %convert_element_type3A_167 : vector<16xf32>
      %lt3A_170 = arith.cmpf olt, %get3A_28, %get3A_16 : vector<16xf32>
      %convert_element_type3A_171 = arith.extui %lt3A_170 : vector<16xi1> to vector<16xi32>
      %convert_element_type3A_172 = arith.sitofp %convert_element_type3A_171 : vector<16xi32> to vector<16xf32>
      %add3A_173 = arith.addf %add3A_168, %convert_element_type3A_172 : vector<16xf32>
      %sub3A_174 = arith.subf %broadcast_in_dim3A_120, %convert_element_type3A_172 : vector<16xf32>
      %lt3A_175 = arith.cmpf olt, %get3A_32, %get3A_16 : vector<16xf32>
      %convert_element_type3A_176 = arith.extui %lt3A_175 : vector<16xi1> to vector<16xi32>
      %convert_element_type3A_177 = arith.sitofp %convert_element_type3A_176 : vector<16xi32> to vector<16xf32>
      %add3A_178 = arith.addf %add3A_173, %convert_element_type3A_177 : vector<16xf32>
      %sub3A_179 = arith.subf %broadcast_in_dim3A_122, %convert_element_type3A_177 : vector<16xf32>
      %lt3A_180 = arith.cmpf olt, %get3A_36, %get3A_16 : vector<16xf32>
      %convert_element_type3A_181 = arith.extui %lt3A_180 : vector<16xi1> to vector<16xi32>
      %convert_element_type3A_182 = arith.sitofp %convert_element_type3A_181 : vector<16xi32> to vector<16xf32>
      %add3A_183 = arith.addf %add3A_178, %convert_element_type3A_182 : vector<16xf32>
      %sub3A_184 = arith.subf %broadcast_in_dim3A_124, %convert_element_type3A_182 : vector<16xf32>
      %lt3A_185 = arith.cmpf olt, %get3A_40, %get3A_16 : vector<16xf32>
      %convert_element_type3A_186 = arith.extui %lt3A_185 : vector<16xi1> to vector<16xi32>
      %convert_element_type3A_187 = arith.sitofp %convert_element_type3A_186 : vector<16xi32> to vector<16xf32>
      %add3A_188 = arith.addf %add3A_183, %convert_element_type3A_187 : vector<16xf32>
      %sub3A_189 = arith.subf %broadcast_in_dim3A_126, %convert_element_type3A_187 : vector<16xf32>
      %lt3A_190 = arith.cmpf olt, %get3A_44, %get3A_16 : vector<16xf32>
      %convert_element_type3A_191 = arith.extui %lt3A_190 : vector<16xi1> to vector<16xi32>
      %convert_element_type3A_192 = arith.sitofp %convert_element_type3A_191 : vector<16xi32> to vector<16xf32>
      %add3A_193 = arith.addf %add3A_188, %convert_element_type3A_192 : vector<16xf32>
      %sub3A_194 = arith.subf %broadcast_in_dim3A_128, %convert_element_type3A_192 : vector<16xf32>
      %lt3A_195 = arith.cmpf olt, %get3A_48, %get3A_16 : vector<16xf32>
      %convert_element_type3A_196 = arith.extui %lt3A_195 : vector<16xi1> to vector<16xi32>
      %convert_element_type3A_197 = arith.sitofp %convert_element_type3A_196 : vector<16xi32> to vector<16xf32>
      %add3A_198 = arith.addf %add3A_193, %convert_element_type3A_197 : vector<16xf32>
      %sub3A_199 = arith.subf %broadcast_in_dim3A_130, %convert_element_type3A_197 : vector<16xf32>
      %lt3A_200 = arith.cmpf olt, %get3A_52, %get3A_16 : vector<16xf32>
      %convert_element_type3A_201 = arith.extui %lt3A_200 : vector<16xi1> to vector<16xi32>
      %convert_element_type3A_202 = arith.sitofp %convert_element_type3A_201 : vector<16xi32> to vector<16xf32>
      %add3A_203 = arith.addf %add3A_198, %convert_element_type3A_202 : vector<16xf32>
      %sub3A_204 = arith.subf %broadcast_in_dim3A_132, %convert_element_type3A_202 : vector<16xf32>
      %lt3A_205 = arith.cmpf olt, %get3A_56, %get3A_16 : vector<16xf32>
      %convert_element_type3A_206 = arith.extui %lt3A_205 : vector<16xi1> to vector<16xi32>
      %convert_element_type3A_207 = arith.sitofp %convert_element_type3A_206 : vector<16xi32> to vector<16xf32>
      %add3A_208 = arith.addf %add3A_203, %convert_element_type3A_207 : vector<16xf32>
      %sub3A_209 = arith.subf %broadcast_in_dim3A_134, %convert_element_type3A_207 : vector<16xf32>
      %lt3A_210 = arith.cmpf olt, %get3A_60, %get3A_16 : vector<16xf32>
      %convert_element_type3A_211 = arith.extui %lt3A_210 : vector<16xi1> to vector<16xi32>
      %convert_element_type3A_212 = arith.sitofp %convert_element_type3A_211 : vector<16xi32> to vector<16xf32>
      %add3A_213 = arith.addf %add3A_208, %convert_element_type3A_212 : vector<16xf32>
      %sub3A_214 = arith.subf %broadcast_in_dim3A_136, %convert_element_type3A_212 : vector<16xf32>
      %lt3A_215 = arith.cmpf olt, %get3A_64, %get3A_16 : vector<16xf32>
      %convert_element_type3A_216 = arith.extui %lt3A_215 : vector<16xi1> to vector<16xi32>
      %convert_element_type3A_217 = arith.sitofp %convert_element_type3A_216 : vector<16xi32> to vector<16xf32>
      %add3A_218 = arith.addf %add3A_213, %convert_element_type3A_217 : vector<16xf32>
      %sub3A_219 = arith.subf %broadcast_in_dim3A_138, %convert_element_type3A_217 : vector<16xf32>
      %lt3A_220 = arith.cmpf olt, %get3A_68, %get3A_16 : vector<16xf32>
      %convert_element_type3A_221 = arith.extui %lt3A_220 : vector<16xi1> to vector<16xi32>
      %convert_element_type3A_222 = arith.sitofp %convert_element_type3A_221 : vector<16xi32> to vector<16xf32>
      %add3A_223 = arith.addf %add3A_218, %convert_element_type3A_222 : vector<16xf32>
      %sub3A_224 = arith.subf %broadcast_in_dim3A_140, %convert_element_type3A_222 : vector<16xf32>
      %lt3A_225 = arith.cmpf olt, %get3A_72, %get3A_16 : vector<16xf32>
      %convert_element_type3A_226 = arith.extui %lt3A_225 : vector<16xi1> to vector<16xi32>
      %convert_element_type3A_227 = arith.sitofp %convert_element_type3A_226 : vector<16xi32> to vector<16xf32>
      %add3A_228 = arith.addf %add3A_223, %convert_element_type3A_227 : vector<16xf32>
      %sub3A_229 = arith.subf %broadcast_in_dim3A_142, %convert_element_type3A_227 : vector<16xf32>
      %lt3A_230 = arith.cmpf olt, %get3A_76, %get3A_16 : vector<16xf32>
      %convert_element_type3A_231 = arith.extui %lt3A_230 : vector<16xi1> to vector<16xi32>
      %convert_element_type3A_232 = arith.sitofp %convert_element_type3A_231 : vector<16xi32> to vector<16xf32>
      %add3A_233 = arith.addf %add3A_228, %convert_element_type3A_232 : vector<16xf32>
      %sub3A_234 = arith.subf %broadcast_in_dim3A_144, %convert_element_type3A_232 : vector<16xf32>
      %lt3A_235 = arith.cmpf olt, %get3A_80, %get3A_16 : vector<16xf32>
      %convert_element_type3A_236 = arith.extui %lt3A_235 : vector<16xi1> to vector<16xi32>
      %convert_element_type3A_237 = arith.sitofp %convert_element_type3A_236 : vector<16xi32> to vector<16xf32>
      %add3A_238 = arith.addf %add3A_233, %convert_element_type3A_237 : vector<16xf32>
      %sub3A_239 = arith.subf %broadcast_in_dim3A_146, %convert_element_type3A_237 : vector<16xf32>
      %lt3A_240 = arith.cmpf olt, %get3A_84, %get3A_16 : vector<16xf32>
      %convert_element_type3A_241 = arith.extui %lt3A_240 : vector<16xi1> to vector<16xi32>
      %convert_element_type3A_242 = arith.sitofp %convert_element_type3A_241 : vector<16xi32> to vector<16xf32>
      %add3A_243 = arith.addf %add3A_238, %convert_element_type3A_242 : vector<16xf32>
      %sub3A_244 = arith.subf %broadcast_in_dim3A_148, %convert_element_type3A_242 : vector<16xf32>
      %lt3A_245 = arith.cmpf olt, %get3A_88, %get3A_16 : vector<16xf32>
      %convert_element_type3A_246 = arith.extui %lt3A_245 : vector<16xi1> to vector<16xi32>
      %convert_element_type3A_247 = arith.sitofp %convert_element_type3A_246 : vector<16xi32> to vector<16xf32>
      %add3A_248 = arith.addf %add3A_243, %convert_element_type3A_247 : vector<16xf32>
      %sub3A_249 = arith.subf %broadcast_in_dim3A_150, %convert_element_type3A_247 : vector<16xf32>
      %lt3A_250 = arith.cmpf olt, %get3A_92, %get3A_16 : vector<16xf32>
      %convert_element_type3A_251 = arith.extui %lt3A_250 : vector<16xi1> to vector<16xi32>
      %convert_element_type3A_252 = arith.sitofp %convert_element_type3A_251 : vector<16xi32> to vector<16xf32>
      %add3A_253 = arith.addf %add3A_248, %convert_element_type3A_252 : vector<16xf32>
      %sub3A_254 = arith.subf %broadcast_in_dim3A_152, %convert_element_type3A_252 : vector<16xf32>
      %lt3A_255 = arith.cmpf olt, %get3A_96, %get3A_16 : vector<16xf32>
      %convert_element_type3A_256 = arith.extui %lt3A_255 : vector<16xi1> to vector<16xi32>
      %convert_element_type3A_257 = arith.sitofp %convert_element_type3A_256 : vector<16xi32> to vector<16xf32>
      %add3A_258 = arith.addf %add3A_253, %convert_element_type3A_257 : vector<16xf32>
      %sub3A_259 = arith.subf %broadcast_in_dim3A_154, %convert_element_type3A_257 : vector<16xf32>
      %lt3A_260 = arith.cmpf olt, %get3A_100, %get3A_16 : vector<16xf32>
      %convert_element_type3A_261 = arith.extui %lt3A_260 : vector<16xi1> to vector<16xi32>
      %convert_element_type3A_262 = arith.sitofp %convert_element_type3A_261 : vector<16xi32> to vector<16xf32>
      %add3A_263 = arith.addf %add3A_258, %convert_element_type3A_262 : vector<16xf32>
      %sub3A_264 = arith.subf %broadcast_in_dim3A_156, %convert_element_type3A_262 : vector<16xf32>
      %lt3A_265 = arith.cmpf olt, %get3A_104, %get3A_16 : vector<16xf32>
      %convert_element_type3A_266 = arith.extui %lt3A_265 : vector<16xi1> to vector<16xi32>
      %convert_element_type3A_267 = arith.sitofp %convert_element_type3A_266 : vector<16xi32> to vector<16xf32>
      %add3A_268 = arith.addf %add3A_263, %convert_element_type3A_267 : vector<16xf32>
      %sub3A_269 = arith.subf %broadcast_in_dim3A_158, %convert_element_type3A_267 : vector<16xf32>
      %lt3A_270 = arith.cmpf olt, %get3A_108, %get3A_16 : vector<16xf32>
      %convert_element_type3A_271 = arith.extui %lt3A_270 : vector<16xi1> to vector<16xi32>
      %convert_element_type3A_272 = arith.sitofp %convert_element_type3A_271 : vector<16xi32> to vector<16xf32>
      %add3A_273 = arith.addf %add3A_268, %convert_element_type3A_272 : vector<16xf32>
      %sub3A_274 = arith.subf %broadcast_in_dim3A_160, %convert_element_type3A_272 : vector<16xf32>
      %lt3A_275 = arith.cmpf olt, %get3A_112, %get3A_16 : vector<16xf32>
      %convert_element_type3A_276 = arith.extui %lt3A_275 : vector<16xi1> to vector<16xi32>
      %convert_element_type3A_277 = arith.sitofp %convert_element_type3A_276 : vector<16xi32> to vector<16xf32>
      %add3A_278 = arith.addf %add3A_273, %convert_element_type3A_277 : vector<16xf32>
      %sub3A_279 = arith.subf %broadcast_in_dim3A_162, %convert_element_type3A_277 : vector<16xf32>
      %lt3A_280 = arith.cmpf olt, %get3A_24, %get3A_20 : vector<16xf32>
      %convert_element_type3A_281 = arith.extui %lt3A_280 : vector<16xi1> to vector<16xi32>
      %convert_element_type3A_282 = arith.sitofp %convert_element_type3A_281 : vector<16xi32> to vector<16xf32>
      %add3A_283 = arith.addf %sub3A, %convert_element_type3A_282 : vector<16xf32>
      %sub3A_284 = arith.subf %sub3A_169, %convert_element_type3A_282 : vector<16xf32>
      %lt3A_285 = arith.cmpf olt, %get3A_28, %get3A_20 : vector<16xf32>
      %convert_element_type3A_286 = arith.extui %lt3A_285 : vector<16xi1> to vector<16xi32>
      %convert_element_type3A_287 = arith.sitofp %convert_element_type3A_286 : vector<16xi32> to vector<16xf32>
      %add3A_288 = arith.addf %add3A_283, %convert_element_type3A_287 : vector<16xf32>
      %sub3A_289 = arith.subf %sub3A_174, %convert_element_type3A_287 : vector<16xf32>
      %lt3A_290 = arith.cmpf olt, %get3A_32, %get3A_20 : vector<16xf32>
      %convert_element_type3A_291 = arith.extui %lt3A_290 : vector<16xi1> to vector<16xi32>
      %convert_element_type3A_292 = arith.sitofp %convert_element_type3A_291 : vector<16xi32> to vector<16xf32>
      %add3A_293 = arith.addf %add3A_288, %convert_element_type3A_292 : vector<16xf32>
      %sub3A_294 = arith.subf %sub3A_179, %convert_element_type3A_292 : vector<16xf32>
      %lt3A_295 = arith.cmpf olt, %get3A_36, %get3A_20 : vector<16xf32>
      %convert_element_type3A_296 = arith.extui %lt3A_295 : vector<16xi1> to vector<16xi32>
      %convert_element_type3A_297 = arith.sitofp %convert_element_type3A_296 : vector<16xi32> to vector<16xf32>
      %add3A_298 = arith.addf %add3A_293, %convert_element_type3A_297 : vector<16xf32>
      %sub3A_299 = arith.subf %sub3A_184, %convert_element_type3A_297 : vector<16xf32>
      %lt3A_300 = arith.cmpf olt, %get3A_40, %get3A_20 : vector<16xf32>
      %convert_element_type3A_301 = arith.extui %lt3A_300 : vector<16xi1> to vector<16xi32>
      %convert_element_type3A_302 = arith.sitofp %convert_element_type3A_301 : vector<16xi32> to vector<16xf32>
      %add3A_303 = arith.addf %add3A_298, %convert_element_type3A_302 : vector<16xf32>
      %sub3A_304 = arith.subf %sub3A_189, %convert_element_type3A_302 : vector<16xf32>
      %lt3A_305 = arith.cmpf olt, %get3A_44, %get3A_20 : vector<16xf32>
      %convert_element_type3A_306 = arith.extui %lt3A_305 : vector<16xi1> to vector<16xi32>
      %convert_element_type3A_307 = arith.sitofp %convert_element_type3A_306 : vector<16xi32> to vector<16xf32>
      %add3A_308 = arith.addf %add3A_303, %convert_element_type3A_307 : vector<16xf32>
      %sub3A_309 = arith.subf %sub3A_194, %convert_element_type3A_307 : vector<16xf32>
      %lt3A_310 = arith.cmpf olt, %get3A_48, %get3A_20 : vector<16xf32>
      %convert_element_type3A_311 = arith.extui %lt3A_310 : vector<16xi1> to vector<16xi32>
      %convert_element_type3A_312 = arith.sitofp %convert_element_type3A_311 : vector<16xi32> to vector<16xf32>
      %add3A_313 = arith.addf %add3A_308, %convert_element_type3A_312 : vector<16xf32>
      %sub3A_314 = arith.subf %sub3A_199, %convert_element_type3A_312 : vector<16xf32>
      %lt3A_315 = arith.cmpf olt, %get3A_52, %get3A_20 : vector<16xf32>
      %convert_element_type3A_316 = arith.extui %lt3A_315 : vector<16xi1> to vector<16xi32>
      %convert_element_type3A_317 = arith.sitofp %convert_element_type3A_316 : vector<16xi32> to vector<16xf32>
      %add3A_318 = arith.addf %add3A_313, %convert_element_type3A_317 : vector<16xf32>
      %sub3A_319 = arith.subf %sub3A_204, %convert_element_type3A_317 : vector<16xf32>
      %lt3A_320 = arith.cmpf olt, %get3A_56, %get3A_20 : vector<16xf32>
      %convert_element_type3A_321 = arith.extui %lt3A_320 : vector<16xi1> to vector<16xi32>
      %convert_element_type3A_322 = arith.sitofp %convert_element_type3A_321 : vector<16xi32> to vector<16xf32>
      %add3A_323 = arith.addf %add3A_318, %convert_element_type3A_322 : vector<16xf32>
      %sub3A_324 = arith.subf %sub3A_209, %convert_element_type3A_322 : vector<16xf32>
      %lt3A_325 = arith.cmpf olt, %get3A_60, %get3A_20 : vector<16xf32>
      %convert_element_type3A_326 = arith.extui %lt3A_325 : vector<16xi1> to vector<16xi32>
      %convert_element_type3A_327 = arith.sitofp %convert_element_type3A_326 : vector<16xi32> to vector<16xf32>
      %add3A_328 = arith.addf %add3A_323, %convert_element_type3A_327 : vector<16xf32>
      %sub3A_329 = arith.subf %sub3A_214, %convert_element_type3A_327 : vector<16xf32>
      %lt3A_330 = arith.cmpf olt, %get3A_64, %get3A_20 : vector<16xf32>
      %convert_element_type3A_331 = arith.extui %lt3A_330 : vector<16xi1> to vector<16xi32>
      %convert_element_type3A_332 = arith.sitofp %convert_element_type3A_331 : vector<16xi32> to vector<16xf32>
      %add3A_333 = arith.addf %add3A_328, %convert_element_type3A_332 : vector<16xf32>
      %sub3A_334 = arith.subf %sub3A_219, %convert_element_type3A_332 : vector<16xf32>
      %lt3A_335 = arith.cmpf olt, %get3A_68, %get3A_20 : vector<16xf32>
      %convert_element_type3A_336 = arith.extui %lt3A_335 : vector<16xi1> to vector<16xi32>
      %convert_element_type3A_337 = arith.sitofp %convert_element_type3A_336 : vector<16xi32> to vector<16xf32>
      %add3A_338 = arith.addf %add3A_333, %convert_element_type3A_337 : vector<16xf32>
      %sub3A_339 = arith.subf %sub3A_224, %convert_element_type3A_337 : vector<16xf32>
      %lt3A_340 = arith.cmpf olt, %get3A_72, %get3A_20 : vector<16xf32>
      %convert_element_type3A_341 = arith.extui %lt3A_340 : vector<16xi1> to vector<16xi32>
      %convert_element_type3A_342 = arith.sitofp %convert_element_type3A_341 : vector<16xi32> to vector<16xf32>
      %add3A_343 = arith.addf %add3A_338, %convert_element_type3A_342 : vector<16xf32>
      %sub3A_344 = arith.subf %sub3A_229, %convert_element_type3A_342 : vector<16xf32>
      %lt3A_345 = arith.cmpf olt, %get3A_76, %get3A_20 : vector<16xf32>
      %convert_element_type3A_346 = arith.extui %lt3A_345 : vector<16xi1> to vector<16xi32>
      %convert_element_type3A_347 = arith.sitofp %convert_element_type3A_346 : vector<16xi32> to vector<16xf32>
      %add3A_348 = arith.addf %add3A_343, %convert_element_type3A_347 : vector<16xf32>
      %sub3A_349 = arith.subf %sub3A_234, %convert_element_type3A_347 : vector<16xf32>
      %lt3A_350 = arith.cmpf olt, %get3A_80, %get3A_20 : vector<16xf32>
      %convert_element_type3A_351 = arith.extui %lt3A_350 : vector<16xi1> to vector<16xi32>
      %convert_element_type3A_352 = arith.sitofp %convert_element_type3A_351 : vector<16xi32> to vector<16xf32>
      %add3A_353 = arith.addf %add3A_348, %convert_element_type3A_352 : vector<16xf32>
      %sub3A_354 = arith.subf %sub3A_239, %convert_element_type3A_352 : vector<16xf32>
      %lt3A_355 = arith.cmpf olt, %get3A_84, %get3A_20 : vector<16xf32>
      %convert_element_type3A_356 = arith.extui %lt3A_355 : vector<16xi1> to vector<16xi32>
      %convert_element_type3A_357 = arith.sitofp %convert_element_type3A_356 : vector<16xi32> to vector<16xf32>
      %add3A_358 = arith.addf %add3A_353, %convert_element_type3A_357 : vector<16xf32>
      %sub3A_359 = arith.subf %sub3A_244, %convert_element_type3A_357 : vector<16xf32>
      %lt3A_360 = arith.cmpf olt, %get3A_88, %get3A_20 : vector<16xf32>
      %convert_element_type3A_361 = arith.extui %lt3A_360 : vector<16xi1> to vector<16xi32>
      %convert_element_type3A_362 = arith.sitofp %convert_element_type3A_361 : vector<16xi32> to vector<16xf32>
      %add3A_363 = arith.addf %add3A_358, %convert_element_type3A_362 : vector<16xf32>
      %sub3A_364 = arith.subf %sub3A_249, %convert_element_type3A_362 : vector<16xf32>
      %lt3A_365 = arith.cmpf olt, %get3A_92, %get3A_20 : vector<16xf32>
      %convert_element_type3A_366 = arith.extui %lt3A_365 : vector<16xi1> to vector<16xi32>
      %convert_element_type3A_367 = arith.sitofp %convert_element_type3A_366 : vector<16xi32> to vector<16xf32>
      %add3A_368 = arith.addf %add3A_363, %convert_element_type3A_367 : vector<16xf32>
      %sub3A_369 = arith.subf %sub3A_254, %convert_element_type3A_367 : vector<16xf32>
      %lt3A_370 = arith.cmpf olt, %get3A_96, %get3A_20 : vector<16xf32>
      %convert_element_type3A_371 = arith.extui %lt3A_370 : vector<16xi1> to vector<16xi32>
      %convert_element_type3A_372 = arith.sitofp %convert_element_type3A_371 : vector<16xi32> to vector<16xf32>
      %add3A_373 = arith.addf %add3A_368, %convert_element_type3A_372 : vector<16xf32>
      %sub3A_374 = arith.subf %sub3A_259, %convert_element_type3A_372 : vector<16xf32>
      %lt3A_375 = arith.cmpf olt, %get3A_100, %get3A_20 : vector<16xf32>
      %convert_element_type3A_376 = arith.extui %lt3A_375 : vector<16xi1> to vector<16xi32>
      %convert_element_type3A_377 = arith.sitofp %convert_element_type3A_376 : vector<16xi32> to vector<16xf32>
      %add3A_378 = arith.addf %add3A_373, %convert_element_type3A_377 : vector<16xf32>
      %sub3A_379 = arith.subf %sub3A_264, %convert_element_type3A_377 : vector<16xf32>
      %lt3A_380 = arith.cmpf olt, %get3A_104, %get3A_20 : vector<16xf32>
      %convert_element_type3A_381 = arith.extui %lt3A_380 : vector<16xi1> to vector<16xi32>
      %convert_element_type3A_382 = arith.sitofp %convert_element_type3A_381 : vector<16xi32> to vector<16xf32>
      %add3A_383 = arith.addf %add3A_378, %convert_element_type3A_382 : vector<16xf32>
      %sub3A_384 = arith.subf %sub3A_269, %convert_element_type3A_382 : vector<16xf32>
      %lt3A_385 = arith.cmpf olt, %get3A_108, %get3A_20 : vector<16xf32>
      %convert_element_type3A_386 = arith.extui %lt3A_385 : vector<16xi1> to vector<16xi32>
      %convert_element_type3A_387 = arith.sitofp %convert_element_type3A_386 : vector<16xi32> to vector<16xf32>
      %add3A_388 = arith.addf %add3A_383, %convert_element_type3A_387 : vector<16xf32>
      %sub3A_389 = arith.subf %sub3A_274, %convert_element_type3A_387 : vector<16xf32>
      %lt3A_390 = arith.cmpf olt, %get3A_112, %get3A_20 : vector<16xf32>
      %convert_element_type3A_391 = arith.extui %lt3A_390 : vector<16xi1> to vector<16xi32>
      %convert_element_type3A_392 = arith.sitofp %convert_element_type3A_391 : vector<16xi32> to vector<16xf32>
      %add3A_393 = arith.addf %add3A_388, %convert_element_type3A_392 : vector<16xf32>
      %sub3A_394 = arith.subf %sub3A_279, %convert_element_type3A_392 : vector<16xf32>
      %lt3A_395 = arith.cmpf olt, %get3A_28, %get3A_24 : vector<16xf32>
      %convert_element_type3A_396 = arith.extui %lt3A_395 : vector<16xi1> to vector<16xi32>
      %convert_element_type3A_397 = arith.sitofp %convert_element_type3A_396 : vector<16xi32> to vector<16xf32>
      %add3A_398 = arith.addf %sub3A_284, %convert_element_type3A_397 : vector<16xf32>
      %sub3A_399 = arith.subf %sub3A_289, %convert_element_type3A_397 : vector<16xf32>
      %lt3A_400 = arith.cmpf olt, %get3A_32, %get3A_24 : vector<16xf32>
      %convert_element_type3A_401 = arith.extui %lt3A_400 : vector<16xi1> to vector<16xi32>
      %convert_element_type3A_402 = arith.sitofp %convert_element_type3A_401 : vector<16xi32> to vector<16xf32>
      %add3A_403 = arith.addf %add3A_398, %convert_element_type3A_402 : vector<16xf32>
      %sub3A_404 = arith.subf %sub3A_294, %convert_element_type3A_402 : vector<16xf32>
      %lt3A_405 = arith.cmpf olt, %get3A_36, %get3A_24 : vector<16xf32>
      %convert_element_type3A_406 = arith.extui %lt3A_405 : vector<16xi1> to vector<16xi32>
      %convert_element_type3A_407 = arith.sitofp %convert_element_type3A_406 : vector<16xi32> to vector<16xf32>
      %add3A_408 = arith.addf %add3A_403, %convert_element_type3A_407 : vector<16xf32>
      %sub3A_409 = arith.subf %sub3A_299, %convert_element_type3A_407 : vector<16xf32>
      %lt3A_410 = arith.cmpf olt, %get3A_40, %get3A_24 : vector<16xf32>
      %convert_element_type3A_411 = arith.extui %lt3A_410 : vector<16xi1> to vector<16xi32>
      %convert_element_type3A_412 = arith.sitofp %convert_element_type3A_411 : vector<16xi32> to vector<16xf32>
      %add3A_413 = arith.addf %add3A_408, %convert_element_type3A_412 : vector<16xf32>
      %sub3A_414 = arith.subf %sub3A_304, %convert_element_type3A_412 : vector<16xf32>
      %lt3A_415 = arith.cmpf olt, %get3A_44, %get3A_24 : vector<16xf32>
      %convert_element_type3A_416 = arith.extui %lt3A_415 : vector<16xi1> to vector<16xi32>
      %convert_element_type3A_417 = arith.sitofp %convert_element_type3A_416 : vector<16xi32> to vector<16xf32>
      %add3A_418 = arith.addf %add3A_413, %convert_element_type3A_417 : vector<16xf32>
      %sub3A_419 = arith.subf %sub3A_309, %convert_element_type3A_417 : vector<16xf32>
      %lt3A_420 = arith.cmpf olt, %get3A_48, %get3A_24 : vector<16xf32>
      %convert_element_type3A_421 = arith.extui %lt3A_420 : vector<16xi1> to vector<16xi32>
      %convert_element_type3A_422 = arith.sitofp %convert_element_type3A_421 : vector<16xi32> to vector<16xf32>
      %add3A_423 = arith.addf %add3A_418, %convert_element_type3A_422 : vector<16xf32>
      %sub3A_424 = arith.subf %sub3A_314, %convert_element_type3A_422 : vector<16xf32>
      %lt3A_425 = arith.cmpf olt, %get3A_52, %get3A_24 : vector<16xf32>
      %convert_element_type3A_426 = arith.extui %lt3A_425 : vector<16xi1> to vector<16xi32>
      %convert_element_type3A_427 = arith.sitofp %convert_element_type3A_426 : vector<16xi32> to vector<16xf32>
      %add3A_428 = arith.addf %add3A_423, %convert_element_type3A_427 : vector<16xf32>
      %sub3A_429 = arith.subf %sub3A_319, %convert_element_type3A_427 : vector<16xf32>
      %lt3A_430 = arith.cmpf olt, %get3A_56, %get3A_24 : vector<16xf32>
      %convert_element_type3A_431 = arith.extui %lt3A_430 : vector<16xi1> to vector<16xi32>
      %convert_element_type3A_432 = arith.sitofp %convert_element_type3A_431 : vector<16xi32> to vector<16xf32>
      %add3A_433 = arith.addf %add3A_428, %convert_element_type3A_432 : vector<16xf32>
      %sub3A_434 = arith.subf %sub3A_324, %convert_element_type3A_432 : vector<16xf32>
      %lt3A_435 = arith.cmpf olt, %get3A_60, %get3A_24 : vector<16xf32>
      %convert_element_type3A_436 = arith.extui %lt3A_435 : vector<16xi1> to vector<16xi32>
      %convert_element_type3A_437 = arith.sitofp %convert_element_type3A_436 : vector<16xi32> to vector<16xf32>
      %add3A_438 = arith.addf %add3A_433, %convert_element_type3A_437 : vector<16xf32>
      %sub3A_439 = arith.subf %sub3A_329, %convert_element_type3A_437 : vector<16xf32>
      %lt3A_440 = arith.cmpf olt, %get3A_64, %get3A_24 : vector<16xf32>
      %convert_element_type3A_441 = arith.extui %lt3A_440 : vector<16xi1> to vector<16xi32>
      %convert_element_type3A_442 = arith.sitofp %convert_element_type3A_441 : vector<16xi32> to vector<16xf32>
      %add3A_443 = arith.addf %add3A_438, %convert_element_type3A_442 : vector<16xf32>
      %sub3A_444 = arith.subf %sub3A_334, %convert_element_type3A_442 : vector<16xf32>
      %lt3A_445 = arith.cmpf olt, %get3A_68, %get3A_24 : vector<16xf32>
      %convert_element_type3A_446 = arith.extui %lt3A_445 : vector<16xi1> to vector<16xi32>
      %convert_element_type3A_447 = arith.sitofp %convert_element_type3A_446 : vector<16xi32> to vector<16xf32>
      %add3A_448 = arith.addf %add3A_443, %convert_element_type3A_447 : vector<16xf32>
      %sub3A_449 = arith.subf %sub3A_339, %convert_element_type3A_447 : vector<16xf32>
      %lt3A_450 = arith.cmpf olt, %get3A_72, %get3A_24 : vector<16xf32>
      %convert_element_type3A_451 = arith.extui %lt3A_450 : vector<16xi1> to vector<16xi32>
      %convert_element_type3A_452 = arith.sitofp %convert_element_type3A_451 : vector<16xi32> to vector<16xf32>
      %add3A_453 = arith.addf %add3A_448, %convert_element_type3A_452 : vector<16xf32>
      %sub3A_454 = arith.subf %sub3A_344, %convert_element_type3A_452 : vector<16xf32>
      %lt3A_455 = arith.cmpf olt, %get3A_76, %get3A_24 : vector<16xf32>
      %convert_element_type3A_456 = arith.extui %lt3A_455 : vector<16xi1> to vector<16xi32>
      %convert_element_type3A_457 = arith.sitofp %convert_element_type3A_456 : vector<16xi32> to vector<16xf32>
      %add3A_458 = arith.addf %add3A_453, %convert_element_type3A_457 : vector<16xf32>
      %sub3A_459 = arith.subf %sub3A_349, %convert_element_type3A_457 : vector<16xf32>
      %lt3A_460 = arith.cmpf olt, %get3A_80, %get3A_24 : vector<16xf32>
      %convert_element_type3A_461 = arith.extui %lt3A_460 : vector<16xi1> to vector<16xi32>
      %convert_element_type3A_462 = arith.sitofp %convert_element_type3A_461 : vector<16xi32> to vector<16xf32>
      %add3A_463 = arith.addf %add3A_458, %convert_element_type3A_462 : vector<16xf32>
      %sub3A_464 = arith.subf %sub3A_354, %convert_element_type3A_462 : vector<16xf32>
      %lt3A_465 = arith.cmpf olt, %get3A_84, %get3A_24 : vector<16xf32>
      %convert_element_type3A_466 = arith.extui %lt3A_465 : vector<16xi1> to vector<16xi32>
      %convert_element_type3A_467 = arith.sitofp %convert_element_type3A_466 : vector<16xi32> to vector<16xf32>
      %add3A_468 = arith.addf %add3A_463, %convert_element_type3A_467 : vector<16xf32>
      %sub3A_469 = arith.subf %sub3A_359, %convert_element_type3A_467 : vector<16xf32>
      %lt3A_470 = arith.cmpf olt, %get3A_88, %get3A_24 : vector<16xf32>
      %convert_element_type3A_471 = arith.extui %lt3A_470 : vector<16xi1> to vector<16xi32>
      %convert_element_type3A_472 = arith.sitofp %convert_element_type3A_471 : vector<16xi32> to vector<16xf32>
      %add3A_473 = arith.addf %add3A_468, %convert_element_type3A_472 : vector<16xf32>
      %sub3A_474 = arith.subf %sub3A_364, %convert_element_type3A_472 : vector<16xf32>
      %lt3A_475 = arith.cmpf olt, %get3A_92, %get3A_24 : vector<16xf32>
      %convert_element_type3A_476 = arith.extui %lt3A_475 : vector<16xi1> to vector<16xi32>
      %convert_element_type3A_477 = arith.sitofp %convert_element_type3A_476 : vector<16xi32> to vector<16xf32>
      %add3A_478 = arith.addf %add3A_473, %convert_element_type3A_477 : vector<16xf32>
      %sub3A_479 = arith.subf %sub3A_369, %convert_element_type3A_477 : vector<16xf32>
      %lt3A_480 = arith.cmpf olt, %get3A_96, %get3A_24 : vector<16xf32>
      %convert_element_type3A_481 = arith.extui %lt3A_480 : vector<16xi1> to vector<16xi32>
      %convert_element_type3A_482 = arith.sitofp %convert_element_type3A_481 : vector<16xi32> to vector<16xf32>
      %add3A_483 = arith.addf %add3A_478, %convert_element_type3A_482 : vector<16xf32>
      %sub3A_484 = arith.subf %sub3A_374, %convert_element_type3A_482 : vector<16xf32>
      %lt3A_485 = arith.cmpf olt, %get3A_100, %get3A_24 : vector<16xf32>
      %convert_element_type3A_486 = arith.extui %lt3A_485 : vector<16xi1> to vector<16xi32>
      %convert_element_type3A_487 = arith.sitofp %convert_element_type3A_486 : vector<16xi32> to vector<16xf32>
      %add3A_488 = arith.addf %add3A_483, %convert_element_type3A_487 : vector<16xf32>
      %sub3A_489 = arith.subf %sub3A_379, %convert_element_type3A_487 : vector<16xf32>
      %lt3A_490 = arith.cmpf olt, %get3A_104, %get3A_24 : vector<16xf32>
      %convert_element_type3A_491 = arith.extui %lt3A_490 : vector<16xi1> to vector<16xi32>
      %convert_element_type3A_492 = arith.sitofp %convert_element_type3A_491 : vector<16xi32> to vector<16xf32>
      %add3A_493 = arith.addf %add3A_488, %convert_element_type3A_492 : vector<16xf32>
      %sub3A_494 = arith.subf %sub3A_384, %convert_element_type3A_492 : vector<16xf32>
      %lt3A_495 = arith.cmpf olt, %get3A_108, %get3A_24 : vector<16xf32>
      %convert_element_type3A_496 = arith.extui %lt3A_495 : vector<16xi1> to vector<16xi32>
      %convert_element_type3A_497 = arith.sitofp %convert_element_type3A_496 : vector<16xi32> to vector<16xf32>
      %add3A_498 = arith.addf %add3A_493, %convert_element_type3A_497 : vector<16xf32>
      %sub3A_499 = arith.subf %sub3A_389, %convert_element_type3A_497 : vector<16xf32>
      %lt3A_500 = arith.cmpf olt, %get3A_112, %get3A_24 : vector<16xf32>
      %convert_element_type3A_501 = arith.extui %lt3A_500 : vector<16xi1> to vector<16xi32>
      %convert_element_type3A_502 = arith.sitofp %convert_element_type3A_501 : vector<16xi32> to vector<16xf32>
      %add3A_503 = arith.addf %add3A_498, %convert_element_type3A_502 : vector<16xf32>
      %sub3A_504 = arith.subf %sub3A_394, %convert_element_type3A_502 : vector<16xf32>
      %lt3A_505 = arith.cmpf olt, %get3A_32, %get3A_28 : vector<16xf32>
      %convert_element_type3A_506 = arith.extui %lt3A_505 : vector<16xi1> to vector<16xi32>
      %convert_element_type3A_507 = arith.sitofp %convert_element_type3A_506 : vector<16xi32> to vector<16xf32>
      %add3A_508 = arith.addf %sub3A_399, %convert_element_type3A_507 : vector<16xf32>
      %sub3A_509 = arith.subf %sub3A_404, %convert_element_type3A_507 : vector<16xf32>
      %lt3A_510 = arith.cmpf olt, %get3A_36, %get3A_28 : vector<16xf32>
      %convert_element_type3A_511 = arith.extui %lt3A_510 : vector<16xi1> to vector<16xi32>
      %convert_element_type3A_512 = arith.sitofp %convert_element_type3A_511 : vector<16xi32> to vector<16xf32>
      %add3A_513 = arith.addf %add3A_508, %convert_element_type3A_512 : vector<16xf32>
      %sub3A_514 = arith.subf %sub3A_409, %convert_element_type3A_512 : vector<16xf32>
      %lt3A_515 = arith.cmpf olt, %get3A_40, %get3A_28 : vector<16xf32>
      %convert_element_type3A_516 = arith.extui %lt3A_515 : vector<16xi1> to vector<16xi32>
      %convert_element_type3A_517 = arith.sitofp %convert_element_type3A_516 : vector<16xi32> to vector<16xf32>
      %add3A_518 = arith.addf %add3A_513, %convert_element_type3A_517 : vector<16xf32>
      %sub3A_519 = arith.subf %sub3A_414, %convert_element_type3A_517 : vector<16xf32>
      %lt3A_520 = arith.cmpf olt, %get3A_44, %get3A_28 : vector<16xf32>
      %convert_element_type3A_521 = arith.extui %lt3A_520 : vector<16xi1> to vector<16xi32>
      %convert_element_type3A_522 = arith.sitofp %convert_element_type3A_521 : vector<16xi32> to vector<16xf32>
      %add3A_523 = arith.addf %add3A_518, %convert_element_type3A_522 : vector<16xf32>
      %sub3A_524 = arith.subf %sub3A_419, %convert_element_type3A_522 : vector<16xf32>
      %lt3A_525 = arith.cmpf olt, %get3A_48, %get3A_28 : vector<16xf32>
      %convert_element_type3A_526 = arith.extui %lt3A_525 : vector<16xi1> to vector<16xi32>
      %convert_element_type3A_527 = arith.sitofp %convert_element_type3A_526 : vector<16xi32> to vector<16xf32>
      %add3A_528 = arith.addf %add3A_523, %convert_element_type3A_527 : vector<16xf32>
      %sub3A_529 = arith.subf %sub3A_424, %convert_element_type3A_527 : vector<16xf32>
      %lt3A_530 = arith.cmpf olt, %get3A_52, %get3A_28 : vector<16xf32>
      %convert_element_type3A_531 = arith.extui %lt3A_530 : vector<16xi1> to vector<16xi32>
      %convert_element_type3A_532 = arith.sitofp %convert_element_type3A_531 : vector<16xi32> to vector<16xf32>
      %add3A_533 = arith.addf %add3A_528, %convert_element_type3A_532 : vector<16xf32>
      %sub3A_534 = arith.subf %sub3A_429, %convert_element_type3A_532 : vector<16xf32>
      %lt3A_535 = arith.cmpf olt, %get3A_56, %get3A_28 : vector<16xf32>
      %convert_element_type3A_536 = arith.extui %lt3A_535 : vector<16xi1> to vector<16xi32>
      %convert_element_type3A_537 = arith.sitofp %convert_element_type3A_536 : vector<16xi32> to vector<16xf32>
      %add3A_538 = arith.addf %add3A_533, %convert_element_type3A_537 : vector<16xf32>
      %sub3A_539 = arith.subf %sub3A_434, %convert_element_type3A_537 : vector<16xf32>
      %lt3A_540 = arith.cmpf olt, %get3A_60, %get3A_28 : vector<16xf32>
      %convert_element_type3A_541 = arith.extui %lt3A_540 : vector<16xi1> to vector<16xi32>
      %convert_element_type3A_542 = arith.sitofp %convert_element_type3A_541 : vector<16xi32> to vector<16xf32>
      %add3A_543 = arith.addf %add3A_538, %convert_element_type3A_542 : vector<16xf32>
      %sub3A_544 = arith.subf %sub3A_439, %convert_element_type3A_542 : vector<16xf32>
      %lt3A_545 = arith.cmpf olt, %get3A_64, %get3A_28 : vector<16xf32>
      %convert_element_type3A_546 = arith.extui %lt3A_545 : vector<16xi1> to vector<16xi32>
      %convert_element_type3A_547 = arith.sitofp %convert_element_type3A_546 : vector<16xi32> to vector<16xf32>
      %add3A_548 = arith.addf %add3A_543, %convert_element_type3A_547 : vector<16xf32>
      %sub3A_549 = arith.subf %sub3A_444, %convert_element_type3A_547 : vector<16xf32>
      %lt3A_550 = arith.cmpf olt, %get3A_68, %get3A_28 : vector<16xf32>
      %convert_element_type3A_551 = arith.extui %lt3A_550 : vector<16xi1> to vector<16xi32>
      %convert_element_type3A_552 = arith.sitofp %convert_element_type3A_551 : vector<16xi32> to vector<16xf32>
      %add3A_553 = arith.addf %add3A_548, %convert_element_type3A_552 : vector<16xf32>
      %sub3A_554 = arith.subf %sub3A_449, %convert_element_type3A_552 : vector<16xf32>
      %lt3A_555 = arith.cmpf olt, %get3A_72, %get3A_28 : vector<16xf32>
      %convert_element_type3A_556 = arith.extui %lt3A_555 : vector<16xi1> to vector<16xi32>
      %convert_element_type3A_557 = arith.sitofp %convert_element_type3A_556 : vector<16xi32> to vector<16xf32>
      %add3A_558 = arith.addf %add3A_553, %convert_element_type3A_557 : vector<16xf32>
      %sub3A_559 = arith.subf %sub3A_454, %convert_element_type3A_557 : vector<16xf32>
      %lt3A_560 = arith.cmpf olt, %get3A_76, %get3A_28 : vector<16xf32>
      %convert_element_type3A_561 = arith.extui %lt3A_560 : vector<16xi1> to vector<16xi32>
      %convert_element_type3A_562 = arith.sitofp %convert_element_type3A_561 : vector<16xi32> to vector<16xf32>
      %add3A_563 = arith.addf %add3A_558, %convert_element_type3A_562 : vector<16xf32>
      %sub3A_564 = arith.subf %sub3A_459, %convert_element_type3A_562 : vector<16xf32>
      %lt3A_565 = arith.cmpf olt, %get3A_80, %get3A_28 : vector<16xf32>
      %convert_element_type3A_566 = arith.extui %lt3A_565 : vector<16xi1> to vector<16xi32>
      %convert_element_type3A_567 = arith.sitofp %convert_element_type3A_566 : vector<16xi32> to vector<16xf32>
      %add3A_568 = arith.addf %add3A_563, %convert_element_type3A_567 : vector<16xf32>
      %sub3A_569 = arith.subf %sub3A_464, %convert_element_type3A_567 : vector<16xf32>
      %lt3A_570 = arith.cmpf olt, %get3A_84, %get3A_28 : vector<16xf32>
      %convert_element_type3A_571 = arith.extui %lt3A_570 : vector<16xi1> to vector<16xi32>
      %convert_element_type3A_572 = arith.sitofp %convert_element_type3A_571 : vector<16xi32> to vector<16xf32>
      %add3A_573 = arith.addf %add3A_568, %convert_element_type3A_572 : vector<16xf32>
      %sub3A_574 = arith.subf %sub3A_469, %convert_element_type3A_572 : vector<16xf32>
      %lt3A_575 = arith.cmpf olt, %get3A_88, %get3A_28 : vector<16xf32>
      %convert_element_type3A_576 = arith.extui %lt3A_575 : vector<16xi1> to vector<16xi32>
      %convert_element_type3A_577 = arith.sitofp %convert_element_type3A_576 : vector<16xi32> to vector<16xf32>
      %add3A_578 = arith.addf %add3A_573, %convert_element_type3A_577 : vector<16xf32>
      %sub3A_579 = arith.subf %sub3A_474, %convert_element_type3A_577 : vector<16xf32>
      %lt3A_580 = arith.cmpf olt, %get3A_92, %get3A_28 : vector<16xf32>
      %convert_element_type3A_581 = arith.extui %lt3A_580 : vector<16xi1> to vector<16xi32>
      %convert_element_type3A_582 = arith.sitofp %convert_element_type3A_581 : vector<16xi32> to vector<16xf32>
      %add3A_583 = arith.addf %add3A_578, %convert_element_type3A_582 : vector<16xf32>
      %sub3A_584 = arith.subf %sub3A_479, %convert_element_type3A_582 : vector<16xf32>
      %lt3A_585 = arith.cmpf olt, %get3A_96, %get3A_28 : vector<16xf32>
      %convert_element_type3A_586 = arith.extui %lt3A_585 : vector<16xi1> to vector<16xi32>
      %convert_element_type3A_587 = arith.sitofp %convert_element_type3A_586 : vector<16xi32> to vector<16xf32>
      %add3A_588 = arith.addf %add3A_583, %convert_element_type3A_587 : vector<16xf32>
      %sub3A_589 = arith.subf %sub3A_484, %convert_element_type3A_587 : vector<16xf32>
      %lt3A_590 = arith.cmpf olt, %get3A_100, %get3A_28 : vector<16xf32>
      %convert_element_type3A_591 = arith.extui %lt3A_590 : vector<16xi1> to vector<16xi32>
      %convert_element_type3A_592 = arith.sitofp %convert_element_type3A_591 : vector<16xi32> to vector<16xf32>
      %add3A_593 = arith.addf %add3A_588, %convert_element_type3A_592 : vector<16xf32>
      %sub3A_594 = arith.subf %sub3A_489, %convert_element_type3A_592 : vector<16xf32>
      %lt3A_595 = arith.cmpf olt, %get3A_104, %get3A_28 : vector<16xf32>
      %convert_element_type3A_596 = arith.extui %lt3A_595 : vector<16xi1> to vector<16xi32>
      %convert_element_type3A_597 = arith.sitofp %convert_element_type3A_596 : vector<16xi32> to vector<16xf32>
      %add3A_598 = arith.addf %add3A_593, %convert_element_type3A_597 : vector<16xf32>
      %sub3A_599 = arith.subf %sub3A_494, %convert_element_type3A_597 : vector<16xf32>
      %lt3A_600 = arith.cmpf olt, %get3A_108, %get3A_28 : vector<16xf32>
      %convert_element_type3A_601 = arith.extui %lt3A_600 : vector<16xi1> to vector<16xi32>
      %convert_element_type3A_602 = arith.sitofp %convert_element_type3A_601 : vector<16xi32> to vector<16xf32>
      %add3A_603 = arith.addf %add3A_598, %convert_element_type3A_602 : vector<16xf32>
      %sub3A_604 = arith.subf %sub3A_499, %convert_element_type3A_602 : vector<16xf32>
      %lt3A_605 = arith.cmpf olt, %get3A_112, %get3A_28 : vector<16xf32>
      %convert_element_type3A_606 = arith.extui %lt3A_605 : vector<16xi1> to vector<16xi32>
      %convert_element_type3A_607 = arith.sitofp %convert_element_type3A_606 : vector<16xi32> to vector<16xf32>
      %add3A_608 = arith.addf %add3A_603, %convert_element_type3A_607 : vector<16xf32>
      %sub3A_609 = arith.subf %sub3A_504, %convert_element_type3A_607 : vector<16xf32>
      %lt3A_610 = arith.cmpf olt, %get3A_36, %get3A_32 : vector<16xf32>
      %convert_element_type3A_611 = arith.extui %lt3A_610 : vector<16xi1> to vector<16xi32>
      %convert_element_type3A_612 = arith.sitofp %convert_element_type3A_611 : vector<16xi32> to vector<16xf32>
      %add3A_613 = arith.addf %sub3A_509, %convert_element_type3A_612 : vector<16xf32>
      %sub3A_614 = arith.subf %sub3A_514, %convert_element_type3A_612 : vector<16xf32>
      %lt3A_615 = arith.cmpf olt, %get3A_40, %get3A_32 : vector<16xf32>
      %convert_element_type3A_616 = arith.extui %lt3A_615 : vector<16xi1> to vector<16xi32>
      %convert_element_type3A_617 = arith.sitofp %convert_element_type3A_616 : vector<16xi32> to vector<16xf32>
      %add3A_618 = arith.addf %add3A_613, %convert_element_type3A_617 : vector<16xf32>
      %sub3A_619 = arith.subf %sub3A_519, %convert_element_type3A_617 : vector<16xf32>
      %lt3A_620 = arith.cmpf olt, %get3A_44, %get3A_32 : vector<16xf32>
      %convert_element_type3A_621 = arith.extui %lt3A_620 : vector<16xi1> to vector<16xi32>
      %convert_element_type3A_622 = arith.sitofp %convert_element_type3A_621 : vector<16xi32> to vector<16xf32>
      %add3A_623 = arith.addf %add3A_618, %convert_element_type3A_622 : vector<16xf32>
      %sub3A_624 = arith.subf %sub3A_524, %convert_element_type3A_622 : vector<16xf32>
      %lt3A_625 = arith.cmpf olt, %get3A_48, %get3A_32 : vector<16xf32>
      %convert_element_type3A_626 = arith.extui %lt3A_625 : vector<16xi1> to vector<16xi32>
      %convert_element_type3A_627 = arith.sitofp %convert_element_type3A_626 : vector<16xi32> to vector<16xf32>
      %add3A_628 = arith.addf %add3A_623, %convert_element_type3A_627 : vector<16xf32>
      %sub3A_629 = arith.subf %sub3A_529, %convert_element_type3A_627 : vector<16xf32>
      %lt3A_630 = arith.cmpf olt, %get3A_52, %get3A_32 : vector<16xf32>
      %convert_element_type3A_631 = arith.extui %lt3A_630 : vector<16xi1> to vector<16xi32>
      %convert_element_type3A_632 = arith.sitofp %convert_element_type3A_631 : vector<16xi32> to vector<16xf32>
      %add3A_633 = arith.addf %add3A_628, %convert_element_type3A_632 : vector<16xf32>
      %sub3A_634 = arith.subf %sub3A_534, %convert_element_type3A_632 : vector<16xf32>
      %lt3A_635 = arith.cmpf olt, %get3A_56, %get3A_32 : vector<16xf32>
      %convert_element_type3A_636 = arith.extui %lt3A_635 : vector<16xi1> to vector<16xi32>
      %convert_element_type3A_637 = arith.sitofp %convert_element_type3A_636 : vector<16xi32> to vector<16xf32>
      %add3A_638 = arith.addf %add3A_633, %convert_element_type3A_637 : vector<16xf32>
      %sub3A_639 = arith.subf %sub3A_539, %convert_element_type3A_637 : vector<16xf32>
      %lt3A_640 = arith.cmpf olt, %get3A_60, %get3A_32 : vector<16xf32>
      %convert_element_type3A_641 = arith.extui %lt3A_640 : vector<16xi1> to vector<16xi32>
      %convert_element_type3A_642 = arith.sitofp %convert_element_type3A_641 : vector<16xi32> to vector<16xf32>
      %add3A_643 = arith.addf %add3A_638, %convert_element_type3A_642 : vector<16xf32>
      %sub3A_644 = arith.subf %sub3A_544, %convert_element_type3A_642 : vector<16xf32>
      %lt3A_645 = arith.cmpf olt, %get3A_64, %get3A_32 : vector<16xf32>
      %convert_element_type3A_646 = arith.extui %lt3A_645 : vector<16xi1> to vector<16xi32>
      %convert_element_type3A_647 = arith.sitofp %convert_element_type3A_646 : vector<16xi32> to vector<16xf32>
      %add3A_648 = arith.addf %add3A_643, %convert_element_type3A_647 : vector<16xf32>
      %sub3A_649 = arith.subf %sub3A_549, %convert_element_type3A_647 : vector<16xf32>
      %lt3A_650 = arith.cmpf olt, %get3A_68, %get3A_32 : vector<16xf32>
      %convert_element_type3A_651 = arith.extui %lt3A_650 : vector<16xi1> to vector<16xi32>
      %convert_element_type3A_652 = arith.sitofp %convert_element_type3A_651 : vector<16xi32> to vector<16xf32>
      %add3A_653 = arith.addf %add3A_648, %convert_element_type3A_652 : vector<16xf32>
      %sub3A_654 = arith.subf %sub3A_554, %convert_element_type3A_652 : vector<16xf32>
      %lt3A_655 = arith.cmpf olt, %get3A_72, %get3A_32 : vector<16xf32>
      %convert_element_type3A_656 = arith.extui %lt3A_655 : vector<16xi1> to vector<16xi32>
      %convert_element_type3A_657 = arith.sitofp %convert_element_type3A_656 : vector<16xi32> to vector<16xf32>
      %add3A_658 = arith.addf %add3A_653, %convert_element_type3A_657 : vector<16xf32>
      %sub3A_659 = arith.subf %sub3A_559, %convert_element_type3A_657 : vector<16xf32>
      %lt3A_660 = arith.cmpf olt, %get3A_76, %get3A_32 : vector<16xf32>
      %convert_element_type3A_661 = arith.extui %lt3A_660 : vector<16xi1> to vector<16xi32>
      %convert_element_type3A_662 = arith.sitofp %convert_element_type3A_661 : vector<16xi32> to vector<16xf32>
      %add3A_663 = arith.addf %add3A_658, %convert_element_type3A_662 : vector<16xf32>
      %sub3A_664 = arith.subf %sub3A_564, %convert_element_type3A_662 : vector<16xf32>
      %lt3A_665 = arith.cmpf olt, %get3A_80, %get3A_32 : vector<16xf32>
      %convert_element_type3A_666 = arith.extui %lt3A_665 : vector<16xi1> to vector<16xi32>
      %convert_element_type3A_667 = arith.sitofp %convert_element_type3A_666 : vector<16xi32> to vector<16xf32>
      %add3A_668 = arith.addf %add3A_663, %convert_element_type3A_667 : vector<16xf32>
      %sub3A_669 = arith.subf %sub3A_569, %convert_element_type3A_667 : vector<16xf32>
      %lt3A_670 = arith.cmpf olt, %get3A_84, %get3A_32 : vector<16xf32>
      %convert_element_type3A_671 = arith.extui %lt3A_670 : vector<16xi1> to vector<16xi32>
      %convert_element_type3A_672 = arith.sitofp %convert_element_type3A_671 : vector<16xi32> to vector<16xf32>
      %add3A_673 = arith.addf %add3A_668, %convert_element_type3A_672 : vector<16xf32>
      %sub3A_674 = arith.subf %sub3A_574, %convert_element_type3A_672 : vector<16xf32>
      %lt3A_675 = arith.cmpf olt, %get3A_88, %get3A_32 : vector<16xf32>
      %convert_element_type3A_676 = arith.extui %lt3A_675 : vector<16xi1> to vector<16xi32>
      %convert_element_type3A_677 = arith.sitofp %convert_element_type3A_676 : vector<16xi32> to vector<16xf32>
      %add3A_678 = arith.addf %add3A_673, %convert_element_type3A_677 : vector<16xf32>
      %sub3A_679 = arith.subf %sub3A_579, %convert_element_type3A_677 : vector<16xf32>
      %lt3A_680 = arith.cmpf olt, %get3A_92, %get3A_32 : vector<16xf32>
      %convert_element_type3A_681 = arith.extui %lt3A_680 : vector<16xi1> to vector<16xi32>
      %convert_element_type3A_682 = arith.sitofp %convert_element_type3A_681 : vector<16xi32> to vector<16xf32>
      %add3A_683 = arith.addf %add3A_678, %convert_element_type3A_682 : vector<16xf32>
      %sub3A_684 = arith.subf %sub3A_584, %convert_element_type3A_682 : vector<16xf32>
      %lt3A_685 = arith.cmpf olt, %get3A_96, %get3A_32 : vector<16xf32>
      %convert_element_type3A_686 = arith.extui %lt3A_685 : vector<16xi1> to vector<16xi32>
      %convert_element_type3A_687 = arith.sitofp %convert_element_type3A_686 : vector<16xi32> to vector<16xf32>
      %add3A_688 = arith.addf %add3A_683, %convert_element_type3A_687 : vector<16xf32>
      %sub3A_689 = arith.subf %sub3A_589, %convert_element_type3A_687 : vector<16xf32>
      %lt3A_690 = arith.cmpf olt, %get3A_100, %get3A_32 : vector<16xf32>
      %convert_element_type3A_691 = arith.extui %lt3A_690 : vector<16xi1> to vector<16xi32>
      %convert_element_type3A_692 = arith.sitofp %convert_element_type3A_691 : vector<16xi32> to vector<16xf32>
      %add3A_693 = arith.addf %add3A_688, %convert_element_type3A_692 : vector<16xf32>
      %sub3A_694 = arith.subf %sub3A_594, %convert_element_type3A_692 : vector<16xf32>
      %lt3A_695 = arith.cmpf olt, %get3A_104, %get3A_32 : vector<16xf32>
      %convert_element_type3A_696 = arith.extui %lt3A_695 : vector<16xi1> to vector<16xi32>
      %convert_element_type3A_697 = arith.sitofp %convert_element_type3A_696 : vector<16xi32> to vector<16xf32>
      %add3A_698 = arith.addf %add3A_693, %convert_element_type3A_697 : vector<16xf32>
      %sub3A_699 = arith.subf %sub3A_599, %convert_element_type3A_697 : vector<16xf32>
      %lt3A_700 = arith.cmpf olt, %get3A_108, %get3A_32 : vector<16xf32>
      %convert_element_type3A_701 = arith.extui %lt3A_700 : vector<16xi1> to vector<16xi32>
      %convert_element_type3A_702 = arith.sitofp %convert_element_type3A_701 : vector<16xi32> to vector<16xf32>
      %add3A_703 = arith.addf %add3A_698, %convert_element_type3A_702 : vector<16xf32>
      %sub3A_704 = arith.subf %sub3A_604, %convert_element_type3A_702 : vector<16xf32>
      %lt3A_705 = arith.cmpf olt, %get3A_112, %get3A_32 : vector<16xf32>
      %convert_element_type3A_706 = arith.extui %lt3A_705 : vector<16xi1> to vector<16xi32>
      %convert_element_type3A_707 = arith.sitofp %convert_element_type3A_706 : vector<16xi32> to vector<16xf32>
      %add3A_708 = arith.addf %add3A_703, %convert_element_type3A_707 : vector<16xf32>
      %sub3A_709 = arith.subf %sub3A_609, %convert_element_type3A_707 : vector<16xf32>
      %lt3A_710 = arith.cmpf olt, %get3A_40, %get3A_36 : vector<16xf32>
      %convert_element_type3A_711 = arith.extui %lt3A_710 : vector<16xi1> to vector<16xi32>
      %convert_element_type3A_712 = arith.sitofp %convert_element_type3A_711 : vector<16xi32> to vector<16xf32>
      %add3A_713 = arith.addf %sub3A_614, %convert_element_type3A_712 : vector<16xf32>
      %sub3A_714 = arith.subf %sub3A_619, %convert_element_type3A_712 : vector<16xf32>
      %lt3A_715 = arith.cmpf olt, %get3A_44, %get3A_36 : vector<16xf32>
      %convert_element_type3A_716 = arith.extui %lt3A_715 : vector<16xi1> to vector<16xi32>
      %convert_element_type3A_717 = arith.sitofp %convert_element_type3A_716 : vector<16xi32> to vector<16xf32>
      %add3A_718 = arith.addf %add3A_713, %convert_element_type3A_717 : vector<16xf32>
      %sub3A_719 = arith.subf %sub3A_624, %convert_element_type3A_717 : vector<16xf32>
      %lt3A_720 = arith.cmpf olt, %get3A_48, %get3A_36 : vector<16xf32>
      %convert_element_type3A_721 = arith.extui %lt3A_720 : vector<16xi1> to vector<16xi32>
      %convert_element_type3A_722 = arith.sitofp %convert_element_type3A_721 : vector<16xi32> to vector<16xf32>
      %add3A_723 = arith.addf %add3A_718, %convert_element_type3A_722 : vector<16xf32>
      %sub3A_724 = arith.subf %sub3A_629, %convert_element_type3A_722 : vector<16xf32>
      %lt3A_725 = arith.cmpf olt, %get3A_52, %get3A_36 : vector<16xf32>
      %convert_element_type3A_726 = arith.extui %lt3A_725 : vector<16xi1> to vector<16xi32>
      %convert_element_type3A_727 = arith.sitofp %convert_element_type3A_726 : vector<16xi32> to vector<16xf32>
      %add3A_728 = arith.addf %add3A_723, %convert_element_type3A_727 : vector<16xf32>
      %sub3A_729 = arith.subf %sub3A_634, %convert_element_type3A_727 : vector<16xf32>
      %lt3A_730 = arith.cmpf olt, %get3A_56, %get3A_36 : vector<16xf32>
      %convert_element_type3A_731 = arith.extui %lt3A_730 : vector<16xi1> to vector<16xi32>
      %convert_element_type3A_732 = arith.sitofp %convert_element_type3A_731 : vector<16xi32> to vector<16xf32>
      %add3A_733 = arith.addf %add3A_728, %convert_element_type3A_732 : vector<16xf32>
      %sub3A_734 = arith.subf %sub3A_639, %convert_element_type3A_732 : vector<16xf32>
      %lt3A_735 = arith.cmpf olt, %get3A_60, %get3A_36 : vector<16xf32>
      %convert_element_type3A_736 = arith.extui %lt3A_735 : vector<16xi1> to vector<16xi32>
      %convert_element_type3A_737 = arith.sitofp %convert_element_type3A_736 : vector<16xi32> to vector<16xf32>
      %add3A_738 = arith.addf %add3A_733, %convert_element_type3A_737 : vector<16xf32>
      %sub3A_739 = arith.subf %sub3A_644, %convert_element_type3A_737 : vector<16xf32>
      %lt3A_740 = arith.cmpf olt, %get3A_64, %get3A_36 : vector<16xf32>
      %convert_element_type3A_741 = arith.extui %lt3A_740 : vector<16xi1> to vector<16xi32>
      %convert_element_type3A_742 = arith.sitofp %convert_element_type3A_741 : vector<16xi32> to vector<16xf32>
      %add3A_743 = arith.addf %add3A_738, %convert_element_type3A_742 : vector<16xf32>
      %sub3A_744 = arith.subf %sub3A_649, %convert_element_type3A_742 : vector<16xf32>
      %lt3A_745 = arith.cmpf olt, %get3A_68, %get3A_36 : vector<16xf32>
      %convert_element_type3A_746 = arith.extui %lt3A_745 : vector<16xi1> to vector<16xi32>
      %convert_element_type3A_747 = arith.sitofp %convert_element_type3A_746 : vector<16xi32> to vector<16xf32>
      %add3A_748 = arith.addf %add3A_743, %convert_element_type3A_747 : vector<16xf32>
      %sub3A_749 = arith.subf %sub3A_654, %convert_element_type3A_747 : vector<16xf32>
      %lt3A_750 = arith.cmpf olt, %get3A_72, %get3A_36 : vector<16xf32>
      %convert_element_type3A_751 = arith.extui %lt3A_750 : vector<16xi1> to vector<16xi32>
      %convert_element_type3A_752 = arith.sitofp %convert_element_type3A_751 : vector<16xi32> to vector<16xf32>
      %add3A_753 = arith.addf %add3A_748, %convert_element_type3A_752 : vector<16xf32>
      %sub3A_754 = arith.subf %sub3A_659, %convert_element_type3A_752 : vector<16xf32>
      %lt3A_755 = arith.cmpf olt, %get3A_76, %get3A_36 : vector<16xf32>
      %convert_element_type3A_756 = arith.extui %lt3A_755 : vector<16xi1> to vector<16xi32>
      %convert_element_type3A_757 = arith.sitofp %convert_element_type3A_756 : vector<16xi32> to vector<16xf32>
      %add3A_758 = arith.addf %add3A_753, %convert_element_type3A_757 : vector<16xf32>
      %sub3A_759 = arith.subf %sub3A_664, %convert_element_type3A_757 : vector<16xf32>
      %lt3A_760 = arith.cmpf olt, %get3A_80, %get3A_36 : vector<16xf32>
      %convert_element_type3A_761 = arith.extui %lt3A_760 : vector<16xi1> to vector<16xi32>
      %convert_element_type3A_762 = arith.sitofp %convert_element_type3A_761 : vector<16xi32> to vector<16xf32>
      %add3A_763 = arith.addf %add3A_758, %convert_element_type3A_762 : vector<16xf32>
      %sub3A_764 = arith.subf %sub3A_669, %convert_element_type3A_762 : vector<16xf32>
      %lt3A_765 = arith.cmpf olt, %get3A_84, %get3A_36 : vector<16xf32>
      %convert_element_type3A_766 = arith.extui %lt3A_765 : vector<16xi1> to vector<16xi32>
      %convert_element_type3A_767 = arith.sitofp %convert_element_type3A_766 : vector<16xi32> to vector<16xf32>
      %add3A_768 = arith.addf %add3A_763, %convert_element_type3A_767 : vector<16xf32>
      %sub3A_769 = arith.subf %sub3A_674, %convert_element_type3A_767 : vector<16xf32>
      %lt3A_770 = arith.cmpf olt, %get3A_88, %get3A_36 : vector<16xf32>
      %convert_element_type3A_771 = arith.extui %lt3A_770 : vector<16xi1> to vector<16xi32>
      %convert_element_type3A_772 = arith.sitofp %convert_element_type3A_771 : vector<16xi32> to vector<16xf32>
      %add3A_773 = arith.addf %add3A_768, %convert_element_type3A_772 : vector<16xf32>
      %sub3A_774 = arith.subf %sub3A_679, %convert_element_type3A_772 : vector<16xf32>
      %lt3A_775 = arith.cmpf olt, %get3A_92, %get3A_36 : vector<16xf32>
      %convert_element_type3A_776 = arith.extui %lt3A_775 : vector<16xi1> to vector<16xi32>
      %convert_element_type3A_777 = arith.sitofp %convert_element_type3A_776 : vector<16xi32> to vector<16xf32>
      %add3A_778 = arith.addf %add3A_773, %convert_element_type3A_777 : vector<16xf32>
      %sub3A_779 = arith.subf %sub3A_684, %convert_element_type3A_777 : vector<16xf32>
      %lt3A_780 = arith.cmpf olt, %get3A_96, %get3A_36 : vector<16xf32>
      %convert_element_type3A_781 = arith.extui %lt3A_780 : vector<16xi1> to vector<16xi32>
      %convert_element_type3A_782 = arith.sitofp %convert_element_type3A_781 : vector<16xi32> to vector<16xf32>
      %add3A_783 = arith.addf %add3A_778, %convert_element_type3A_782 : vector<16xf32>
      %sub3A_784 = arith.subf %sub3A_689, %convert_element_type3A_782 : vector<16xf32>
      %lt3A_785 = arith.cmpf olt, %get3A_100, %get3A_36 : vector<16xf32>
      %convert_element_type3A_786 = arith.extui %lt3A_785 : vector<16xi1> to vector<16xi32>
      %convert_element_type3A_787 = arith.sitofp %convert_element_type3A_786 : vector<16xi32> to vector<16xf32>
      %add3A_788 = arith.addf %add3A_783, %convert_element_type3A_787 : vector<16xf32>
      %sub3A_789 = arith.subf %sub3A_694, %convert_element_type3A_787 : vector<16xf32>
      %lt3A_790 = arith.cmpf olt, %get3A_104, %get3A_36 : vector<16xf32>
      %convert_element_type3A_791 = arith.extui %lt3A_790 : vector<16xi1> to vector<16xi32>
      %convert_element_type3A_792 = arith.sitofp %convert_element_type3A_791 : vector<16xi32> to vector<16xf32>
      %add3A_793 = arith.addf %add3A_788, %convert_element_type3A_792 : vector<16xf32>
      %sub3A_794 = arith.subf %sub3A_699, %convert_element_type3A_792 : vector<16xf32>
      %lt3A_795 = arith.cmpf olt, %get3A_108, %get3A_36 : vector<16xf32>
      %convert_element_type3A_796 = arith.extui %lt3A_795 : vector<16xi1> to vector<16xi32>
      %convert_element_type3A_797 = arith.sitofp %convert_element_type3A_796 : vector<16xi32> to vector<16xf32>
      %add3A_798 = arith.addf %add3A_793, %convert_element_type3A_797 : vector<16xf32>
      %sub3A_799 = arith.subf %sub3A_704, %convert_element_type3A_797 : vector<16xf32>
      %lt3A_800 = arith.cmpf olt, %get3A_112, %get3A_36 : vector<16xf32>
      %convert_element_type3A_801 = arith.extui %lt3A_800 : vector<16xi1> to vector<16xi32>
      %convert_element_type3A_802 = arith.sitofp %convert_element_type3A_801 : vector<16xi32> to vector<16xf32>
      %add3A_803 = arith.addf %add3A_798, %convert_element_type3A_802 : vector<16xf32>
      %sub3A_804 = arith.subf %sub3A_709, %convert_element_type3A_802 : vector<16xf32>
      %lt3A_805 = arith.cmpf olt, %get3A_44, %get3A_40 : vector<16xf32>
      %convert_element_type3A_806 = arith.extui %lt3A_805 : vector<16xi1> to vector<16xi32>
      %convert_element_type3A_807 = arith.sitofp %convert_element_type3A_806 : vector<16xi32> to vector<16xf32>
      %add3A_808 = arith.addf %sub3A_714, %convert_element_type3A_807 : vector<16xf32>
      %sub3A_809 = arith.subf %sub3A_719, %convert_element_type3A_807 : vector<16xf32>
      %lt3A_810 = arith.cmpf olt, %get3A_48, %get3A_40 : vector<16xf32>
      %convert_element_type3A_811 = arith.extui %lt3A_810 : vector<16xi1> to vector<16xi32>
      %convert_element_type3A_812 = arith.sitofp %convert_element_type3A_811 : vector<16xi32> to vector<16xf32>
      %add3A_813 = arith.addf %add3A_808, %convert_element_type3A_812 : vector<16xf32>
      %sub3A_814 = arith.subf %sub3A_724, %convert_element_type3A_812 : vector<16xf32>
      %lt3A_815 = arith.cmpf olt, %get3A_52, %get3A_40 : vector<16xf32>
      %convert_element_type3A_816 = arith.extui %lt3A_815 : vector<16xi1> to vector<16xi32>
      %convert_element_type3A_817 = arith.sitofp %convert_element_type3A_816 : vector<16xi32> to vector<16xf32>
      %add3A_818 = arith.addf %add3A_813, %convert_element_type3A_817 : vector<16xf32>
      %sub3A_819 = arith.subf %sub3A_729, %convert_element_type3A_817 : vector<16xf32>
      %lt3A_820 = arith.cmpf olt, %get3A_56, %get3A_40 : vector<16xf32>
      %convert_element_type3A_821 = arith.extui %lt3A_820 : vector<16xi1> to vector<16xi32>
      %convert_element_type3A_822 = arith.sitofp %convert_element_type3A_821 : vector<16xi32> to vector<16xf32>
      %add3A_823 = arith.addf %add3A_818, %convert_element_type3A_822 : vector<16xf32>
      %sub3A_824 = arith.subf %sub3A_734, %convert_element_type3A_822 : vector<16xf32>
      %lt3A_825 = arith.cmpf olt, %get3A_60, %get3A_40 : vector<16xf32>
      %convert_element_type3A_826 = arith.extui %lt3A_825 : vector<16xi1> to vector<16xi32>
      %convert_element_type3A_827 = arith.sitofp %convert_element_type3A_826 : vector<16xi32> to vector<16xf32>
      %add3A_828 = arith.addf %add3A_823, %convert_element_type3A_827 : vector<16xf32>
      %sub3A_829 = arith.subf %sub3A_739, %convert_element_type3A_827 : vector<16xf32>
      %lt3A_830 = arith.cmpf olt, %get3A_64, %get3A_40 : vector<16xf32>
      %convert_element_type3A_831 = arith.extui %lt3A_830 : vector<16xi1> to vector<16xi32>
      %convert_element_type3A_832 = arith.sitofp %convert_element_type3A_831 : vector<16xi32> to vector<16xf32>
      %add3A_833 = arith.addf %add3A_828, %convert_element_type3A_832 : vector<16xf32>
      %sub3A_834 = arith.subf %sub3A_744, %convert_element_type3A_832 : vector<16xf32>
      %lt3A_835 = arith.cmpf olt, %get3A_68, %get3A_40 : vector<16xf32>
      %convert_element_type3A_836 = arith.extui %lt3A_835 : vector<16xi1> to vector<16xi32>
      %convert_element_type3A_837 = arith.sitofp %convert_element_type3A_836 : vector<16xi32> to vector<16xf32>
      %add3A_838 = arith.addf %add3A_833, %convert_element_type3A_837 : vector<16xf32>
      %sub3A_839 = arith.subf %sub3A_749, %convert_element_type3A_837 : vector<16xf32>
      %lt3A_840 = arith.cmpf olt, %get3A_72, %get3A_40 : vector<16xf32>
      %convert_element_type3A_841 = arith.extui %lt3A_840 : vector<16xi1> to vector<16xi32>
      %convert_element_type3A_842 = arith.sitofp %convert_element_type3A_841 : vector<16xi32> to vector<16xf32>
      %add3A_843 = arith.addf %add3A_838, %convert_element_type3A_842 : vector<16xf32>
      %sub3A_844 = arith.subf %sub3A_754, %convert_element_type3A_842 : vector<16xf32>
      %lt3A_845 = arith.cmpf olt, %get3A_76, %get3A_40 : vector<16xf32>
      %convert_element_type3A_846 = arith.extui %lt3A_845 : vector<16xi1> to vector<16xi32>
      %convert_element_type3A_847 = arith.sitofp %convert_element_type3A_846 : vector<16xi32> to vector<16xf32>
      %add3A_848 = arith.addf %add3A_843, %convert_element_type3A_847 : vector<16xf32>
      %sub3A_849 = arith.subf %sub3A_759, %convert_element_type3A_847 : vector<16xf32>
      %lt3A_850 = arith.cmpf olt, %get3A_80, %get3A_40 : vector<16xf32>
      %convert_element_type3A_851 = arith.extui %lt3A_850 : vector<16xi1> to vector<16xi32>
      %convert_element_type3A_852 = arith.sitofp %convert_element_type3A_851 : vector<16xi32> to vector<16xf32>
      %add3A_853 = arith.addf %add3A_848, %convert_element_type3A_852 : vector<16xf32>
      %sub3A_854 = arith.subf %sub3A_764, %convert_element_type3A_852 : vector<16xf32>
      %lt3A_855 = arith.cmpf olt, %get3A_84, %get3A_40 : vector<16xf32>
      %convert_element_type3A_856 = arith.extui %lt3A_855 : vector<16xi1> to vector<16xi32>
      %convert_element_type3A_857 = arith.sitofp %convert_element_type3A_856 : vector<16xi32> to vector<16xf32>
      %add3A_858 = arith.addf %add3A_853, %convert_element_type3A_857 : vector<16xf32>
      %sub3A_859 = arith.subf %sub3A_769, %convert_element_type3A_857 : vector<16xf32>
      %lt3A_860 = arith.cmpf olt, %get3A_88, %get3A_40 : vector<16xf32>
      %convert_element_type3A_861 = arith.extui %lt3A_860 : vector<16xi1> to vector<16xi32>
      %convert_element_type3A_862 = arith.sitofp %convert_element_type3A_861 : vector<16xi32> to vector<16xf32>
      %add3A_863 = arith.addf %add3A_858, %convert_element_type3A_862 : vector<16xf32>
      %sub3A_864 = arith.subf %sub3A_774, %convert_element_type3A_862 : vector<16xf32>
      %lt3A_865 = arith.cmpf olt, %get3A_92, %get3A_40 : vector<16xf32>
      %convert_element_type3A_866 = arith.extui %lt3A_865 : vector<16xi1> to vector<16xi32>
      %convert_element_type3A_867 = arith.sitofp %convert_element_type3A_866 : vector<16xi32> to vector<16xf32>
      %add3A_868 = arith.addf %add3A_863, %convert_element_type3A_867 : vector<16xf32>
      %sub3A_869 = arith.subf %sub3A_779, %convert_element_type3A_867 : vector<16xf32>
      %lt3A_870 = arith.cmpf olt, %get3A_96, %get3A_40 : vector<16xf32>
      %convert_element_type3A_871 = arith.extui %lt3A_870 : vector<16xi1> to vector<16xi32>
      %convert_element_type3A_872 = arith.sitofp %convert_element_type3A_871 : vector<16xi32> to vector<16xf32>
      %add3A_873 = arith.addf %add3A_868, %convert_element_type3A_872 : vector<16xf32>
      %sub3A_874 = arith.subf %sub3A_784, %convert_element_type3A_872 : vector<16xf32>
      %lt3A_875 = arith.cmpf olt, %get3A_100, %get3A_40 : vector<16xf32>
      %convert_element_type3A_876 = arith.extui %lt3A_875 : vector<16xi1> to vector<16xi32>
      %convert_element_type3A_877 = arith.sitofp %convert_element_type3A_876 : vector<16xi32> to vector<16xf32>
      %add3A_878 = arith.addf %add3A_873, %convert_element_type3A_877 : vector<16xf32>
      %sub3A_879 = arith.subf %sub3A_789, %convert_element_type3A_877 : vector<16xf32>
      %lt3A_880 = arith.cmpf olt, %get3A_104, %get3A_40 : vector<16xf32>
      %convert_element_type3A_881 = arith.extui %lt3A_880 : vector<16xi1> to vector<16xi32>
      %convert_element_type3A_882 = arith.sitofp %convert_element_type3A_881 : vector<16xi32> to vector<16xf32>
      %add3A_883 = arith.addf %add3A_878, %convert_element_type3A_882 : vector<16xf32>
      %sub3A_884 = arith.subf %sub3A_794, %convert_element_type3A_882 : vector<16xf32>
      %lt3A_885 = arith.cmpf olt, %get3A_108, %get3A_40 : vector<16xf32>
      %convert_element_type3A_886 = arith.extui %lt3A_885 : vector<16xi1> to vector<16xi32>
      %convert_element_type3A_887 = arith.sitofp %convert_element_type3A_886 : vector<16xi32> to vector<16xf32>
      %add3A_888 = arith.addf %add3A_883, %convert_element_type3A_887 : vector<16xf32>
      %sub3A_889 = arith.subf %sub3A_799, %convert_element_type3A_887 : vector<16xf32>
      %lt3A_890 = arith.cmpf olt, %get3A_112, %get3A_40 : vector<16xf32>
      %convert_element_type3A_891 = arith.extui %lt3A_890 : vector<16xi1> to vector<16xi32>
      %convert_element_type3A_892 = arith.sitofp %convert_element_type3A_891 : vector<16xi32> to vector<16xf32>
      %add3A_893 = arith.addf %add3A_888, %convert_element_type3A_892 : vector<16xf32>
      %sub3A_894 = arith.subf %sub3A_804, %convert_element_type3A_892 : vector<16xf32>
      %lt3A_895 = arith.cmpf olt, %get3A_48, %get3A_44 : vector<16xf32>
      %convert_element_type3A_896 = arith.extui %lt3A_895 : vector<16xi1> to vector<16xi32>
      %convert_element_type3A_897 = arith.sitofp %convert_element_type3A_896 : vector<16xi32> to vector<16xf32>
      %add3A_898 = arith.addf %sub3A_809, %convert_element_type3A_897 : vector<16xf32>
      %sub3A_899 = arith.subf %sub3A_814, %convert_element_type3A_897 : vector<16xf32>
      %lt3A_900 = arith.cmpf olt, %get3A_52, %get3A_44 : vector<16xf32>
      %convert_element_type3A_901 = arith.extui %lt3A_900 : vector<16xi1> to vector<16xi32>
      %convert_element_type3A_902 = arith.sitofp %convert_element_type3A_901 : vector<16xi32> to vector<16xf32>
      %add3A_903 = arith.addf %add3A_898, %convert_element_type3A_902 : vector<16xf32>
      %sub3A_904 = arith.subf %sub3A_819, %convert_element_type3A_902 : vector<16xf32>
      %lt3A_905 = arith.cmpf olt, %get3A_56, %get3A_44 : vector<16xf32>
      %convert_element_type3A_906 = arith.extui %lt3A_905 : vector<16xi1> to vector<16xi32>
      %convert_element_type3A_907 = arith.sitofp %convert_element_type3A_906 : vector<16xi32> to vector<16xf32>
      %add3A_908 = arith.addf %add3A_903, %convert_element_type3A_907 : vector<16xf32>
      %sub3A_909 = arith.subf %sub3A_824, %convert_element_type3A_907 : vector<16xf32>
      %lt3A_910 = arith.cmpf olt, %get3A_60, %get3A_44 : vector<16xf32>
      %convert_element_type3A_911 = arith.extui %lt3A_910 : vector<16xi1> to vector<16xi32>
      %convert_element_type3A_912 = arith.sitofp %convert_element_type3A_911 : vector<16xi32> to vector<16xf32>
      %add3A_913 = arith.addf %add3A_908, %convert_element_type3A_912 : vector<16xf32>
      %sub3A_914 = arith.subf %sub3A_829, %convert_element_type3A_912 : vector<16xf32>
      %lt3A_915 = arith.cmpf olt, %get3A_64, %get3A_44 : vector<16xf32>
      %convert_element_type3A_916 = arith.extui %lt3A_915 : vector<16xi1> to vector<16xi32>
      %convert_element_type3A_917 = arith.sitofp %convert_element_type3A_916 : vector<16xi32> to vector<16xf32>
      %add3A_918 = arith.addf %add3A_913, %convert_element_type3A_917 : vector<16xf32>
      %sub3A_919 = arith.subf %sub3A_834, %convert_element_type3A_917 : vector<16xf32>
      %lt3A_920 = arith.cmpf olt, %get3A_68, %get3A_44 : vector<16xf32>
      %convert_element_type3A_921 = arith.extui %lt3A_920 : vector<16xi1> to vector<16xi32>
      %convert_element_type3A_922 = arith.sitofp %convert_element_type3A_921 : vector<16xi32> to vector<16xf32>
      %add3A_923 = arith.addf %add3A_918, %convert_element_type3A_922 : vector<16xf32>
      %sub3A_924 = arith.subf %sub3A_839, %convert_element_type3A_922 : vector<16xf32>
      %lt3A_925 = arith.cmpf olt, %get3A_72, %get3A_44 : vector<16xf32>
      %convert_element_type3A_926 = arith.extui %lt3A_925 : vector<16xi1> to vector<16xi32>
      %convert_element_type3A_927 = arith.sitofp %convert_element_type3A_926 : vector<16xi32> to vector<16xf32>
      %add3A_928 = arith.addf %add3A_923, %convert_element_type3A_927 : vector<16xf32>
      %sub3A_929 = arith.subf %sub3A_844, %convert_element_type3A_927 : vector<16xf32>
      %lt3A_930 = arith.cmpf olt, %get3A_76, %get3A_44 : vector<16xf32>
      %convert_element_type3A_931 = arith.extui %lt3A_930 : vector<16xi1> to vector<16xi32>
      %convert_element_type3A_932 = arith.sitofp %convert_element_type3A_931 : vector<16xi32> to vector<16xf32>
      %add3A_933 = arith.addf %add3A_928, %convert_element_type3A_932 : vector<16xf32>
      %sub3A_934 = arith.subf %sub3A_849, %convert_element_type3A_932 : vector<16xf32>
      %lt3A_935 = arith.cmpf olt, %get3A_80, %get3A_44 : vector<16xf32>
      %convert_element_type3A_936 = arith.extui %lt3A_935 : vector<16xi1> to vector<16xi32>
      %convert_element_type3A_937 = arith.sitofp %convert_element_type3A_936 : vector<16xi32> to vector<16xf32>
      %add3A_938 = arith.addf %add3A_933, %convert_element_type3A_937 : vector<16xf32>
      %sub3A_939 = arith.subf %sub3A_854, %convert_element_type3A_937 : vector<16xf32>
      %lt3A_940 = arith.cmpf olt, %get3A_84, %get3A_44 : vector<16xf32>
      %convert_element_type3A_941 = arith.extui %lt3A_940 : vector<16xi1> to vector<16xi32>
      %convert_element_type3A_942 = arith.sitofp %convert_element_type3A_941 : vector<16xi32> to vector<16xf32>
      %add3A_943 = arith.addf %add3A_938, %convert_element_type3A_942 : vector<16xf32>
      %sub3A_944 = arith.subf %sub3A_859, %convert_element_type3A_942 : vector<16xf32>
      %lt3A_945 = arith.cmpf olt, %get3A_88, %get3A_44 : vector<16xf32>
      %convert_element_type3A_946 = arith.extui %lt3A_945 : vector<16xi1> to vector<16xi32>
      %convert_element_type3A_947 = arith.sitofp %convert_element_type3A_946 : vector<16xi32> to vector<16xf32>
      %add3A_948 = arith.addf %add3A_943, %convert_element_type3A_947 : vector<16xf32>
      %sub3A_949 = arith.subf %sub3A_864, %convert_element_type3A_947 : vector<16xf32>
      %lt3A_950 = arith.cmpf olt, %get3A_92, %get3A_44 : vector<16xf32>
      %convert_element_type3A_951 = arith.extui %lt3A_950 : vector<16xi1> to vector<16xi32>
      %convert_element_type3A_952 = arith.sitofp %convert_element_type3A_951 : vector<16xi32> to vector<16xf32>
      %add3A_953 = arith.addf %add3A_948, %convert_element_type3A_952 : vector<16xf32>
      %sub3A_954 = arith.subf %sub3A_869, %convert_element_type3A_952 : vector<16xf32>
      %lt3A_955 = arith.cmpf olt, %get3A_96, %get3A_44 : vector<16xf32>
      %convert_element_type3A_956 = arith.extui %lt3A_955 : vector<16xi1> to vector<16xi32>
      %convert_element_type3A_957 = arith.sitofp %convert_element_type3A_956 : vector<16xi32> to vector<16xf32>
      %add3A_958 = arith.addf %add3A_953, %convert_element_type3A_957 : vector<16xf32>
      %sub3A_959 = arith.subf %sub3A_874, %convert_element_type3A_957 : vector<16xf32>
      %lt3A_960 = arith.cmpf olt, %get3A_100, %get3A_44 : vector<16xf32>
      %convert_element_type3A_961 = arith.extui %lt3A_960 : vector<16xi1> to vector<16xi32>
      %convert_element_type3A_962 = arith.sitofp %convert_element_type3A_961 : vector<16xi32> to vector<16xf32>
      %add3A_963 = arith.addf %add3A_958, %convert_element_type3A_962 : vector<16xf32>
      %sub3A_964 = arith.subf %sub3A_879, %convert_element_type3A_962 : vector<16xf32>
      %lt3A_965 = arith.cmpf olt, %get3A_104, %get3A_44 : vector<16xf32>
      %convert_element_type3A_966 = arith.extui %lt3A_965 : vector<16xi1> to vector<16xi32>
      %convert_element_type3A_967 = arith.sitofp %convert_element_type3A_966 : vector<16xi32> to vector<16xf32>
      %add3A_968 = arith.addf %add3A_963, %convert_element_type3A_967 : vector<16xf32>
      %sub3A_969 = arith.subf %sub3A_884, %convert_element_type3A_967 : vector<16xf32>
      %lt3A_970 = arith.cmpf olt, %get3A_108, %get3A_44 : vector<16xf32>
      %convert_element_type3A_971 = arith.extui %lt3A_970 : vector<16xi1> to vector<16xi32>
      %convert_element_type3A_972 = arith.sitofp %convert_element_type3A_971 : vector<16xi32> to vector<16xf32>
      %add3A_973 = arith.addf %add3A_968, %convert_element_type3A_972 : vector<16xf32>
      %sub3A_974 = arith.subf %sub3A_889, %convert_element_type3A_972 : vector<16xf32>
      %lt3A_975 = arith.cmpf olt, %get3A_112, %get3A_44 : vector<16xf32>
      %convert_element_type3A_976 = arith.extui %lt3A_975 : vector<16xi1> to vector<16xi32>
      %convert_element_type3A_977 = arith.sitofp %convert_element_type3A_976 : vector<16xi32> to vector<16xf32>
      %add3A_978 = arith.addf %add3A_973, %convert_element_type3A_977 : vector<16xf32>
      %sub3A_979 = arith.subf %sub3A_894, %convert_element_type3A_977 : vector<16xf32>
      %lt3A_980 = arith.cmpf olt, %get3A_52, %get3A_48 : vector<16xf32>
      %convert_element_type3A_981 = arith.extui %lt3A_980 : vector<16xi1> to vector<16xi32>
      %convert_element_type3A_982 = arith.sitofp %convert_element_type3A_981 : vector<16xi32> to vector<16xf32>
      %add3A_983 = arith.addf %sub3A_899, %convert_element_type3A_982 : vector<16xf32>
      %sub3A_984 = arith.subf %sub3A_904, %convert_element_type3A_982 : vector<16xf32>
      %lt3A_985 = arith.cmpf olt, %get3A_56, %get3A_48 : vector<16xf32>
      %convert_element_type3A_986 = arith.extui %lt3A_985 : vector<16xi1> to vector<16xi32>
      %convert_element_type3A_987 = arith.sitofp %convert_element_type3A_986 : vector<16xi32> to vector<16xf32>
      %add3A_988 = arith.addf %add3A_983, %convert_element_type3A_987 : vector<16xf32>
      %sub3A_989 = arith.subf %sub3A_909, %convert_element_type3A_987 : vector<16xf32>
      %lt3A_990 = arith.cmpf olt, %get3A_60, %get3A_48 : vector<16xf32>
      %convert_element_type3A_991 = arith.extui %lt3A_990 : vector<16xi1> to vector<16xi32>
      %convert_element_type3A_992 = arith.sitofp %convert_element_type3A_991 : vector<16xi32> to vector<16xf32>
      %add3A_993 = arith.addf %add3A_988, %convert_element_type3A_992 : vector<16xf32>
      %sub3A_994 = arith.subf %sub3A_914, %convert_element_type3A_992 : vector<16xf32>
      %lt3A_995 = arith.cmpf olt, %get3A_64, %get3A_48 : vector<16xf32>
      %convert_element_type3A_996 = arith.extui %lt3A_995 : vector<16xi1> to vector<16xi32>
      %convert_element_type3A_997 = arith.sitofp %convert_element_type3A_996 : vector<16xi32> to vector<16xf32>
      %add3A_998 = arith.addf %add3A_993, %convert_element_type3A_997 : vector<16xf32>
      %sub3A_999 = arith.subf %sub3A_919, %convert_element_type3A_997 : vector<16xf32>
      %lt3A_1000 = arith.cmpf olt, %get3A_68, %get3A_48 : vector<16xf32>
      %convert_element_type3A_1001 = arith.extui %lt3A_1000 : vector<16xi1> to vector<16xi32>
      %convert_element_type3A_1002 = arith.sitofp %convert_element_type3A_1001 : vector<16xi32> to vector<16xf32>
      %add3A_1003 = arith.addf %add3A_998, %convert_element_type3A_1002 : vector<16xf32>
      %sub3A_1004 = arith.subf %sub3A_924, %convert_element_type3A_1002 : vector<16xf32>
      %lt3A_1005 = arith.cmpf olt, %get3A_72, %get3A_48 : vector<16xf32>
      %convert_element_type3A_1006 = arith.extui %lt3A_1005 : vector<16xi1> to vector<16xi32>
      %convert_element_type3A_1007 = arith.sitofp %convert_element_type3A_1006 : vector<16xi32> to vector<16xf32>
      %add3A_1008 = arith.addf %add3A_1003, %convert_element_type3A_1007 : vector<16xf32>
      %sub3A_1009 = arith.subf %sub3A_929, %convert_element_type3A_1007 : vector<16xf32>
      %lt3A_1010 = arith.cmpf olt, %get3A_76, %get3A_48 : vector<16xf32>
      %convert_element_type3A_1011 = arith.extui %lt3A_1010 : vector<16xi1> to vector<16xi32>
      %convert_element_type3A_1012 = arith.sitofp %convert_element_type3A_1011 : vector<16xi32> to vector<16xf32>
      %add3A_1013 = arith.addf %add3A_1008, %convert_element_type3A_1012 : vector<16xf32>
      %sub3A_1014 = arith.subf %sub3A_934, %convert_element_type3A_1012 : vector<16xf32>
      %lt3A_1015 = arith.cmpf olt, %get3A_80, %get3A_48 : vector<16xf32>
      %convert_element_type3A_1016 = arith.extui %lt3A_1015 : vector<16xi1> to vector<16xi32>
      %convert_element_type3A_1017 = arith.sitofp %convert_element_type3A_1016 : vector<16xi32> to vector<16xf32>
      %add3A_1018 = arith.addf %add3A_1013, %convert_element_type3A_1017 : vector<16xf32>
      %sub3A_1019 = arith.subf %sub3A_939, %convert_element_type3A_1017 : vector<16xf32>
      %lt3A_1020 = arith.cmpf olt, %get3A_84, %get3A_48 : vector<16xf32>
      %convert_element_type3A_1021 = arith.extui %lt3A_1020 : vector<16xi1> to vector<16xi32>
      %convert_element_type3A_1022 = arith.sitofp %convert_element_type3A_1021 : vector<16xi32> to vector<16xf32>
      %add3A_1023 = arith.addf %add3A_1018, %convert_element_type3A_1022 : vector<16xf32>
      %sub3A_1024 = arith.subf %sub3A_944, %convert_element_type3A_1022 : vector<16xf32>
      %lt3A_1025 = arith.cmpf olt, %get3A_88, %get3A_48 : vector<16xf32>
      %convert_element_type3A_1026 = arith.extui %lt3A_1025 : vector<16xi1> to vector<16xi32>
      %convert_element_type3A_1027 = arith.sitofp %convert_element_type3A_1026 : vector<16xi32> to vector<16xf32>
      %add3A_1028 = arith.addf %add3A_1023, %convert_element_type3A_1027 : vector<16xf32>
      %sub3A_1029 = arith.subf %sub3A_949, %convert_element_type3A_1027 : vector<16xf32>
      %lt3A_1030 = arith.cmpf olt, %get3A_92, %get3A_48 : vector<16xf32>
      %convert_element_type3A_1031 = arith.extui %lt3A_1030 : vector<16xi1> to vector<16xi32>
      %convert_element_type3A_1032 = arith.sitofp %convert_element_type3A_1031 : vector<16xi32> to vector<16xf32>
      %add3A_1033 = arith.addf %add3A_1028, %convert_element_type3A_1032 : vector<16xf32>
      %sub3A_1034 = arith.subf %sub3A_954, %convert_element_type3A_1032 : vector<16xf32>
      %lt3A_1035 = arith.cmpf olt, %get3A_96, %get3A_48 : vector<16xf32>
      %convert_element_type3A_1036 = arith.extui %lt3A_1035 : vector<16xi1> to vector<16xi32>
      %convert_element_type3A_1037 = arith.sitofp %convert_element_type3A_1036 : vector<16xi32> to vector<16xf32>
      %add3A_1038 = arith.addf %add3A_1033, %convert_element_type3A_1037 : vector<16xf32>
      %sub3A_1039 = arith.subf %sub3A_959, %convert_element_type3A_1037 : vector<16xf32>
      %lt3A_1040 = arith.cmpf olt, %get3A_100, %get3A_48 : vector<16xf32>
      %convert_element_type3A_1041 = arith.extui %lt3A_1040 : vector<16xi1> to vector<16xi32>
      %convert_element_type3A_1042 = arith.sitofp %convert_element_type3A_1041 : vector<16xi32> to vector<16xf32>
      %add3A_1043 = arith.addf %add3A_1038, %convert_element_type3A_1042 : vector<16xf32>
      %sub3A_1044 = arith.subf %sub3A_964, %convert_element_type3A_1042 : vector<16xf32>
      %lt3A_1045 = arith.cmpf olt, %get3A_104, %get3A_48 : vector<16xf32>
      %convert_element_type3A_1046 = arith.extui %lt3A_1045 : vector<16xi1> to vector<16xi32>
      %convert_element_type3A_1047 = arith.sitofp %convert_element_type3A_1046 : vector<16xi32> to vector<16xf32>
      %add3A_1048 = arith.addf %add3A_1043, %convert_element_type3A_1047 : vector<16xf32>
      %sub3A_1049 = arith.subf %sub3A_969, %convert_element_type3A_1047 : vector<16xf32>
      %lt3A_1050 = arith.cmpf olt, %get3A_108, %get3A_48 : vector<16xf32>
      %convert_element_type3A_1051 = arith.extui %lt3A_1050 : vector<16xi1> to vector<16xi32>
      %convert_element_type3A_1052 = arith.sitofp %convert_element_type3A_1051 : vector<16xi32> to vector<16xf32>
      %add3A_1053 = arith.addf %add3A_1048, %convert_element_type3A_1052 : vector<16xf32>
      %sub3A_1054 = arith.subf %sub3A_974, %convert_element_type3A_1052 : vector<16xf32>
      %lt3A_1055 = arith.cmpf olt, %get3A_112, %get3A_48 : vector<16xf32>
      %convert_element_type3A_1056 = arith.extui %lt3A_1055 : vector<16xi1> to vector<16xi32>
      %convert_element_type3A_1057 = arith.sitofp %convert_element_type3A_1056 : vector<16xi32> to vector<16xf32>
      %add3A_1058 = arith.addf %add3A_1053, %convert_element_type3A_1057 : vector<16xf32>
      %sub3A_1059 = arith.subf %sub3A_979, %convert_element_type3A_1057 : vector<16xf32>
      %lt3A_1060 = arith.cmpf olt, %get3A_56, %get3A_52 : vector<16xf32>
      %convert_element_type3A_1061 = arith.extui %lt3A_1060 : vector<16xi1> to vector<16xi32>
      %convert_element_type3A_1062 = arith.sitofp %convert_element_type3A_1061 : vector<16xi32> to vector<16xf32>
      %add3A_1063 = arith.addf %sub3A_984, %convert_element_type3A_1062 : vector<16xf32>
      %sub3A_1064 = arith.subf %sub3A_989, %convert_element_type3A_1062 : vector<16xf32>
      %lt3A_1065 = arith.cmpf olt, %get3A_60, %get3A_52 : vector<16xf32>
      %convert_element_type3A_1066 = arith.extui %lt3A_1065 : vector<16xi1> to vector<16xi32>
      %convert_element_type3A_1067 = arith.sitofp %convert_element_type3A_1066 : vector<16xi32> to vector<16xf32>
      %add3A_1068 = arith.addf %add3A_1063, %convert_element_type3A_1067 : vector<16xf32>
      %sub3A_1069 = arith.subf %sub3A_994, %convert_element_type3A_1067 : vector<16xf32>
      %lt3A_1070 = arith.cmpf olt, %get3A_64, %get3A_52 : vector<16xf32>
      %convert_element_type3A_1071 = arith.extui %lt3A_1070 : vector<16xi1> to vector<16xi32>
      %convert_element_type3A_1072 = arith.sitofp %convert_element_type3A_1071 : vector<16xi32> to vector<16xf32>
      %add3A_1073 = arith.addf %add3A_1068, %convert_element_type3A_1072 : vector<16xf32>
      %sub3A_1074 = arith.subf %sub3A_999, %convert_element_type3A_1072 : vector<16xf32>
      %lt3A_1075 = arith.cmpf olt, %get3A_68, %get3A_52 : vector<16xf32>
      %convert_element_type3A_1076 = arith.extui %lt3A_1075 : vector<16xi1> to vector<16xi32>
      %convert_element_type3A_1077 = arith.sitofp %convert_element_type3A_1076 : vector<16xi32> to vector<16xf32>
      %add3A_1078 = arith.addf %add3A_1073, %convert_element_type3A_1077 : vector<16xf32>
      %sub3A_1079 = arith.subf %sub3A_1004, %convert_element_type3A_1077 : vector<16xf32>
      %lt3A_1080 = arith.cmpf olt, %get3A_72, %get3A_52 : vector<16xf32>
      %convert_element_type3A_1081 = arith.extui %lt3A_1080 : vector<16xi1> to vector<16xi32>
      %convert_element_type3A_1082 = arith.sitofp %convert_element_type3A_1081 : vector<16xi32> to vector<16xf32>
      %add3A_1083 = arith.addf %add3A_1078, %convert_element_type3A_1082 : vector<16xf32>
      %sub3A_1084 = arith.subf %sub3A_1009, %convert_element_type3A_1082 : vector<16xf32>
      %lt3A_1085 = arith.cmpf olt, %get3A_76, %get3A_52 : vector<16xf32>
      %convert_element_type3A_1086 = arith.extui %lt3A_1085 : vector<16xi1> to vector<16xi32>
      %convert_element_type3A_1087 = arith.sitofp %convert_element_type3A_1086 : vector<16xi32> to vector<16xf32>
      %add3A_1088 = arith.addf %add3A_1083, %convert_element_type3A_1087 : vector<16xf32>
      %sub3A_1089 = arith.subf %sub3A_1014, %convert_element_type3A_1087 : vector<16xf32>
      %lt3A_1090 = arith.cmpf olt, %get3A_80, %get3A_52 : vector<16xf32>
      %convert_element_type3A_1091 = arith.extui %lt3A_1090 : vector<16xi1> to vector<16xi32>
      %convert_element_type3A_1092 = arith.sitofp %convert_element_type3A_1091 : vector<16xi32> to vector<16xf32>
      %add3A_1093 = arith.addf %add3A_1088, %convert_element_type3A_1092 : vector<16xf32>
      %sub3A_1094 = arith.subf %sub3A_1019, %convert_element_type3A_1092 : vector<16xf32>
      %lt3A_1095 = arith.cmpf olt, %get3A_84, %get3A_52 : vector<16xf32>
      %convert_element_type3A_1096 = arith.extui %lt3A_1095 : vector<16xi1> to vector<16xi32>
      %convert_element_type3A_1097 = arith.sitofp %convert_element_type3A_1096 : vector<16xi32> to vector<16xf32>
      %add3A_1098 = arith.addf %add3A_1093, %convert_element_type3A_1097 : vector<16xf32>
      %sub3A_1099 = arith.subf %sub3A_1024, %convert_element_type3A_1097 : vector<16xf32>
      %lt3A_1100 = arith.cmpf olt, %get3A_88, %get3A_52 : vector<16xf32>
      %convert_element_type3A_1101 = arith.extui %lt3A_1100 : vector<16xi1> to vector<16xi32>
      %convert_element_type3A_1102 = arith.sitofp %convert_element_type3A_1101 : vector<16xi32> to vector<16xf32>
      %add3A_1103 = arith.addf %add3A_1098, %convert_element_type3A_1102 : vector<16xf32>
      %sub3A_1104 = arith.subf %sub3A_1029, %convert_element_type3A_1102 : vector<16xf32>
      %lt3A_1105 = arith.cmpf olt, %get3A_92, %get3A_52 : vector<16xf32>
      %convert_element_type3A_1106 = arith.extui %lt3A_1105 : vector<16xi1> to vector<16xi32>
      %convert_element_type3A_1107 = arith.sitofp %convert_element_type3A_1106 : vector<16xi32> to vector<16xf32>
      %add3A_1108 = arith.addf %add3A_1103, %convert_element_type3A_1107 : vector<16xf32>
      %sub3A_1109 = arith.subf %sub3A_1034, %convert_element_type3A_1107 : vector<16xf32>
      %lt3A_1110 = arith.cmpf olt, %get3A_96, %get3A_52 : vector<16xf32>
      %convert_element_type3A_1111 = arith.extui %lt3A_1110 : vector<16xi1> to vector<16xi32>
      %convert_element_type3A_1112 = arith.sitofp %convert_element_type3A_1111 : vector<16xi32> to vector<16xf32>
      %add3A_1113 = arith.addf %add3A_1108, %convert_element_type3A_1112 : vector<16xf32>
      %sub3A_1114 = arith.subf %sub3A_1039, %convert_element_type3A_1112 : vector<16xf32>
      %lt3A_1115 = arith.cmpf olt, %get3A_100, %get3A_52 : vector<16xf32>
      %convert_element_type3A_1116 = arith.extui %lt3A_1115 : vector<16xi1> to vector<16xi32>
      %convert_element_type3A_1117 = arith.sitofp %convert_element_type3A_1116 : vector<16xi32> to vector<16xf32>
      %add3A_1118 = arith.addf %add3A_1113, %convert_element_type3A_1117 : vector<16xf32>
      %sub3A_1119 = arith.subf %sub3A_1044, %convert_element_type3A_1117 : vector<16xf32>
      %lt3A_1120 = arith.cmpf olt, %get3A_104, %get3A_52 : vector<16xf32>
      %convert_element_type3A_1121 = arith.extui %lt3A_1120 : vector<16xi1> to vector<16xi32>
      %convert_element_type3A_1122 = arith.sitofp %convert_element_type3A_1121 : vector<16xi32> to vector<16xf32>
      %add3A_1123 = arith.addf %add3A_1118, %convert_element_type3A_1122 : vector<16xf32>
      %sub3A_1124 = arith.subf %sub3A_1049, %convert_element_type3A_1122 : vector<16xf32>
      %lt3A_1125 = arith.cmpf olt, %get3A_108, %get3A_52 : vector<16xf32>
      %convert_element_type3A_1126 = arith.extui %lt3A_1125 : vector<16xi1> to vector<16xi32>
      %convert_element_type3A_1127 = arith.sitofp %convert_element_type3A_1126 : vector<16xi32> to vector<16xf32>
      %add3A_1128 = arith.addf %add3A_1123, %convert_element_type3A_1127 : vector<16xf32>
      %sub3A_1129 = arith.subf %sub3A_1054, %convert_element_type3A_1127 : vector<16xf32>
      %lt3A_1130 = arith.cmpf olt, %get3A_112, %get3A_52 : vector<16xf32>
      %convert_element_type3A_1131 = arith.extui %lt3A_1130 : vector<16xi1> to vector<16xi32>
      %convert_element_type3A_1132 = arith.sitofp %convert_element_type3A_1131 : vector<16xi32> to vector<16xf32>
      %add3A_1133 = arith.addf %add3A_1128, %convert_element_type3A_1132 : vector<16xf32>
      %sub3A_1134 = arith.subf %sub3A_1059, %convert_element_type3A_1132 : vector<16xf32>
      %lt3A_1135 = arith.cmpf olt, %get3A_60, %get3A_56 : vector<16xf32>
      %convert_element_type3A_1136 = arith.extui %lt3A_1135 : vector<16xi1> to vector<16xi32>
      %convert_element_type3A_1137 = arith.sitofp %convert_element_type3A_1136 : vector<16xi32> to vector<16xf32>
      %add3A_1138 = arith.addf %sub3A_1064, %convert_element_type3A_1137 : vector<16xf32>
      %sub3A_1139 = arith.subf %sub3A_1069, %convert_element_type3A_1137 : vector<16xf32>
      %lt3A_1140 = arith.cmpf olt, %get3A_64, %get3A_56 : vector<16xf32>
      %convert_element_type3A_1141 = arith.extui %lt3A_1140 : vector<16xi1> to vector<16xi32>
      %convert_element_type3A_1142 = arith.sitofp %convert_element_type3A_1141 : vector<16xi32> to vector<16xf32>
      %add3A_1143 = arith.addf %add3A_1138, %convert_element_type3A_1142 : vector<16xf32>
      %sub3A_1144 = arith.subf %sub3A_1074, %convert_element_type3A_1142 : vector<16xf32>
      %lt3A_1145 = arith.cmpf olt, %get3A_68, %get3A_56 : vector<16xf32>
      %convert_element_type3A_1146 = arith.extui %lt3A_1145 : vector<16xi1> to vector<16xi32>
      %convert_element_type3A_1147 = arith.sitofp %convert_element_type3A_1146 : vector<16xi32> to vector<16xf32>
      %add3A_1148 = arith.addf %add3A_1143, %convert_element_type3A_1147 : vector<16xf32>
      %sub3A_1149 = arith.subf %sub3A_1079, %convert_element_type3A_1147 : vector<16xf32>
      %lt3A_1150 = arith.cmpf olt, %get3A_72, %get3A_56 : vector<16xf32>
      %convert_element_type3A_1151 = arith.extui %lt3A_1150 : vector<16xi1> to vector<16xi32>
      %convert_element_type3A_1152 = arith.sitofp %convert_element_type3A_1151 : vector<16xi32> to vector<16xf32>
      %add3A_1153 = arith.addf %add3A_1148, %convert_element_type3A_1152 : vector<16xf32>
      %sub3A_1154 = arith.subf %sub3A_1084, %convert_element_type3A_1152 : vector<16xf32>
      %lt3A_1155 = arith.cmpf olt, %get3A_76, %get3A_56 : vector<16xf32>
      %convert_element_type3A_1156 = arith.extui %lt3A_1155 : vector<16xi1> to vector<16xi32>
      %convert_element_type3A_1157 = arith.sitofp %convert_element_type3A_1156 : vector<16xi32> to vector<16xf32>
      %add3A_1158 = arith.addf %add3A_1153, %convert_element_type3A_1157 : vector<16xf32>
      %sub3A_1159 = arith.subf %sub3A_1089, %convert_element_type3A_1157 : vector<16xf32>
      %lt3A_1160 = arith.cmpf olt, %get3A_80, %get3A_56 : vector<16xf32>
      %convert_element_type3A_1161 = arith.extui %lt3A_1160 : vector<16xi1> to vector<16xi32>
      %convert_element_type3A_1162 = arith.sitofp %convert_element_type3A_1161 : vector<16xi32> to vector<16xf32>
      %add3A_1163 = arith.addf %add3A_1158, %convert_element_type3A_1162 : vector<16xf32>
      %sub3A_1164 = arith.subf %sub3A_1094, %convert_element_type3A_1162 : vector<16xf32>
      %lt3A_1165 = arith.cmpf olt, %get3A_84, %get3A_56 : vector<16xf32>
      %convert_element_type3A_1166 = arith.extui %lt3A_1165 : vector<16xi1> to vector<16xi32>
      %convert_element_type3A_1167 = arith.sitofp %convert_element_type3A_1166 : vector<16xi32> to vector<16xf32>
      %add3A_1168 = arith.addf %add3A_1163, %convert_element_type3A_1167 : vector<16xf32>
      %sub3A_1169 = arith.subf %sub3A_1099, %convert_element_type3A_1167 : vector<16xf32>
      %lt3A_1170 = arith.cmpf olt, %get3A_88, %get3A_56 : vector<16xf32>
      %convert_element_type3A_1171 = arith.extui %lt3A_1170 : vector<16xi1> to vector<16xi32>
      %convert_element_type3A_1172 = arith.sitofp %convert_element_type3A_1171 : vector<16xi32> to vector<16xf32>
      %add3A_1173 = arith.addf %add3A_1168, %convert_element_type3A_1172 : vector<16xf32>
      %sub3A_1174 = arith.subf %sub3A_1104, %convert_element_type3A_1172 : vector<16xf32>
      %lt3A_1175 = arith.cmpf olt, %get3A_92, %get3A_56 : vector<16xf32>
      %convert_element_type3A_1176 = arith.extui %lt3A_1175 : vector<16xi1> to vector<16xi32>
      %convert_element_type3A_1177 = arith.sitofp %convert_element_type3A_1176 : vector<16xi32> to vector<16xf32>
      %add3A_1178 = arith.addf %add3A_1173, %convert_element_type3A_1177 : vector<16xf32>
      %sub3A_1179 = arith.subf %sub3A_1109, %convert_element_type3A_1177 : vector<16xf32>
      %lt3A_1180 = arith.cmpf olt, %get3A_96, %get3A_56 : vector<16xf32>
      %convert_element_type3A_1181 = arith.extui %lt3A_1180 : vector<16xi1> to vector<16xi32>
      %convert_element_type3A_1182 = arith.sitofp %convert_element_type3A_1181 : vector<16xi32> to vector<16xf32>
      %add3A_1183 = arith.addf %add3A_1178, %convert_element_type3A_1182 : vector<16xf32>
      %sub3A_1184 = arith.subf %sub3A_1114, %convert_element_type3A_1182 : vector<16xf32>
      %lt3A_1185 = arith.cmpf olt, %get3A_100, %get3A_56 : vector<16xf32>
      %convert_element_type3A_1186 = arith.extui %lt3A_1185 : vector<16xi1> to vector<16xi32>
      %convert_element_type3A_1187 = arith.sitofp %convert_element_type3A_1186 : vector<16xi32> to vector<16xf32>
      %add3A_1188 = arith.addf %add3A_1183, %convert_element_type3A_1187 : vector<16xf32>
      %sub3A_1189 = arith.subf %sub3A_1119, %convert_element_type3A_1187 : vector<16xf32>
      %lt3A_1190 = arith.cmpf olt, %get3A_104, %get3A_56 : vector<16xf32>
      %convert_element_type3A_1191 = arith.extui %lt3A_1190 : vector<16xi1> to vector<16xi32>
      %convert_element_type3A_1192 = arith.sitofp %convert_element_type3A_1191 : vector<16xi32> to vector<16xf32>
      %add3A_1193 = arith.addf %add3A_1188, %convert_element_type3A_1192 : vector<16xf32>
      %sub3A_1194 = arith.subf %sub3A_1124, %convert_element_type3A_1192 : vector<16xf32>
      %lt3A_1195 = arith.cmpf olt, %get3A_108, %get3A_56 : vector<16xf32>
      %convert_element_type3A_1196 = arith.extui %lt3A_1195 : vector<16xi1> to vector<16xi32>
      %convert_element_type3A_1197 = arith.sitofp %convert_element_type3A_1196 : vector<16xi32> to vector<16xf32>
      %add3A_1198 = arith.addf %add3A_1193, %convert_element_type3A_1197 : vector<16xf32>
      %sub3A_1199 = arith.subf %sub3A_1129, %convert_element_type3A_1197 : vector<16xf32>
      %lt3A_1200 = arith.cmpf olt, %get3A_112, %get3A_56 : vector<16xf32>
      %convert_element_type3A_1201 = arith.extui %lt3A_1200 : vector<16xi1> to vector<16xi32>
      %convert_element_type3A_1202 = arith.sitofp %convert_element_type3A_1201 : vector<16xi32> to vector<16xf32>
      %add3A_1203 = arith.addf %add3A_1198, %convert_element_type3A_1202 : vector<16xf32>
      %sub3A_1204 = arith.subf %sub3A_1134, %convert_element_type3A_1202 : vector<16xf32>
      %lt3A_1205 = arith.cmpf olt, %get3A_64, %get3A_60 : vector<16xf32>
      %convert_element_type3A_1206 = arith.extui %lt3A_1205 : vector<16xi1> to vector<16xi32>
      %convert_element_type3A_1207 = arith.sitofp %convert_element_type3A_1206 : vector<16xi32> to vector<16xf32>
      %add3A_1208 = arith.addf %sub3A_1139, %convert_element_type3A_1207 : vector<16xf32>
      %sub3A_1209 = arith.subf %sub3A_1144, %convert_element_type3A_1207 : vector<16xf32>
      %lt3A_1210 = arith.cmpf olt, %get3A_68, %get3A_60 : vector<16xf32>
      %convert_element_type3A_1211 = arith.extui %lt3A_1210 : vector<16xi1> to vector<16xi32>
      %convert_element_type3A_1212 = arith.sitofp %convert_element_type3A_1211 : vector<16xi32> to vector<16xf32>
      %add3A_1213 = arith.addf %add3A_1208, %convert_element_type3A_1212 : vector<16xf32>
      %sub3A_1214 = arith.subf %sub3A_1149, %convert_element_type3A_1212 : vector<16xf32>
      %lt3A_1215 = arith.cmpf olt, %get3A_72, %get3A_60 : vector<16xf32>
      %convert_element_type3A_1216 = arith.extui %lt3A_1215 : vector<16xi1> to vector<16xi32>
      %convert_element_type3A_1217 = arith.sitofp %convert_element_type3A_1216 : vector<16xi32> to vector<16xf32>
      %add3A_1218 = arith.addf %add3A_1213, %convert_element_type3A_1217 : vector<16xf32>
      %sub3A_1219 = arith.subf %sub3A_1154, %convert_element_type3A_1217 : vector<16xf32>
      %lt3A_1220 = arith.cmpf olt, %get3A_76, %get3A_60 : vector<16xf32>
      %convert_element_type3A_1221 = arith.extui %lt3A_1220 : vector<16xi1> to vector<16xi32>
      %convert_element_type3A_1222 = arith.sitofp %convert_element_type3A_1221 : vector<16xi32> to vector<16xf32>
      %add3A_1223 = arith.addf %add3A_1218, %convert_element_type3A_1222 : vector<16xf32>
      %sub3A_1224 = arith.subf %sub3A_1159, %convert_element_type3A_1222 : vector<16xf32>
      %lt3A_1225 = arith.cmpf olt, %get3A_80, %get3A_60 : vector<16xf32>
      %convert_element_type3A_1226 = arith.extui %lt3A_1225 : vector<16xi1> to vector<16xi32>
      %convert_element_type3A_1227 = arith.sitofp %convert_element_type3A_1226 : vector<16xi32> to vector<16xf32>
      %add3A_1228 = arith.addf %add3A_1223, %convert_element_type3A_1227 : vector<16xf32>
      %sub3A_1229 = arith.subf %sub3A_1164, %convert_element_type3A_1227 : vector<16xf32>
      %lt3A_1230 = arith.cmpf olt, %get3A_84, %get3A_60 : vector<16xf32>
      %convert_element_type3A_1231 = arith.extui %lt3A_1230 : vector<16xi1> to vector<16xi32>
      %convert_element_type3A_1232 = arith.sitofp %convert_element_type3A_1231 : vector<16xi32> to vector<16xf32>
      %add3A_1233 = arith.addf %add3A_1228, %convert_element_type3A_1232 : vector<16xf32>
      %sub3A_1234 = arith.subf %sub3A_1169, %convert_element_type3A_1232 : vector<16xf32>
      %lt3A_1235 = arith.cmpf olt, %get3A_88, %get3A_60 : vector<16xf32>
      %convert_element_type3A_1236 = arith.extui %lt3A_1235 : vector<16xi1> to vector<16xi32>
      %convert_element_type3A_1237 = arith.sitofp %convert_element_type3A_1236 : vector<16xi32> to vector<16xf32>
      %add3A_1238 = arith.addf %add3A_1233, %convert_element_type3A_1237 : vector<16xf32>
      %sub3A_1239 = arith.subf %sub3A_1174, %convert_element_type3A_1237 : vector<16xf32>
      %lt3A_1240 = arith.cmpf olt, %get3A_92, %get3A_60 : vector<16xf32>
      %convert_element_type3A_1241 = arith.extui %lt3A_1240 : vector<16xi1> to vector<16xi32>
      %convert_element_type3A_1242 = arith.sitofp %convert_element_type3A_1241 : vector<16xi32> to vector<16xf32>
      %add3A_1243 = arith.addf %add3A_1238, %convert_element_type3A_1242 : vector<16xf32>
      %sub3A_1244 = arith.subf %sub3A_1179, %convert_element_type3A_1242 : vector<16xf32>
      %lt3A_1245 = arith.cmpf olt, %get3A_96, %get3A_60 : vector<16xf32>
      %convert_element_type3A_1246 = arith.extui %lt3A_1245 : vector<16xi1> to vector<16xi32>
      %convert_element_type3A_1247 = arith.sitofp %convert_element_type3A_1246 : vector<16xi32> to vector<16xf32>
      %add3A_1248 = arith.addf %add3A_1243, %convert_element_type3A_1247 : vector<16xf32>
      %sub3A_1249 = arith.subf %sub3A_1184, %convert_element_type3A_1247 : vector<16xf32>
      %lt3A_1250 = arith.cmpf olt, %get3A_100, %get3A_60 : vector<16xf32>
      %convert_element_type3A_1251 = arith.extui %lt3A_1250 : vector<16xi1> to vector<16xi32>
      %convert_element_type3A_1252 = arith.sitofp %convert_element_type3A_1251 : vector<16xi32> to vector<16xf32>
      %add3A_1253 = arith.addf %add3A_1248, %convert_element_type3A_1252 : vector<16xf32>
      %sub3A_1254 = arith.subf %sub3A_1189, %convert_element_type3A_1252 : vector<16xf32>
      %lt3A_1255 = arith.cmpf olt, %get3A_104, %get3A_60 : vector<16xf32>
      %convert_element_type3A_1256 = arith.extui %lt3A_1255 : vector<16xi1> to vector<16xi32>
      %convert_element_type3A_1257 = arith.sitofp %convert_element_type3A_1256 : vector<16xi32> to vector<16xf32>
      %add3A_1258 = arith.addf %add3A_1253, %convert_element_type3A_1257 : vector<16xf32>
      %sub3A_1259 = arith.subf %sub3A_1194, %convert_element_type3A_1257 : vector<16xf32>
      %lt3A_1260 = arith.cmpf olt, %get3A_108, %get3A_60 : vector<16xf32>
      %convert_element_type3A_1261 = arith.extui %lt3A_1260 : vector<16xi1> to vector<16xi32>
      %convert_element_type3A_1262 = arith.sitofp %convert_element_type3A_1261 : vector<16xi32> to vector<16xf32>
      %add3A_1263 = arith.addf %add3A_1258, %convert_element_type3A_1262 : vector<16xf32>
      %sub3A_1264 = arith.subf %sub3A_1199, %convert_element_type3A_1262 : vector<16xf32>
      %lt3A_1265 = arith.cmpf olt, %get3A_112, %get3A_60 : vector<16xf32>
      %convert_element_type3A_1266 = arith.extui %lt3A_1265 : vector<16xi1> to vector<16xi32>
      %convert_element_type3A_1267 = arith.sitofp %convert_element_type3A_1266 : vector<16xi32> to vector<16xf32>
      %add3A_1268 = arith.addf %add3A_1263, %convert_element_type3A_1267 : vector<16xf32>
      %sub3A_1269 = arith.subf %sub3A_1204, %convert_element_type3A_1267 : vector<16xf32>
      %lt3A_1270 = arith.cmpf olt, %get3A_68, %get3A_64 : vector<16xf32>
      %convert_element_type3A_1271 = arith.extui %lt3A_1270 : vector<16xi1> to vector<16xi32>
      %convert_element_type3A_1272 = arith.sitofp %convert_element_type3A_1271 : vector<16xi32> to vector<16xf32>
      %add3A_1273 = arith.addf %sub3A_1209, %convert_element_type3A_1272 : vector<16xf32>
      %sub3A_1274 = arith.subf %sub3A_1214, %convert_element_type3A_1272 : vector<16xf32>
      %lt3A_1275 = arith.cmpf olt, %get3A_72, %get3A_64 : vector<16xf32>
      %convert_element_type3A_1276 = arith.extui %lt3A_1275 : vector<16xi1> to vector<16xi32>
      %convert_element_type3A_1277 = arith.sitofp %convert_element_type3A_1276 : vector<16xi32> to vector<16xf32>
      %add3A_1278 = arith.addf %add3A_1273, %convert_element_type3A_1277 : vector<16xf32>
      %sub3A_1279 = arith.subf %sub3A_1219, %convert_element_type3A_1277 : vector<16xf32>
      %lt3A_1280 = arith.cmpf olt, %get3A_76, %get3A_64 : vector<16xf32>
      %convert_element_type3A_1281 = arith.extui %lt3A_1280 : vector<16xi1> to vector<16xi32>
      %convert_element_type3A_1282 = arith.sitofp %convert_element_type3A_1281 : vector<16xi32> to vector<16xf32>
      %add3A_1283 = arith.addf %add3A_1278, %convert_element_type3A_1282 : vector<16xf32>
      %sub3A_1284 = arith.subf %sub3A_1224, %convert_element_type3A_1282 : vector<16xf32>
      %lt3A_1285 = arith.cmpf olt, %get3A_80, %get3A_64 : vector<16xf32>
      %convert_element_type3A_1286 = arith.extui %lt3A_1285 : vector<16xi1> to vector<16xi32>
      %convert_element_type3A_1287 = arith.sitofp %convert_element_type3A_1286 : vector<16xi32> to vector<16xf32>
      %add3A_1288 = arith.addf %add3A_1283, %convert_element_type3A_1287 : vector<16xf32>
      %sub3A_1289 = arith.subf %sub3A_1229, %convert_element_type3A_1287 : vector<16xf32>
      %lt3A_1290 = arith.cmpf olt, %get3A_84, %get3A_64 : vector<16xf32>
      %convert_element_type3A_1291 = arith.extui %lt3A_1290 : vector<16xi1> to vector<16xi32>
      %convert_element_type3A_1292 = arith.sitofp %convert_element_type3A_1291 : vector<16xi32> to vector<16xf32>
      %add3A_1293 = arith.addf %add3A_1288, %convert_element_type3A_1292 : vector<16xf32>
      %sub3A_1294 = arith.subf %sub3A_1234, %convert_element_type3A_1292 : vector<16xf32>
      %lt3A_1295 = arith.cmpf olt, %get3A_88, %get3A_64 : vector<16xf32>
      %convert_element_type3A_1296 = arith.extui %lt3A_1295 : vector<16xi1> to vector<16xi32>
      %convert_element_type3A_1297 = arith.sitofp %convert_element_type3A_1296 : vector<16xi32> to vector<16xf32>
      %add3A_1298 = arith.addf %add3A_1293, %convert_element_type3A_1297 : vector<16xf32>
      %sub3A_1299 = arith.subf %sub3A_1239, %convert_element_type3A_1297 : vector<16xf32>
      %lt3A_1300 = arith.cmpf olt, %get3A_92, %get3A_64 : vector<16xf32>
      %convert_element_type3A_1301 = arith.extui %lt3A_1300 : vector<16xi1> to vector<16xi32>
      %convert_element_type3A_1302 = arith.sitofp %convert_element_type3A_1301 : vector<16xi32> to vector<16xf32>
      %add3A_1303 = arith.addf %add3A_1298, %convert_element_type3A_1302 : vector<16xf32>
      %sub3A_1304 = arith.subf %sub3A_1244, %convert_element_type3A_1302 : vector<16xf32>
      %lt3A_1305 = arith.cmpf olt, %get3A_96, %get3A_64 : vector<16xf32>
      %convert_element_type3A_1306 = arith.extui %lt3A_1305 : vector<16xi1> to vector<16xi32>
      %convert_element_type3A_1307 = arith.sitofp %convert_element_type3A_1306 : vector<16xi32> to vector<16xf32>
      %add3A_1308 = arith.addf %add3A_1303, %convert_element_type3A_1307 : vector<16xf32>
      %sub3A_1309 = arith.subf %sub3A_1249, %convert_element_type3A_1307 : vector<16xf32>
      %lt3A_1310 = arith.cmpf olt, %get3A_100, %get3A_64 : vector<16xf32>
      %convert_element_type3A_1311 = arith.extui %lt3A_1310 : vector<16xi1> to vector<16xi32>
      %convert_element_type3A_1312 = arith.sitofp %convert_element_type3A_1311 : vector<16xi32> to vector<16xf32>
      %add3A_1313 = arith.addf %add3A_1308, %convert_element_type3A_1312 : vector<16xf32>
      %sub3A_1314 = arith.subf %sub3A_1254, %convert_element_type3A_1312 : vector<16xf32>
      %lt3A_1315 = arith.cmpf olt, %get3A_104, %get3A_64 : vector<16xf32>
      %convert_element_type3A_1316 = arith.extui %lt3A_1315 : vector<16xi1> to vector<16xi32>
      %convert_element_type3A_1317 = arith.sitofp %convert_element_type3A_1316 : vector<16xi32> to vector<16xf32>
      %add3A_1318 = arith.addf %add3A_1313, %convert_element_type3A_1317 : vector<16xf32>
      %sub3A_1319 = arith.subf %sub3A_1259, %convert_element_type3A_1317 : vector<16xf32>
      %lt3A_1320 = arith.cmpf olt, %get3A_108, %get3A_64 : vector<16xf32>
      %convert_element_type3A_1321 = arith.extui %lt3A_1320 : vector<16xi1> to vector<16xi32>
      %convert_element_type3A_1322 = arith.sitofp %convert_element_type3A_1321 : vector<16xi32> to vector<16xf32>
      %add3A_1323 = arith.addf %add3A_1318, %convert_element_type3A_1322 : vector<16xf32>
      %sub3A_1324 = arith.subf %sub3A_1264, %convert_element_type3A_1322 : vector<16xf32>
      %lt3A_1325 = arith.cmpf olt, %get3A_112, %get3A_64 : vector<16xf32>
      %convert_element_type3A_1326 = arith.extui %lt3A_1325 : vector<16xi1> to vector<16xi32>
      %convert_element_type3A_1327 = arith.sitofp %convert_element_type3A_1326 : vector<16xi32> to vector<16xf32>
      %add3A_1328 = arith.addf %add3A_1323, %convert_element_type3A_1327 : vector<16xf32>
      %sub3A_1329 = arith.subf %sub3A_1269, %convert_element_type3A_1327 : vector<16xf32>
      %lt3A_1330 = arith.cmpf olt, %get3A_72, %get3A_68 : vector<16xf32>
      %convert_element_type3A_1331 = arith.extui %lt3A_1330 : vector<16xi1> to vector<16xi32>
      %convert_element_type3A_1332 = arith.sitofp %convert_element_type3A_1331 : vector<16xi32> to vector<16xf32>
      %add3A_1333 = arith.addf %sub3A_1274, %convert_element_type3A_1332 : vector<16xf32>
      %sub3A_1334 = arith.subf %sub3A_1279, %convert_element_type3A_1332 : vector<16xf32>
      %lt3A_1335 = arith.cmpf olt, %get3A_76, %get3A_68 : vector<16xf32>
      %convert_element_type3A_1336 = arith.extui %lt3A_1335 : vector<16xi1> to vector<16xi32>
      %convert_element_type3A_1337 = arith.sitofp %convert_element_type3A_1336 : vector<16xi32> to vector<16xf32>
      %add3A_1338 = arith.addf %add3A_1333, %convert_element_type3A_1337 : vector<16xf32>
      %sub3A_1339 = arith.subf %sub3A_1284, %convert_element_type3A_1337 : vector<16xf32>
      %lt3A_1340 = arith.cmpf olt, %get3A_80, %get3A_68 : vector<16xf32>
      %convert_element_type3A_1341 = arith.extui %lt3A_1340 : vector<16xi1> to vector<16xi32>
      %convert_element_type3A_1342 = arith.sitofp %convert_element_type3A_1341 : vector<16xi32> to vector<16xf32>
      %add3A_1343 = arith.addf %add3A_1338, %convert_element_type3A_1342 : vector<16xf32>
      %sub3A_1344 = arith.subf %sub3A_1289, %convert_element_type3A_1342 : vector<16xf32>
      %lt3A_1345 = arith.cmpf olt, %get3A_84, %get3A_68 : vector<16xf32>
      %convert_element_type3A_1346 = arith.extui %lt3A_1345 : vector<16xi1> to vector<16xi32>
      %convert_element_type3A_1347 = arith.sitofp %convert_element_type3A_1346 : vector<16xi32> to vector<16xf32>
      %add3A_1348 = arith.addf %add3A_1343, %convert_element_type3A_1347 : vector<16xf32>
      %sub3A_1349 = arith.subf %sub3A_1294, %convert_element_type3A_1347 : vector<16xf32>
      %lt3A_1350 = arith.cmpf olt, %get3A_88, %get3A_68 : vector<16xf32>
      %convert_element_type3A_1351 = arith.extui %lt3A_1350 : vector<16xi1> to vector<16xi32>
      %convert_element_type3A_1352 = arith.sitofp %convert_element_type3A_1351 : vector<16xi32> to vector<16xf32>
      %add3A_1353 = arith.addf %add3A_1348, %convert_element_type3A_1352 : vector<16xf32>
      %sub3A_1354 = arith.subf %sub3A_1299, %convert_element_type3A_1352 : vector<16xf32>
      %lt3A_1355 = arith.cmpf olt, %get3A_92, %get3A_68 : vector<16xf32>
      %convert_element_type3A_1356 = arith.extui %lt3A_1355 : vector<16xi1> to vector<16xi32>
      %convert_element_type3A_1357 = arith.sitofp %convert_element_type3A_1356 : vector<16xi32> to vector<16xf32>
      %add3A_1358 = arith.addf %add3A_1353, %convert_element_type3A_1357 : vector<16xf32>
      %sub3A_1359 = arith.subf %sub3A_1304, %convert_element_type3A_1357 : vector<16xf32>
      %lt3A_1360 = arith.cmpf olt, %get3A_96, %get3A_68 : vector<16xf32>
      %convert_element_type3A_1361 = arith.extui %lt3A_1360 : vector<16xi1> to vector<16xi32>
      %convert_element_type3A_1362 = arith.sitofp %convert_element_type3A_1361 : vector<16xi32> to vector<16xf32>
      %add3A_1363 = arith.addf %add3A_1358, %convert_element_type3A_1362 : vector<16xf32>
      %sub3A_1364 = arith.subf %sub3A_1309, %convert_element_type3A_1362 : vector<16xf32>
      %lt3A_1365 = arith.cmpf olt, %get3A_100, %get3A_68 : vector<16xf32>
      %convert_element_type3A_1366 = arith.extui %lt3A_1365 : vector<16xi1> to vector<16xi32>
      %convert_element_type3A_1367 = arith.sitofp %convert_element_type3A_1366 : vector<16xi32> to vector<16xf32>
      %add3A_1368 = arith.addf %add3A_1363, %convert_element_type3A_1367 : vector<16xf32>
      %sub3A_1369 = arith.subf %sub3A_1314, %convert_element_type3A_1367 : vector<16xf32>
      %lt3A_1370 = arith.cmpf olt, %get3A_104, %get3A_68 : vector<16xf32>
      %convert_element_type3A_1371 = arith.extui %lt3A_1370 : vector<16xi1> to vector<16xi32>
      %convert_element_type3A_1372 = arith.sitofp %convert_element_type3A_1371 : vector<16xi32> to vector<16xf32>
      %add3A_1373 = arith.addf %add3A_1368, %convert_element_type3A_1372 : vector<16xf32>
      %sub3A_1374 = arith.subf %sub3A_1319, %convert_element_type3A_1372 : vector<16xf32>
      %lt3A_1375 = arith.cmpf olt, %get3A_108, %get3A_68 : vector<16xf32>
      %convert_element_type3A_1376 = arith.extui %lt3A_1375 : vector<16xi1> to vector<16xi32>
      %convert_element_type3A_1377 = arith.sitofp %convert_element_type3A_1376 : vector<16xi32> to vector<16xf32>
      %add3A_1378 = arith.addf %add3A_1373, %convert_element_type3A_1377 : vector<16xf32>
      %sub3A_1379 = arith.subf %sub3A_1324, %convert_element_type3A_1377 : vector<16xf32>
      %lt3A_1380 = arith.cmpf olt, %get3A_112, %get3A_68 : vector<16xf32>
      %convert_element_type3A_1381 = arith.extui %lt3A_1380 : vector<16xi1> to vector<16xi32>
      %convert_element_type3A_1382 = arith.sitofp %convert_element_type3A_1381 : vector<16xi32> to vector<16xf32>
      %add3A_1383 = arith.addf %add3A_1378, %convert_element_type3A_1382 : vector<16xf32>
      %sub3A_1384 = arith.subf %sub3A_1329, %convert_element_type3A_1382 : vector<16xf32>
      %lt3A_1385 = arith.cmpf olt, %get3A_76, %get3A_72 : vector<16xf32>
      %convert_element_type3A_1386 = arith.extui %lt3A_1385 : vector<16xi1> to vector<16xi32>
      %convert_element_type3A_1387 = arith.sitofp %convert_element_type3A_1386 : vector<16xi32> to vector<16xf32>
      %add3A_1388 = arith.addf %sub3A_1334, %convert_element_type3A_1387 : vector<16xf32>
      %sub3A_1389 = arith.subf %sub3A_1339, %convert_element_type3A_1387 : vector<16xf32>
      %lt3A_1390 = arith.cmpf olt, %get3A_80, %get3A_72 : vector<16xf32>
      %convert_element_type3A_1391 = arith.extui %lt3A_1390 : vector<16xi1> to vector<16xi32>
      %convert_element_type3A_1392 = arith.sitofp %convert_element_type3A_1391 : vector<16xi32> to vector<16xf32>
      %add3A_1393 = arith.addf %add3A_1388, %convert_element_type3A_1392 : vector<16xf32>
      %sub3A_1394 = arith.subf %sub3A_1344, %convert_element_type3A_1392 : vector<16xf32>
      %lt3A_1395 = arith.cmpf olt, %get3A_84, %get3A_72 : vector<16xf32>
      %convert_element_type3A_1396 = arith.extui %lt3A_1395 : vector<16xi1> to vector<16xi32>
      %convert_element_type3A_1397 = arith.sitofp %convert_element_type3A_1396 : vector<16xi32> to vector<16xf32>
      %add3A_1398 = arith.addf %add3A_1393, %convert_element_type3A_1397 : vector<16xf32>
      %sub3A_1399 = arith.subf %sub3A_1349, %convert_element_type3A_1397 : vector<16xf32>
      %lt3A_1400 = arith.cmpf olt, %get3A_88, %get3A_72 : vector<16xf32>
      %convert_element_type3A_1401 = arith.extui %lt3A_1400 : vector<16xi1> to vector<16xi32>
      %convert_element_type3A_1402 = arith.sitofp %convert_element_type3A_1401 : vector<16xi32> to vector<16xf32>
      %add3A_1403 = arith.addf %add3A_1398, %convert_element_type3A_1402 : vector<16xf32>
      %sub3A_1404 = arith.subf %sub3A_1354, %convert_element_type3A_1402 : vector<16xf32>
      %lt3A_1405 = arith.cmpf olt, %get3A_92, %get3A_72 : vector<16xf32>
      %convert_element_type3A_1406 = arith.extui %lt3A_1405 : vector<16xi1> to vector<16xi32>
      %convert_element_type3A_1407 = arith.sitofp %convert_element_type3A_1406 : vector<16xi32> to vector<16xf32>
      %add3A_1408 = arith.addf %add3A_1403, %convert_element_type3A_1407 : vector<16xf32>
      %sub3A_1409 = arith.subf %sub3A_1359, %convert_element_type3A_1407 : vector<16xf32>
      %lt3A_1410 = arith.cmpf olt, %get3A_96, %get3A_72 : vector<16xf32>
      %convert_element_type3A_1411 = arith.extui %lt3A_1410 : vector<16xi1> to vector<16xi32>
      %convert_element_type3A_1412 = arith.sitofp %convert_element_type3A_1411 : vector<16xi32> to vector<16xf32>
      %add3A_1413 = arith.addf %add3A_1408, %convert_element_type3A_1412 : vector<16xf32>
      %sub3A_1414 = arith.subf %sub3A_1364, %convert_element_type3A_1412 : vector<16xf32>
      %lt3A_1415 = arith.cmpf olt, %get3A_100, %get3A_72 : vector<16xf32>
      %convert_element_type3A_1416 = arith.extui %lt3A_1415 : vector<16xi1> to vector<16xi32>
      %convert_element_type3A_1417 = arith.sitofp %convert_element_type3A_1416 : vector<16xi32> to vector<16xf32>
      %add3A_1418 = arith.addf %add3A_1413, %convert_element_type3A_1417 : vector<16xf32>
      %sub3A_1419 = arith.subf %sub3A_1369, %convert_element_type3A_1417 : vector<16xf32>
      %lt3A_1420 = arith.cmpf olt, %get3A_104, %get3A_72 : vector<16xf32>
      %convert_element_type3A_1421 = arith.extui %lt3A_1420 : vector<16xi1> to vector<16xi32>
      %convert_element_type3A_1422 = arith.sitofp %convert_element_type3A_1421 : vector<16xi32> to vector<16xf32>
      %add3A_1423 = arith.addf %add3A_1418, %convert_element_type3A_1422 : vector<16xf32>
      %sub3A_1424 = arith.subf %sub3A_1374, %convert_element_type3A_1422 : vector<16xf32>
      %lt3A_1425 = arith.cmpf olt, %get3A_108, %get3A_72 : vector<16xf32>
      %convert_element_type3A_1426 = arith.extui %lt3A_1425 : vector<16xi1> to vector<16xi32>
      %convert_element_type3A_1427 = arith.sitofp %convert_element_type3A_1426 : vector<16xi32> to vector<16xf32>
      %add3A_1428 = arith.addf %add3A_1423, %convert_element_type3A_1427 : vector<16xf32>
      %sub3A_1429 = arith.subf %sub3A_1379, %convert_element_type3A_1427 : vector<16xf32>
      %lt3A_1430 = arith.cmpf olt, %get3A_112, %get3A_72 : vector<16xf32>
      %convert_element_type3A_1431 = arith.extui %lt3A_1430 : vector<16xi1> to vector<16xi32>
      %convert_element_type3A_1432 = arith.sitofp %convert_element_type3A_1431 : vector<16xi32> to vector<16xf32>
      %add3A_1433 = arith.addf %add3A_1428, %convert_element_type3A_1432 : vector<16xf32>
      %sub3A_1434 = arith.subf %sub3A_1384, %convert_element_type3A_1432 : vector<16xf32>
      %lt3A_1435 = arith.cmpf olt, %get3A_80, %get3A_76 : vector<16xf32>
      %convert_element_type3A_1436 = arith.extui %lt3A_1435 : vector<16xi1> to vector<16xi32>
      %convert_element_type3A_1437 = arith.sitofp %convert_element_type3A_1436 : vector<16xi32> to vector<16xf32>
      %add3A_1438 = arith.addf %sub3A_1389, %convert_element_type3A_1437 : vector<16xf32>
      %sub3A_1439 = arith.subf %sub3A_1394, %convert_element_type3A_1437 : vector<16xf32>
      %lt3A_1440 = arith.cmpf olt, %get3A_84, %get3A_76 : vector<16xf32>
      %convert_element_type3A_1441 = arith.extui %lt3A_1440 : vector<16xi1> to vector<16xi32>
      %convert_element_type3A_1442 = arith.sitofp %convert_element_type3A_1441 : vector<16xi32> to vector<16xf32>
      %add3A_1443 = arith.addf %add3A_1438, %convert_element_type3A_1442 : vector<16xf32>
      %sub3A_1444 = arith.subf %sub3A_1399, %convert_element_type3A_1442 : vector<16xf32>
      %lt3A_1445 = arith.cmpf olt, %get3A_88, %get3A_76 : vector<16xf32>
      %convert_element_type3A_1446 = arith.extui %lt3A_1445 : vector<16xi1> to vector<16xi32>
      %convert_element_type3A_1447 = arith.sitofp %convert_element_type3A_1446 : vector<16xi32> to vector<16xf32>
      %add3A_1448 = arith.addf %add3A_1443, %convert_element_type3A_1447 : vector<16xf32>
      %sub3A_1449 = arith.subf %sub3A_1404, %convert_element_type3A_1447 : vector<16xf32>
      %lt3A_1450 = arith.cmpf olt, %get3A_92, %get3A_76 : vector<16xf32>
      %convert_element_type3A_1451 = arith.extui %lt3A_1450 : vector<16xi1> to vector<16xi32>
      %convert_element_type3A_1452 = arith.sitofp %convert_element_type3A_1451 : vector<16xi32> to vector<16xf32>
      %add3A_1453 = arith.addf %add3A_1448, %convert_element_type3A_1452 : vector<16xf32>
      %sub3A_1454 = arith.subf %sub3A_1409, %convert_element_type3A_1452 : vector<16xf32>
      %lt3A_1455 = arith.cmpf olt, %get3A_96, %get3A_76 : vector<16xf32>
      %convert_element_type3A_1456 = arith.extui %lt3A_1455 : vector<16xi1> to vector<16xi32>
      %convert_element_type3A_1457 = arith.sitofp %convert_element_type3A_1456 : vector<16xi32> to vector<16xf32>
      %add3A_1458 = arith.addf %add3A_1453, %convert_element_type3A_1457 : vector<16xf32>
      %sub3A_1459 = arith.subf %sub3A_1414, %convert_element_type3A_1457 : vector<16xf32>
      %lt3A_1460 = arith.cmpf olt, %get3A_100, %get3A_76 : vector<16xf32>
      %convert_element_type3A_1461 = arith.extui %lt3A_1460 : vector<16xi1> to vector<16xi32>
      %convert_element_type3A_1462 = arith.sitofp %convert_element_type3A_1461 : vector<16xi32> to vector<16xf32>
      %add3A_1463 = arith.addf %add3A_1458, %convert_element_type3A_1462 : vector<16xf32>
      %sub3A_1464 = arith.subf %sub3A_1419, %convert_element_type3A_1462 : vector<16xf32>
      %lt3A_1465 = arith.cmpf olt, %get3A_104, %get3A_76 : vector<16xf32>
      %convert_element_type3A_1466 = arith.extui %lt3A_1465 : vector<16xi1> to vector<16xi32>
      %convert_element_type3A_1467 = arith.sitofp %convert_element_type3A_1466 : vector<16xi32> to vector<16xf32>
      %add3A_1468 = arith.addf %add3A_1463, %convert_element_type3A_1467 : vector<16xf32>
      %sub3A_1469 = arith.subf %sub3A_1424, %convert_element_type3A_1467 : vector<16xf32>
      %lt3A_1470 = arith.cmpf olt, %get3A_108, %get3A_76 : vector<16xf32>
      %convert_element_type3A_1471 = arith.extui %lt3A_1470 : vector<16xi1> to vector<16xi32>
      %convert_element_type3A_1472 = arith.sitofp %convert_element_type3A_1471 : vector<16xi32> to vector<16xf32>
      %add3A_1473 = arith.addf %add3A_1468, %convert_element_type3A_1472 : vector<16xf32>
      %sub3A_1474 = arith.subf %sub3A_1429, %convert_element_type3A_1472 : vector<16xf32>
      %lt3A_1475 = arith.cmpf olt, %get3A_112, %get3A_76 : vector<16xf32>
      %convert_element_type3A_1476 = arith.extui %lt3A_1475 : vector<16xi1> to vector<16xi32>
      %convert_element_type3A_1477 = arith.sitofp %convert_element_type3A_1476 : vector<16xi32> to vector<16xf32>
      %add3A_1478 = arith.addf %add3A_1473, %convert_element_type3A_1477 : vector<16xf32>
      %sub3A_1479 = arith.subf %sub3A_1434, %convert_element_type3A_1477 : vector<16xf32>
      %lt3A_1480 = arith.cmpf olt, %get3A_84, %get3A_80 : vector<16xf32>
      %convert_element_type3A_1481 = arith.extui %lt3A_1480 : vector<16xi1> to vector<16xi32>
      %convert_element_type3A_1482 = arith.sitofp %convert_element_type3A_1481 : vector<16xi32> to vector<16xf32>
      %add3A_1483 = arith.addf %sub3A_1439, %convert_element_type3A_1482 : vector<16xf32>
      %sub3A_1484 = arith.subf %sub3A_1444, %convert_element_type3A_1482 : vector<16xf32>
      %lt3A_1485 = arith.cmpf olt, %get3A_88, %get3A_80 : vector<16xf32>
      %convert_element_type3A_1486 = arith.extui %lt3A_1485 : vector<16xi1> to vector<16xi32>
      %convert_element_type3A_1487 = arith.sitofp %convert_element_type3A_1486 : vector<16xi32> to vector<16xf32>
      %add3A_1488 = arith.addf %add3A_1483, %convert_element_type3A_1487 : vector<16xf32>
      %sub3A_1489 = arith.subf %sub3A_1449, %convert_element_type3A_1487 : vector<16xf32>
      %lt3A_1490 = arith.cmpf olt, %get3A_92, %get3A_80 : vector<16xf32>
      %convert_element_type3A_1491 = arith.extui %lt3A_1490 : vector<16xi1> to vector<16xi32>
      %convert_element_type3A_1492 = arith.sitofp %convert_element_type3A_1491 : vector<16xi32> to vector<16xf32>
      %add3A_1493 = arith.addf %add3A_1488, %convert_element_type3A_1492 : vector<16xf32>
      %sub3A_1494 = arith.subf %sub3A_1454, %convert_element_type3A_1492 : vector<16xf32>
      %lt3A_1495 = arith.cmpf olt, %get3A_96, %get3A_80 : vector<16xf32>
      %convert_element_type3A_1496 = arith.extui %lt3A_1495 : vector<16xi1> to vector<16xi32>
      %convert_element_type3A_1497 = arith.sitofp %convert_element_type3A_1496 : vector<16xi32> to vector<16xf32>
      %add3A_1498 = arith.addf %add3A_1493, %convert_element_type3A_1497 : vector<16xf32>
      %sub3A_1499 = arith.subf %sub3A_1459, %convert_element_type3A_1497 : vector<16xf32>
      %lt3A_1500 = arith.cmpf olt, %get3A_100, %get3A_80 : vector<16xf32>
      %convert_element_type3A_1501 = arith.extui %lt3A_1500 : vector<16xi1> to vector<16xi32>
      %convert_element_type3A_1502 = arith.sitofp %convert_element_type3A_1501 : vector<16xi32> to vector<16xf32>
      %add3A_1503 = arith.addf %add3A_1498, %convert_element_type3A_1502 : vector<16xf32>
      %sub3A_1504 = arith.subf %sub3A_1464, %convert_element_type3A_1502 : vector<16xf32>
      %lt3A_1505 = arith.cmpf olt, %get3A_104, %get3A_80 : vector<16xf32>
      %convert_element_type3A_1506 = arith.extui %lt3A_1505 : vector<16xi1> to vector<16xi32>
      %convert_element_type3A_1507 = arith.sitofp %convert_element_type3A_1506 : vector<16xi32> to vector<16xf32>
      %add3A_1508 = arith.addf %add3A_1503, %convert_element_type3A_1507 : vector<16xf32>
      %sub3A_1509 = arith.subf %sub3A_1469, %convert_element_type3A_1507 : vector<16xf32>
      %lt3A_1510 = arith.cmpf olt, %get3A_108, %get3A_80 : vector<16xf32>
      %convert_element_type3A_1511 = arith.extui %lt3A_1510 : vector<16xi1> to vector<16xi32>
      %convert_element_type3A_1512 = arith.sitofp %convert_element_type3A_1511 : vector<16xi32> to vector<16xf32>
      %add3A_1513 = arith.addf %add3A_1508, %convert_element_type3A_1512 : vector<16xf32>
      %sub3A_1514 = arith.subf %sub3A_1474, %convert_element_type3A_1512 : vector<16xf32>
      %lt3A_1515 = arith.cmpf olt, %get3A_112, %get3A_80 : vector<16xf32>
      %convert_element_type3A_1516 = arith.extui %lt3A_1515 : vector<16xi1> to vector<16xi32>
      %convert_element_type3A_1517 = arith.sitofp %convert_element_type3A_1516 : vector<16xi32> to vector<16xf32>
      %add3A_1518 = arith.addf %add3A_1513, %convert_element_type3A_1517 : vector<16xf32>
      %sub3A_1519 = arith.subf %sub3A_1479, %convert_element_type3A_1517 : vector<16xf32>
      %lt3A_1520 = arith.cmpf olt, %get3A_88, %get3A_84 : vector<16xf32>
      %convert_element_type3A_1521 = arith.extui %lt3A_1520 : vector<16xi1> to vector<16xi32>
      %convert_element_type3A_1522 = arith.sitofp %convert_element_type3A_1521 : vector<16xi32> to vector<16xf32>
      %add3A_1523 = arith.addf %sub3A_1484, %convert_element_type3A_1522 : vector<16xf32>
      %sub3A_1524 = arith.subf %sub3A_1489, %convert_element_type3A_1522 : vector<16xf32>
      %lt3A_1525 = arith.cmpf olt, %get3A_92, %get3A_84 : vector<16xf32>
      %convert_element_type3A_1526 = arith.extui %lt3A_1525 : vector<16xi1> to vector<16xi32>
      %convert_element_type3A_1527 = arith.sitofp %convert_element_type3A_1526 : vector<16xi32> to vector<16xf32>
      %add3A_1528 = arith.addf %add3A_1523, %convert_element_type3A_1527 : vector<16xf32>
      %sub3A_1529 = arith.subf %sub3A_1494, %convert_element_type3A_1527 : vector<16xf32>
      %lt3A_1530 = arith.cmpf olt, %get3A_96, %get3A_84 : vector<16xf32>
      %convert_element_type3A_1531 = arith.extui %lt3A_1530 : vector<16xi1> to vector<16xi32>
      %convert_element_type3A_1532 = arith.sitofp %convert_element_type3A_1531 : vector<16xi32> to vector<16xf32>
      %add3A_1533 = arith.addf %add3A_1528, %convert_element_type3A_1532 : vector<16xf32>
      %sub3A_1534 = arith.subf %sub3A_1499, %convert_element_type3A_1532 : vector<16xf32>
      %lt3A_1535 = arith.cmpf olt, %get3A_100, %get3A_84 : vector<16xf32>
      %convert_element_type3A_1536 = arith.extui %lt3A_1535 : vector<16xi1> to vector<16xi32>
      %convert_element_type3A_1537 = arith.sitofp %convert_element_type3A_1536 : vector<16xi32> to vector<16xf32>
      %add3A_1538 = arith.addf %add3A_1533, %convert_element_type3A_1537 : vector<16xf32>
      %sub3A_1539 = arith.subf %sub3A_1504, %convert_element_type3A_1537 : vector<16xf32>
      %lt3A_1540 = arith.cmpf olt, %get3A_104, %get3A_84 : vector<16xf32>
      %convert_element_type3A_1541 = arith.extui %lt3A_1540 : vector<16xi1> to vector<16xi32>
      %convert_element_type3A_1542 = arith.sitofp %convert_element_type3A_1541 : vector<16xi32> to vector<16xf32>
      %add3A_1543 = arith.addf %add3A_1538, %convert_element_type3A_1542 : vector<16xf32>
      %sub3A_1544 = arith.subf %sub3A_1509, %convert_element_type3A_1542 : vector<16xf32>
      %lt3A_1545 = arith.cmpf olt, %get3A_108, %get3A_84 : vector<16xf32>
      %convert_element_type3A_1546 = arith.extui %lt3A_1545 : vector<16xi1> to vector<16xi32>
      %convert_element_type3A_1547 = arith.sitofp %convert_element_type3A_1546 : vector<16xi32> to vector<16xf32>
      %add3A_1548 = arith.addf %add3A_1543, %convert_element_type3A_1547 : vector<16xf32>
      %sub3A_1549 = arith.subf %sub3A_1514, %convert_element_type3A_1547 : vector<16xf32>
      %lt3A_1550 = arith.cmpf olt, %get3A_112, %get3A_84 : vector<16xf32>
      %convert_element_type3A_1551 = arith.extui %lt3A_1550 : vector<16xi1> to vector<16xi32>
      %convert_element_type3A_1552 = arith.sitofp %convert_element_type3A_1551 : vector<16xi32> to vector<16xf32>
      %add3A_1553 = arith.addf %add3A_1548, %convert_element_type3A_1552 : vector<16xf32>
      %sub3A_1554 = arith.subf %sub3A_1519, %convert_element_type3A_1552 : vector<16xf32>
      %lt3A_1555 = arith.cmpf olt, %get3A_92, %get3A_88 : vector<16xf32>
      %convert_element_type3A_1556 = arith.extui %lt3A_1555 : vector<16xi1> to vector<16xi32>
      %convert_element_type3A_1557 = arith.sitofp %convert_element_type3A_1556 : vector<16xi32> to vector<16xf32>
      %add3A_1558 = arith.addf %sub3A_1524, %convert_element_type3A_1557 : vector<16xf32>
      %sub3A_1559 = arith.subf %sub3A_1529, %convert_element_type3A_1557 : vector<16xf32>
      %lt3A_1560 = arith.cmpf olt, %get3A_96, %get3A_88 : vector<16xf32>
      %convert_element_type3A_1561 = arith.extui %lt3A_1560 : vector<16xi1> to vector<16xi32>
      %convert_element_type3A_1562 = arith.sitofp %convert_element_type3A_1561 : vector<16xi32> to vector<16xf32>
      %add3A_1563 = arith.addf %add3A_1558, %convert_element_type3A_1562 : vector<16xf32>
      %sub3A_1564 = arith.subf %sub3A_1534, %convert_element_type3A_1562 : vector<16xf32>
      %lt3A_1565 = arith.cmpf olt, %get3A_100, %get3A_88 : vector<16xf32>
      %convert_element_type3A_1566 = arith.extui %lt3A_1565 : vector<16xi1> to vector<16xi32>
      %convert_element_type3A_1567 = arith.sitofp %convert_element_type3A_1566 : vector<16xi32> to vector<16xf32>
      %add3A_1568 = arith.addf %add3A_1563, %convert_element_type3A_1567 : vector<16xf32>
      %sub3A_1569 = arith.subf %sub3A_1539, %convert_element_type3A_1567 : vector<16xf32>
      %lt3A_1570 = arith.cmpf olt, %get3A_104, %get3A_88 : vector<16xf32>
      %convert_element_type3A_1571 = arith.extui %lt3A_1570 : vector<16xi1> to vector<16xi32>
      %convert_element_type3A_1572 = arith.sitofp %convert_element_type3A_1571 : vector<16xi32> to vector<16xf32>
      %add3A_1573 = arith.addf %add3A_1568, %convert_element_type3A_1572 : vector<16xf32>
      %sub3A_1574 = arith.subf %sub3A_1544, %convert_element_type3A_1572 : vector<16xf32>
      %lt3A_1575 = arith.cmpf olt, %get3A_108, %get3A_88 : vector<16xf32>
      %convert_element_type3A_1576 = arith.extui %lt3A_1575 : vector<16xi1> to vector<16xi32>
      %convert_element_type3A_1577 = arith.sitofp %convert_element_type3A_1576 : vector<16xi32> to vector<16xf32>
      %add3A_1578 = arith.addf %add3A_1573, %convert_element_type3A_1577 : vector<16xf32>
      %sub3A_1579 = arith.subf %sub3A_1549, %convert_element_type3A_1577 : vector<16xf32>
      %lt3A_1580 = arith.cmpf olt, %get3A_112, %get3A_88 : vector<16xf32>
      %convert_element_type3A_1581 = arith.extui %lt3A_1580 : vector<16xi1> to vector<16xi32>
      %convert_element_type3A_1582 = arith.sitofp %convert_element_type3A_1581 : vector<16xi32> to vector<16xf32>
      %add3A_1583 = arith.addf %add3A_1578, %convert_element_type3A_1582 : vector<16xf32>
      %sub3A_1584 = arith.subf %sub3A_1554, %convert_element_type3A_1582 : vector<16xf32>
      %lt3A_1585 = arith.cmpf olt, %get3A_96, %get3A_92 : vector<16xf32>
      %convert_element_type3A_1586 = arith.extui %lt3A_1585 : vector<16xi1> to vector<16xi32>
      %convert_element_type3A_1587 = arith.sitofp %convert_element_type3A_1586 : vector<16xi32> to vector<16xf32>
      %add3A_1588 = arith.addf %sub3A_1559, %convert_element_type3A_1587 : vector<16xf32>
      %sub3A_1589 = arith.subf %sub3A_1564, %convert_element_type3A_1587 : vector<16xf32>
      %lt3A_1590 = arith.cmpf olt, %get3A_100, %get3A_92 : vector<16xf32>
      %convert_element_type3A_1591 = arith.extui %lt3A_1590 : vector<16xi1> to vector<16xi32>
      %convert_element_type3A_1592 = arith.sitofp %convert_element_type3A_1591 : vector<16xi32> to vector<16xf32>
      %add3A_1593 = arith.addf %add3A_1588, %convert_element_type3A_1592 : vector<16xf32>
      %sub3A_1594 = arith.subf %sub3A_1569, %convert_element_type3A_1592 : vector<16xf32>
      %lt3A_1595 = arith.cmpf olt, %get3A_104, %get3A_92 : vector<16xf32>
      %convert_element_type3A_1596 = arith.extui %lt3A_1595 : vector<16xi1> to vector<16xi32>
      %convert_element_type3A_1597 = arith.sitofp %convert_element_type3A_1596 : vector<16xi32> to vector<16xf32>
      %add3A_1598 = arith.addf %add3A_1593, %convert_element_type3A_1597 : vector<16xf32>
      %sub3A_1599 = arith.subf %sub3A_1574, %convert_element_type3A_1597 : vector<16xf32>
      %lt3A_1600 = arith.cmpf olt, %get3A_108, %get3A_92 : vector<16xf32>
      %convert_element_type3A_1601 = arith.extui %lt3A_1600 : vector<16xi1> to vector<16xi32>
      %convert_element_type3A_1602 = arith.sitofp %convert_element_type3A_1601 : vector<16xi32> to vector<16xf32>
      %add3A_1603 = arith.addf %add3A_1598, %convert_element_type3A_1602 : vector<16xf32>
      %sub3A_1604 = arith.subf %sub3A_1579, %convert_element_type3A_1602 : vector<16xf32>
      %lt3A_1605 = arith.cmpf olt, %get3A_112, %get3A_92 : vector<16xf32>
      %convert_element_type3A_1606 = arith.extui %lt3A_1605 : vector<16xi1> to vector<16xi32>
      %convert_element_type3A_1607 = arith.sitofp %convert_element_type3A_1606 : vector<16xi32> to vector<16xf32>
      %add3A_1608 = arith.addf %add3A_1603, %convert_element_type3A_1607 : vector<16xf32>
      %sub3A_1609 = arith.subf %sub3A_1584, %convert_element_type3A_1607 : vector<16xf32>
      %lt3A_1610 = arith.cmpf olt, %get3A_100, %get3A_96 : vector<16xf32>
      %convert_element_type3A_1611 = arith.extui %lt3A_1610 : vector<16xi1> to vector<16xi32>
      %convert_element_type3A_1612 = arith.sitofp %convert_element_type3A_1611 : vector<16xi32> to vector<16xf32>
      %add3A_1613 = arith.addf %sub3A_1589, %convert_element_type3A_1612 : vector<16xf32>
      %sub3A_1614 = arith.subf %sub3A_1594, %convert_element_type3A_1612 : vector<16xf32>
      %lt3A_1615 = arith.cmpf olt, %get3A_104, %get3A_96 : vector<16xf32>
      %convert_element_type3A_1616 = arith.extui %lt3A_1615 : vector<16xi1> to vector<16xi32>
      %convert_element_type3A_1617 = arith.sitofp %convert_element_type3A_1616 : vector<16xi32> to vector<16xf32>
      %add3A_1618 = arith.addf %add3A_1613, %convert_element_type3A_1617 : vector<16xf32>
      %sub3A_1619 = arith.subf %sub3A_1599, %convert_element_type3A_1617 : vector<16xf32>
      %lt3A_1620 = arith.cmpf olt, %get3A_108, %get3A_96 : vector<16xf32>
      %convert_element_type3A_1621 = arith.extui %lt3A_1620 : vector<16xi1> to vector<16xi32>
      %convert_element_type3A_1622 = arith.sitofp %convert_element_type3A_1621 : vector<16xi32> to vector<16xf32>
      %add3A_1623 = arith.addf %add3A_1618, %convert_element_type3A_1622 : vector<16xf32>
      %sub3A_1624 = arith.subf %sub3A_1604, %convert_element_type3A_1622 : vector<16xf32>
      %lt3A_1625 = arith.cmpf olt, %get3A_112, %get3A_96 : vector<16xf32>
      %convert_element_type3A_1626 = arith.extui %lt3A_1625 : vector<16xi1> to vector<16xi32>
      %convert_element_type3A_1627 = arith.sitofp %convert_element_type3A_1626 : vector<16xi32> to vector<16xf32>
      %add3A_1628 = arith.addf %add3A_1623, %convert_element_type3A_1627 : vector<16xf32>
      %sub3A_1629 = arith.subf %sub3A_1609, %convert_element_type3A_1627 : vector<16xf32>
      %lt3A_1630 = arith.cmpf olt, %get3A_104, %get3A_100 : vector<16xf32>
      %convert_element_type3A_1631 = arith.extui %lt3A_1630 : vector<16xi1> to vector<16xi32>
      %convert_element_type3A_1632 = arith.sitofp %convert_element_type3A_1631 : vector<16xi32> to vector<16xf32>
      %add3A_1633 = arith.addf %sub3A_1614, %convert_element_type3A_1632 : vector<16xf32>
      %sub3A_1634 = arith.subf %sub3A_1619, %convert_element_type3A_1632 : vector<16xf32>
      %lt3A_1635 = arith.cmpf olt, %get3A_108, %get3A_100 : vector<16xf32>
      %convert_element_type3A_1636 = arith.extui %lt3A_1635 : vector<16xi1> to vector<16xi32>
      %convert_element_type3A_1637 = arith.sitofp %convert_element_type3A_1636 : vector<16xi32> to vector<16xf32>
      %add3A_1638 = arith.addf %add3A_1633, %convert_element_type3A_1637 : vector<16xf32>
      %sub3A_1639 = arith.subf %sub3A_1624, %convert_element_type3A_1637 : vector<16xf32>
      %lt3A_1640 = arith.cmpf olt, %get3A_112, %get3A_100 : vector<16xf32>
      %convert_element_type3A_1641 = arith.extui %lt3A_1640 : vector<16xi1> to vector<16xi32>
      %convert_element_type3A_1642 = arith.sitofp %convert_element_type3A_1641 : vector<16xi32> to vector<16xf32>
      %add3A_1643 = arith.addf %add3A_1638, %convert_element_type3A_1642 : vector<16xf32>
      %sub3A_1644 = arith.subf %sub3A_1629, %convert_element_type3A_1642 : vector<16xf32>
      %lt3A_1645 = arith.cmpf olt, %get3A_108, %get3A_104 : vector<16xf32>
      %convert_element_type3A_1646 = arith.extui %lt3A_1645 : vector<16xi1> to vector<16xi32>
      %convert_element_type3A_1647 = arith.sitofp %convert_element_type3A_1646 : vector<16xi32> to vector<16xf32>
      %add3A_1648 = arith.addf %sub3A_1634, %convert_element_type3A_1647 : vector<16xf32>
      %sub3A_1649 = arith.subf %sub3A_1639, %convert_element_type3A_1647 : vector<16xf32>
      %lt3A_1650 = arith.cmpf olt, %get3A_112, %get3A_104 : vector<16xf32>
      %convert_element_type3A_1651 = arith.extui %lt3A_1650 : vector<16xi1> to vector<16xi32>
      %convert_element_type3A_1652 = arith.sitofp %convert_element_type3A_1651 : vector<16xi32> to vector<16xf32>
      %add3A_1653 = arith.addf %add3A_1648, %convert_element_type3A_1652 : vector<16xf32>
      %sub3A_1654 = arith.subf %sub3A_1644, %convert_element_type3A_1652 : vector<16xf32>
      %lt3A_1655 = arith.cmpf olt, %get3A_112, %get3A_108 : vector<16xf32>
      %convert_element_type3A_1656 = arith.extui %lt3A_1655 : vector<16xi1> to vector<16xi32>
      %convert_element_type3A_1657 = arith.sitofp %convert_element_type3A_1656 : vector<16xi32> to vector<16xf32>
      %add3A_1658 = arith.addf %sub3A_1649, %convert_element_type3A_1657 : vector<16xf32>
      %sub3A_1659 = arith.subf %sub3A_1654, %convert_element_type3A_1657 : vector<16xf32>
      %swap3A_1660 = arith.constant 0 : index
      %swap3A_1661 = tpu.vector_load %arg7[%swap3A_1660] {strides = array<i32>} : memref<400xf32, #tpu.memory_space<vmem>>, vector<16xf32>,
      tpu.vector_store %arg7[%swap3A_1660], %add3A_278 {strides = array<i32>} : memref<400xf32, #tpu.memory_space<vmem>>, vector<16xf32>,
      %swap3A_1662 = arith.constant 16 : index
      %swap3A_1663 = tpu.vector_load %arg7[%swap3A_1662] {strides = array<i32>} : memref<400xf32, #tpu.memory_space<vmem>>, vector<16xf32>,
      tpu.vector_store %arg7[%swap3A_1662], %add3A_393 {strides = array<i32>} : memref<400xf32, #tpu.memory_space<vmem>>, vector<16xf32>,
      %swap3A_1664 = arith.constant 32 : index
      %swap3A_1665 = tpu.vector_load %arg7[%swap3A_1664] {strides = array<i32>} : memref<400xf32, #tpu.memory_space<vmem>>, vector<16xf32>,
      tpu.vector_store %arg7[%swap3A_1664], %add3A_503 {strides = array<i32>} : memref<400xf32, #tpu.memory_space<vmem>>, vector<16xf32>,
      %swap3A_1666 = arith.constant 48 : index
      %swap3A_1667 = tpu.vector_load %arg7[%swap3A_1666] {strides = array<i32>} : memref<400xf32, #tpu.memory_space<vmem>>, vector<16xf32>,
      tpu.vector_store %arg7[%swap3A_1666], %add3A_608 {strides = array<i32>} : memref<400xf32, #tpu.memory_space<vmem>>, vector<16xf32>,
      %swap3A_1668 = arith.constant 64 : index
      %swap3A_1669 = tpu.vector_load %arg7[%swap3A_1668] {strides = array<i32>} : memref<400xf32, #tpu.memory_space<vmem>>, vector<16xf32>,
      tpu.vector_store %arg7[%swap3A_1668], %add3A_708 {strides = array<i32>} : memref<400xf32, #tpu.memory_space<vmem>>, vector<16xf32>,
      %swap3A_1670 = arith.constant 80 : index
      %swap3A_1671 = tpu.vector_load %arg7[%swap3A_1670] {strides = array<i32>} : memref<400xf32, #tpu.memory_space<vmem>>, vector<16xf32>,
      tpu.vector_store %arg7[%swap3A_1670], %add3A_803 {strides = array<i32>} : memref<400xf32, #tpu.memory_space<vmem>>, vector<16xf32>,
      %swap3A_1672 = arith.constant 96 : index
      %swap3A_1673 = tpu.vector_load %arg7[%swap3A_1672] {strides = array<i32>} : memref<400xf32, #tpu.memory_space<vmem>>, vector<16xf32>,
      tpu.vector_store %arg7[%swap3A_1672], %add3A_893 {strides = array<i32>} : memref<400xf32, #tpu.memory_space<vmem>>, vector<16xf32>,
      %swap3A_1674 = arith.constant 112 : index
      %swap3A_1675 = tpu.vector_load %arg7[%swap3A_1674] {strides = array<i32>} : memref<400xf32, #tpu.memory_space<vmem>>, vector<16xf32>,
      tpu.vector_store %arg7[%swap3A_1674], %add3A_978 {strides = array<i32>} : memref<400xf32, #tpu.memory_space<vmem>>, vector<16xf32>,
      %swap3A_1676 = arith.constant 128 : index
      %swap3A_1677 = tpu.vector_load %arg7[%swap3A_1676] {strides = array<i32>} : memref<400xf32, #tpu.memory_space<vmem>>, vector<16xf32>,
      tpu.vector_store %arg7[%swap3A_1676], %add3A_1058 {strides = array<i32>} : memref<400xf32, #tpu.memory_space<vmem>>, vector<16xf32>,
      %swap3A_1678 = arith.constant 144 : index
      %swap3A_1679 = tpu.vector_load %arg7[%swap3A_1678] {strides = array<i32>} : memref<400xf32, #tpu.memory_space<vmem>>, vector<16xf32>,
      tpu.vector_store %arg7[%swap3A_1678], %add3A_1133 {strides = array<i32>} : memref<400xf32, #tpu.memory_space<vmem>>, vector<16xf32>,
      %swap3A_1680 = arith.constant 160 : index
      %swap3A_1681 = tpu.vector_load %arg7[%swap3A_1680] {strides = array<i32>} : memref<400xf32, #tpu.memory_space<vmem>>, vector<16xf32>,
      tpu.vector_store %arg7[%swap3A_1680], %add3A_1203 {strides = array<i32>} : memref<400xf32, #tpu.memory_space<vmem>>, vector<16xf32>,
      %swap3A_1682 = arith.constant 176 : index
      %swap3A_1683 = tpu.vector_load %arg7[%swap3A_1682] {strides = array<i32>} : memref<400xf32, #tpu.memory_space<vmem>>, vector<16xf32>,
      tpu.vector_store %arg7[%swap3A_1682], %add3A_1268 {strides = array<i32>} : memref<400xf32, #tpu.memory_space<vmem>>, vector<16xf32>,
      %swap3A_1684 = arith.constant 192 : index
      %swap3A_1685 = tpu.vector_load %arg7[%swap3A_1684] {strides = array<i32>} : memref<400xf32, #tpu.memory_space<vmem>>, vector<16xf32>,
      tpu.vector_store %arg7[%swap3A_1684], %add3A_1328 {strides = array<i32>} : memref<400xf32, #tpu.memory_space<vmem>>, vector<16xf32>,
      %swap3A_1686 = arith.constant 208 : index
      %swap3A_1687 = tpu.vector_load %arg7[%swap3A_1686] {strides = array<i32>} : memref<400xf32, #tpu.memory_space<vmem>>, vector<16xf32>,
      tpu.vector_store %arg7[%swap3A_1686], %add3A_1383 {strides = array<i32>} : memref<400xf32, #tpu.memory_space<vmem>>, vector<16xf32>,
      %swap3A_1688 = arith.constant 224 : index
      %swap3A_1689 = tpu.vector_load %arg7[%swap3A_1688] {strides = array<i32>} : memref<400xf32, #tpu.memory_space<vmem>>, vector<16xf32>,
      tpu.vector_store %arg7[%swap3A_1688], %add3A_1433 {strides = array<i32>} : memref<400xf32, #tpu.memory_space<vmem>>, vector<16xf32>,
      %swap3A_1690 = arith.constant 240 : index
      %swap3A_1691 = tpu.vector_load %arg7[%swap3A_1690] {strides = array<i32>} : memref<400xf32, #tpu.memory_space<vmem>>, vector<16xf32>,
      tpu.vector_store %arg7[%swap3A_1690], %add3A_1478 {strides = array<i32>} : memref<400xf32, #tpu.memory_space<vmem>>, vector<16xf32>,
      %swap3A_1692 = arith.constant 256 : index
      %swap3A_1693 = tpu.vector_load %arg7[%swap3A_1692] {strides = array<i32>} : memref<400xf32, #tpu.memory_space<vmem>>, vector<16xf32>,
      tpu.vector_store %arg7[%swap3A_1692], %add3A_1518 {strides = array<i32>} : memref<400xf32, #tpu.memory_space<vmem>>, vector<16xf32>,
      %swap3A_1694 = arith.constant 272 : index
      %swap3A_1695 = tpu.vector_load %arg7[%swap3A_1694] {strides = array<i32>} : memref<400xf32, #tpu.memory_space<vmem>>, vector<16xf32>,
      tpu.vector_store %arg7[%swap3A_1694], %add3A_1553 {strides = array<i32>} : memref<400xf32, #tpu.memory_space<vmem>>, vector<16xf32>,
      %swap3A_1696 = arith.constant 288 : index
      %swap3A_1697 = tpu.vector_load %arg7[%swap3A_1696] {strides = array<i32>} : memref<400xf32, #tpu.memory_space<vmem>>, vector<16xf32>,
      tpu.vector_store %arg7[%swap3A_1696], %add3A_1583 {strides = array<i32>} : memref<400xf32, #tpu.memory_space<vmem>>, vector<16xf32>,
      %swap3A_1698 = arith.constant 304 : index
      %swap3A_1699 = tpu.vector_load %arg7[%swap3A_1698] {strides = array<i32>} : memref<400xf32, #tpu.memory_space<vmem>>, vector<16xf32>,
      tpu.vector_store %arg7[%swap3A_1698], %add3A_1608 {strides = array<i32>} : memref<400xf32, #tpu.memory_space<vmem>>, vector<16xf32>,
      %swap3A_1700 = arith.constant 320 : index
      %swap3A_1701 = tpu.vector_load %arg7[%swap3A_1700] {strides = array<i32>} : memref<400xf32, #tpu.memory_space<vmem>>, vector<16xf32>,
      tpu.vector_store %arg7[%swap3A_1700], %add3A_1628 {strides = array<i32>} : memref<400xf32, #tpu.memory_space<vmem>>, vector<16xf32>,
      %swap3A_1702 = arith.constant 336 : index
      %swap3A_1703 = tpu.vector_load %arg7[%swap3A_1702] {strides = array<i32>} : memref<400xf32, #tpu.memory_space<vmem>>, vector<16xf32>,
      tpu.vector_store %arg7[%swap3A_1702], %add3A_1643 {strides = array<i32>} : memref<400xf32, #tpu.memory_space<vmem>>, vector<16xf32>,
      %swap3A_1704 = arith.constant 352 : index
      %swap3A_1705 = tpu.vector_load %arg7[%swap3A_1704] {strides = array<i32>} : memref<400xf32, #tpu.memory_space<vmem>>, vector<16xf32>,
      tpu.vector_store %arg7[%swap3A_1704], %add3A_1653 {strides = array<i32>} : memref<400xf32, #tpu.memory_space<vmem>>, vector<16xf32>,
      %swap3A_1706 = arith.constant 368 : index
      %swap3A_1707 = tpu.vector_load %arg7[%swap3A_1706] {strides = array<i32>} : memref<400xf32, #tpu.memory_space<vmem>>, vector<16xf32>,
      tpu.vector_store %arg7[%swap3A_1706], %add3A_1658 {strides = array<i32>} : memref<400xf32, #tpu.memory_space<vmem>>, vector<16xf32>,
      %swap3A_1708 = arith.constant 384 : index
      %swap3A_1709 = tpu.vector_load %arg7[%swap3A_1708] {strides = array<i32>} : memref<400xf32, #tpu.memory_space<vmem>>, vector<16xf32>,
      tpu.vector_store %arg7[%swap3A_1708], %sub3A_1659 {strides = array<i32>} : memref<400xf32, #tpu.memory_space<vmem>>, vector<16xf32>,
      %get3A_1710 = arith.constant 0 : i32
      %get3A_1711 = arith.index_cast %get3A_1710 : i32 to index
      %get3A_1712 = arith.index_cast %mul3A_13 : i32 to index
      %get3A_1713 = tpu.vector_load %arg5[%get3A_1711, %get3A_1712] {strides = array<i32>} : memref<25x512xf32, #tpu.memory_space<vmem>>, vector<16xf32>,
      %get3A_1714 = arith.constant 1 : i32
      %get3A_1715 = arith.index_cast %get3A_1714 : i32 to index
      %get3A_1716 = arith.index_cast %mul3A_13 : i32 to index
      %get3A_1717 = tpu.vector_load %arg5[%get3A_1715, %get3A_1716] {strides = array<i32>} : memref<25x512xf32, #tpu.memory_space<vmem>>, vector<16xf32>,
      %get3A_1718 = arith.constant 2 : i32
      %get3A_1719 = arith.index_cast %get3A_1718 : i32 to index
      %get3A_1720 = arith.index_cast %mul3A_13 : i32 to index
      %get3A_1721 = tpu.vector_load %arg5[%get3A_1719, %get3A_1720] {strides = array<i32>} : memref<25x512xf32, #tpu.memory_space<vmem>>, vector<16xf32>,
      %get3A_1722 = arith.constant 3 : i32
      %get3A_1723 = arith.index_cast %get3A_1722 : i32 to index
      %get3A_1724 = arith.index_cast %mul3A_13 : i32 to index
      %get3A_1725 = tpu.vector_load %arg5[%get3A_1723, %get3A_1724] {strides = array<i32>} : memref<25x512xf32, #tpu.memory_space<vmem>>, vector<16xf32>,
      %get3A_1726 = arith.constant 4 : i32
      %get3A_1727 = arith.index_cast %get3A_1726 : i32 to index
      %get3A_1728 = arith.index_cast %mul3A_13 : i32 to index
      %get3A_1729 = tpu.vector_load %arg5[%get3A_1727, %get3A_1728] {strides = array<i32>} : memref<25x512xf32, #tpu.memory_space<vmem>>, vector<16xf32>,
      %get3A_1730 = arith.constant 5 : i32
      %get3A_1731 = arith.index_cast %get3A_1730 : i32 to index
      %get3A_1732 = arith.index_cast %mul3A_13 : i32 to index
      %get3A_1733 = tpu.vector_load %arg5[%get3A_1731, %get3A_1732] {strides = array<i32>} : memref<25x512xf32, #tpu.memory_space<vmem>>, vector<16xf32>,
      %get3A_1734 = arith.constant 6 : i32
      %get3A_1735 = arith.index_cast %get3A_1734 : i32 to index
      %get3A_1736 = arith.index_cast %mul3A_13 : i32 to index
      %get3A_1737 = tpu.vector_load %arg5[%get3A_1735, %get3A_1736] {strides = array<i32>} : memref<25x512xf32, #tpu.memory_space<vmem>>, vector<16xf32>,
      %get3A_1738 = arith.constant 7 : i32
      %get3A_1739 = arith.index_cast %get3A_1738 : i32 to index
      %get3A_1740 = arith.index_cast %mul3A_13 : i32 to index
      %get3A_1741 = tpu.vector_load %arg5[%get3A_1739, %get3A_1740] {strides = array<i32>} : memref<25x512xf32, #tpu.memory_space<vmem>>, vector<16xf32>,
      %get3A_1742 = arith.constant 8 : i32
      %get3A_1743 = arith.index_cast %get3A_1742 : i32 to index
      %get3A_1744 = arith.index_cast %mul3A_13 : i32 to index
      %get3A_1745 = tpu.vector_load %arg5[%get3A_1743, %get3A_1744] {strides = array<i32>} : memref<25x512xf32, #tpu.memory_space<vmem>>, vector<16xf32>,
      %get3A_1746 = arith.constant 9 : i32
      %get3A_1747 = arith.index_cast %get3A_1746 : i32 to index
      %get3A_1748 = arith.index_cast %mul3A_13 : i32 to index
      %get3A_1749 = tpu.vector_load %arg5[%get3A_1747, %get3A_1748] {strides = array<i32>} : memref<25x512xf32, #tpu.memory_space<vmem>>, vector<16xf32>,
      %get3A_1750 = arith.constant 10 : i32
      %get3A_1751 = arith.index_cast %get3A_1750 : i32 to index
      %get3A_1752 = arith.index_cast %mul3A_13 : i32 to index
      %get3A_1753 = tpu.vector_load %arg5[%get3A_1751, %get3A_1752] {strides = array<i32>} : memref<25x512xf32, #tpu.memory_space<vmem>>, vector<16xf32>,
      %get3A_1754 = arith.constant 11 : i32
      %get3A_1755 = arith.index_cast %get3A_1754 : i32 to index
      %get3A_1756 = arith.index_cast %mul3A_13 : i32 to index
      %get3A_1757 = tpu.vector_load %arg5[%get3A_1755, %get3A_1756] {strides = array<i32>} : memref<25x512xf32, #tpu.memory_space<vmem>>, vector<16xf32>,
      %get3A_1758 = arith.constant 12 : i32
      %get3A_1759 = arith.index_cast %get3A_1758 : i32 to index
      %get3A_1760 = arith.index_cast %mul3A_13 : i32 to index
      %get3A_1761 = tpu.vector_load %arg5[%get3A_1759, %get3A_1760] {strides = array<i32>} : memref<25x512xf32, #tpu.memory_space<vmem>>, vector<16xf32>,
      %get3A_1762 = arith.constant 13 : i32
      %get3A_1763 = arith.index_cast %get3A_1762 : i32 to index
      %get3A_1764 = arith.index_cast %mul3A_13 : i32 to index
      %get3A_1765 = tpu.vector_load %arg5[%get3A_1763, %get3A_1764] {strides = array<i32>} : memref<25x512xf32, #tpu.memory_space<vmem>>, vector<16xf32>,
      %get3A_1766 = arith.constant 14 : i32
      %get3A_1767 = arith.index_cast %get3A_1766 : i32 to index
      %get3A_1768 = arith.index_cast %mul3A_13 : i32 to index
      %get3A_1769 = tpu.vector_load %arg5[%get3A_1767, %get3A_1768] {strides = array<i32>} : memref<25x512xf32, #tpu.memory_space<vmem>>, vector<16xf32>,
      %get3A_1770 = arith.constant 15 : i32
      %get3A_1771 = arith.index_cast %get3A_1770 : i32 to index
      %get3A_1772 = arith.index_cast %mul3A_13 : i32 to index
      %get3A_1773 = tpu.vector_load %arg5[%get3A_1771, %get3A_1772] {strides = array<i32>} : memref<25x512xf32, #tpu.memory_space<vmem>>, vector<16xf32>,
      %get3A_1774 = arith.constant 16 : i32
      %get3A_1775 = arith.index_cast %get3A_1774 : i32 to index
      %get3A_1776 = arith.index_cast %mul3A_13 : i32 to index
      %get3A_1777 = tpu.vector_load %arg5[%get3A_1775, %get3A_1776] {strides = array<i32>} : memref<25x512xf32, #tpu.memory_space<vmem>>, vector<16xf32>,
      %get3A_1778 = arith.constant 17 : i32
      %get3A_1779 = arith.index_cast %get3A_1778 : i32 to index
      %get3A_1780 = arith.index_cast %mul3A_13 : i32 to index
      %get3A_1781 = tpu.vector_load %arg5[%get3A_1779, %get3A_1780] {strides = array<i32>} : memref<25x512xf32, #tpu.memory_space<vmem>>, vector<16xf32>,
      %get3A_1782 = arith.constant 18 : i32
      %get3A_1783 = arith.index_cast %get3A_1782 : i32 to index
      %get3A_1784 = arith.index_cast %mul3A_13 : i32 to index
      %get3A_1785 = tpu.vector_load %arg5[%get3A_1783, %get3A_1784] {strides = array<i32>} : memref<25x512xf32, #tpu.memory_space<vmem>>, vector<16xf32>,
      %get3A_1786 = arith.constant 19 : i32
      %get3A_1787 = arith.index_cast %get3A_1786 : i32 to index
      %get3A_1788 = arith.index_cast %mul3A_13 : i32 to index
      %get3A_1789 = tpu.vector_load %arg5[%get3A_1787, %get3A_1788] {strides = array<i32>} : memref<25x512xf32, #tpu.memory_space<vmem>>, vector<16xf32>,
      %get3A_1790 = arith.constant 20 : i32
      %get3A_1791 = arith.index_cast %get3A_1790 : i32 to index
      %get3A_1792 = arith.index_cast %mul3A_13 : i32 to index
      %get3A_1793 = tpu.vector_load %arg5[%get3A_1791, %get3A_1792] {strides = array<i32>} : memref<25x512xf32, #tpu.memory_space<vmem>>, vector<16xf32>,
      %get3A_1794 = arith.constant 21 : i32
      %get3A_1795 = arith.index_cast %get3A_1794 : i32 to index
      %get3A_1796 = arith.index_cast %mul3A_13 : i32 to index
      %get3A_1797 = tpu.vector_load %arg5[%get3A_1795, %get3A_1796] {strides = array<i32>} : memref<25x512xf32, #tpu.memory_space<vmem>>, vector<16xf32>,
      %get3A_1798 = arith.constant 22 : i32
      %get3A_1799 = arith.index_cast %get3A_1798 : i32 to index
      %get3A_1800 = arith.index_cast %mul3A_13 : i32 to index
      %get3A_1801 = tpu.vector_load %arg5[%get3A_1799, %get3A_1800] {strides = array<i32>} : memref<25x512xf32, #tpu.memory_space<vmem>>, vector<16xf32>,
      %get3A_1802 = arith.constant 23 : i32
      %get3A_1803 = arith.index_cast %get3A_1802 : i32 to index
      %get3A_1804 = arith.index_cast %mul3A_13 : i32 to index
      %get3A_1805 = tpu.vector_load %arg5[%get3A_1803, %get3A_1804] {strides = array<i32>} : memref<25x512xf32, #tpu.memory_space<vmem>>, vector<16xf32>,
      %get3A_1806 = arith.constant 24 : i32
      %get3A_1807 = arith.index_cast %get3A_1806 : i32 to index
      %get3A_1808 = arith.index_cast %mul3A_13 : i32 to index
      %get3A_1809 = tpu.vector_load %arg5[%get3A_1807, %get3A_1808] {strides = array<i32>} : memref<25x512xf32, #tpu.memory_space<vmem>>, vector<16xf32>,
      %broadcast_in_dim3A_1810 = arith.constant 0.000000e+00 : f32
      %broadcast_in_dim3A_1811 = vector.broadcast %broadcast_in_dim3A_1810 : f32 to vector<16xf32>
      %broadcast_in_dim3A_1812 = arith.constant 1.000000e+00 : f32
      %broadcast_in_dim3A_1813 = vector.broadcast %broadcast_in_dim3A_1812 : f32 to vector<16xf32>
      %broadcast_in_dim3A_1814 = arith.constant 2.000000e+00 : f32
      %broadcast_in_dim3A_1815 = vector.broadcast %broadcast_in_dim3A_1814 : f32 to vector<16xf32>
      %broadcast_in_dim3A_1816 = arith.constant 3.000000e+00 : f32
      %broadcast_in_dim3A_1817 = vector.broadcast %broadcast_in_dim3A_1816 : f32 to vector<16xf32>
      %broadcast_in_dim3A_1818 = arith.constant 4.000000e+00 : f32
      %broadcast_in_dim3A_1819 = vector.broadcast %broadcast_in_dim3A_1818 : f32 to vector<16xf32>
      %broadcast_in_dim3A_1820 = arith.constant 5.000000e+00 : f32
      %broadcast_in_dim3A_1821 = vector.broadcast %broadcast_in_dim3A_1820 : f32 to vector<16xf32>
      %broadcast_in_dim3A_1822 = arith.constant 6.000000e+00 : f32
      %broadcast_in_dim3A_1823 = vector.broadcast %broadcast_in_dim3A_1822 : f32 to vector<16xf32>
      %broadcast_in_dim3A_1824 = arith.constant 7.000000e+00 : f32
      %broadcast_in_dim3A_1825 = vector.broadcast %broadcast_in_dim3A_1824 : f32 to vector<16xf32>
      %broadcast_in_dim3A_1826 = arith.constant 8.000000e+00 : f32
      %broadcast_in_dim3A_1827 = vector.broadcast %broadcast_in_dim3A_1826 : f32 to vector<16xf32>
      %broadcast_in_dim3A_1828 = arith.constant 9.000000e+00 : f32
      %broadcast_in_dim3A_1829 = vector.broadcast %broadcast_in_dim3A_1828 : f32 to vector<16xf32>
      %broadcast_in_dim3A_1830 = arith.constant 1.000000e+01 : f32
      %broadcast_in_dim3A_1831 = vector.broadcast %broadcast_in_dim3A_1830 : f32 to vector<16xf32>
      %broadcast_in_dim3A_1832 = arith.constant 1.100000e+01 : f32
      %broadcast_in_dim3A_1833 = vector.broadcast %broadcast_in_dim3A_1832 : f32 to vector<16xf32>
      %broadcast_in_dim3A_1834 = arith.constant 1.200000e+01 : f32
      %broadcast_in_dim3A_1835 = vector.broadcast %broadcast_in_dim3A_1834 : f32 to vector<16xf32>
      %broadcast_in_dim3A_1836 = arith.constant 1.300000e+01 : f32
      %broadcast_in_dim3A_1837 = vector.broadcast %broadcast_in_dim3A_1836 : f32 to vector<16xf32>
      %broadcast_in_dim3A_1838 = arith.constant 1.400000e+01 : f32
      %broadcast_in_dim3A_1839 = vector.broadcast %broadcast_in_dim3A_1838 : f32 to vector<16xf32>
      %broadcast_in_dim3A_1840 = arith.constant 1.500000e+01 : f32
      %broadcast_in_dim3A_1841 = vector.broadcast %broadcast_in_dim3A_1840 : f32 to vector<16xf32>
      %broadcast_in_dim3A_1842 = arith.constant 1.600000e+01 : f32
      %broadcast_in_dim3A_1843 = vector.broadcast %broadcast_in_dim3A_1842 : f32 to vector<16xf32>
      %broadcast_in_dim3A_1844 = arith.constant 1.700000e+01 : f32
      %broadcast_in_dim3A_1845 = vector.broadcast %broadcast_in_dim3A_1844 : f32 to vector<16xf32>
      %broadcast_in_dim3A_1846 = arith.constant 1.800000e+01 : f32
      %broadcast_in_dim3A_1847 = vector.broadcast %broadcast_in_dim3A_1846 : f32 to vector<16xf32>
      %broadcast_in_dim3A_1848 = arith.constant 1.900000e+01 : f32
      %broadcast_in_dim3A_1849 = vector.broadcast %broadcast_in_dim3A_1848 : f32 to vector<16xf32>
      %broadcast_in_dim3A_1850 = arith.constant 2.000000e+01 : f32
      %broadcast_in_dim3A_1851 = vector.broadcast %broadcast_in_dim3A_1850 : f32 to vector<16xf32>
      %broadcast_in_dim3A_1852 = arith.constant 2.100000e+01 : f32
      %broadcast_in_dim3A_1853 = vector.broadcast %broadcast_in_dim3A_1852 : f32 to vector<16xf32>
      %broadcast_in_dim3A_1854 = arith.constant 2.200000e+01 : f32
      %broadcast_in_dim3A_1855 = vector.broadcast %broadcast_in_dim3A_1854 : f32 to vector<16xf32>
      %broadcast_in_dim3A_1856 = arith.constant 2.300000e+01 : f32
      %broadcast_in_dim3A_1857 = vector.broadcast %broadcast_in_dim3A_1856 : f32 to vector<16xf32>
      %broadcast_in_dim3A_1858 = arith.constant 2.400000e+01 : f32
      %broadcast_in_dim3A_1859 = vector.broadcast %broadcast_in_dim3A_1858 : f32 to vector<16xf32>
      %gt3A = arith.cmpf ogt, %get3A_1717, %get3A_1713 : vector<16xf32>
      %convert_element_type3A_1860 = arith.extui %gt3A : vector<16xi1> to vector<16xi32>
      %convert_element_type3A_1861 = arith.sitofp %convert_element_type3A_1860 : vector<16xi32> to vector<16xf32>
      %add3A_1862 = arith.addf %broadcast_in_dim3A_1811, %convert_element_type3A_1861 : vector<16xf32>
      %sub3A_1863 = arith.subf %broadcast_in_dim3A_1813, %convert_element_type3A_1861 : vector<16xf32>
      %gt3A_1864 = arith.cmpf ogt, %get3A_1721, %get3A_1713 : vector<16xf32>
      %convert_element_type3A_1865 = arith.extui %gt3A_1864 : vector<16xi1> to vector<16xi32>
      %convert_element_type3A_1866 = arith.sitofp %convert_element_type3A_1865 : vector<16xi32> to vector<16xf32>
      %add3A_1867 = arith.addf %add3A_1862, %convert_element_type3A_1866 : vector<16xf32>
      %sub3A_1868 = arith.subf %broadcast_in_dim3A_1815, %convert_element_type3A_1866 : vector<16xf32>
      %gt3A_1869 = arith.cmpf ogt, %get3A_1725, %get3A_1713 : vector<16xf32>
      %convert_element_type3A_1870 = arith.extui %gt3A_1869 : vector<16xi1> to vector<16xi32>
      %convert_element_type3A_1871 = arith.sitofp %convert_element_type3A_1870 : vector<16xi32> to vector<16xf32>
      %add3A_1872 = arith.addf %add3A_1867, %convert_element_type3A_1871 : vector<16xf32>
      %sub3A_1873 = arith.subf %broadcast_in_dim3A_1817, %convert_element_type3A_1871 : vector<16xf32>
      %gt3A_1874 = arith.cmpf ogt, %get3A_1729, %get3A_1713 : vector<16xf32>
      %convert_element_type3A_1875 = arith.extui %gt3A_1874 : vector<16xi1> to vector<16xi32>
      %convert_element_type3A_1876 = arith.sitofp %convert_element_type3A_1875 : vector<16xi32> to vector<16xf32>
      %add3A_1877 = arith.addf %add3A_1872, %convert_element_type3A_1876 : vector<16xf32>
      %sub3A_1878 = arith.subf %broadcast_in_dim3A_1819, %convert_element_type3A_1876 : vector<16xf32>
      %gt3A_1879 = arith.cmpf ogt, %get3A_1733, %get3A_1713 : vector<16xf32>
      %convert_element_type3A_1880 = arith.extui %gt3A_1879 : vector<16xi1> to vector<16xi32>
      %convert_element_type3A_1881 = arith.sitofp %convert_element_type3A_1880 : vector<16xi32> to vector<16xf32>
      %add3A_1882 = arith.addf %add3A_1877, %convert_element_type3A_1881 : vector<16xf32>
      %sub3A_1883 = arith.subf %broadcast_in_dim3A_1821, %convert_element_type3A_1881 : vector<16xf32>
      %gt3A_1884 = arith.cmpf ogt, %get3A_1737, %get3A_1713 : vector<16xf32>
      %convert_element_type3A_1885 = arith.extui %gt3A_1884 : vector<16xi1> to vector<16xi32>
      %convert_element_type3A_1886 = arith.sitofp %convert_element_type3A_1885 : vector<16xi32> to vector<16xf32>
      %add3A_1887 = arith.addf %add3A_1882, %convert_element_type3A_1886 : vector<16xf32>
      %sub3A_1888 = arith.subf %broadcast_in_dim3A_1823, %convert_element_type3A_1886 : vector<16xf32>
      %gt3A_1889 = arith.cmpf ogt, %get3A_1741, %get3A_1713 : vector<16xf32>
      %convert_element_type3A_1890 = arith.extui %gt3A_1889 : vector<16xi1> to vector<16xi32>
      %convert_element_type3A_1891 = arith.sitofp %convert_element_type3A_1890 : vector<16xi32> to vector<16xf32>
      %add3A_1892 = arith.addf %add3A_1887, %convert_element_type3A_1891 : vector<16xf32>
      %sub3A_1893 = arith.subf %broadcast_in_dim3A_1825, %convert_element_type3A_1891 : vector<16xf32>
      %gt3A_1894 = arith.cmpf ogt, %get3A_1745, %get3A_1713 : vector<16xf32>
      %convert_element_type3A_1895 = arith.extui %gt3A_1894 : vector<16xi1> to vector<16xi32>
      %convert_element_type3A_1896 = arith.sitofp %convert_element_type3A_1895 : vector<16xi32> to vector<16xf32>
      %add3A_1897 = arith.addf %add3A_1892, %convert_element_type3A_1896 : vector<16xf32>
      %sub3A_1898 = arith.subf %broadcast_in_dim3A_1827, %convert_element_type3A_1896 : vector<16xf32>
      %gt3A_1899 = arith.cmpf ogt, %get3A_1749, %get3A_1713 : vector<16xf32>
      %convert_element_type3A_1900 = arith.extui %gt3A_1899 : vector<16xi1> to vector<16xi32>
      %convert_element_type3A_1901 = arith.sitofp %convert_element_type3A_1900 : vector<16xi32> to vector<16xf32>
      %add3A_1902 = arith.addf %add3A_1897, %convert_element_type3A_1901 : vector<16xf32>
      %sub3A_1903 = arith.subf %broadcast_in_dim3A_1829, %convert_element_type3A_1901 : vector<16xf32>
      %gt3A_1904 = arith.cmpf ogt, %get3A_1753, %get3A_1713 : vector<16xf32>
      %convert_element_type3A_1905 = arith.extui %gt3A_1904 : vector<16xi1> to vector<16xi32>
      %convert_element_type3A_1906 = arith.sitofp %convert_element_type3A_1905 : vector<16xi32> to vector<16xf32>
      %add3A_1907 = arith.addf %add3A_1902, %convert_element_type3A_1906 : vector<16xf32>
      %sub3A_1908 = arith.subf %broadcast_in_dim3A_1831, %convert_element_type3A_1906 : vector<16xf32>
      %gt3A_1909 = arith.cmpf ogt, %get3A_1757, %get3A_1713 : vector<16xf32>
      %convert_element_type3A_1910 = arith.extui %gt3A_1909 : vector<16xi1> to vector<16xi32>
      %convert_element_type3A_1911 = arith.sitofp %convert_element_type3A_1910 : vector<16xi32> to vector<16xf32>
      %add3A_1912 = arith.addf %add3A_1907, %convert_element_type3A_1911 : vector<16xf32>
      %sub3A_1913 = arith.subf %broadcast_in_dim3A_1833, %convert_element_type3A_1911 : vector<16xf32>
      %gt3A_1914 = arith.cmpf ogt, %get3A_1761, %get3A_1713 : vector<16xf32>
      %convert_element_type3A_1915 = arith.extui %gt3A_1914 : vector<16xi1> to vector<16xi32>
      %convert_element_type3A_1916 = arith.sitofp %convert_element_type3A_1915 : vector<16xi32> to vector<16xf32>
      %add3A_1917 = arith.addf %add3A_1912, %convert_element_type3A_1916 : vector<16xf32>
      %sub3A_1918 = arith.subf %broadcast_in_dim3A_1835, %convert_element_type3A_1916 : vector<16xf32>
      %gt3A_1919 = arith.cmpf ogt, %get3A_1765, %get3A_1713 : vector<16xf32>
      %convert_element_type3A_1920 = arith.extui %gt3A_1919 : vector<16xi1> to vector<16xi32>
      %convert_element_type3A_1921 = arith.sitofp %convert_element_type3A_1920 : vector<16xi32> to vector<16xf32>
      %add3A_1922 = arith.addf %add3A_1917, %convert_element_type3A_1921 : vector<16xf32>
      %sub3A_1923 = arith.subf %broadcast_in_dim3A_1837, %convert_element_type3A_1921 : vector<16xf32>
      %gt3A_1924 = arith.cmpf ogt, %get3A_1769, %get3A_1713 : vector<16xf32>
      %convert_element_type3A_1925 = arith.extui %gt3A_1924 : vector<16xi1> to vector<16xi32>
      %convert_element_type3A_1926 = arith.sitofp %convert_element_type3A_1925 : vector<16xi32> to vector<16xf32>
      %add3A_1927 = arith.addf %add3A_1922, %convert_element_type3A_1926 : vector<16xf32>
      %sub3A_1928 = arith.subf %broadcast_in_dim3A_1839, %convert_element_type3A_1926 : vector<16xf32>
      %gt3A_1929 = arith.cmpf ogt, %get3A_1773, %get3A_1713 : vector<16xf32>
      %convert_element_type3A_1930 = arith.extui %gt3A_1929 : vector<16xi1> to vector<16xi32>
      %convert_element_type3A_1931 = arith.sitofp %convert_element_type3A_1930 : vector<16xi32> to vector<16xf32>
      %add3A_1932 = arith.addf %add3A_1927, %convert_element_type3A_1931 : vector<16xf32>
      %sub3A_1933 = arith.subf %broadcast_in_dim3A_1841, %convert_element_type3A_1931 : vector<16xf32>
      %gt3A_1934 = arith.cmpf ogt, %get3A_1777, %get3A_1713 : vector<16xf32>
      %convert_element_type3A_1935 = arith.extui %gt3A_1934 : vector<16xi1> to vector<16xi32>
      %convert_element_type3A_1936 = arith.sitofp %convert_element_type3A_1935 : vector<16xi32> to vector<16xf32>
      %add3A_1937 = arith.addf %add3A_1932, %convert_element_type3A_1936 : vector<16xf32>
      %sub3A_1938 = arith.subf %broadcast_in_dim3A_1843, %convert_element_type3A_1936 : vector<16xf32>
      %gt3A_1939 = arith.cmpf ogt, %get3A_1781, %get3A_1713 : vector<16xf32>
      %convert_element_type3A_1940 = arith.extui %gt3A_1939 : vector<16xi1> to vector<16xi32>
      %convert_element_type3A_1941 = arith.sitofp %convert_element_type3A_1940 : vector<16xi32> to vector<16xf32>
      %add3A_1942 = arith.addf %add3A_1937, %convert_element_type3A_1941 : vector<16xf32>
      %sub3A_1943 = arith.subf %broadcast_in_dim3A_1845, %convert_element_type3A_1941 : vector<16xf32>
      %gt3A_1944 = arith.cmpf ogt, %get3A_1785, %get3A_1713 : vector<16xf32>
      %convert_element_type3A_1945 = arith.extui %gt3A_1944 : vector<16xi1> to vector<16xi32>
      %convert_element_type3A_1946 = arith.sitofp %convert_element_type3A_1945 : vector<16xi32> to vector<16xf32>
      %add3A_1947 = arith.addf %add3A_1942, %convert_element_type3A_1946 : vector<16xf32>
      %sub3A_1948 = arith.subf %broadcast_in_dim3A_1847, %convert_element_type3A_1946 : vector<16xf32>
      %gt3A_1949 = arith.cmpf ogt, %get3A_1789, %get3A_1713 : vector<16xf32>
      %convert_element_type3A_1950 = arith.extui %gt3A_1949 : vector<16xi1> to vector<16xi32>
      %convert_element_type3A_1951 = arith.sitofp %convert_element_type3A_1950 : vector<16xi32> to vector<16xf32>
      %add3A_1952 = arith.addf %add3A_1947, %convert_element_type3A_1951 : vector<16xf32>
      %sub3A_1953 = arith.subf %broadcast_in_dim3A_1849, %convert_element_type3A_1951 : vector<16xf32>
      %gt3A_1954 = arith.cmpf ogt, %get3A_1793, %get3A_1713 : vector<16xf32>
      %convert_element_type3A_1955 = arith.extui %gt3A_1954 : vector<16xi1> to vector<16xi32>
      %convert_element_type3A_1956 = arith.sitofp %convert_element_type3A_1955 : vector<16xi32> to vector<16xf32>
      %add3A_1957 = arith.addf %add3A_1952, %convert_element_type3A_1956 : vector<16xf32>
      %sub3A_1958 = arith.subf %broadcast_in_dim3A_1851, %convert_element_type3A_1956 : vector<16xf32>
      %gt3A_1959 = arith.cmpf ogt, %get3A_1797, %get3A_1713 : vector<16xf32>
      %convert_element_type3A_1960 = arith.extui %gt3A_1959 : vector<16xi1> to vector<16xi32>
      %convert_element_type3A_1961 = arith.sitofp %convert_element_type3A_1960 : vector<16xi32> to vector<16xf32>
      %add3A_1962 = arith.addf %add3A_1957, %convert_element_type3A_1961 : vector<16xf32>
      %sub3A_1963 = arith.subf %broadcast_in_dim3A_1853, %convert_element_type3A_1961 : vector<16xf32>
      %gt3A_1964 = arith.cmpf ogt, %get3A_1801, %get3A_1713 : vector<16xf32>
      %convert_element_type3A_1965 = arith.extui %gt3A_1964 : vector<16xi1> to vector<16xi32>
      %convert_element_type3A_1966 = arith.sitofp %convert_element_type3A_1965 : vector<16xi32> to vector<16xf32>
      %add3A_1967 = arith.addf %add3A_1962, %convert_element_type3A_1966 : vector<16xf32>
      %sub3A_1968 = arith.subf %broadcast_in_dim3A_1855, %convert_element_type3A_1966 : vector<16xf32>
      %gt3A_1969 = arith.cmpf ogt, %get3A_1805, %get3A_1713 : vector<16xf32>
      %convert_element_type3A_1970 = arith.extui %gt3A_1969 : vector<16xi1> to vector<16xi32>
      %convert_element_type3A_1971 = arith.sitofp %convert_element_type3A_1970 : vector<16xi32> to vector<16xf32>
      %add3A_1972 = arith.addf %add3A_1967, %convert_element_type3A_1971 : vector<16xf32>
      %sub3A_1973 = arith.subf %broadcast_in_dim3A_1857, %convert_element_type3A_1971 : vector<16xf32>
      %gt3A_1974 = arith.cmpf ogt, %get3A_1809, %get3A_1713 : vector<16xf32>
      %convert_element_type3A_1975 = arith.extui %gt3A_1974 : vector<16xi1> to vector<16xi32>
      %convert_element_type3A_1976 = arith.sitofp %convert_element_type3A_1975 : vector<16xi32> to vector<16xf32>
      %add3A_1977 = arith.addf %add3A_1972, %convert_element_type3A_1976 : vector<16xf32>
      %sub3A_1978 = arith.subf %broadcast_in_dim3A_1859, %convert_element_type3A_1976 : vector<16xf32>
      %gt3A_1979 = arith.cmpf ogt, %get3A_1721, %get3A_1717 : vector<16xf32>
      %convert_element_type3A_1980 = arith.extui %gt3A_1979 : vector<16xi1> to vector<16xi32>
      %convert_element_type3A_1981 = arith.sitofp %convert_element_type3A_1980 : vector<16xi32> to vector<16xf32>
      %add3A_1982 = arith.addf %sub3A_1863, %convert_element_type3A_1981 : vector<16xf32>
      %sub3A_1983 = arith.subf %sub3A_1868, %convert_element_type3A_1981 : vector<16xf32>
      %gt3A_1984 = arith.cmpf ogt, %get3A_1725, %get3A_1717 : vector<16xf32>
      %convert_element_type3A_1985 = arith.extui %gt3A_1984 : vector<16xi1> to vector<16xi32>
      %convert_element_type3A_1986 = arith.sitofp %convert_element_type3A_1985 : vector<16xi32> to vector<16xf32>
      %add3A_1987 = arith.addf %add3A_1982, %convert_element_type3A_1986 : vector<16xf32>
      %sub3A_1988 = arith.subf %sub3A_1873, %convert_element_type3A_1986 : vector<16xf32>
      %gt3A_1989 = arith.cmpf ogt, %get3A_1729, %get3A_1717 : vector<16xf32>
      %convert_element_type3A_1990 = arith.extui %gt3A_1989 : vector<16xi1> to vector<16xi32>
      %convert_element_type3A_1991 = arith.sitofp %convert_element_type3A_1990 : vector<16xi32> to vector<16xf32>
      %add3A_1992 = arith.addf %add3A_1987, %convert_element_type3A_1991 : vector<16xf32>
      %sub3A_1993 = arith.subf %sub3A_1878, %convert_element_type3A_1991 : vector<16xf32>
      %gt3A_1994 = arith.cmpf ogt, %get3A_1733, %get3A_1717 : vector<16xf32>
      %convert_element_type3A_1995 = arith.extui %gt3A_1994 : vector<16xi1> to vector<16xi32>
      %convert_element_type3A_1996 = arith.sitofp %convert_element_type3A_1995 : vector<16xi32> to vector<16xf32>
      %add3A_1997 = arith.addf %add3A_1992, %convert_element_type3A_1996 : vector<16xf32>
      %sub3A_1998 = arith.subf %sub3A_1883, %convert_element_type3A_1996 : vector<16xf32>
      %gt3A_1999 = arith.cmpf ogt, %get3A_1737, %get3A_1717 : vector<16xf32>
      %convert_element_type3A_2000 = arith.extui %gt3A_1999 : vector<16xi1> to vector<16xi32>
      %convert_element_type3A_2001 = arith.sitofp %convert_element_type3A_2000 : vector<16xi32> to vector<16xf32>
      %add3A_2002 = arith.addf %add3A_1997, %convert_element_type3A_2001 : vector<16xf32>
      %sub3A_2003 = arith.subf %sub3A_1888, %convert_element_type3A_2001 : vector<16xf32>
      %gt3A_2004 = arith.cmpf ogt, %get3A_1741, %get3A_1717 : vector<16xf32>
      %convert_element_type3A_2005 = arith.extui %gt3A_2004 : vector<16xi1> to vector<16xi32>
      %convert_element_type3A_2006 = arith.sitofp %convert_element_type3A_2005 : vector<16xi32> to vector<16xf32>
      %add3A_2007 = arith.addf %add3A_2002, %convert_element_type3A_2006 : vector<16xf32>
      %sub3A_2008 = arith.subf %sub3A_1893, %convert_element_type3A_2006 : vector<16xf32>
      %gt3A_2009 = arith.cmpf ogt, %get3A_1745, %get3A_1717 : vector<16xf32>
      %convert_element_type3A_2010 = arith.extui %gt3A_2009 : vector<16xi1> to vector<16xi32>
      %convert_element_type3A_2011 = arith.sitofp %convert_element_type3A_2010 : vector<16xi32> to vector<16xf32>
      %add3A_2012 = arith.addf %add3A_2007, %convert_element_type3A_2011 : vector<16xf32>
      %sub3A_2013 = arith.subf %sub3A_1898, %convert_element_type3A_2011 : vector<16xf32>
      %gt3A_2014 = arith.cmpf ogt, %get3A_1749, %get3A_1717 : vector<16xf32>
      %convert_element_type3A_2015 = arith.extui %gt3A_2014 : vector<16xi1> to vector<16xi32>
      %convert_element_type3A_2016 = arith.sitofp %convert_element_type3A_2015 : vector<16xi32> to vector<16xf32>
      %add3A_2017 = arith.addf %add3A_2012, %convert_element_type3A_2016 : vector<16xf32>
      %sub3A_2018 = arith.subf %sub3A_1903, %convert_element_type3A_2016 : vector<16xf32>
      %gt3A_2019 = arith.cmpf ogt, %get3A_1753, %get3A_1717 : vector<16xf32>
      %convert_element_type3A_2020 = arith.extui %gt3A_2019 : vector<16xi1> to vector<16xi32>
      %convert_element_type3A_2021 = arith.sitofp %convert_element_type3A_2020 : vector<16xi32> to vector<16xf32>
      %add3A_2022 = arith.addf %add3A_2017, %convert_element_type3A_2021 : vector<16xf32>
      %sub3A_2023 = arith.subf %sub3A_1908, %convert_element_type3A_2021 : vector<16xf32>
      %gt3A_2024 = arith.cmpf ogt, %get3A_1757, %get3A_1717 : vector<16xf32>
      %convert_element_type3A_2025 = arith.extui %gt3A_2024 : vector<16xi1> to vector<16xi32>
      %convert_element_type3A_2026 = arith.sitofp %convert_element_type3A_2025 : vector<16xi32> to vector<16xf32>
      %add3A_2027 = arith.addf %add3A_2022, %convert_element_type3A_2026 : vector<16xf32>
      %sub3A_2028 = arith.subf %sub3A_1913, %convert_element_type3A_2026 : vector<16xf32>
      %gt3A_2029 = arith.cmpf ogt, %get3A_1761, %get3A_1717 : vector<16xf32>
      %convert_element_type3A_2030 = arith.extui %gt3A_2029 : vector<16xi1> to vector<16xi32>
      %convert_element_type3A_2031 = arith.sitofp %convert_element_type3A_2030 : vector<16xi32> to vector<16xf32>
      %add3A_2032 = arith.addf %add3A_2027, %convert_element_type3A_2031 : vector<16xf32>
      %sub3A_2033 = arith.subf %sub3A_1918, %convert_element_type3A_2031 : vector<16xf32>
      %gt3A_2034 = arith.cmpf ogt, %get3A_1765, %get3A_1717 : vector<16xf32>
      %convert_element_type3A_2035 = arith.extui %gt3A_2034 : vector<16xi1> to vector<16xi32>
      %convert_element_type3A_2036 = arith.sitofp %convert_element_type3A_2035 : vector<16xi32> to vector<16xf32>
      %add3A_2037 = arith.addf %add3A_2032, %convert_element_type3A_2036 : vector<16xf32>
      %sub3A_2038 = arith.subf %sub3A_1923, %convert_element_type3A_2036 : vector<16xf32>
      %gt3A_2039 = arith.cmpf ogt, %get3A_1769, %get3A_1717 : vector<16xf32>
      %convert_element_type3A_2040 = arith.extui %gt3A_2039 : vector<16xi1> to vector<16xi32>
      %convert_element_type3A_2041 = arith.sitofp %convert_element_type3A_2040 : vector<16xi32> to vector<16xf32>
      %add3A_2042 = arith.addf %add3A_2037, %convert_element_type3A_2041 : vector<16xf32>
      %sub3A_2043 = arith.subf %sub3A_1928, %convert_element_type3A_2041 : vector<16xf32>
      %gt3A_2044 = arith.cmpf ogt, %get3A_1773, %get3A_1717 : vector<16xf32>
      %convert_element_type3A_2045 = arith.extui %gt3A_2044 : vector<16xi1> to vector<16xi32>
      %convert_element_type3A_2046 = arith.sitofp %convert_element_type3A_2045 : vector<16xi32> to vector<16xf32>
      %add3A_2047 = arith.addf %add3A_2042, %convert_element_type3A_2046 : vector<16xf32>
      %sub3A_2048 = arith.subf %sub3A_1933, %convert_element_type3A_2046 : vector<16xf32>
      %gt3A_2049 = arith.cmpf ogt, %get3A_1777, %get3A_1717 : vector<16xf32>
      %convert_element_type3A_2050 = arith.extui %gt3A_2049 : vector<16xi1> to vector<16xi32>
      %convert_element_type3A_2051 = arith.sitofp %convert_element_type3A_2050 : vector<16xi32> to vector<16xf32>
      %add3A_2052 = arith.addf %add3A_2047, %convert_element_type3A_2051 : vector<16xf32>
      %sub3A_2053 = arith.subf %sub3A_1938, %convert_element_type3A_2051 : vector<16xf32>
      %gt3A_2054 = arith.cmpf ogt, %get3A_1781, %get3A_1717 : vector<16xf32>
      %convert_element_type3A_2055 = arith.extui %gt3A_2054 : vector<16xi1> to vector<16xi32>
      %convert_element_type3A_2056 = arith.sitofp %convert_element_type3A_2055 : vector<16xi32> to vector<16xf32>
      %add3A_2057 = arith.addf %add3A_2052, %convert_element_type3A_2056 : vector<16xf32>
      %sub3A_2058 = arith.subf %sub3A_1943, %convert_element_type3A_2056 : vector<16xf32>
      %gt3A_2059 = arith.cmpf ogt, %get3A_1785, %get3A_1717 : vector<16xf32>
      %convert_element_type3A_2060 = arith.extui %gt3A_2059 : vector<16xi1> to vector<16xi32>
      %convert_element_type3A_2061 = arith.sitofp %convert_element_type3A_2060 : vector<16xi32> to vector<16xf32>
      %add3A_2062 = arith.addf %add3A_2057, %convert_element_type3A_2061 : vector<16xf32>
      %sub3A_2063 = arith.subf %sub3A_1948, %convert_element_type3A_2061 : vector<16xf32>
      %gt3A_2064 = arith.cmpf ogt, %get3A_1789, %get3A_1717 : vector<16xf32>
      %convert_element_type3A_2065 = arith.extui %gt3A_2064 : vector<16xi1> to vector<16xi32>
      %convert_element_type3A_2066 = arith.sitofp %convert_element_type3A_2065 : vector<16xi32> to vector<16xf32>
      %add3A_2067 = arith.addf %add3A_2062, %convert_element_type3A_2066 : vector<16xf32>
      %sub3A_2068 = arith.subf %sub3A_1953, %convert_element_type3A_2066 : vector<16xf32>
      %gt3A_2069 = arith.cmpf ogt, %get3A_1793, %get3A_1717 : vector<16xf32>
      %convert_element_type3A_2070 = arith.extui %gt3A_2069 : vector<16xi1> to vector<16xi32>
      %convert_element_type3A_2071 = arith.sitofp %convert_element_type3A_2070 : vector<16xi32> to vector<16xf32>
      %add3A_2072 = arith.addf %add3A_2067, %convert_element_type3A_2071 : vector<16xf32>
      %sub3A_2073 = arith.subf %sub3A_1958, %convert_element_type3A_2071 : vector<16xf32>
      %gt3A_2074 = arith.cmpf ogt, %get3A_1797, %get3A_1717 : vector<16xf32>
      %convert_element_type3A_2075 = arith.extui %gt3A_2074 : vector<16xi1> to vector<16xi32>
      %convert_element_type3A_2076 = arith.sitofp %convert_element_type3A_2075 : vector<16xi32> to vector<16xf32>
      %add3A_2077 = arith.addf %add3A_2072, %convert_element_type3A_2076 : vector<16xf32>
      %sub3A_2078 = arith.subf %sub3A_1963, %convert_element_type3A_2076 : vector<16xf32>
      %gt3A_2079 = arith.cmpf ogt, %get3A_1801, %get3A_1717 : vector<16xf32>
      %convert_element_type3A_2080 = arith.extui %gt3A_2079 : vector<16xi1> to vector<16xi32>
      %convert_element_type3A_2081 = arith.sitofp %convert_element_type3A_2080 : vector<16xi32> to vector<16xf32>
      %add3A_2082 = arith.addf %add3A_2077, %convert_element_type3A_2081 : vector<16xf32>
      %sub3A_2083 = arith.subf %sub3A_1968, %convert_element_type3A_2081 : vector<16xf32>
      %gt3A_2084 = arith.cmpf ogt, %get3A_1805, %get3A_1717 : vector<16xf32>
      %convert_element_type3A_2085 = arith.extui %gt3A_2084 : vector<16xi1> to vector<16xi32>
      %convert_element_type3A_2086 = arith.sitofp %convert_element_type3A_2085 : vector<16xi32> to vector<16xf32>
      %add3A_2087 = arith.addf %add3A_2082, %convert_element_type3A_2086 : vector<16xf32>
      %sub3A_2088 = arith.subf %sub3A_1973, %convert_element_type3A_2086 : vector<16xf32>
      %gt3A_2089 = arith.cmpf ogt, %get3A_1809, %get3A_1717 : vector<16xf32>
      %convert_element_type3A_2090 = arith.extui %gt3A_2089 : vector<16xi1> to vector<16xi32>
      %convert_element_type3A_2091 = arith.sitofp %convert_element_type3A_2090 : vector<16xi32> to vector<16xf32>
      %add3A_2092 = arith.addf %add3A_2087, %convert_element_type3A_2091 : vector<16xf32>
      %sub3A_2093 = arith.subf %sub3A_1978, %convert_element_type3A_2091 : vector<16xf32>
      %gt3A_2094 = arith.cmpf ogt, %get3A_1725, %get3A_1721 : vector<16xf32>
      %convert_element_type3A_2095 = arith.extui %gt3A_2094 : vector<16xi1> to vector<16xi32>
      %convert_element_type3A_2096 = arith.sitofp %convert_element_type3A_2095 : vector<16xi32> to vector<16xf32>
      %add3A_2097 = arith.addf %sub3A_1983, %convert_element_type3A_2096 : vector<16xf32>
      %sub3A_2098 = arith.subf %sub3A_1988, %convert_element_type3A_2096 : vector<16xf32>
      %gt3A_2099 = arith.cmpf ogt, %get3A_1729, %get3A_1721 : vector<16xf32>
      %convert_element_type3A_2100 = arith.extui %gt3A_2099 : vector<16xi1> to vector<16xi32>
      %convert_element_type3A_2101 = arith.sitofp %convert_element_type3A_2100 : vector<16xi32> to vector<16xf32>
      %add3A_2102 = arith.addf %add3A_2097, %convert_element_type3A_2101 : vector<16xf32>
      %sub3A_2103 = arith.subf %sub3A_1993, %convert_element_type3A_2101 : vector<16xf32>
      %gt3A_2104 = arith.cmpf ogt, %get3A_1733, %get3A_1721 : vector<16xf32>
      %convert_element_type3A_2105 = arith.extui %gt3A_2104 : vector<16xi1> to vector<16xi32>
      %convert_element_type3A_2106 = arith.sitofp %convert_element_type3A_2105 : vector<16xi32> to vector<16xf32>
      %add3A_2107 = arith.addf %add3A_2102, %convert_element_type3A_2106 : vector<16xf32>
      %sub3A_2108 = arith.subf %sub3A_1998, %convert_element_type3A_2106 : vector<16xf32>
      %gt3A_2109 = arith.cmpf ogt, %get3A_1737, %get3A_1721 : vector<16xf32>
      %convert_element_type3A_2110 = arith.extui %gt3A_2109 : vector<16xi1> to vector<16xi32>
      %convert_element_type3A_2111 = arith.sitofp %convert_element_type3A_2110 : vector<16xi32> to vector<16xf32>
      %add3A_2112 = arith.addf %add3A_2107, %convert_element_type3A_2111 : vector<16xf32>
      %sub3A_2113 = arith.subf %sub3A_2003, %convert_element_type3A_2111 : vector<16xf32>
      %gt3A_2114 = arith.cmpf ogt, %get3A_1741, %get3A_1721 : vector<16xf32>
      %convert_element_type3A_2115 = arith.extui %gt3A_2114 : vector<16xi1> to vector<16xi32>
      %convert_element_type3A_2116 = arith.sitofp %convert_element_type3A_2115 : vector<16xi32> to vector<16xf32>
      %add3A_2117 = arith.addf %add3A_2112, %convert_element_type3A_2116 : vector<16xf32>
      %sub3A_2118 = arith.subf %sub3A_2008, %convert_element_type3A_2116 : vector<16xf32>
      %gt3A_2119 = arith.cmpf ogt, %get3A_1745, %get3A_1721 : vector<16xf32>
      %convert_element_type3A_2120 = arith.extui %gt3A_2119 : vector<16xi1> to vector<16xi32>
      %convert_element_type3A_2121 = arith.sitofp %convert_element_type3A_2120 : vector<16xi32> to vector<16xf32>
      %add3A_2122 = arith.addf %add3A_2117, %convert_element_type3A_2121 : vector<16xf32>
      %sub3A_2123 = arith.subf %sub3A_2013, %convert_element_type3A_2121 : vector<16xf32>
      %gt3A_2124 = arith.cmpf ogt, %get3A_1749, %get3A_1721 : vector<16xf32>
      %convert_element_type3A_2125 = arith.extui %gt3A_2124 : vector<16xi1> to vector<16xi32>
      %convert_element_type3A_2126 = arith.sitofp %convert_element_type3A_2125 : vector<16xi32> to vector<16xf32>
      %add3A_2127 = arith.addf %add3A_2122, %convert_element_type3A_2126 : vector<16xf32>
      %sub3A_2128 = arith.subf %sub3A_2018, %convert_element_type3A_2126 : vector<16xf32>
      %gt3A_2129 = arith.cmpf ogt, %get3A_1753, %get3A_1721 : vector<16xf32>
      %convert_element_type3A_2130 = arith.extui %gt3A_2129 : vector<16xi1> to vector<16xi32>
      %convert_element_type3A_2131 = arith.sitofp %convert_element_type3A_2130 : vector<16xi32> to vector<16xf32>
      %add3A_2132 = arith.addf %add3A_2127, %convert_element_type3A_2131 : vector<16xf32>
      %sub3A_2133 = arith.subf %sub3A_2023, %convert_element_type3A_2131 : vector<16xf32>
      %gt3A_2134 = arith.cmpf ogt, %get3A_1757, %get3A_1721 : vector<16xf32>
      %convert_element_type3A_2135 = arith.extui %gt3A_2134 : vector<16xi1> to vector<16xi32>
      %convert_element_type3A_2136 = arith.sitofp %convert_element_type3A_2135 : vector<16xi32> to vector<16xf32>
      %add3A_2137 = arith.addf %add3A_2132, %convert_element_type3A_2136 : vector<16xf32>
      %sub3A_2138 = arith.subf %sub3A_2028, %convert_element_type3A_2136 : vector<16xf32>
      %gt3A_2139 = arith.cmpf ogt, %get3A_1761, %get3A_1721 : vector<16xf32>
      %convert_element_type3A_2140 = arith.extui %gt3A_2139 : vector<16xi1> to vector<16xi32>
      %convert_element_type3A_2141 = arith.sitofp %convert_element_type3A_2140 : vector<16xi32> to vector<16xf32>
      %add3A_2142 = arith.addf %add3A_2137, %convert_element_type3A_2141 : vector<16xf32>
      %sub3A_2143 = arith.subf %sub3A_2033, %convert_element_type3A_2141 : vector<16xf32>
      %gt3A_2144 = arith.cmpf ogt, %get3A_1765, %get3A_1721 : vector<16xf32>
      %convert_element_type3A_2145 = arith.extui %gt3A_2144 : vector<16xi1> to vector<16xi32>
      %convert_element_type3A_2146 = arith.sitofp %convert_element_type3A_2145 : vector<16xi32> to vector<16xf32>
      %add3A_2147 = arith.addf %add3A_2142, %convert_element_type3A_2146 : vector<16xf32>
      %sub3A_2148 = arith.subf %sub3A_2038, %convert_element_type3A_2146 : vector<16xf32>
      %gt3A_2149 = arith.cmpf ogt, %get3A_1769, %get3A_1721 : vector<16xf32>
      %convert_element_type3A_2150 = arith.extui %gt3A_2149 : vector<16xi1> to vector<16xi32>
      %convert_element_type3A_2151 = arith.sitofp %convert_element_type3A_2150 : vector<16xi32> to vector<16xf32>
      %add3A_2152 = arith.addf %add3A_2147, %convert_element_type3A_2151 : vector<16xf32>
      %sub3A_2153 = arith.subf %sub3A_2043, %convert_element_type3A_2151 : vector<16xf32>
      %gt3A_2154 = arith.cmpf ogt, %get3A_1773, %get3A_1721 : vector<16xf32>
      %convert_element_type3A_2155 = arith.extui %gt3A_2154 : vector<16xi1> to vector<16xi32>
      %convert_element_type3A_2156 = arith.sitofp %convert_element_type3A_2155 : vector<16xi32> to vector<16xf32>
      %add3A_2157 = arith.addf %add3A_2152, %convert_element_type3A_2156 : vector<16xf32>
      %sub3A_2158 = arith.subf %sub3A_2048, %convert_element_type3A_2156 : vector<16xf32>
      %gt3A_2159 = arith.cmpf ogt, %get3A_1777, %get3A_1721 : vector<16xf32>
      %convert_element_type3A_2160 = arith.extui %gt3A_2159 : vector<16xi1> to vector<16xi32>
      %convert_element_type3A_2161 = arith.sitofp %convert_element_type3A_2160 : vector<16xi32> to vector<16xf32>
      %add3A_2162 = arith.addf %add3A_2157, %convert_element_type3A_2161 : vector<16xf32>
      %sub3A_2163 = arith.subf %sub3A_2053, %convert_element_type3A_2161 : vector<16xf32>
      %gt3A_2164 = arith.cmpf ogt, %get3A_1781, %get3A_1721 : vector<16xf32>
      %convert_element_type3A_2165 = arith.extui %gt3A_2164 : vector<16xi1> to vector<16xi32>
      %convert_element_type3A_2166 = arith.sitofp %convert_element_type3A_2165 : vector<16xi32> to vector<16xf32>
      %add3A_2167 = arith.addf %add3A_2162, %convert_element_type3A_2166 : vector<16xf32>
      %sub3A_2168 = arith.subf %sub3A_2058, %convert_element_type3A_2166 : vector<16xf32>
      %gt3A_2169 = arith.cmpf ogt, %get3A_1785, %get3A_1721 : vector<16xf32>
      %convert_element_type3A_2170 = arith.extui %gt3A_2169 : vector<16xi1> to vector<16xi32>
      %convert_element_type3A_2171 = arith.sitofp %convert_element_type3A_2170 : vector<16xi32> to vector<16xf32>
      %add3A_2172 = arith.addf %add3A_2167, %convert_element_type3A_2171 : vector<16xf32>
      %sub3A_2173 = arith.subf %sub3A_2063, %convert_element_type3A_2171 : vector<16xf32>
      %gt3A_2174 = arith.cmpf ogt, %get3A_1789, %get3A_1721 : vector<16xf32>
      %convert_element_type3A_2175 = arith.extui %gt3A_2174 : vector<16xi1> to vector<16xi32>
      %convert_element_type3A_2176 = arith.sitofp %convert_element_type3A_2175 : vector<16xi32> to vector<16xf32>
      %add3A_2177 = arith.addf %add3A_2172, %convert_element_type3A_2176 : vector<16xf32>
      %sub3A_2178 = arith.subf %sub3A_2068, %convert_element_type3A_2176 : vector<16xf32>
      %gt3A_2179 = arith.cmpf ogt, %get3A_1793, %get3A_1721 : vector<16xf32>
      %convert_element_type3A_2180 = arith.extui %gt3A_2179 : vector<16xi1> to vector<16xi32>
      %convert_element_type3A_2181 = arith.sitofp %convert_element_type3A_2180 : vector<16xi32> to vector<16xf32>
      %add3A_2182 = arith.addf %add3A_2177, %convert_element_type3A_2181 : vector<16xf32>
      %sub3A_2183 = arith.subf %sub3A_2073, %convert_element_type3A_2181 : vector<16xf32>
      %gt3A_2184 = arith.cmpf ogt, %get3A_1797, %get3A_1721 : vector<16xf32>
      %convert_element_type3A_2185 = arith.extui %gt3A_2184 : vector<16xi1> to vector<16xi32>
      %convert_element_type3A_2186 = arith.sitofp %convert_element_type3A_2185 : vector<16xi32> to vector<16xf32>
      %add3A_2187 = arith.addf %add3A_2182, %convert_element_type3A_2186 : vector<16xf32>
      %sub3A_2188 = arith.subf %sub3A_2078, %convert_element_type3A_2186 : vector<16xf32>
      %gt3A_2189 = arith.cmpf ogt, %get3A_1801, %get3A_1721 : vector<16xf32>
      %convert_element_type3A_2190 = arith.extui %gt3A_2189 : vector<16xi1> to vector<16xi32>
      %convert_element_type3A_2191 = arith.sitofp %convert_element_type3A_2190 : vector<16xi32> to vector<16xf32>
      %add3A_2192 = arith.addf %add3A_2187, %convert_element_type3A_2191 : vector<16xf32>
      %sub3A_2193 = arith.subf %sub3A_2083, %convert_element_type3A_2191 : vector<16xf32>
      %gt3A_2194 = arith.cmpf ogt, %get3A_1805, %get3A_1721 : vector<16xf32>
      %convert_element_type3A_2195 = arith.extui %gt3A_2194 : vector<16xi1> to vector<16xi32>
      %convert_element_type3A_2196 = arith.sitofp %convert_element_type3A_2195 : vector<16xi32> to vector<16xf32>
      %add3A_2197 = arith.addf %add3A_2192, %convert_element_type3A_2196 : vector<16xf32>
      %sub3A_2198 = arith.subf %sub3A_2088, %convert_element_type3A_2196 : vector<16xf32>
      %gt3A_2199 = arith.cmpf ogt, %get3A_1809, %get3A_1721 : vector<16xf32>
      %convert_element_type3A_2200 = arith.extui %gt3A_2199 : vector<16xi1> to vector<16xi32>
      %convert_element_type3A_2201 = arith.sitofp %convert_element_type3A_2200 : vector<16xi32> to vector<16xf32>
      %add3A_2202 = arith.addf %add3A_2197, %convert_element_type3A_2201 : vector<16xf32>
      %sub3A_2203 = arith.subf %sub3A_2093, %convert_element_type3A_2201 : vector<16xf32>
      %gt3A_2204 = arith.cmpf ogt, %get3A_1729, %get3A_1725 : vector<16xf32>
      %convert_element_type3A_2205 = arith.extui %gt3A_2204 : vector<16xi1> to vector<16xi32>
      %convert_element_type3A_2206 = arith.sitofp %convert_element_type3A_2205 : vector<16xi32> to vector<16xf32>
      %add3A_2207 = arith.addf %sub3A_2098, %convert_element_type3A_2206 : vector<16xf32>
      %sub3A_2208 = arith.subf %sub3A_2103, %convert_element_type3A_2206 : vector<16xf32>
      %gt3A_2209 = arith.cmpf ogt, %get3A_1733, %get3A_1725 : vector<16xf32>
      %convert_element_type3A_2210 = arith.extui %gt3A_2209 : vector<16xi1> to vector<16xi32>
      %convert_element_type3A_2211 = arith.sitofp %convert_element_type3A_2210 : vector<16xi32> to vector<16xf32>
      %add3A_2212 = arith.addf %add3A_2207, %convert_element_type3A_2211 : vector<16xf32>
      %sub3A_2213 = arith.subf %sub3A_2108, %convert_element_type3A_2211 : vector<16xf32>
      %gt3A_2214 = arith.cmpf ogt, %get3A_1737, %get3A_1725 : vector<16xf32>
      %convert_element_type3A_2215 = arith.extui %gt3A_2214 : vector<16xi1> to vector<16xi32>
      %convert_element_type3A_2216 = arith.sitofp %convert_element_type3A_2215 : vector<16xi32> to vector<16xf32>
      %add3A_2217 = arith.addf %add3A_2212, %convert_element_type3A_2216 : vector<16xf32>
      %sub3A_2218 = arith.subf %sub3A_2113, %convert_element_type3A_2216 : vector<16xf32>
      %gt3A_2219 = arith.cmpf ogt, %get3A_1741, %get3A_1725 : vector<16xf32>
      %convert_element_type3A_2220 = arith.extui %gt3A_2219 : vector<16xi1> to vector<16xi32>
      %convert_element_type3A_2221 = arith.sitofp %convert_element_type3A_2220 : vector<16xi32> to vector<16xf32>
      %add3A_2222 = arith.addf %add3A_2217, %convert_element_type3A_2221 : vector<16xf32>
      %sub3A_2223 = arith.subf %sub3A_2118, %convert_element_type3A_2221 : vector<16xf32>
      %gt3A_2224 = arith.cmpf ogt, %get3A_1745, %get3A_1725 : vector<16xf32>
      %convert_element_type3A_2225 = arith.extui %gt3A_2224 : vector<16xi1> to vector<16xi32>
      %convert_element_type3A_2226 = arith.sitofp %convert_element_type3A_2225 : vector<16xi32> to vector<16xf32>
      %add3A_2227 = arith.addf %add3A_2222, %convert_element_type3A_2226 : vector<16xf32>
      %sub3A_2228 = arith.subf %sub3A_2123, %convert_element_type3A_2226 : vector<16xf32>
      %gt3A_2229 = arith.cmpf ogt, %get3A_1749, %get3A_1725 : vector<16xf32>
      %convert_element_type3A_2230 = arith.extui %gt3A_2229 : vector<16xi1> to vector<16xi32>
      %convert_element_type3A_2231 = arith.sitofp %convert_element_type3A_2230 : vector<16xi32> to vector<16xf32>
      %add3A_2232 = arith.addf %add3A_2227, %convert_element_type3A_2231 : vector<16xf32>
      %sub3A_2233 = arith.subf %sub3A_2128, %convert_element_type3A_2231 : vector<16xf32>
      %gt3A_2234 = arith.cmpf ogt, %get3A_1753, %get3A_1725 : vector<16xf32>
      %convert_element_type3A_2235 = arith.extui %gt3A_2234 : vector<16xi1> to vector<16xi32>
      %convert_element_type3A_2236 = arith.sitofp %convert_element_type3A_2235 : vector<16xi32> to vector<16xf32>
      %add3A_2237 = arith.addf %add3A_2232, %convert_element_type3A_2236 : vector<16xf32>
      %sub3A_2238 = arith.subf %sub3A_2133, %convert_element_type3A_2236 : vector<16xf32>
      %gt3A_2239 = arith.cmpf ogt, %get3A_1757, %get3A_1725 : vector<16xf32>
      %convert_element_type3A_2240 = arith.extui %gt3A_2239 : vector<16xi1> to vector<16xi32>
      %convert_element_type3A_2241 = arith.sitofp %convert_element_type3A_2240 : vector<16xi32> to vector<16xf32>
      %add3A_2242 = arith.addf %add3A_2237, %convert_element_type3A_2241 : vector<16xf32>
      %sub3A_2243 = arith.subf %sub3A_2138, %convert_element_type3A_2241 : vector<16xf32>
      %gt3A_2244 = arith.cmpf ogt, %get3A_1761, %get3A_1725 : vector<16xf32>
      %convert_element_type3A_2245 = arith.extui %gt3A_2244 : vector<16xi1> to vector<16xi32>
      %convert_element_type3A_2246 = arith.sitofp %convert_element_type3A_2245 : vector<16xi32> to vector<16xf32>
      %add3A_2247 = arith.addf %add3A_2242, %convert_element_type3A_2246 : vector<16xf32>
      %sub3A_2248 = arith.subf %sub3A_2143, %convert_element_type3A_2246 : vector<16xf32>
      %gt3A_2249 = arith.cmpf ogt, %get3A_1765, %get3A_1725 : vector<16xf32>
      %convert_element_type3A_2250 = arith.extui %gt3A_2249 : vector<16xi1> to vector<16xi32>
      %convert_element_type3A_2251 = arith.sitofp %convert_element_type3A_2250 : vector<16xi32> to vector<16xf32>
      %add3A_2252 = arith.addf %add3A_2247, %convert_element_type3A_2251 : vector<16xf32>
      %sub3A_2253 = arith.subf %sub3A_2148, %convert_element_type3A_2251 : vector<16xf32>
      %gt3A_2254 = arith.cmpf ogt, %get3A_1769, %get3A_1725 : vector<16xf32>
      %convert_element_type3A_2255 = arith.extui %gt3A_2254 : vector<16xi1> to vector<16xi32>
      %convert_element_type3A_2256 = arith.sitofp %convert_element_type3A_2255 : vector<16xi32> to vector<16xf32>
      %add3A_2257 = arith.addf %add3A_2252, %convert_element_type3A_2256 : vector<16xf32>
      %sub3A_2258 = arith.subf %sub3A_2153, %convert_element_type3A_2256 : vector<16xf32>
      %gt3A_2259 = arith.cmpf ogt, %get3A_1773, %get3A_1725 : vector<16xf32>
      %convert_element_type3A_2260 = arith.extui %gt3A_2259 : vector<16xi1> to vector<16xi32>
      %convert_element_type3A_2261 = arith.sitofp %convert_element_type3A_2260 : vector<16xi32> to vector<16xf32>
      %add3A_2262 = arith.addf %add3A_2257, %convert_element_type3A_2261 : vector<16xf32>
      %sub3A_2263 = arith.subf %sub3A_2158, %convert_element_type3A_2261 : vector<16xf32>
      %gt3A_2264 = arith.cmpf ogt, %get3A_1777, %get3A_1725 : vector<16xf32>
      %convert_element_type3A_2265 = arith.extui %gt3A_2264 : vector<16xi1> to vector<16xi32>
      %convert_element_type3A_2266 = arith.sitofp %convert_element_type3A_2265 : vector<16xi32> to vector<16xf32>
      %add3A_2267 = arith.addf %add3A_2262, %convert_element_type3A_2266 : vector<16xf32>
      %sub3A_2268 = arith.subf %sub3A_2163, %convert_element_type3A_2266 : vector<16xf32>
      %gt3A_2269 = arith.cmpf ogt, %get3A_1781, %get3A_1725 : vector<16xf32>
      %convert_element_type3A_2270 = arith.extui %gt3A_2269 : vector<16xi1> to vector<16xi32>
      %convert_element_type3A_2271 = arith.sitofp %convert_element_type3A_2270 : vector<16xi32> to vector<16xf32>
      %add3A_2272 = arith.addf %add3A_2267, %convert_element_type3A_2271 : vector<16xf32>
      %sub3A_2273 = arith.subf %sub3A_2168, %convert_element_type3A_2271 : vector<16xf32>
      %gt3A_2274 = arith.cmpf ogt, %get3A_1785, %get3A_1725 : vector<16xf32>
      %convert_element_type3A_2275 = arith.extui %gt3A_2274 : vector<16xi1> to vector<16xi32>
      %convert_element_type3A_2276 = arith.sitofp %convert_element_type3A_2275 : vector<16xi32> to vector<16xf32>
      %add3A_2277 = arith.addf %add3A_2272, %convert_element_type3A_2276 : vector<16xf32>
      %sub3A_2278 = arith.subf %sub3A_2173, %convert_element_type3A_2276 : vector<16xf32>
      %gt3A_2279 = arith.cmpf ogt, %get3A_1789, %get3A_1725 : vector<16xf32>
      %convert_element_type3A_2280 = arith.extui %gt3A_2279 : vector<16xi1> to vector<16xi32>
      %convert_element_type3A_2281 = arith.sitofp %convert_element_type3A_2280 : vector<16xi32> to vector<16xf32>
      %add3A_2282 = arith.addf %add3A_2277, %convert_element_type3A_2281 : vector<16xf32>
      %sub3A_2283 = arith.subf %sub3A_2178, %convert_element_type3A_2281 : vector<16xf32>
      %gt3A_2284 = arith.cmpf ogt, %get3A_1793, %get3A_1725 : vector<16xf32>
      %convert_element_type3A_2285 = arith.extui %gt3A_2284 : vector<16xi1> to vector<16xi32>
      %convert_element_type3A_2286 = arith.sitofp %convert_element_type3A_2285 : vector<16xi32> to vector<16xf32>
      %add3A_2287 = arith.addf %add3A_2282, %convert_element_type3A_2286 : vector<16xf32>
      %sub3A_2288 = arith.subf %sub3A_2183, %convert_element_type3A_2286 : vector<16xf32>
      %gt3A_2289 = arith.cmpf ogt, %get3A_1797, %get3A_1725 : vector<16xf32>
      %convert_element_type3A_2290 = arith.extui %gt3A_2289 : vector<16xi1> to vector<16xi32>
      %convert_element_type3A_2291 = arith.sitofp %convert_element_type3A_2290 : vector<16xi32> to vector<16xf32>
      %add3A_2292 = arith.addf %add3A_2287, %convert_element_type3A_2291 : vector<16xf32>
      %sub3A_2293 = arith.subf %sub3A_2188, %convert_element_type3A_2291 : vector<16xf32>
      %gt3A_2294 = arith.cmpf ogt, %get3A_1801, %get3A_1725 : vector<16xf32>
      %convert_element_type3A_2295 = arith.extui %gt3A_2294 : vector<16xi1> to vector<16xi32>
      %convert_element_type3A_2296 = arith.sitofp %convert_element_type3A_2295 : vector<16xi32> to vector<16xf32>
      %add3A_2297 = arith.addf %add3A_2292, %convert_element_type3A_2296 : vector<16xf32>
      %sub3A_2298 = arith.subf %sub3A_2193, %convert_element_type3A_2296 : vector<16xf32>
      %gt3A_2299 = arith.cmpf ogt, %get3A_1805, %get3A_1725 : vector<16xf32>
      %convert_element_type3A_2300 = arith.extui %gt3A_2299 : vector<16xi1> to vector<16xi32>
      %convert_element_type3A_2301 = arith.sitofp %convert_element_type3A_2300 : vector<16xi32> to vector<16xf32>
      %add3A_2302 = arith.addf %add3A_2297, %convert_element_type3A_2301 : vector<16xf32>
      %sub3A_2303 = arith.subf %sub3A_2198, %convert_element_type3A_2301 : vector<16xf32>
      %gt3A_2304 = arith.cmpf ogt, %get3A_1809, %get3A_1725 : vector<16xf32>
      %convert_element_type3A_2305 = arith.extui %gt3A_2304 : vector<16xi1> to vector<16xi32>
      %convert_element_type3A_2306 = arith.sitofp %convert_element_type3A_2305 : vector<16xi32> to vector<16xf32>
      %add3A_2307 = arith.addf %add3A_2302, %convert_element_type3A_2306 : vector<16xf32>
      %sub3A_2308 = arith.subf %sub3A_2203, %convert_element_type3A_2306 : vector<16xf32>
      %gt3A_2309 = arith.cmpf ogt, %get3A_1733, %get3A_1729 : vector<16xf32>
      %convert_element_type3A_2310 = arith.extui %gt3A_2309 : vector<16xi1> to vector<16xi32>
      %convert_element_type3A_2311 = arith.sitofp %convert_element_type3A_2310 : vector<16xi32> to vector<16xf32>
      %add3A_2312 = arith.addf %sub3A_2208, %convert_element_type3A_2311 : vector<16xf32>
      %sub3A_2313 = arith.subf %sub3A_2213, %convert_element_type3A_2311 : vector<16xf32>
      %gt3A_2314 = arith.cmpf ogt, %get3A_1737, %get3A_1729 : vector<16xf32>
      %convert_element_type3A_2315 = arith.extui %gt3A_2314 : vector<16xi1> to vector<16xi32>
      %convert_element_type3A_2316 = arith.sitofp %convert_element_type3A_2315 : vector<16xi32> to vector<16xf32>
      %add3A_2317 = arith.addf %add3A_2312, %convert_element_type3A_2316 : vector<16xf32>
      %sub3A_2318 = arith.subf %sub3A_2218, %convert_element_type3A_2316 : vector<16xf32>
      %gt3A_2319 = arith.cmpf ogt, %get3A_1741, %get3A_1729 : vector<16xf32>
      %convert_element_type3A_2320 = arith.extui %gt3A_2319 : vector<16xi1> to vector<16xi32>
      %convert_element_type3A_2321 = arith.sitofp %convert_element_type3A_2320 : vector<16xi32> to vector<16xf32>
      %add3A_2322 = arith.addf %add3A_2317, %convert_element_type3A_2321 : vector<16xf32>
      %sub3A_2323 = arith.subf %sub3A_2223, %convert_element_type3A_2321 : vector<16xf32>
      %gt3A_2324 = arith.cmpf ogt, %get3A_1745, %get3A_1729 : vector<16xf32>
      %convert_element_type3A_2325 = arith.extui %gt3A_2324 : vector<16xi1> to vector<16xi32>
      %convert_element_type3A_2326 = arith.sitofp %convert_element_type3A_2325 : vector<16xi32> to vector<16xf32>
      %add3A_2327 = arith.addf %add3A_2322, %convert_element_type3A_2326 : vector<16xf32>
      %sub3A_2328 = arith.subf %sub3A_2228, %convert_element_type3A_2326 : vector<16xf32>
      %gt3A_2329 = arith.cmpf ogt, %get3A_1749, %get3A_1729 : vector<16xf32>
      %convert_element_type3A_2330 = arith.extui %gt3A_2329 : vector<16xi1> to vector<16xi32>
      %convert_element_type3A_2331 = arith.sitofp %convert_element_type3A_2330 : vector<16xi32> to vector<16xf32>
      %add3A_2332 = arith.addf %add3A_2327, %convert_element_type3A_2331 : vector<16xf32>
      %sub3A_2333 = arith.subf %sub3A_2233, %convert_element_type3A_2331 : vector<16xf32>
      %gt3A_2334 = arith.cmpf ogt, %get3A_1753, %get3A_1729 : vector<16xf32>
      %convert_element_type3A_2335 = arith.extui %gt3A_2334 : vector<16xi1> to vector<16xi32>
      %convert_element_type3A_2336 = arith.sitofp %convert_element_type3A_2335 : vector<16xi32> to vector<16xf32>
      %add3A_2337 = arith.addf %add3A_2332, %convert_element_type3A_2336 : vector<16xf32>
      %sub3A_2338 = arith.subf %sub3A_2238, %convert_element_type3A_2336 : vector<16xf32>
      %gt3A_2339 = arith.cmpf ogt, %get3A_1757, %get3A_1729 : vector<16xf32>
      %convert_element_type3A_2340 = arith.extui %gt3A_2339 : vector<16xi1> to vector<16xi32>
      %convert_element_type3A_2341 = arith.sitofp %convert_element_type3A_2340 : vector<16xi32> to vector<16xf32>
      %add3A_2342 = arith.addf %add3A_2337, %convert_element_type3A_2341 : vector<16xf32>
      %sub3A_2343 = arith.subf %sub3A_2243, %convert_element_type3A_2341 : vector<16xf32>
      %gt3A_2344 = arith.cmpf ogt, %get3A_1761, %get3A_1729 : vector<16xf32>
      %convert_element_type3A_2345 = arith.extui %gt3A_2344 : vector<16xi1> to vector<16xi32>
      %convert_element_type3A_2346 = arith.sitofp %convert_element_type3A_2345 : vector<16xi32> to vector<16xf32>
      %add3A_2347 = arith.addf %add3A_2342, %convert_element_type3A_2346 : vector<16xf32>
      %sub3A_2348 = arith.subf %sub3A_2248, %convert_element_type3A_2346 : vector<16xf32>
      %gt3A_2349 = arith.cmpf ogt, %get3A_1765, %get3A_1729 : vector<16xf32>
      %convert_element_type3A_2350 = arith.extui %gt3A_2349 : vector<16xi1> to vector<16xi32>
      %convert_element_type3A_2351 = arith.sitofp %convert_element_type3A_2350 : vector<16xi32> to vector<16xf32>
      %add3A_2352 = arith.addf %add3A_2347, %convert_element_type3A_2351 : vector<16xf32>
      %sub3A_2353 = arith.subf %sub3A_2253, %convert_element_type3A_2351 : vector<16xf32>
      %gt3A_2354 = arith.cmpf ogt, %get3A_1769, %get3A_1729 : vector<16xf32>
      %convert_element_type3A_2355 = arith.extui %gt3A_2354 : vector<16xi1> to vector<16xi32>
      %convert_element_type3A_2356 = arith.sitofp %convert_element_type3A_2355 : vector<16xi32> to vector<16xf32>
      %add3A_2357 = arith.addf %add3A_2352, %convert_element_type3A_2356 : vector<16xf32>
      %sub3A_2358 = arith.subf %sub3A_2258, %convert_element_type3A_2356 : vector<16xf32>
      %gt3A_2359 = arith.cmpf ogt, %get3A_1773, %get3A_1729 : vector<16xf32>
      %convert_element_type3A_2360 = arith.extui %gt3A_2359 : vector<16xi1> to vector<16xi32>
      %convert_element_type3A_2361 = arith.sitofp %convert_element_type3A_2360 : vector<16xi32> to vector<16xf32>
      %add3A_2362 = arith.addf %add3A_2357, %convert_element_type3A_2361 : vector<16xf32>
      %sub3A_2363 = arith.subf %sub3A_2263, %convert_element_type3A_2361 : vector<16xf32>
      %gt3A_2364 = arith.cmpf ogt, %get3A_1777, %get3A_1729 : vector<16xf32>
      %convert_element_type3A_2365 = arith.extui %gt3A_2364 : vector<16xi1> to vector<16xi32>
      %convert_element_type3A_2366 = arith.sitofp %convert_element_type3A_2365 : vector<16xi32> to vector<16xf32>
      %add3A_2367 = arith.addf %add3A_2362, %convert_element_type3A_2366 : vector<16xf32>
      %sub3A_2368 = arith.subf %sub3A_2268, %convert_element_type3A_2366 : vector<16xf32>
      %gt3A_2369 = arith.cmpf ogt, %get3A_1781, %get3A_1729 : vector<16xf32>
      %convert_element_type3A_2370 = arith.extui %gt3A_2369 : vector<16xi1> to vector<16xi32>
      %convert_element_type3A_2371 = arith.sitofp %convert_element_type3A_2370 : vector<16xi32> to vector<16xf32>
      %add3A_2372 = arith.addf %add3A_2367, %convert_element_type3A_2371 : vector<16xf32>
      %sub3A_2373 = arith.subf %sub3A_2273, %convert_element_type3A_2371 : vector<16xf32>
      %gt3A_2374 = arith.cmpf ogt, %get3A_1785, %get3A_1729 : vector<16xf32>
      %convert_element_type3A_2375 = arith.extui %gt3A_2374 : vector<16xi1> to vector<16xi32>
      %convert_element_type3A_2376 = arith.sitofp %convert_element_type3A_2375 : vector<16xi32> to vector<16xf32>
      %add3A_2377 = arith.addf %add3A_2372, %convert_element_type3A_2376 : vector<16xf32>
      %sub3A_2378 = arith.subf %sub3A_2278, %convert_element_type3A_2376 : vector<16xf32>
      %gt3A_2379 = arith.cmpf ogt, %get3A_1789, %get3A_1729 : vector<16xf32>
      %convert_element_type3A_2380 = arith.extui %gt3A_2379 : vector<16xi1> to vector<16xi32>
      %convert_element_type3A_2381 = arith.sitofp %convert_element_type3A_2380 : vector<16xi32> to vector<16xf32>
      %add3A_2382 = arith.addf %add3A_2377, %convert_element_type3A_2381 : vector<16xf32>
      %sub3A_2383 = arith.subf %sub3A_2283, %convert_element_type3A_2381 : vector<16xf32>
      %gt3A_2384 = arith.cmpf ogt, %get3A_1793, %get3A_1729 : vector<16xf32>
      %convert_element_type3A_2385 = arith.extui %gt3A_2384 : vector<16xi1> to vector<16xi32>
      %convert_element_type3A_2386 = arith.sitofp %convert_element_type3A_2385 : vector<16xi32> to vector<16xf32>
      %add3A_2387 = arith.addf %add3A_2382, %convert_element_type3A_2386 : vector<16xf32>
      %sub3A_2388 = arith.subf %sub3A_2288, %convert_element_type3A_2386 : vector<16xf32>
      %gt3A_2389 = arith.cmpf ogt, %get3A_1797, %get3A_1729 : vector<16xf32>
      %convert_element_type3A_2390 = arith.extui %gt3A_2389 : vector<16xi1> to vector<16xi32>
      %convert_element_type3A_2391 = arith.sitofp %convert_element_type3A_2390 : vector<16xi32> to vector<16xf32>
      %add3A_2392 = arith.addf %add3A_2387, %convert_element_type3A_2391 : vector<16xf32>
      %sub3A_2393 = arith.subf %sub3A_2293, %convert_element_type3A_2391 : vector<16xf32>
      %gt3A_2394 = arith.cmpf ogt, %get3A_1801, %get3A_1729 : vector<16xf32>
      %convert_element_type3A_2395 = arith.extui %gt3A_2394 : vector<16xi1> to vector<16xi32>
      %convert_element_type3A_2396 = arith.sitofp %convert_element_type3A_2395 : vector<16xi32> to vector<16xf32>
      %add3A_2397 = arith.addf %add3A_2392, %convert_element_type3A_2396 : vector<16xf32>
      %sub3A_2398 = arith.subf %sub3A_2298, %convert_element_type3A_2396 : vector<16xf32>
      %gt3A_2399 = arith.cmpf ogt, %get3A_1805, %get3A_1729 : vector<16xf32>
      %convert_element_type3A_2400 = arith.extui %gt3A_2399 : vector<16xi1> to vector<16xi32>
      %convert_element_type3A_2401 = arith.sitofp %convert_element_type3A_2400 : vector<16xi32> to vector<16xf32>
      %add3A_2402 = arith.addf %add3A_2397, %convert_element_type3A_2401 : vector<16xf32>
      %sub3A_2403 = arith.subf %sub3A_2303, %convert_element_type3A_2401 : vector<16xf32>
      %gt3A_2404 = arith.cmpf ogt, %get3A_1809, %get3A_1729 : vector<16xf32>
      %convert_element_type3A_2405 = arith.extui %gt3A_2404 : vector<16xi1> to vector<16xi32>
      %convert_element_type3A_2406 = arith.sitofp %convert_element_type3A_2405 : vector<16xi32> to vector<16xf32>
      %add3A_2407 = arith.addf %add3A_2402, %convert_element_type3A_2406 : vector<16xf32>
      %sub3A_2408 = arith.subf %sub3A_2308, %convert_element_type3A_2406 : vector<16xf32>
      %gt3A_2409 = arith.cmpf ogt, %get3A_1737, %get3A_1733 : vector<16xf32>
      %convert_element_type3A_2410 = arith.extui %gt3A_2409 : vector<16xi1> to vector<16xi32>
      %convert_element_type3A_2411 = arith.sitofp %convert_element_type3A_2410 : vector<16xi32> to vector<16xf32>
      %add3A_2412 = arith.addf %sub3A_2313, %convert_element_type3A_2411 : vector<16xf32>
      %sub3A_2413 = arith.subf %sub3A_2318, %convert_element_type3A_2411 : vector<16xf32>
      %gt3A_2414 = arith.cmpf ogt, %get3A_1741, %get3A_1733 : vector<16xf32>
      %convert_element_type3A_2415 = arith.extui %gt3A_2414 : vector<16xi1> to vector<16xi32>
      %convert_element_type3A_2416 = arith.sitofp %convert_element_type3A_2415 : vector<16xi32> to vector<16xf32>
      %add3A_2417 = arith.addf %add3A_2412, %convert_element_type3A_2416 : vector<16xf32>
      %sub3A_2418 = arith.subf %sub3A_2323, %convert_element_type3A_2416 : vector<16xf32>
      %gt3A_2419 = arith.cmpf ogt, %get3A_1745, %get3A_1733 : vector<16xf32>
      %convert_element_type3A_2420 = arith.extui %gt3A_2419 : vector<16xi1> to vector<16xi32>
      %convert_element_type3A_2421 = arith.sitofp %convert_element_type3A_2420 : vector<16xi32> to vector<16xf32>
      %add3A_2422 = arith.addf %add3A_2417, %convert_element_type3A_2421 : vector<16xf32>
      %sub3A_2423 = arith.subf %sub3A_2328, %convert_element_type3A_2421 : vector<16xf32>
      %gt3A_2424 = arith.cmpf ogt, %get3A_1749, %get3A_1733 : vector<16xf32>
      %convert_element_type3A_2425 = arith.extui %gt3A_2424 : vector<16xi1> to vector<16xi32>
      %convert_element_type3A_2426 = arith.sitofp %convert_element_type3A_2425 : vector<16xi32> to vector<16xf32>
      %add3A_2427 = arith.addf %add3A_2422, %convert_element_type3A_2426 : vector<16xf32>
      %sub3A_2428 = arith.subf %sub3A_2333, %convert_element_type3A_2426 : vector<16xf32>
      %gt3A_2429 = arith.cmpf ogt, %get3A_1753, %get3A_1733 : vector<16xf32>
      %convert_element_type3A_2430 = arith.extui %gt3A_2429 : vector<16xi1> to vector<16xi32>
      %convert_element_type3A_2431 = arith.sitofp %convert_element_type3A_2430 : vector<16xi32> to vector<16xf32>
      %add3A_2432 = arith.addf %add3A_2427, %convert_element_type3A_2431 : vector<16xf32>
      %sub3A_2433 = arith.subf %sub3A_2338, %convert_element_type3A_2431 : vector<16xf32>
      %gt3A_2434 = arith.cmpf ogt, %get3A_1757, %get3A_1733 : vector<16xf32>
      %convert_element_type3A_2435 = arith.extui %gt3A_2434 : vector<16xi1> to vector<16xi32>
      %convert_element_type3A_2436 = arith.sitofp %convert_element_type3A_2435 : vector<16xi32> to vector<16xf32>
      %add3A_2437 = arith.addf %add3A_2432, %convert_element_type3A_2436 : vector<16xf32>
      %sub3A_2438 = arith.subf %sub3A_2343, %convert_element_type3A_2436 : vector<16xf32>
      %gt3A_2439 = arith.cmpf ogt, %get3A_1761, %get3A_1733 : vector<16xf32>
      %convert_element_type3A_2440 = arith.extui %gt3A_2439 : vector<16xi1> to vector<16xi32>
      %convert_element_type3A_2441 = arith.sitofp %convert_element_type3A_2440 : vector<16xi32> to vector<16xf32>
      %add3A_2442 = arith.addf %add3A_2437, %convert_element_type3A_2441 : vector<16xf32>
      %sub3A_2443 = arith.subf %sub3A_2348, %convert_element_type3A_2441 : vector<16xf32>
      %gt3A_2444 = arith.cmpf ogt, %get3A_1765, %get3A_1733 : vector<16xf32>
      %convert_element_type3A_2445 = arith.extui %gt3A_2444 : vector<16xi1> to vector<16xi32>
      %convert_element_type3A_2446 = arith.sitofp %convert_element_type3A_2445 : vector<16xi32> to vector<16xf32>
      %add3A_2447 = arith.addf %add3A_2442, %convert_element_type3A_2446 : vector<16xf32>
      %sub3A_2448 = arith.subf %sub3A_2353, %convert_element_type3A_2446 : vector<16xf32>
      %gt3A_2449 = arith.cmpf ogt, %get3A_1769, %get3A_1733 : vector<16xf32>
      %convert_element_type3A_2450 = arith.extui %gt3A_2449 : vector<16xi1> to vector<16xi32>
      %convert_element_type3A_2451 = arith.sitofp %convert_element_type3A_2450 : vector<16xi32> to vector<16xf32>
      %add3A_2452 = arith.addf %add3A_2447, %convert_element_type3A_2451 : vector<16xf32>
      %sub3A_2453 = arith.subf %sub3A_2358, %convert_element_type3A_2451 : vector<16xf32>
      %gt3A_2454 = arith.cmpf ogt, %get3A_1773, %get3A_1733 : vector<16xf32>
      %convert_element_type3A_2455 = arith.extui %gt3A_2454 : vector<16xi1> to vector<16xi32>
      %convert_element_type3A_2456 = arith.sitofp %convert_element_type3A_2455 : vector<16xi32> to vector<16xf32>
      %add3A_2457 = arith.addf %add3A_2452, %convert_element_type3A_2456 : vector<16xf32>
      %sub3A_2458 = arith.subf %sub3A_2363, %convert_element_type3A_2456 : vector<16xf32>
      %gt3A_2459 = arith.cmpf ogt, %get3A_1777, %get3A_1733 : vector<16xf32>
      %convert_element_type3A_2460 = arith.extui %gt3A_2459 : vector<16xi1> to vector<16xi32>
      %convert_element_type3A_2461 = arith.sitofp %convert_element_type3A_2460 : vector<16xi32> to vector<16xf32>
      %add3A_2462 = arith.addf %add3A_2457, %convert_element_type3A_2461 : vector<16xf32>
      %sub3A_2463 = arith.subf %sub3A_2368, %convert_element_type3A_2461 : vector<16xf32>
      %gt3A_2464 = arith.cmpf ogt, %get3A_1781, %get3A_1733 : vector<16xf32>
      %convert_element_type3A_2465 = arith.extui %gt3A_2464 : vector<16xi1> to vector<16xi32>
      %convert_element_type3A_2466 = arith.sitofp %convert_element_type3A_2465 : vector<16xi32> to vector<16xf32>
      %add3A_2467 = arith.addf %add3A_2462, %convert_element_type3A_2466 : vector<16xf32>
      %sub3A_2468 = arith.subf %sub3A_2373, %convert_element_type3A_2466 : vector<16xf32>
      %gt3A_2469 = arith.cmpf ogt, %get3A_1785, %get3A_1733 : vector<16xf32>
      %convert_element_type3A_2470 = arith.extui %gt3A_2469 : vector<16xi1> to vector<16xi32>
      %convert_element_type3A_2471 = arith.sitofp %convert_element_type3A_2470 : vector<16xi32> to vector<16xf32>
      %add3A_2472 = arith.addf %add3A_2467, %convert_element_type3A_2471 : vector<16xf32>
      %sub3A_2473 = arith.subf %sub3A_2378, %convert_element_type3A_2471 : vector<16xf32>
      %gt3A_2474 = arith.cmpf ogt, %get3A_1789, %get3A_1733 : vector<16xf32>
      %convert_element_type3A_2475 = arith.extui %gt3A_2474 : vector<16xi1> to vector<16xi32>
      %convert_element_type3A_2476 = arith.sitofp %convert_element_type3A_2475 : vector<16xi32> to vector<16xf32>
      %add3A_2477 = arith.addf %add3A_2472, %convert_element_type3A_2476 : vector<16xf32>
      %sub3A_2478 = arith.subf %sub3A_2383, %convert_element_type3A_2476 : vector<16xf32>
      %gt3A_2479 = arith.cmpf ogt, %get3A_1793, %get3A_1733 : vector<16xf32>
      %convert_element_type3A_2480 = arith.extui %gt3A_2479 : vector<16xi1> to vector<16xi32>
      %convert_element_type3A_2481 = arith.sitofp %convert_element_type3A_2480 : vector<16xi32> to vector<16xf32>
      %add3A_2482 = arith.addf %add3A_2477, %convert_element_type3A_2481 : vector<16xf32>
      %sub3A_2483 = arith.subf %sub3A_2388, %convert_element_type3A_2481 : vector<16xf32>
      %gt3A_2484 = arith.cmpf ogt, %get3A_1797, %get3A_1733 : vector<16xf32>
      %convert_element_type3A_2485 = arith.extui %gt3A_2484 : vector<16xi1> to vector<16xi32>
      %convert_element_type3A_2486 = arith.sitofp %convert_element_type3A_2485 : vector<16xi32> to vector<16xf32>
      %add3A_2487 = arith.addf %add3A_2482, %convert_element_type3A_2486 : vector<16xf32>
      %sub3A_2488 = arith.subf %sub3A_2393, %convert_element_type3A_2486 : vector<16xf32>
      %gt3A_2489 = arith.cmpf ogt, %get3A_1801, %get3A_1733 : vector<16xf32>
      %convert_element_type3A_2490 = arith.extui %gt3A_2489 : vector<16xi1> to vector<16xi32>
      %convert_element_type3A_2491 = arith.sitofp %convert_element_type3A_2490 : vector<16xi32> to vector<16xf32>
      %add3A_2492 = arith.addf %add3A_2487, %convert_element_type3A_2491 : vector<16xf32>
      %sub3A_2493 = arith.subf %sub3A_2398, %convert_element_type3A_2491 : vector<16xf32>
      %gt3A_2494 = arith.cmpf ogt, %get3A_1805, %get3A_1733 : vector<16xf32>
      %convert_element_type3A_2495 = arith.extui %gt3A_2494 : vector<16xi1> to vector<16xi32>
      %convert_element_type3A_2496 = arith.sitofp %convert_element_type3A_2495 : vector<16xi32> to vector<16xf32>
      %add3A_2497 = arith.addf %add3A_2492, %convert_element_type3A_2496 : vector<16xf32>
      %sub3A_2498 = arith.subf %sub3A_2403, %convert_element_type3A_2496 : vector<16xf32>
      %gt3A_2499 = arith.cmpf ogt, %get3A_1809, %get3A_1733 : vector<16xf32>
      %convert_element_type3A_2500 = arith.extui %gt3A_2499 : vector<16xi1> to vector<16xi32>
      %convert_element_type3A_2501 = arith.sitofp %convert_element_type3A_2500 : vector<16xi32> to vector<16xf32>
      %add3A_2502 = arith.addf %add3A_2497, %convert_element_type3A_2501 : vector<16xf32>
      %sub3A_2503 = arith.subf %sub3A_2408, %convert_element_type3A_2501 : vector<16xf32>
      %gt3A_2504 = arith.cmpf ogt, %get3A_1741, %get3A_1737 : vector<16xf32>
      %convert_element_type3A_2505 = arith.extui %gt3A_2504 : vector<16xi1> to vector<16xi32>
      %convert_element_type3A_2506 = arith.sitofp %convert_element_type3A_2505 : vector<16xi32> to vector<16xf32>
      %add3A_2507 = arith.addf %sub3A_2413, %convert_element_type3A_2506 : vector<16xf32>
      %sub3A_2508 = arith.subf %sub3A_2418, %convert_element_type3A_2506 : vector<16xf32>
      %gt3A_2509 = arith.cmpf ogt, %get3A_1745, %get3A_1737 : vector<16xf32>
      %convert_element_type3A_2510 = arith.extui %gt3A_2509 : vector<16xi1> to vector<16xi32>
      %convert_element_type3A_2511 = arith.sitofp %convert_element_type3A_2510 : vector<16xi32> to vector<16xf32>
      %add3A_2512 = arith.addf %add3A_2507, %convert_element_type3A_2511 : vector<16xf32>
      %sub3A_2513 = arith.subf %sub3A_2423, %convert_element_type3A_2511 : vector<16xf32>
      %gt3A_2514 = arith.cmpf ogt, %get3A_1749, %get3A_1737 : vector<16xf32>
      %convert_element_type3A_2515 = arith.extui %gt3A_2514 : vector<16xi1> to vector<16xi32>
      %convert_element_type3A_2516 = arith.sitofp %convert_element_type3A_2515 : vector<16xi32> to vector<16xf32>
      %add3A_2517 = arith.addf %add3A_2512, %convert_element_type3A_2516 : vector<16xf32>
      %sub3A_2518 = arith.subf %sub3A_2428, %convert_element_type3A_2516 : vector<16xf32>
      %gt3A_2519 = arith.cmpf ogt, %get3A_1753, %get3A_1737 : vector<16xf32>
      %convert_element_type3A_2520 = arith.extui %gt3A_2519 : vector<16xi1> to vector<16xi32>
      %convert_element_type3A_2521 = arith.sitofp %convert_element_type3A_2520 : vector<16xi32> to vector<16xf32>
      %add3A_2522 = arith.addf %add3A_2517, %convert_element_type3A_2521 : vector<16xf32>
      %sub3A_2523 = arith.subf %sub3A_2433, %convert_element_type3A_2521 : vector<16xf32>
      %gt3A_2524 = arith.cmpf ogt, %get3A_1757, %get3A_1737 : vector<16xf32>
      %convert_element_type3A_2525 = arith.extui %gt3A_2524 : vector<16xi1> to vector<16xi32>
      %convert_element_type3A_2526 = arith.sitofp %convert_element_type3A_2525 : vector<16xi32> to vector<16xf32>
      %add3A_2527 = arith.addf %add3A_2522, %convert_element_type3A_2526 : vector<16xf32>
      %sub3A_2528 = arith.subf %sub3A_2438, %convert_element_type3A_2526 : vector<16xf32>
      %gt3A_2529 = arith.cmpf ogt, %get3A_1761, %get3A_1737 : vector<16xf32>
      %convert_element_type3A_2530 = arith.extui %gt3A_2529 : vector<16xi1> to vector<16xi32>
      %convert_element_type3A_2531 = arith.sitofp %convert_element_type3A_2530 : vector<16xi32> to vector<16xf32>
      %add3A_2532 = arith.addf %add3A_2527, %convert_element_type3A_2531 : vector<16xf32>
      %sub3A_2533 = arith.subf %sub3A_2443, %convert_element_type3A_2531 : vector<16xf32>
      %gt3A_2534 = arith.cmpf ogt, %get3A_1765, %get3A_1737 : vector<16xf32>
      %convert_element_type3A_2535 = arith.extui %gt3A_2534 : vector<16xi1> to vector<16xi32>
      %convert_element_type3A_2536 = arith.sitofp %convert_element_type3A_2535 : vector<16xi32> to vector<16xf32>
      %add3A_2537 = arith.addf %add3A_2532, %convert_element_type3A_2536 : vector<16xf32>
      %sub3A_2538 = arith.subf %sub3A_2448, %convert_element_type3A_2536 : vector<16xf32>
      %gt3A_2539 = arith.cmpf ogt, %get3A_1769, %get3A_1737 : vector<16xf32>
      %convert_element_type3A_2540 = arith.extui %gt3A_2539 : vector<16xi1> to vector<16xi32>
      %convert_element_type3A_2541 = arith.sitofp %convert_element_type3A_2540 : vector<16xi32> to vector<16xf32>
      %add3A_2542 = arith.addf %add3A_2537, %convert_element_type3A_2541 : vector<16xf32>
      %sub3A_2543 = arith.subf %sub3A_2453, %convert_element_type3A_2541 : vector<16xf32>
      %gt3A_2544 = arith.cmpf ogt, %get3A_1773, %get3A_1737 : vector<16xf32>
      %convert_element_type3A_2545 = arith.extui %gt3A_2544 : vector<16xi1> to vector<16xi32>
      %convert_element_type3A_2546 = arith.sitofp %convert_element_type3A_2545 : vector<16xi32> to vector<16xf32>
      %add3A_2547 = arith.addf %add3A_2542, %convert_element_type3A_2546 : vector<16xf32>
      %sub3A_2548 = arith.subf %sub3A_2458, %convert_element_type3A_2546 : vector<16xf32>
      %gt3A_2549 = arith.cmpf ogt, %get3A_1777, %get3A_1737 : vector<16xf32>
      %convert_element_type3A_2550 = arith.extui %gt3A_2549 : vector<16xi1> to vector<16xi32>
      %convert_element_type3A_2551 = arith.sitofp %convert_element_type3A_2550 : vector<16xi32> to vector<16xf32>
      %add3A_2552 = arith.addf %add3A_2547, %convert_element_type3A_2551 : vector<16xf32>
      %sub3A_2553 = arith.subf %sub3A_2463, %convert_element_type3A_2551 : vector<16xf32>
      %gt3A_2554 = arith.cmpf ogt, %get3A_1781, %get3A_1737 : vector<16xf32>
      %convert_element_type3A_2555 = arith.extui %gt3A_2554 : vector<16xi1> to vector<16xi32>
      %convert_element_type3A_2556 = arith.sitofp %convert_element_type3A_2555 : vector<16xi32> to vector<16xf32>
      %add3A_2557 = arith.addf %add3A_2552, %convert_element_type3A_2556 : vector<16xf32>
      %sub3A_2558 = arith.subf %sub3A_2468, %convert_element_type3A_2556 : vector<16xf32>
      %gt3A_2559 = arith.cmpf ogt, %get3A_1785, %get3A_1737 : vector<16xf32>
      %convert_element_type3A_2560 = arith.extui %gt3A_2559 : vector<16xi1> to vector<16xi32>
      %convert_element_type3A_2561 = arith.sitofp %convert_element_type3A_2560 : vector<16xi32> to vector<16xf32>
      %add3A_2562 = arith.addf %add3A_2557, %convert_element_type3A_2561 : vector<16xf32>
      %sub3A_2563 = arith.subf %sub3A_2473, %convert_element_type3A_2561 : vector<16xf32>
      %gt3A_2564 = arith.cmpf ogt, %get3A_1789, %get3A_1737 : vector<16xf32>
      %convert_element_type3A_2565 = arith.extui %gt3A_2564 : vector<16xi1> to vector<16xi32>
      %convert_element_type3A_2566 = arith.sitofp %convert_element_type3A_2565 : vector<16xi32> to vector<16xf32>
      %add3A_2567 = arith.addf %add3A_2562, %convert_element_type3A_2566 : vector<16xf32>
      %sub3A_2568 = arith.subf %sub3A_2478, %convert_element_type3A_2566 : vector<16xf32>
      %gt3A_2569 = arith.cmpf ogt, %get3A_1793, %get3A_1737 : vector<16xf32>
      %convert_element_type3A_2570 = arith.extui %gt3A_2569 : vector<16xi1> to vector<16xi32>
      %convert_element_type3A_2571 = arith.sitofp %convert_element_type3A_2570 : vector<16xi32> to vector<16xf32>
      %add3A_2572 = arith.addf %add3A_2567, %convert_element_type3A_2571 : vector<16xf32>
      %sub3A_2573 = arith.subf %sub3A_2483, %convert_element_type3A_2571 : vector<16xf32>
      %gt3A_2574 = arith.cmpf ogt, %get3A_1797, %get3A_1737 : vector<16xf32>
      %convert_element_type3A_2575 = arith.extui %gt3A_2574 : vector<16xi1> to vector<16xi32>
      %convert_element_type3A_2576 = arith.sitofp %convert_element_type3A_2575 : vector<16xi32> to vector<16xf32>
      %add3A_2577 = arith.addf %add3A_2572, %convert_element_type3A_2576 : vector<16xf32>
      %sub3A_2578 = arith.subf %sub3A_2488, %convert_element_type3A_2576 : vector<16xf32>
      %gt3A_2579 = arith.cmpf ogt, %get3A_1801, %get3A_1737 : vector<16xf32>
      %convert_element_type3A_2580 = arith.extui %gt3A_2579 : vector<16xi1> to vector<16xi32>
      %convert_element_type3A_2581 = arith.sitofp %convert_element_type3A_2580 : vector<16xi32> to vector<16xf32>
      %add3A_2582 = arith.addf %add3A_2577, %convert_element_type3A_2581 : vector<16xf32>
      %sub3A_2583 = arith.subf %sub3A_2493, %convert_element_type3A_2581 : vector<16xf32>
      %gt3A_2584 = arith.cmpf ogt, %get3A_1805, %get3A_1737 : vector<16xf32>
      %convert_element_type3A_2585 = arith.extui %gt3A_2584 : vector<16xi1> to vector<16xi32>
      %convert_element_type3A_2586 = arith.sitofp %convert_element_type3A_2585 : vector<16xi32> to vector<16xf32>
      %add3A_2587 = arith.addf %add3A_2582, %convert_element_type3A_2586 : vector<16xf32>
      %sub3A_2588 = arith.subf %sub3A_2498, %convert_element_type3A_2586 : vector<16xf32>
      %gt3A_2589 = arith.cmpf ogt, %get3A_1809, %get3A_1737 : vector<16xf32>
      %convert_element_type3A_2590 = arith.extui %gt3A_2589 : vector<16xi1> to vector<16xi32>
      %convert_element_type3A_2591 = arith.sitofp %convert_element_type3A_2590 : vector<16xi32> to vector<16xf32>
      %add3A_2592 = arith.addf %add3A_2587, %convert_element_type3A_2591 : vector<16xf32>
      %sub3A_2593 = arith.subf %sub3A_2503, %convert_element_type3A_2591 : vector<16xf32>
      %gt3A_2594 = arith.cmpf ogt, %get3A_1745, %get3A_1741 : vector<16xf32>
      %convert_element_type3A_2595 = arith.extui %gt3A_2594 : vector<16xi1> to vector<16xi32>
      %convert_element_type3A_2596 = arith.sitofp %convert_element_type3A_2595 : vector<16xi32> to vector<16xf32>
      %add3A_2597 = arith.addf %sub3A_2508, %convert_element_type3A_2596 : vector<16xf32>
      %sub3A_2598 = arith.subf %sub3A_2513, %convert_element_type3A_2596 : vector<16xf32>
      %gt3A_2599 = arith.cmpf ogt, %get3A_1749, %get3A_1741 : vector<16xf32>
      %convert_element_type3A_2600 = arith.extui %gt3A_2599 : vector<16xi1> to vector<16xi32>
      %convert_element_type3A_2601 = arith.sitofp %convert_element_type3A_2600 : vector<16xi32> to vector<16xf32>
      %add3A_2602 = arith.addf %add3A_2597, %convert_element_type3A_2601 : vector<16xf32>
      %sub3A_2603 = arith.subf %sub3A_2518, %convert_element_type3A_2601 : vector<16xf32>
      %gt3A_2604 = arith.cmpf ogt, %get3A_1753, %get3A_1741 : vector<16xf32>
      %convert_element_type3A_2605 = arith.extui %gt3A_2604 : vector<16xi1> to vector<16xi32>
      %convert_element_type3A_2606 = arith.sitofp %convert_element_type3A_2605 : vector<16xi32> to vector<16xf32>
      %add3A_2607 = arith.addf %add3A_2602, %convert_element_type3A_2606 : vector<16xf32>
      %sub3A_2608 = arith.subf %sub3A_2523, %convert_element_type3A_2606 : vector<16xf32>
      %gt3A_2609 = arith.cmpf ogt, %get3A_1757, %get3A_1741 : vector<16xf32>
      %convert_element_type3A_2610 = arith.extui %gt3A_2609 : vector<16xi1> to vector<16xi32>
      %convert_element_type3A_2611 = arith.sitofp %convert_element_type3A_2610 : vector<16xi32> to vector<16xf32>
      %add3A_2612 = arith.addf %add3A_2607, %convert_element_type3A_2611 : vector<16xf32>
      %sub3A_2613 = arith.subf %sub3A_2528, %convert_element_type3A_2611 : vector<16xf32>
      %gt3A_2614 = arith.cmpf ogt, %get3A_1761, %get3A_1741 : vector<16xf32>
      %convert_element_type3A_2615 = arith.extui %gt3A_2614 : vector<16xi1> to vector<16xi32>
      %convert_element_type3A_2616 = arith.sitofp %convert_element_type3A_2615 : vector<16xi32> to vector<16xf32>
      %add3A_2617 = arith.addf %add3A_2612, %convert_element_type3A_2616 : vector<16xf32>
      %sub3A_2618 = arith.subf %sub3A_2533, %convert_element_type3A_2616 : vector<16xf32>
      %gt3A_2619 = arith.cmpf ogt, %get3A_1765, %get3A_1741 : vector<16xf32>
      %convert_element_type3A_2620 = arith.extui %gt3A_2619 : vector<16xi1> to vector<16xi32>
      %convert_element_type3A_2621 = arith.sitofp %convert_element_type3A_2620 : vector<16xi32> to vector<16xf32>
      %add3A_2622 = arith.addf %add3A_2617, %convert_element_type3A_2621 : vector<16xf32>
      %sub3A_2623 = arith.subf %sub3A_2538, %convert_element_type3A_2621 : vector<16xf32>
      %gt3A_2624 = arith.cmpf ogt, %get3A_1769, %get3A_1741 : vector<16xf32>
      %convert_element_type3A_2625 = arith.extui %gt3A_2624 : vector<16xi1> to vector<16xi32>
      %convert_element_type3A_2626 = arith.sitofp %convert_element_type3A_2625 : vector<16xi32> to vector<16xf32>
      %add3A_2627 = arith.addf %add3A_2622, %convert_element_type3A_2626 : vector<16xf32>
      %sub3A_2628 = arith.subf %sub3A_2543, %convert_element_type3A_2626 : vector<16xf32>
      %gt3A_2629 = arith.cmpf ogt, %get3A_1773, %get3A_1741 : vector<16xf32>
      %convert_element_type3A_2630 = arith.extui %gt3A_2629 : vector<16xi1> to vector<16xi32>
      %convert_element_type3A_2631 = arith.sitofp %convert_element_type3A_2630 : vector<16xi32> to vector<16xf32>
      %add3A_2632 = arith.addf %add3A_2627, %convert_element_type3A_2631 : vector<16xf32>
      %sub3A_2633 = arith.subf %sub3A_2548, %convert_element_type3A_2631 : vector<16xf32>
      %gt3A_2634 = arith.cmpf ogt, %get3A_1777, %get3A_1741 : vector<16xf32>
      %convert_element_type3A_2635 = arith.extui %gt3A_2634 : vector<16xi1> to vector<16xi32>
      %convert_element_type3A_2636 = arith.sitofp %convert_element_type3A_2635 : vector<16xi32> to vector<16xf32>
      %add3A_2637 = arith.addf %add3A_2632, %convert_element_type3A_2636 : vector<16xf32>
      %sub3A_2638 = arith.subf %sub3A_2553, %convert_element_type3A_2636 : vector<16xf32>
      %gt3A_2639 = arith.cmpf ogt, %get3A_1781, %get3A_1741 : vector<16xf32>
      %convert_element_type3A_2640 = arith.extui %gt3A_2639 : vector<16xi1> to vector<16xi32>
      %convert_element_type3A_2641 = arith.sitofp %convert_element_type3A_2640 : vector<16xi32> to vector<16xf32>
      %add3A_2642 = arith.addf %add3A_2637, %convert_element_type3A_2641 : vector<16xf32>
      %sub3A_2643 = arith.subf %sub3A_2558, %convert_element_type3A_2641 : vector<16xf32>
      %gt3A_2644 = arith.cmpf ogt, %get3A_1785, %get3A_1741 : vector<16xf32>
      %convert_element_type3A_2645 = arith.extui %gt3A_2644 : vector<16xi1> to vector<16xi32>
      %convert_element_type3A_2646 = arith.sitofp %convert_element_type3A_2645 : vector<16xi32> to vector<16xf32>
      %add3A_2647 = arith.addf %add3A_2642, %convert_element_type3A_2646 : vector<16xf32>
      %sub3A_2648 = arith.subf %sub3A_2563, %convert_element_type3A_2646 : vector<16xf32>
      %gt3A_2649 = arith.cmpf ogt, %get3A_1789, %get3A_1741 : vector<16xf32>
      %convert_element_type3A_2650 = arith.extui %gt3A_2649 : vector<16xi1> to vector<16xi32>
      %convert_element_type3A_2651 = arith.sitofp %convert_element_type3A_2650 : vector<16xi32> to vector<16xf32>
      %add3A_2652 = arith.addf %add3A_2647, %convert_element_type3A_2651 : vector<16xf32>
      %sub3A_2653 = arith.subf %sub3A_2568, %convert_element_type3A_2651 : vector<16xf32>
      %gt3A_2654 = arith.cmpf ogt, %get3A_1793, %get3A_1741 : vector<16xf32>
      %convert_element_type3A_2655 = arith.extui %gt3A_2654 : vector<16xi1> to vector<16xi32>
      %convert_element_type3A_2656 = arith.sitofp %convert_element_type3A_2655 : vector<16xi32> to vector<16xf32>
      %add3A_2657 = arith.addf %add3A_2652, %convert_element_type3A_2656 : vector<16xf32>
      %sub3A_2658 = arith.subf %sub3A_2573, %convert_element_type3A_2656 : vector<16xf32>
      %gt3A_2659 = arith.cmpf ogt, %get3A_1797, %get3A_1741 : vector<16xf32>
      %convert_element_type3A_2660 = arith.extui %gt3A_2659 : vector<16xi1> to vector<16xi32>
      %convert_element_type3A_2661 = arith.sitofp %convert_element_type3A_2660 : vector<16xi32> to vector<16xf32>
      %add3A_2662 = arith.addf %add3A_2657, %convert_element_type3A_2661 : vector<16xf32>
      %sub3A_2663 = arith.subf %sub3A_2578, %convert_element_type3A_2661 : vector<16xf32>
      %gt3A_2664 = arith.cmpf ogt, %get3A_1801, %get3A_1741 : vector<16xf32>
      %convert_element_type3A_2665 = arith.extui %gt3A_2664 : vector<16xi1> to vector<16xi32>
      %convert_element_type3A_2666 = arith.sitofp %convert_element_type3A_2665 : vector<16xi32> to vector<16xf32>
      %add3A_2667 = arith.addf %add3A_2662, %convert_element_type3A_2666 : vector<16xf32>
      %sub3A_2668 = arith.subf %sub3A_2583, %convert_element_type3A_2666 : vector<16xf32>
      %gt3A_2669 = arith.cmpf ogt, %get3A_1805, %get3A_1741 : vector<16xf32>
      %convert_element_type3A_2670 = arith.extui %gt3A_2669 : vector<16xi1> to vector<16xi32>
      %convert_element_type3A_2671 = arith.sitofp %convert_element_type3A_2670 : vector<16xi32> to vector<16xf32>
      %add3A_2672 = arith.addf %add3A_2667, %convert_element_type3A_2671 : vector<16xf32>
      %sub3A_2673 = arith.subf %sub3A_2588, %convert_element_type3A_2671 : vector<16xf32>
      %gt3A_2674 = arith.cmpf ogt, %get3A_1809, %get3A_1741 : vector<16xf32>
      %convert_element_type3A_2675 = arith.extui %gt3A_2674 : vector<16xi1> to vector<16xi32>
      %convert_element_type3A_2676 = arith.sitofp %convert_element_type3A_2675 : vector<16xi32> to vector<16xf32>
      %add3A_2677 = arith.addf %add3A_2672, %convert_element_type3A_2676 : vector<16xf32>
      %sub3A_2678 = arith.subf %sub3A_2593, %convert_element_type3A_2676 : vector<16xf32>
      %gt3A_2679 = arith.cmpf ogt, %get3A_1749, %get3A_1745 : vector<16xf32>
      %convert_element_type3A_2680 = arith.extui %gt3A_2679 : vector<16xi1> to vector<16xi32>
      %convert_element_type3A_2681 = arith.sitofp %convert_element_type3A_2680 : vector<16xi32> to vector<16xf32>
      %add3A_2682 = arith.addf %sub3A_2598, %convert_element_type3A_2681 : vector<16xf32>
      %sub3A_2683 = arith.subf %sub3A_2603, %convert_element_type3A_2681 : vector<16xf32>
      %gt3A_2684 = arith.cmpf ogt, %get3A_1753, %get3A_1745 : vector<16xf32>
      %convert_element_type3A_2685 = arith.extui %gt3A_2684 : vector<16xi1> to vector<16xi32>
      %convert_element_type3A_2686 = arith.sitofp %convert_element_type3A_2685 : vector<16xi32> to vector<16xf32>
      %add3A_2687 = arith.addf %add3A_2682, %convert_element_type3A_2686 : vector<16xf32>
      %sub3A_2688 = arith.subf %sub3A_2608, %convert_element_type3A_2686 : vector<16xf32>
      %gt3A_2689 = arith.cmpf ogt, %get3A_1757, %get3A_1745 : vector<16xf32>
      %convert_element_type3A_2690 = arith.extui %gt3A_2689 : vector<16xi1> to vector<16xi32>
      %convert_element_type3A_2691 = arith.sitofp %convert_element_type3A_2690 : vector<16xi32> to vector<16xf32>
      %add3A_2692 = arith.addf %add3A_2687, %convert_element_type3A_2691 : vector<16xf32>
      %sub3A_2693 = arith.subf %sub3A_2613, %convert_element_type3A_2691 : vector<16xf32>
      %gt3A_2694 = arith.cmpf ogt, %get3A_1761, %get3A_1745 : vector<16xf32>
      %convert_element_type3A_2695 = arith.extui %gt3A_2694 : vector<16xi1> to vector<16xi32>
      %convert_element_type3A_2696 = arith.sitofp %convert_element_type3A_2695 : vector<16xi32> to vector<16xf32>
      %add3A_2697 = arith.addf %add3A_2692, %convert_element_type3A_2696 : vector<16xf32>
      %sub3A_2698 = arith.subf %sub3A_2618, %convert_element_type3A_2696 : vector<16xf32>
      %gt3A_2699 = arith.cmpf ogt, %get3A_1765, %get3A_1745 : vector<16xf32>
      %convert_element_type3A_2700 = arith.extui %gt3A_2699 : vector<16xi1> to vector<16xi32>
      %convert_element_type3A_2701 = arith.sitofp %convert_element_type3A_2700 : vector<16xi32> to vector<16xf32>
      %add3A_2702 = arith.addf %add3A_2697, %convert_element_type3A_2701 : vector<16xf32>
      %sub3A_2703 = arith.subf %sub3A_2623, %convert_element_type3A_2701 : vector<16xf32>
      %gt3A_2704 = arith.cmpf ogt, %get3A_1769, %get3A_1745 : vector<16xf32>
      %convert_element_type3A_2705 = arith.extui %gt3A_2704 : vector<16xi1> to vector<16xi32>
      %convert_element_type3A_2706 = arith.sitofp %convert_element_type3A_2705 : vector<16xi32> to vector<16xf32>
      %add3A_2707 = arith.addf %add3A_2702, %convert_element_type3A_2706 : vector<16xf32>
      %sub3A_2708 = arith.subf %sub3A_2628, %convert_element_type3A_2706 : vector<16xf32>
      %gt3A_2709 = arith.cmpf ogt, %get3A_1773, %get3A_1745 : vector<16xf32>
      %convert_element_type3A_2710 = arith.extui %gt3A_2709 : vector<16xi1> to vector<16xi32>
      %convert_element_type3A_2711 = arith.sitofp %convert_element_type3A_2710 : vector<16xi32> to vector<16xf32>
      %add3A_2712 = arith.addf %add3A_2707, %convert_element_type3A_2711 : vector<16xf32>
      %sub3A_2713 = arith.subf %sub3A_2633, %convert_element_type3A_2711 : vector<16xf32>
      %gt3A_2714 = arith.cmpf ogt, %get3A_1777, %get3A_1745 : vector<16xf32>
      %convert_element_type3A_2715 = arith.extui %gt3A_2714 : vector<16xi1> to vector<16xi32>
      %convert_element_type3A_2716 = arith.sitofp %convert_element_type3A_2715 : vector<16xi32> to vector<16xf32>
      %add3A_2717 = arith.addf %add3A_2712, %convert_element_type3A_2716 : vector<16xf32>
      %sub3A_2718 = arith.subf %sub3A_2638, %convert_element_type3A_2716 : vector<16xf32>
      %gt3A_2719 = arith.cmpf ogt, %get3A_1781, %get3A_1745 : vector<16xf32>
      %convert_element_type3A_2720 = arith.extui %gt3A_2719 : vector<16xi1> to vector<16xi32>
      %convert_element_type3A_2721 = arith.sitofp %convert_element_type3A_2720 : vector<16xi32> to vector<16xf32>
      %add3A_2722 = arith.addf %add3A_2717, %convert_element_type3A_2721 : vector<16xf32>
      %sub3A_2723 = arith.subf %sub3A_2643, %convert_element_type3A_2721 : vector<16xf32>
      %gt3A_2724 = arith.cmpf ogt, %get3A_1785, %get3A_1745 : vector<16xf32>
      %convert_element_type3A_2725 = arith.extui %gt3A_2724 : vector<16xi1> to vector<16xi32>
      %convert_element_type3A_2726 = arith.sitofp %convert_element_type3A_2725 : vector<16xi32> to vector<16xf32>
      %add3A_2727 = arith.addf %add3A_2722, %convert_element_type3A_2726 : vector<16xf32>
      %sub3A_2728 = arith.subf %sub3A_2648, %convert_element_type3A_2726 : vector<16xf32>
      %gt3A_2729 = arith.cmpf ogt, %get3A_1789, %get3A_1745 : vector<16xf32>
      %convert_element_type3A_2730 = arith.extui %gt3A_2729 : vector<16xi1> to vector<16xi32>
      %convert_element_type3A_2731 = arith.sitofp %convert_element_type3A_2730 : vector<16xi32> to vector<16xf32>
      %add3A_2732 = arith.addf %add3A_2727, %convert_element_type3A_2731 : vector<16xf32>
      %sub3A_2733 = arith.subf %sub3A_2653, %convert_element_type3A_2731 : vector<16xf32>
      %gt3A_2734 = arith.cmpf ogt, %get3A_1793, %get3A_1745 : vector<16xf32>
      %convert_element_type3A_2735 = arith.extui %gt3A_2734 : vector<16xi1> to vector<16xi32>
      %convert_element_type3A_2736 = arith.sitofp %convert_element_type3A_2735 : vector<16xi32> to vector<16xf32>
      %add3A_2737 = arith.addf %add3A_2732, %convert_element_type3A_2736 : vector<16xf32>
      %sub3A_2738 = arith.subf %sub3A_2658, %convert_element_type3A_2736 : vector<16xf32>
      %gt3A_2739 = arith.cmpf ogt, %get3A_1797, %get3A_1745 : vector<16xf32>
      %convert_element_type3A_2740 = arith.extui %gt3A_2739 : vector<16xi1> to vector<16xi32>
      %convert_element_type3A_2741 = arith.sitofp %convert_element_type3A_2740 : vector<16xi32> to vector<16xf32>
      %add3A_2742 = arith.addf %add3A_2737, %convert_element_type3A_2741 : vector<16xf32>
      %sub3A_2743 = arith.subf %sub3A_2663, %convert_element_type3A_2741 : vector<16xf32>
      %gt3A_2744 = arith.cmpf ogt, %get3A_1801, %get3A_1745 : vector<16xf32>
      %convert_element_type3A_2745 = arith.extui %gt3A_2744 : vector<16xi1> to vector<16xi32>
      %convert_element_type3A_2746 = arith.sitofp %convert_element_type3A_2745 : vector<16xi32> to vector<16xf32>
      %add3A_2747 = arith.addf %add3A_2742, %convert_element_type3A_2746 : vector<16xf32>
      %sub3A_2748 = arith.subf %sub3A_2668, %convert_element_type3A_2746 : vector<16xf32>
      %gt3A_2749 = arith.cmpf ogt, %get3A_1805, %get3A_1745 : vector<16xf32>
      %convert_element_type3A_2750 = arith.extui %gt3A_2749 : vector<16xi1> to vector<16xi32>
      %convert_element_type3A_2751 = arith.sitofp %convert_element_type3A_2750 : vector<16xi32> to vector<16xf32>
      %add3A_2752 = arith.addf %add3A_2747, %convert_element_type3A_2751 : vector<16xf32>
      %sub3A_2753 = arith.subf %sub3A_2673, %convert_element_type3A_2751 : vector<16xf32>
      %gt3A_2754 = arith.cmpf ogt, %get3A_1809, %get3A_1745 : vector<16xf32>
      %convert_element_type3A_2755 = arith.extui %gt3A_2754 : vector<16xi1> to vector<16xi32>
      %convert_element_type3A_2756 = arith.sitofp %convert_element_type3A_2755 : vector<16xi32> to vector<16xf32>
      %add3A_2757 = arith.addf %add3A_2752, %convert_element_type3A_2756 : vector<16xf32>
      %sub3A_2758 = arith.subf %sub3A_2678, %convert_element_type3A_2756 : vector<16xf32>
      %gt3A_2759 = arith.cmpf ogt, %get3A_1753, %get3A_1749 : vector<16xf32>
      %convert_element_type3A_2760 = arith.extui %gt3A_2759 : vector<16xi1> to vector<16xi32>
      %convert_element_type3A_2761 = arith.sitofp %convert_element_type3A_2760 : vector<16xi32> to vector<16xf32>
      %add3A_2762 = arith.addf %sub3A_2683, %convert_element_type3A_2761 : vector<16xf32>
      %sub3A_2763 = arith.subf %sub3A_2688, %convert_element_type3A_2761 : vector<16xf32>
      %gt3A_2764 = arith.cmpf ogt, %get3A_1757, %get3A_1749 : vector<16xf32>
      %convert_element_type3A_2765 = arith.extui %gt3A_2764 : vector<16xi1> to vector<16xi32>
      %convert_element_type3A_2766 = arith.sitofp %convert_element_type3A_2765 : vector<16xi32> to vector<16xf32>
      %add3A_2767 = arith.addf %add3A_2762, %convert_element_type3A_2766 : vector<16xf32>
      %sub3A_2768 = arith.subf %sub3A_2693, %convert_element_type3A_2766 : vector<16xf32>
      %gt3A_2769 = arith.cmpf ogt, %get3A_1761, %get3A_1749 : vector<16xf32>
      %convert_element_type3A_2770 = arith.extui %gt3A_2769 : vector<16xi1> to vector<16xi32>
      %convert_element_type3A_2771 = arith.sitofp %convert_element_type3A_2770 : vector<16xi32> to vector<16xf32>
      %add3A_2772 = arith.addf %add3A_2767, %convert_element_type3A_2771 : vector<16xf32>
      %sub3A_2773 = arith.subf %sub3A_2698, %convert_element_type3A_2771 : vector<16xf32>
      %gt3A_2774 = arith.cmpf ogt, %get3A_1765, %get3A_1749 : vector<16xf32>
      %convert_element_type3A_2775 = arith.extui %gt3A_2774 : vector<16xi1> to vector<16xi32>
      %convert_element_type3A_2776 = arith.sitofp %convert_element_type3A_2775 : vector<16xi32> to vector<16xf32>
      %add3A_2777 = arith.addf %add3A_2772, %convert_element_type3A_2776 : vector<16xf32>
      %sub3A_2778 = arith.subf %sub3A_2703, %convert_element_type3A_2776 : vector<16xf32>
      %gt3A_2779 = arith.cmpf ogt, %get3A_1769, %get3A_1749 : vector<16xf32>
      %convert_element_type3A_2780 = arith.extui %gt3A_2779 : vector<16xi1> to vector<16xi32>
      %convert_element_type3A_2781 = arith.sitofp %convert_element_type3A_2780 : vector<16xi32> to vector<16xf32>
      %add3A_2782 = arith.addf %add3A_2777, %convert_element_type3A_2781 : vector<16xf32>
      %sub3A_2783 = arith.subf %sub3A_2708, %convert_element_type3A_2781 : vector<16xf32>
      %gt3A_2784 = arith.cmpf ogt, %get3A_1773, %get3A_1749 : vector<16xf32>
      %convert_element_type3A_2785 = arith.extui %gt3A_2784 : vector<16xi1> to vector<16xi32>
      %convert_element_type3A_2786 = arith.sitofp %convert_element_type3A_2785 : vector<16xi32> to vector<16xf32>
      %add3A_2787 = arith.addf %add3A_2782, %convert_element_type3A_2786 : vector<16xf32>
      %sub3A_2788 = arith.subf %sub3A_2713, %convert_element_type3A_2786 : vector<16xf32>
      %gt3A_2789 = arith.cmpf ogt, %get3A_1777, %get3A_1749 : vector<16xf32>
      %convert_element_type3A_2790 = arith.extui %gt3A_2789 : vector<16xi1> to vector<16xi32>
      %convert_element_type3A_2791 = arith.sitofp %convert_element_type3A_2790 : vector<16xi32> to vector<16xf32>
      %add3A_2792 = arith.addf %add3A_2787, %convert_element_type3A_2791 : vector<16xf32>
      %sub3A_2793 = arith.subf %sub3A_2718, %convert_element_type3A_2791 : vector<16xf32>
      %gt3A_2794 = arith.cmpf ogt, %get3A_1781, %get3A_1749 : vector<16xf32>
      %convert_element_type3A_2795 = arith.extui %gt3A_2794 : vector<16xi1> to vector<16xi32>
      %convert_element_type3A_2796 = arith.sitofp %convert_element_type3A_2795 : vector<16xi32> to vector<16xf32>
      %add3A_2797 = arith.addf %add3A_2792, %convert_element_type3A_2796 : vector<16xf32>
      %sub3A_2798 = arith.subf %sub3A_2723, %convert_element_type3A_2796 : vector<16xf32>
      %gt3A_2799 = arith.cmpf ogt, %get3A_1785, %get3A_1749 : vector<16xf32>
      %convert_element_type3A_2800 = arith.extui %gt3A_2799 : vector<16xi1> to vector<16xi32>
      %convert_element_type3A_2801 = arith.sitofp %convert_element_type3A_2800 : vector<16xi32> to vector<16xf32>
      %add3A_2802 = arith.addf %add3A_2797, %convert_element_type3A_2801 : vector<16xf32>
      %sub3A_2803 = arith.subf %sub3A_2728, %convert_element_type3A_2801 : vector<16xf32>
      %gt3A_2804 = arith.cmpf ogt, %get3A_1789, %get3A_1749 : vector<16xf32>
      %convert_element_type3A_2805 = arith.extui %gt3A_2804 : vector<16xi1> to vector<16xi32>
      %convert_element_type3A_2806 = arith.sitofp %convert_element_type3A_2805 : vector<16xi32> to vector<16xf32>
      %add3A_2807 = arith.addf %add3A_2802, %convert_element_type3A_2806 : vector<16xf32>
      %sub3A_2808 = arith.subf %sub3A_2733, %convert_element_type3A_2806 : vector<16xf32>
      %gt3A_2809 = arith.cmpf ogt, %get3A_1793, %get3A_1749 : vector<16xf32>
      %convert_element_type3A_2810 = arith.extui %gt3A_2809 : vector<16xi1> to vector<16xi32>
      %convert_element_type3A_2811 = arith.sitofp %convert_element_type3A_2810 : vector<16xi32> to vector<16xf32>
      %add3A_2812 = arith.addf %add3A_2807, %convert_element_type3A_2811 : vector<16xf32>
      %sub3A_2813 = arith.subf %sub3A_2738, %convert_element_type3A_2811 : vector<16xf32>
      %gt3A_2814 = arith.cmpf ogt, %get3A_1797, %get3A_1749 : vector<16xf32>
      %convert_element_type3A_2815 = arith.extui %gt3A_2814 : vector<16xi1> to vector<16xi32>
      %convert_element_type3A_2816 = arith.sitofp %convert_element_type3A_2815 : vector<16xi32> to vector<16xf32>
      %add3A_2817 = arith.addf %add3A_2812, %convert_element_type3A_2816 : vector<16xf32>
      %sub3A_2818 = arith.subf %sub3A_2743, %convert_element_type3A_2816 : vector<16xf32>
      %gt3A_2819 = arith.cmpf ogt, %get3A_1801, %get3A_1749 : vector<16xf32>
      %convert_element_type3A_2820 = arith.extui %gt3A_2819 : vector<16xi1> to vector<16xi32>
      %convert_element_type3A_2821 = arith.sitofp %convert_element_type3A_2820 : vector<16xi32> to vector<16xf32>
      %add3A_2822 = arith.addf %add3A_2817, %convert_element_type3A_2821 : vector<16xf32>
      %sub3A_2823 = arith.subf %sub3A_2748, %convert_element_type3A_2821 : vector<16xf32>
      %gt3A_2824 = arith.cmpf ogt, %get3A_1805, %get3A_1749 : vector<16xf32>
      %convert_element_type3A_2825 = arith.extui %gt3A_2824 : vector<16xi1> to vector<16xi32>
      %convert_element_type3A_2826 = arith.sitofp %convert_element_type3A_2825 : vector<16xi32> to vector<16xf32>
      %add3A_2827 = arith.addf %add3A_2822, %convert_element_type3A_2826 : vector<16xf32>
      %sub3A_2828 = arith.subf %sub3A_2753, %convert_element_type3A_2826 : vector<16xf32>
      %gt3A_2829 = arith.cmpf ogt, %get3A_1809, %get3A_1749 : vector<16xf32>
      %convert_element_type3A_2830 = arith.extui %gt3A_2829 : vector<16xi1> to vector<16xi32>
      %convert_element_type3A_2831 = arith.sitofp %convert_element_type3A_2830 : vector<16xi32> to vector<16xf32>
      %add3A_2832 = arith.addf %add3A_2827, %convert_element_type3A_2831 : vector<16xf32>
      %sub3A_2833 = arith.subf %sub3A_2758, %convert_element_type3A_2831 : vector<16xf32>
      %gt3A_2834 = arith.cmpf ogt, %get3A_1757, %get3A_1753 : vector<16xf32>
      %convert_element_type3A_2835 = arith.extui %gt3A_2834 : vector<16xi1> to vector<16xi32>
      %convert_element_type3A_2836 = arith.sitofp %convert_element_type3A_2835 : vector<16xi32> to vector<16xf32>
      %add3A_2837 = arith.addf %sub3A_2763, %convert_element_type3A_2836 : vector<16xf32>
      %sub3A_2838 = arith.subf %sub3A_2768, %convert_element_type3A_2836 : vector<16xf32>
      %gt3A_2839 = arith.cmpf ogt, %get3A_1761, %get3A_1753 : vector<16xf32>
      %convert_element_type3A_2840 = arith.extui %gt3A_2839 : vector<16xi1> to vector<16xi32>
      %convert_element_type3A_2841 = arith.sitofp %convert_element_type3A_2840 : vector<16xi32> to vector<16xf32>
      %add3A_2842 = arith.addf %add3A_2837, %convert_element_type3A_2841 : vector<16xf32>
      %sub3A_2843 = arith.subf %sub3A_2773, %convert_element_type3A_2841 : vector<16xf32>
      %gt3A_2844 = arith.cmpf ogt, %get3A_1765, %get3A_1753 : vector<16xf32>
      %convert_element_type3A_2845 = arith.extui %gt3A_2844 : vector<16xi1> to vector<16xi32>
      %convert_element_type3A_2846 = arith.sitofp %convert_element_type3A_2845 : vector<16xi32> to vector<16xf32>
      %add3A_2847 = arith.addf %add3A_2842, %convert_element_type3A_2846 : vector<16xf32>
      %sub3A_2848 = arith.subf %sub3A_2778, %convert_element_type3A_2846 : vector<16xf32>
      %gt3A_2849 = arith.cmpf ogt, %get3A_1769, %get3A_1753 : vector<16xf32>
      %convert_element_type3A_2850 = arith.extui %gt3A_2849 : vector<16xi1> to vector<16xi32>
      %convert_element_type3A_2851 = arith.sitofp %convert_element_type3A_2850 : vector<16xi32> to vector<16xf32>
      %add3A_2852 = arith.addf %add3A_2847, %convert_element_type3A_2851 : vector<16xf32>
      %sub3A_2853 = arith.subf %sub3A_2783, %convert_element_type3A_2851 : vector<16xf32>
      %gt3A_2854 = arith.cmpf ogt, %get3A_1773, %get3A_1753 : vector<16xf32>
      %convert_element_type3A_2855 = arith.extui %gt3A_2854 : vector<16xi1> to vector<16xi32>
      %convert_element_type3A_2856 = arith.sitofp %convert_element_type3A_2855 : vector<16xi32> to vector<16xf32>
      %add3A_2857 = arith.addf %add3A_2852, %convert_element_type3A_2856 : vector<16xf32>
      %sub3A_2858 = arith.subf %sub3A_2788, %convert_element_type3A_2856 : vector<16xf32>
      %gt3A_2859 = arith.cmpf ogt, %get3A_1777, %get3A_1753 : vector<16xf32>
      %convert_element_type3A_2860 = arith.extui %gt3A_2859 : vector<16xi1> to vector<16xi32>
      %convert_element_type3A_2861 = arith.sitofp %convert_element_type3A_2860 : vector<16xi32> to vector<16xf32>
      %add3A_2862 = arith.addf %add3A_2857, %convert_element_type3A_2861 : vector<16xf32>
      %sub3A_2863 = arith.subf %sub3A_2793, %convert_element_type3A_2861 : vector<16xf32>
      %gt3A_2864 = arith.cmpf ogt, %get3A_1781, %get3A_1753 : vector<16xf32>
      %convert_element_type3A_2865 = arith.extui %gt3A_2864 : vector<16xi1> to vector<16xi32>
      %convert_element_type3A_2866 = arith.sitofp %convert_element_type3A_2865 : vector<16xi32> to vector<16xf32>
      %add3A_2867 = arith.addf %add3A_2862, %convert_element_type3A_2866 : vector<16xf32>
      %sub3A_2868 = arith.subf %sub3A_2798, %convert_element_type3A_2866 : vector<16xf32>
      %gt3A_2869 = arith.cmpf ogt, %get3A_1785, %get3A_1753 : vector<16xf32>
      %convert_element_type3A_2870 = arith.extui %gt3A_2869 : vector<16xi1> to vector<16xi32>
      %convert_element_type3A_2871 = arith.sitofp %convert_element_type3A_2870 : vector<16xi32> to vector<16xf32>
      %add3A_2872 = arith.addf %add3A_2867, %convert_element_type3A_2871 : vector<16xf32>
      %sub3A_2873 = arith.subf %sub3A_2803, %convert_element_type3A_2871 : vector<16xf32>
      %gt3A_2874 = arith.cmpf ogt, %get3A_1789, %get3A_1753 : vector<16xf32>
      %convert_element_type3A_2875 = arith.extui %gt3A_2874 : vector<16xi1> to vector<16xi32>
      %convert_element_type3A_2876 = arith.sitofp %convert_element_type3A_2875 : vector<16xi32> to vector<16xf32>
      %add3A_2877 = arith.addf %add3A_2872, %convert_element_type3A_2876 : vector<16xf32>
      %sub3A_2878 = arith.subf %sub3A_2808, %convert_element_type3A_2876 : vector<16xf32>
      %gt3A_2879 = arith.cmpf ogt, %get3A_1793, %get3A_1753 : vector<16xf32>
      %convert_element_type3A_2880 = arith.extui %gt3A_2879 : vector<16xi1> to vector<16xi32>
      %convert_element_type3A_2881 = arith.sitofp %convert_element_type3A_2880 : vector<16xi32> to vector<16xf32>
      %add3A_2882 = arith.addf %add3A_2877, %convert_element_type3A_2881 : vector<16xf32>
      %sub3A_2883 = arith.subf %sub3A_2813, %convert_element_type3A_2881 : vector<16xf32>
      %gt3A_2884 = arith.cmpf ogt, %get3A_1797, %get3A_1753 : vector<16xf32>
      %convert_element_type3A_2885 = arith.extui %gt3A_2884 : vector<16xi1> to vector<16xi32>
      %convert_element_type3A_2886 = arith.sitofp %convert_element_type3A_2885 : vector<16xi32> to vector<16xf32>
      %add3A_2887 = arith.addf %add3A_2882, %convert_element_type3A_2886 : vector<16xf32>
      %sub3A_2888 = arith.subf %sub3A_2818, %convert_element_type3A_2886 : vector<16xf32>
      %gt3A_2889 = arith.cmpf ogt, %get3A_1801, %get3A_1753 : vector<16xf32>
      %convert_element_type3A_2890 = arith.extui %gt3A_2889 : vector<16xi1> to vector<16xi32>
      %convert_element_type3A_2891 = arith.sitofp %convert_element_type3A_2890 : vector<16xi32> to vector<16xf32>
      %add3A_2892 = arith.addf %add3A_2887, %convert_element_type3A_2891 : vector<16xf32>
      %sub3A_2893 = arith.subf %sub3A_2823, %convert_element_type3A_2891 : vector<16xf32>
      %gt3A_2894 = arith.cmpf ogt, %get3A_1805, %get3A_1753 : vector<16xf32>
      %convert_element_type3A_2895 = arith.extui %gt3A_2894 : vector<16xi1> to vector<16xi32>
      %convert_element_type3A_2896 = arith.sitofp %convert_element_type3A_2895 : vector<16xi32> to vector<16xf32>
      %add3A_2897 = arith.addf %add3A_2892, %convert_element_type3A_2896 : vector<16xf32>
      %sub3A_2898 = arith.subf %sub3A_2828, %convert_element_type3A_2896 : vector<16xf32>
      %gt3A_2899 = arith.cmpf ogt, %get3A_1809, %get3A_1753 : vector<16xf32>
      %convert_element_type3A_2900 = arith.extui %gt3A_2899 : vector<16xi1> to vector<16xi32>
      %convert_element_type3A_2901 = arith.sitofp %convert_element_type3A_2900 : vector<16xi32> to vector<16xf32>
      %add3A_2902 = arith.addf %add3A_2897, %convert_element_type3A_2901 : vector<16xf32>
      %sub3A_2903 = arith.subf %sub3A_2833, %convert_element_type3A_2901 : vector<16xf32>
      %gt3A_2904 = arith.cmpf ogt, %get3A_1761, %get3A_1757 : vector<16xf32>
      %convert_element_type3A_2905 = arith.extui %gt3A_2904 : vector<16xi1> to vector<16xi32>
      %convert_element_type3A_2906 = arith.sitofp %convert_element_type3A_2905 : vector<16xi32> to vector<16xf32>
      %add3A_2907 = arith.addf %sub3A_2838, %convert_element_type3A_2906 : vector<16xf32>
      %sub3A_2908 = arith.subf %sub3A_2843, %convert_element_type3A_2906 : vector<16xf32>
      %gt3A_2909 = arith.cmpf ogt, %get3A_1765, %get3A_1757 : vector<16xf32>
      %convert_element_type3A_2910 = arith.extui %gt3A_2909 : vector<16xi1> to vector<16xi32>
      %convert_element_type3A_2911 = arith.sitofp %convert_element_type3A_2910 : vector<16xi32> to vector<16xf32>
      %add3A_2912 = arith.addf %add3A_2907, %convert_element_type3A_2911 : vector<16xf32>
      %sub3A_2913 = arith.subf %sub3A_2848, %convert_element_type3A_2911 : vector<16xf32>
      %gt3A_2914 = arith.cmpf ogt, %get3A_1769, %get3A_1757 : vector<16xf32>
      %convert_element_type3A_2915 = arith.extui %gt3A_2914 : vector<16xi1> to vector<16xi32>
      %convert_element_type3A_2916 = arith.sitofp %convert_element_type3A_2915 : vector<16xi32> to vector<16xf32>
      %add3A_2917 = arith.addf %add3A_2912, %convert_element_type3A_2916 : vector<16xf32>
      %sub3A_2918 = arith.subf %sub3A_2853, %convert_element_type3A_2916 : vector<16xf32>
      %gt3A_2919 = arith.cmpf ogt, %get3A_1773, %get3A_1757 : vector<16xf32>
      %convert_element_type3A_2920 = arith.extui %gt3A_2919 : vector<16xi1> to vector<16xi32>
      %convert_element_type3A_2921 = arith.sitofp %convert_element_type3A_2920 : vector<16xi32> to vector<16xf32>
      %add3A_2922 = arith.addf %add3A_2917, %convert_element_type3A_2921 : vector<16xf32>
      %sub3A_2923 = arith.subf %sub3A_2858, %convert_element_type3A_2921 : vector<16xf32>
      %gt3A_2924 = arith.cmpf ogt, %get3A_1777, %get3A_1757 : vector<16xf32>
      %convert_element_type3A_2925 = arith.extui %gt3A_2924 : vector<16xi1> to vector<16xi32>
      %convert_element_type3A_2926 = arith.sitofp %convert_element_type3A_2925 : vector<16xi32> to vector<16xf32>
      %add3A_2927 = arith.addf %add3A_2922, %convert_element_type3A_2926 : vector<16xf32>
      %sub3A_2928 = arith.subf %sub3A_2863, %convert_element_type3A_2926 : vector<16xf32>
      %gt3A_2929 = arith.cmpf ogt, %get3A_1781, %get3A_1757 : vector<16xf32>
      %convert_element_type3A_2930 = arith.extui %gt3A_2929 : vector<16xi1> to vector<16xi32>
      %convert_element_type3A_2931 = arith.sitofp %convert_element_type3A_2930 : vector<16xi32> to vector<16xf32>
      %add3A_2932 = arith.addf %add3A_2927, %convert_element_type3A_2931 : vector<16xf32>
      %sub3A_2933 = arith.subf %sub3A_2868, %convert_element_type3A_2931 : vector<16xf32>
      %gt3A_2934 = arith.cmpf ogt, %get3A_1785, %get3A_1757 : vector<16xf32>
      %convert_element_type3A_2935 = arith.extui %gt3A_2934 : vector<16xi1> to vector<16xi32>
      %convert_element_type3A_2936 = arith.sitofp %convert_element_type3A_2935 : vector<16xi32> to vector<16xf32>
      %add3A_2937 = arith.addf %add3A_2932, %convert_element_type3A_2936 : vector<16xf32>
      %sub3A_2938 = arith.subf %sub3A_2873, %convert_element_type3A_2936 : vector<16xf32>
      %gt3A_2939 = arith.cmpf ogt, %get3A_1789, %get3A_1757 : vector<16xf32>
      %convert_element_type3A_2940 = arith.extui %gt3A_2939 : vector<16xi1> to vector<16xi32>
      %convert_element_type3A_2941 = arith.sitofp %convert_element_type3A_2940 : vector<16xi32> to vector<16xf32>
      %add3A_2942 = arith.addf %add3A_2937, %convert_element_type3A_2941 : vector<16xf32>
      %sub3A_2943 = arith.subf %sub3A_2878, %convert_element_type3A_2941 : vector<16xf32>
      %gt3A_2944 = arith.cmpf ogt, %get3A_1793, %get3A_1757 : vector<16xf32>
      %convert_element_type3A_2945 = arith.extui %gt3A_2944 : vector<16xi1> to vector<16xi32>
      %convert_element_type3A_2946 = arith.sitofp %convert_element_type3A_2945 : vector<16xi32> to vector<16xf32>
      %add3A_2947 = arith.addf %add3A_2942, %convert_element_type3A_2946 : vector<16xf32>
      %sub3A_2948 = arith.subf %sub3A_2883, %convert_element_type3A_2946 : vector<16xf32>
      %gt3A_2949 = arith.cmpf ogt, %get3A_1797, %get3A_1757 : vector<16xf32>
      %convert_element_type3A_2950 = arith.extui %gt3A_2949 : vector<16xi1> to vector<16xi32>
      %convert_element_type3A_2951 = arith.sitofp %convert_element_type3A_2950 : vector<16xi32> to vector<16xf32>
      %add3A_2952 = arith.addf %add3A_2947, %convert_element_type3A_2951 : vector<16xf32>
      %sub3A_2953 = arith.subf %sub3A_2888, %convert_element_type3A_2951 : vector<16xf32>
      %gt3A_2954 = arith.cmpf ogt, %get3A_1801, %get3A_1757 : vector<16xf32>
      %convert_element_type3A_2955 = arith.extui %gt3A_2954 : vector<16xi1> to vector<16xi32>
      %convert_element_type3A_2956 = arith.sitofp %convert_element_type3A_2955 : vector<16xi32> to vector<16xf32>
      %add3A_2957 = arith.addf %add3A_2952, %convert_element_type3A_2956 : vector<16xf32>
      %sub3A_2958 = arith.subf %sub3A_2893, %convert_element_type3A_2956 : vector<16xf32>
      %gt3A_2959 = arith.cmpf ogt, %get3A_1805, %get3A_1757 : vector<16xf32>
      %convert_element_type3A_2960 = arith.extui %gt3A_2959 : vector<16xi1> to vector<16xi32>
      %convert_element_type3A_2961 = arith.sitofp %convert_element_type3A_2960 : vector<16xi32> to vector<16xf32>
      %add3A_2962 = arith.addf %add3A_2957, %convert_element_type3A_2961 : vector<16xf32>
      %sub3A_2963 = arith.subf %sub3A_2898, %convert_element_type3A_2961 : vector<16xf32>
      %gt3A_2964 = arith.cmpf ogt, %get3A_1809, %get3A_1757 : vector<16xf32>
      %convert_element_type3A_2965 = arith.extui %gt3A_2964 : vector<16xi1> to vector<16xi32>
      %convert_element_type3A_2966 = arith.sitofp %convert_element_type3A_2965 : vector<16xi32> to vector<16xf32>
      %add3A_2967 = arith.addf %add3A_2962, %convert_element_type3A_2966 : vector<16xf32>
      %sub3A_2968 = arith.subf %sub3A_2903, %convert_element_type3A_2966 : vector<16xf32>
      %gt3A_2969 = arith.cmpf ogt, %get3A_1765, %get3A_1761 : vector<16xf32>
      %convert_element_type3A_2970 = arith.extui %gt3A_2969 : vector<16xi1> to vector<16xi32>
      %convert_element_type3A_2971 = arith.sitofp %convert_element_type3A_2970 : vector<16xi32> to vector<16xf32>
      %add3A_2972 = arith.addf %sub3A_2908, %convert_element_type3A_2971 : vector<16xf32>
      %sub3A_2973 = arith.subf %sub3A_2913, %convert_element_type3A_2971 : vector<16xf32>
      %gt3A_2974 = arith.cmpf ogt, %get3A_1769, %get3A_1761 : vector<16xf32>
      %convert_element_type3A_2975 = arith.extui %gt3A_2974 : vector<16xi1> to vector<16xi32>
      %convert_element_type3A_2976 = arith.sitofp %convert_element_type3A_2975 : vector<16xi32> to vector<16xf32>
      %add3A_2977 = arith.addf %add3A_2972, %convert_element_type3A_2976 : vector<16xf32>
      %sub3A_2978 = arith.subf %sub3A_2918, %convert_element_type3A_2976 : vector<16xf32>
      %gt3A_2979 = arith.cmpf ogt, %get3A_1773, %get3A_1761 : vector<16xf32>
      %convert_element_type3A_2980 = arith.extui %gt3A_2979 : vector<16xi1> to vector<16xi32>
      %convert_element_type3A_2981 = arith.sitofp %convert_element_type3A_2980 : vector<16xi32> to vector<16xf32>
      %add3A_2982 = arith.addf %add3A_2977, %convert_element_type3A_2981 : vector<16xf32>
      %sub3A_2983 = arith.subf %sub3A_2923, %convert_element_type3A_2981 : vector<16xf32>
      %gt3A_2984 = arith.cmpf ogt, %get3A_1777, %get3A_1761 : vector<16xf32>
      %convert_element_type3A_2985 = arith.extui %gt3A_2984 : vector<16xi1> to vector<16xi32>
      %convert_element_type3A_2986 = arith.sitofp %convert_element_type3A_2985 : vector<16xi32> to vector<16xf32>
      %add3A_2987 = arith.addf %add3A_2982, %convert_element_type3A_2986 : vector<16xf32>
      %sub3A_2988 = arith.subf %sub3A_2928, %convert_element_type3A_2986 : vector<16xf32>
      %gt3A_2989 = arith.cmpf ogt, %get3A_1781, %get3A_1761 : vector<16xf32>
      %convert_element_type3A_2990 = arith.extui %gt3A_2989 : vector<16xi1> to vector<16xi32>
      %convert_element_type3A_2991 = arith.sitofp %convert_element_type3A_2990 : vector<16xi32> to vector<16xf32>
      %add3A_2992 = arith.addf %add3A_2987, %convert_element_type3A_2991 : vector<16xf32>
      %sub3A_2993 = arith.subf %sub3A_2933, %convert_element_type3A_2991 : vector<16xf32>
      %gt3A_2994 = arith.cmpf ogt, %get3A_1785, %get3A_1761 : vector<16xf32>
      %convert_element_type3A_2995 = arith.extui %gt3A_2994 : vector<16xi1> to vector<16xi32>
      %convert_element_type3A_2996 = arith.sitofp %convert_element_type3A_2995 : vector<16xi32> to vector<16xf32>
      %add3A_2997 = arith.addf %add3A_2992, %convert_element_type3A_2996 : vector<16xf32>
      %sub3A_2998 = arith.subf %sub3A_2938, %convert_element_type3A_2996 : vector<16xf32>
      %gt3A_2999 = arith.cmpf ogt, %get3A_1789, %get3A_1761 : vector<16xf32>
      %convert_element_type3A_3000 = arith.extui %gt3A_2999 : vector<16xi1> to vector<16xi32>
      %convert_element_type3A_3001 = arith.sitofp %convert_element_type3A_3000 : vector<16xi32> to vector<16xf32>
      %add3A_3002 = arith.addf %add3A_2997, %convert_element_type3A_3001 : vector<16xf32>
      %sub3A_3003 = arith.subf %sub3A_2943, %convert_element_type3A_3001 : vector<16xf32>
      %gt3A_3004 = arith.cmpf ogt, %get3A_1793, %get3A_1761 : vector<16xf32>
      %convert_element_type3A_3005 = arith.extui %gt3A_3004 : vector<16xi1> to vector<16xi32>
      %convert_element_type3A_3006 = arith.sitofp %convert_element_type3A_3005 : vector<16xi32> to vector<16xf32>
      %add3A_3007 = arith.addf %add3A_3002, %convert_element_type3A_3006 : vector<16xf32>
      %sub3A_3008 = arith.subf %sub3A_2948, %convert_element_type3A_3006 : vector<16xf32>
      %gt3A_3009 = arith.cmpf ogt, %get3A_1797, %get3A_1761 : vector<16xf32>
      %convert_element_type3A_3010 = arith.extui %gt3A_3009 : vector<16xi1> to vector<16xi32>
      %convert_element_type3A_3011 = arith.sitofp %convert_element_type3A_3010 : vector<16xi32> to vector<16xf32>
      %add3A_3012 = arith.addf %add3A_3007, %convert_element_type3A_3011 : vector<16xf32>
      %sub3A_3013 = arith.subf %sub3A_2953, %convert_element_type3A_3011 : vector<16xf32>
      %gt3A_3014 = arith.cmpf ogt, %get3A_1801, %get3A_1761 : vector<16xf32>
      %convert_element_type3A_3015 = arith.extui %gt3A_3014 : vector<16xi1> to vector<16xi32>
      %convert_element_type3A_3016 = arith.sitofp %convert_element_type3A_3015 : vector<16xi32> to vector<16xf32>
      %add3A_3017 = arith.addf %add3A_3012, %convert_element_type3A_3016 : vector<16xf32>
      %sub3A_3018 = arith.subf %sub3A_2958, %convert_element_type3A_3016 : vector<16xf32>
      %gt3A_3019 = arith.cmpf ogt, %get3A_1805, %get3A_1761 : vector<16xf32>
      %convert_element_type3A_3020 = arith.extui %gt3A_3019 : vector<16xi1> to vector<16xi32>
      %convert_element_type3A_3021 = arith.sitofp %convert_element_type3A_3020 : vector<16xi32> to vector<16xf32>
      %add3A_3022 = arith.addf %add3A_3017, %convert_element_type3A_3021 : vector<16xf32>
      %sub3A_3023 = arith.subf %sub3A_2963, %convert_element_type3A_3021 : vector<16xf32>
      %gt3A_3024 = arith.cmpf ogt, %get3A_1809, %get3A_1761 : vector<16xf32>
      %convert_element_type3A_3025 = arith.extui %gt3A_3024 : vector<16xi1> to vector<16xi32>
      %convert_element_type3A_3026 = arith.sitofp %convert_element_type3A_3025 : vector<16xi32> to vector<16xf32>
      %add3A_3027 = arith.addf %add3A_3022, %convert_element_type3A_3026 : vector<16xf32>
      %sub3A_3028 = arith.subf %sub3A_2968, %convert_element_type3A_3026 : vector<16xf32>
      %gt3A_3029 = arith.cmpf ogt, %get3A_1769, %get3A_1765 : vector<16xf32>
      %convert_element_type3A_3030 = arith.extui %gt3A_3029 : vector<16xi1> to vector<16xi32>
      %convert_element_type3A_3031 = arith.sitofp %convert_element_type3A_3030 : vector<16xi32> to vector<16xf32>
      %add3A_3032 = arith.addf %sub3A_2973, %convert_element_type3A_3031 : vector<16xf32>
      %sub3A_3033 = arith.subf %sub3A_2978, %convert_element_type3A_3031 : vector<16xf32>
      %gt3A_3034 = arith.cmpf ogt, %get3A_1773, %get3A_1765 : vector<16xf32>
      %convert_element_type3A_3035 = arith.extui %gt3A_3034 : vector<16xi1> to vector<16xi32>
      %convert_element_type3A_3036 = arith.sitofp %convert_element_type3A_3035 : vector<16xi32> to vector<16xf32>
      %add3A_3037 = arith.addf %add3A_3032, %convert_element_type3A_3036 : vector<16xf32>
      %sub3A_3038 = arith.subf %sub3A_2983, %convert_element_type3A_3036 : vector<16xf32>
      %gt3A_3039 = arith.cmpf ogt, %get3A_1777, %get3A_1765 : vector<16xf32>
      %convert_element_type3A_3040 = arith.extui %gt3A_3039 : vector<16xi1> to vector<16xi32>
      %convert_element_type3A_3041 = arith.sitofp %convert_element_type3A_3040 : vector<16xi32> to vector<16xf32>
      %add3A_3042 = arith.addf %add3A_3037, %convert_element_type3A_3041 : vector<16xf32>
      %sub3A_3043 = arith.subf %sub3A_2988, %convert_element_type3A_3041 : vector<16xf32>
      %gt3A_3044 = arith.cmpf ogt, %get3A_1781, %get3A_1765 : vector<16xf32>
      %convert_element_type3A_3045 = arith.extui %gt3A_3044 : vector<16xi1> to vector<16xi32>
      %convert_element_type3A_3046 = arith.sitofp %convert_element_type3A_3045 : vector<16xi32> to vector<16xf32>
      %add3A_3047 = arith.addf %add3A_3042, %convert_element_type3A_3046 : vector<16xf32>
      %sub3A_3048 = arith.subf %sub3A_2993, %convert_element_type3A_3046 : vector<16xf32>
      %gt3A_3049 = arith.cmpf ogt, %get3A_1785, %get3A_1765 : vector<16xf32>
      %convert_element_type3A_3050 = arith.extui %gt3A_3049 : vector<16xi1> to vector<16xi32>
      %convert_element_type3A_3051 = arith.sitofp %convert_element_type3A_3050 : vector<16xi32> to vector<16xf32>
      %add3A_3052 = arith.addf %add3A_3047, %convert_element_type3A_3051 : vector<16xf32>
      %sub3A_3053 = arith.subf %sub3A_2998, %convert_element_type3A_3051 : vector<16xf32>
      %gt3A_3054 = arith.cmpf ogt, %get3A_1789, %get3A_1765 : vector<16xf32>
      %convert_element_type3A_3055 = arith.extui %gt3A_3054 : vector<16xi1> to vector<16xi32>
      %convert_element_type3A_3056 = arith.sitofp %convert_element_type3A_3055 : vector<16xi32> to vector<16xf32>
      %add3A_3057 = arith.addf %add3A_3052, %convert_element_type3A_3056 : vector<16xf32>
      %sub3A_3058 = arith.subf %sub3A_3003, %convert_element_type3A_3056 : vector<16xf32>
      %gt3A_3059 = arith.cmpf ogt, %get3A_1793, %get3A_1765 : vector<16xf32>
      %convert_element_type3A_3060 = arith.extui %gt3A_3059 : vector<16xi1> to vector<16xi32>
      %convert_element_type3A_3061 = arith.sitofp %convert_element_type3A_3060 : vector<16xi32> to vector<16xf32>
      %add3A_3062 = arith.addf %add3A_3057, %convert_element_type3A_3061 : vector<16xf32>
      %sub3A_3063 = arith.subf %sub3A_3008, %convert_element_type3A_3061 : vector<16xf32>
      %gt3A_3064 = arith.cmpf ogt, %get3A_1797, %get3A_1765 : vector<16xf32>
      %convert_element_type3A_3065 = arith.extui %gt3A_3064 : vector<16xi1> to vector<16xi32>
      %convert_element_type3A_3066 = arith.sitofp %convert_element_type3A_3065 : vector<16xi32> to vector<16xf32>
      %add3A_3067 = arith.addf %add3A_3062, %convert_element_type3A_3066 : vector<16xf32>
      %sub3A_3068 = arith.subf %sub3A_3013, %convert_element_type3A_3066 : vector<16xf32>
      %gt3A_3069 = arith.cmpf ogt, %get3A_1801, %get3A_1765 : vector<16xf32>
      %convert_element_type3A_3070 = arith.extui %gt3A_3069 : vector<16xi1> to vector<16xi32>
      %convert_element_type3A_3071 = arith.sitofp %convert_element_type3A_3070 : vector<16xi32> to vector<16xf32>
      %add3A_3072 = arith.addf %add3A_3067, %convert_element_type3A_3071 : vector<16xf32>
      %sub3A_3073 = arith.subf %sub3A_3018, %convert_element_type3A_3071 : vector<16xf32>
      %gt3A_3074 = arith.cmpf ogt, %get3A_1805, %get3A_1765 : vector<16xf32>
      %convert_element_type3A_3075 = arith.extui %gt3A_3074 : vector<16xi1> to vector<16xi32>
      %convert_element_type3A_3076 = arith.sitofp %convert_element_type3A_3075 : vector<16xi32> to vector<16xf32>
      %add3A_3077 = arith.addf %add3A_3072, %convert_element_type3A_3076 : vector<16xf32>
      %sub3A_3078 = arith.subf %sub3A_3023, %convert_element_type3A_3076 : vector<16xf32>
      %gt3A_3079 = arith.cmpf ogt, %get3A_1809, %get3A_1765 : vector<16xf32>
      %convert_element_type3A_3080 = arith.extui %gt3A_3079 : vector<16xi1> to vector<16xi32>
      %convert_element_type3A_3081 = arith.sitofp %convert_element_type3A_3080 : vector<16xi32> to vector<16xf32>
      %add3A_3082 = arith.addf %add3A_3077, %convert_element_type3A_3081 : vector<16xf32>
      %sub3A_3083 = arith.subf %sub3A_3028, %convert_element_type3A_3081 : vector<16xf32>
      %gt3A_3084 = arith.cmpf ogt, %get3A_1773, %get3A_1769 : vector<16xf32>
      %convert_element_type3A_3085 = arith.extui %gt3A_3084 : vector<16xi1> to vector<16xi32>
      %convert_element_type3A_3086 = arith.sitofp %convert_element_type3A_3085 : vector<16xi32> to vector<16xf32>
      %add3A_3087 = arith.addf %sub3A_3033, %convert_element_type3A_3086 : vector<16xf32>
      %sub3A_3088 = arith.subf %sub3A_3038, %convert_element_type3A_3086 : vector<16xf32>
      %gt3A_3089 = arith.cmpf ogt, %get3A_1777, %get3A_1769 : vector<16xf32>
      %convert_element_type3A_3090 = arith.extui %gt3A_3089 : vector<16xi1> to vector<16xi32>
      %convert_element_type3A_3091 = arith.sitofp %convert_element_type3A_3090 : vector<16xi32> to vector<16xf32>
      %add3A_3092 = arith.addf %add3A_3087, %convert_element_type3A_3091 : vector<16xf32>
      %sub3A_3093 = arith.subf %sub3A_3043, %convert_element_type3A_3091 : vector<16xf32>
      %gt3A_3094 = arith.cmpf ogt, %get3A_1781, %get3A_1769 : vector<16xf32>
      %convert_element_type3A_3095 = arith.extui %gt3A_3094 : vector<16xi1> to vector<16xi32>
      %convert_element_type3A_3096 = arith.sitofp %convert_element_type3A_3095 : vector<16xi32> to vector<16xf32>
      %add3A_3097 = arith.addf %add3A_3092, %convert_element_type3A_3096 : vector<16xf32>
      %sub3A_3098 = arith.subf %sub3A_3048, %convert_element_type3A_3096 : vector<16xf32>
      %gt3A_3099 = arith.cmpf ogt, %get3A_1785, %get3A_1769 : vector<16xf32>
      %convert_element_type3A_3100 = arith.extui %gt3A_3099 : vector<16xi1> to vector<16xi32>
      %convert_element_type3A_3101 = arith.sitofp %convert_element_type3A_3100 : vector<16xi32> to vector<16xf32>
      %add3A_3102 = arith.addf %add3A_3097, %convert_element_type3A_3101 : vector<16xf32>
      %sub3A_3103 = arith.subf %sub3A_3053, %convert_element_type3A_3101 : vector<16xf32>
      %gt3A_3104 = arith.cmpf ogt, %get3A_1789, %get3A_1769 : vector<16xf32>
      %convert_element_type3A_3105 = arith.extui %gt3A_3104 : vector<16xi1> to vector<16xi32>
      %convert_element_type3A_3106 = arith.sitofp %convert_element_type3A_3105 : vector<16xi32> to vector<16xf32>
      %add3A_3107 = arith.addf %add3A_3102, %convert_element_type3A_3106 : vector<16xf32>
      %sub3A_3108 = arith.subf %sub3A_3058, %convert_element_type3A_3106 : vector<16xf32>
      %gt3A_3109 = arith.cmpf ogt, %get3A_1793, %get3A_1769 : vector<16xf32>
      %convert_element_type3A_3110 = arith.extui %gt3A_3109 : vector<16xi1> to vector<16xi32>
      %convert_element_type3A_3111 = arith.sitofp %convert_element_type3A_3110 : vector<16xi32> to vector<16xf32>
      %add3A_3112 = arith.addf %add3A_3107, %convert_element_type3A_3111 : vector<16xf32>
      %sub3A_3113 = arith.subf %sub3A_3063, %convert_element_type3A_3111 : vector<16xf32>
      %gt3A_3114 = arith.cmpf ogt, %get3A_1797, %get3A_1769 : vector<16xf32>
      %convert_element_type3A_3115 = arith.extui %gt3A_3114 : vector<16xi1> to vector<16xi32>
      %convert_element_type3A_3116 = arith.sitofp %convert_element_type3A_3115 : vector<16xi32> to vector<16xf32>
      %add3A_3117 = arith.addf %add3A_3112, %convert_element_type3A_3116 : vector<16xf32>
      %sub3A_3118 = arith.subf %sub3A_3068, %convert_element_type3A_3116 : vector<16xf32>
      %gt3A_3119 = arith.cmpf ogt, %get3A_1801, %get3A_1769 : vector<16xf32>
      %convert_element_type3A_3120 = arith.extui %gt3A_3119 : vector<16xi1> to vector<16xi32>
      %convert_element_type3A_3121 = arith.sitofp %convert_element_type3A_3120 : vector<16xi32> to vector<16xf32>
      %add3A_3122 = arith.addf %add3A_3117, %convert_element_type3A_3121 : vector<16xf32>
      %sub3A_3123 = arith.subf %sub3A_3073, %convert_element_type3A_3121 : vector<16xf32>
      %gt3A_3124 = arith.cmpf ogt, %get3A_1805, %get3A_1769 : vector<16xf32>
      %convert_element_type3A_3125 = arith.extui %gt3A_3124 : vector<16xi1> to vector<16xi32>
      %convert_element_type3A_3126 = arith.sitofp %convert_element_type3A_3125 : vector<16xi32> to vector<16xf32>
      %add3A_3127 = arith.addf %add3A_3122, %convert_element_type3A_3126 : vector<16xf32>
      %sub3A_3128 = arith.subf %sub3A_3078, %convert_element_type3A_3126 : vector<16xf32>
      %gt3A_3129 = arith.cmpf ogt, %get3A_1809, %get3A_1769 : vector<16xf32>
      %convert_element_type3A_3130 = arith.extui %gt3A_3129 : vector<16xi1> to vector<16xi32>
      %convert_element_type3A_3131 = arith.sitofp %convert_element_type3A_3130 : vector<16xi32> to vector<16xf32>
      %add3A_3132 = arith.addf %add3A_3127, %convert_element_type3A_3131 : vector<16xf32>
      %sub3A_3133 = arith.subf %sub3A_3083, %convert_element_type3A_3131 : vector<16xf32>
      %gt3A_3134 = arith.cmpf ogt, %get3A_1777, %get3A_1773 : vector<16xf32>
      %convert_element_type3A_3135 = arith.extui %gt3A_3134 : vector<16xi1> to vector<16xi32>
      %convert_element_type3A_3136 = arith.sitofp %convert_element_type3A_3135 : vector<16xi32> to vector<16xf32>
      %add3A_3137 = arith.addf %sub3A_3088, %convert_element_type3A_3136 : vector<16xf32>
      %sub3A_3138 = arith.subf %sub3A_3093, %convert_element_type3A_3136 : vector<16xf32>
      %gt3A_3139 = arith.cmpf ogt, %get3A_1781, %get3A_1773 : vector<16xf32>
      %convert_element_type3A_3140 = arith.extui %gt3A_3139 : vector<16xi1> to vector<16xi32>
      %convert_element_type3A_3141 = arith.sitofp %convert_element_type3A_3140 : vector<16xi32> to vector<16xf32>
      %add3A_3142 = arith.addf %add3A_3137, %convert_element_type3A_3141 : vector<16xf32>
      %sub3A_3143 = arith.subf %sub3A_3098, %convert_element_type3A_3141 : vector<16xf32>
      %gt3A_3144 = arith.cmpf ogt, %get3A_1785, %get3A_1773 : vector<16xf32>
      %convert_element_type3A_3145 = arith.extui %gt3A_3144 : vector<16xi1> to vector<16xi32>
      %convert_element_type3A_3146 = arith.sitofp %convert_element_type3A_3145 : vector<16xi32> to vector<16xf32>
      %add3A_3147 = arith.addf %add3A_3142, %convert_element_type3A_3146 : vector<16xf32>
      %sub3A_3148 = arith.subf %sub3A_3103, %convert_element_type3A_3146 : vector<16xf32>
      %gt3A_3149 = arith.cmpf ogt, %get3A_1789, %get3A_1773 : vector<16xf32>
      %convert_element_type3A_3150 = arith.extui %gt3A_3149 : vector<16xi1> to vector<16xi32>
      %convert_element_type3A_3151 = arith.sitofp %convert_element_type3A_3150 : vector<16xi32> to vector<16xf32>
      %add3A_3152 = arith.addf %add3A_3147, %convert_element_type3A_3151 : vector<16xf32>
      %sub3A_3153 = arith.subf %sub3A_3108, %convert_element_type3A_3151 : vector<16xf32>
      %gt3A_3154 = arith.cmpf ogt, %get3A_1793, %get3A_1773 : vector<16xf32>
      %convert_element_type3A_3155 = arith.extui %gt3A_3154 : vector<16xi1> to vector<16xi32>
      %convert_element_type3A_3156 = arith.sitofp %convert_element_type3A_3155 : vector<16xi32> to vector<16xf32>
      %add3A_3157 = arith.addf %add3A_3152, %convert_element_type3A_3156 : vector<16xf32>
      %sub3A_3158 = arith.subf %sub3A_3113, %convert_element_type3A_3156 : vector<16xf32>
      %gt3A_3159 = arith.cmpf ogt, %get3A_1797, %get3A_1773 : vector<16xf32>
      %convert_element_type3A_3160 = arith.extui %gt3A_3159 : vector<16xi1> to vector<16xi32>
      %convert_element_type3A_3161 = arith.sitofp %convert_element_type3A_3160 : vector<16xi32> to vector<16xf32>
      %add3A_3162 = arith.addf %add3A_3157, %convert_element_type3A_3161 : vector<16xf32>
      %sub3A_3163 = arith.subf %sub3A_3118, %convert_element_type3A_3161 : vector<16xf32>
      %gt3A_3164 = arith.cmpf ogt, %get3A_1801, %get3A_1773 : vector<16xf32>
      %convert_element_type3A_3165 = arith.extui %gt3A_3164 : vector<16xi1> to vector<16xi32>
      %convert_element_type3A_3166 = arith.sitofp %convert_element_type3A_3165 : vector<16xi32> to vector<16xf32>
      %add3A_3167 = arith.addf %add3A_3162, %convert_element_type3A_3166 : vector<16xf32>
      %sub3A_3168 = arith.subf %sub3A_3123, %convert_element_type3A_3166 : vector<16xf32>
      %gt3A_3169 = arith.cmpf ogt, %get3A_1805, %get3A_1773 : vector<16xf32>
      %convert_element_type3A_3170 = arith.extui %gt3A_3169 : vector<16xi1> to vector<16xi32>
      %convert_element_type3A_3171 = arith.sitofp %convert_element_type3A_3170 : vector<16xi32> to vector<16xf32>
      %add3A_3172 = arith.addf %add3A_3167, %convert_element_type3A_3171 : vector<16xf32>
      %sub3A_3173 = arith.subf %sub3A_3128, %convert_element_type3A_3171 : vector<16xf32>
      %gt3A_3174 = arith.cmpf ogt, %get3A_1809, %get3A_1773 : vector<16xf32>
      %convert_element_type3A_3175 = arith.extui %gt3A_3174 : vector<16xi1> to vector<16xi32>
      %convert_element_type3A_3176 = arith.sitofp %convert_element_type3A_3175 : vector<16xi32> to vector<16xf32>
      %add3A_3177 = arith.addf %add3A_3172, %convert_element_type3A_3176 : vector<16xf32>
      %sub3A_3178 = arith.subf %sub3A_3133, %convert_element_type3A_3176 : vector<16xf32>
      %gt3A_3179 = arith.cmpf ogt, %get3A_1781, %get3A_1777 : vector<16xf32>
      %convert_element_type3A_3180 = arith.extui %gt3A_3179 : vector<16xi1> to vector<16xi32>
      %convert_element_type3A_3181 = arith.sitofp %convert_element_type3A_3180 : vector<16xi32> to vector<16xf32>
      %add3A_3182 = arith.addf %sub3A_3138, %convert_element_type3A_3181 : vector<16xf32>
      %sub3A_3183 = arith.subf %sub3A_3143, %convert_element_type3A_3181 : vector<16xf32>
      %gt3A_3184 = arith.cmpf ogt, %get3A_1785, %get3A_1777 : vector<16xf32>
      %convert_element_type3A_3185 = arith.extui %gt3A_3184 : vector<16xi1> to vector<16xi32>
      %convert_element_type3A_3186 = arith.sitofp %convert_element_type3A_3185 : vector<16xi32> to vector<16xf32>
      %add3A_3187 = arith.addf %add3A_3182, %convert_element_type3A_3186 : vector<16xf32>
      %sub3A_3188 = arith.subf %sub3A_3148, %convert_element_type3A_3186 : vector<16xf32>
      %gt3A_3189 = arith.cmpf ogt, %get3A_1789, %get3A_1777 : vector<16xf32>
      %convert_element_type3A_3190 = arith.extui %gt3A_3189 : vector<16xi1> to vector<16xi32>
      %convert_element_type3A_3191 = arith.sitofp %convert_element_type3A_3190 : vector<16xi32> to vector<16xf32>
      %add3A_3192 = arith.addf %add3A_3187, %convert_element_type3A_3191 : vector<16xf32>
      %sub3A_3193 = arith.subf %sub3A_3153, %convert_element_type3A_3191 : vector<16xf32>
      %gt3A_3194 = arith.cmpf ogt, %get3A_1793, %get3A_1777 : vector<16xf32>
      %convert_element_type3A_3195 = arith.extui %gt3A_3194 : vector<16xi1> to vector<16xi32>
      %convert_element_type3A_3196 = arith.sitofp %convert_element_type3A_3195 : vector<16xi32> to vector<16xf32>
      %add3A_3197 = arith.addf %add3A_3192, %convert_element_type3A_3196 : vector<16xf32>
      %sub3A_3198 = arith.subf %sub3A_3158, %convert_element_type3A_3196 : vector<16xf32>
      %gt3A_3199 = arith.cmpf ogt, %get3A_1797, %get3A_1777 : vector<16xf32>
      %convert_element_type3A_3200 = arith.extui %gt3A_3199 : vector<16xi1> to vector<16xi32>
      %convert_element_type3A_3201 = arith.sitofp %convert_element_type3A_3200 : vector<16xi32> to vector<16xf32>
      %add3A_3202 = arith.addf %add3A_3197, %convert_element_type3A_3201 : vector<16xf32>
      %sub3A_3203 = arith.subf %sub3A_3163, %convert_element_type3A_3201 : vector<16xf32>
      %gt3A_3204 = arith.cmpf ogt, %get3A_1801, %get3A_1777 : vector<16xf32>
      %convert_element_type3A_3205 = arith.extui %gt3A_3204 : vector<16xi1> to vector<16xi32>
      %convert_element_type3A_3206 = arith.sitofp %convert_element_type3A_3205 : vector<16xi32> to vector<16xf32>
      %add3A_3207 = arith.addf %add3A_3202, %convert_element_type3A_3206 : vector<16xf32>
      %sub3A_3208 = arith.subf %sub3A_3168, %convert_element_type3A_3206 : vector<16xf32>
      %gt3A_3209 = arith.cmpf ogt, %get3A_1805, %get3A_1777 : vector<16xf32>
      %convert_element_type3A_3210 = arith.extui %gt3A_3209 : vector<16xi1> to vector<16xi32>
      %convert_element_type3A_3211 = arith.sitofp %convert_element_type3A_3210 : vector<16xi32> to vector<16xf32>
      %add3A_3212 = arith.addf %add3A_3207, %convert_element_type3A_3211 : vector<16xf32>
      %sub3A_3213 = arith.subf %sub3A_3173, %convert_element_type3A_3211 : vector<16xf32>
      %gt3A_3214 = arith.cmpf ogt, %get3A_1809, %get3A_1777 : vector<16xf32>
      %convert_element_type3A_3215 = arith.extui %gt3A_3214 : vector<16xi1> to vector<16xi32>
      %convert_element_type3A_3216 = arith.sitofp %convert_element_type3A_3215 : vector<16xi32> to vector<16xf32>
      %add3A_3217 = arith.addf %add3A_3212, %convert_element_type3A_3216 : vector<16xf32>
      %sub3A_3218 = arith.subf %sub3A_3178, %convert_element_type3A_3216 : vector<16xf32>
      %gt3A_3219 = arith.cmpf ogt, %get3A_1785, %get3A_1781 : vector<16xf32>
      %convert_element_type3A_3220 = arith.extui %gt3A_3219 : vector<16xi1> to vector<16xi32>
      %convert_element_type3A_3221 = arith.sitofp %convert_element_type3A_3220 : vector<16xi32> to vector<16xf32>
      %add3A_3222 = arith.addf %sub3A_3183, %convert_element_type3A_3221 : vector<16xf32>
      %sub3A_3223 = arith.subf %sub3A_3188, %convert_element_type3A_3221 : vector<16xf32>
      %gt3A_3224 = arith.cmpf ogt, %get3A_1789, %get3A_1781 : vector<16xf32>
      %convert_element_type3A_3225 = arith.extui %gt3A_3224 : vector<16xi1> to vector<16xi32>
      %convert_element_type3A_3226 = arith.sitofp %convert_element_type3A_3225 : vector<16xi32> to vector<16xf32>
      %add3A_3227 = arith.addf %add3A_3222, %convert_element_type3A_3226 : vector<16xf32>
      %sub3A_3228 = arith.subf %sub3A_3193, %convert_element_type3A_3226 : vector<16xf32>
      %gt3A_3229 = arith.cmpf ogt, %get3A_1793, %get3A_1781 : vector<16xf32>
      %convert_element_type3A_3230 = arith.extui %gt3A_3229 : vector<16xi1> to vector<16xi32>
      %convert_element_type3A_3231 = arith.sitofp %convert_element_type3A_3230 : vector<16xi32> to vector<16xf32>
      %add3A_3232 = arith.addf %add3A_3227, %convert_element_type3A_3231 : vector<16xf32>
      %sub3A_3233 = arith.subf %sub3A_3198, %convert_element_type3A_3231 : vector<16xf32>
      %gt3A_3234 = arith.cmpf ogt, %get3A_1797, %get3A_1781 : vector<16xf32>
      %convert_element_type3A_3235 = arith.extui %gt3A_3234 : vector<16xi1> to vector<16xi32>
      %convert_element_type3A_3236 = arith.sitofp %convert_element_type3A_3235 : vector<16xi32> to vector<16xf32>
      %add3A_3237 = arith.addf %add3A_3232, %convert_element_type3A_3236 : vector<16xf32>
      %sub3A_3238 = arith.subf %sub3A_3203, %convert_element_type3A_3236 : vector<16xf32>
      %gt3A_3239 = arith.cmpf ogt, %get3A_1801, %get3A_1781 : vector<16xf32>
      %convert_element_type3A_3240 = arith.extui %gt3A_3239 : vector<16xi1> to vector<16xi32>
      %convert_element_type3A_3241 = arith.sitofp %convert_element_type3A_3240 : vector<16xi32> to vector<16xf32>
      %add3A_3242 = arith.addf %add3A_3237, %convert_element_type3A_3241 : vector<16xf32>
      %sub3A_3243 = arith.subf %sub3A_3208, %convert_element_type3A_3241 : vector<16xf32>
      %gt3A_3244 = arith.cmpf ogt, %get3A_1805, %get3A_1781 : vector<16xf32>
      %convert_element_type3A_3245 = arith.extui %gt3A_3244 : vector<16xi1> to vector<16xi32>
      %convert_element_type3A_3246 = arith.sitofp %convert_element_type3A_3245 : vector<16xi32> to vector<16xf32>
      %add3A_3247 = arith.addf %add3A_3242, %convert_element_type3A_3246 : vector<16xf32>
      %sub3A_3248 = arith.subf %sub3A_3213, %convert_element_type3A_3246 : vector<16xf32>
      %gt3A_3249 = arith.cmpf ogt, %get3A_1809, %get3A_1781 : vector<16xf32>
      %convert_element_type3A_3250 = arith.extui %gt3A_3249 : vector<16xi1> to vector<16xi32>
      %convert_element_type3A_3251 = arith.sitofp %convert_element_type3A_3250 : vector<16xi32> to vector<16xf32>
      %add3A_3252 = arith.addf %add3A_3247, %convert_element_type3A_3251 : vector<16xf32>
      %sub3A_3253 = arith.subf %sub3A_3218, %convert_element_type3A_3251 : vector<16xf32>
      %gt3A_3254 = arith.cmpf ogt, %get3A_1789, %get3A_1785 : vector<16xf32>
      %convert_element_type3A_3255 = arith.extui %gt3A_3254 : vector<16xi1> to vector<16xi32>
      %convert_element_type3A_3256 = arith.sitofp %convert_element_type3A_3255 : vector<16xi32> to vector<16xf32>
      %add3A_3257 = arith.addf %sub3A_3223, %convert_element_type3A_3256 : vector<16xf32>
      %sub3A_3258 = arith.subf %sub3A_3228, %convert_element_type3A_3256 : vector<16xf32>
      %gt3A_3259 = arith.cmpf ogt, %get3A_1793, %get3A_1785 : vector<16xf32>
      %convert_element_type3A_3260 = arith.extui %gt3A_3259 : vector<16xi1> to vector<16xi32>
      %convert_element_type3A_3261 = arith.sitofp %convert_element_type3A_3260 : vector<16xi32> to vector<16xf32>
      %add3A_3262 = arith.addf %add3A_3257, %convert_element_type3A_3261 : vector<16xf32>
      %sub3A_3263 = arith.subf %sub3A_3233, %convert_element_type3A_3261 : vector<16xf32>
      %gt3A_3264 = arith.cmpf ogt, %get3A_1797, %get3A_1785 : vector<16xf32>
      %convert_element_type3A_3265 = arith.extui %gt3A_3264 : vector<16xi1> to vector<16xi32>
      %convert_element_type3A_3266 = arith.sitofp %convert_element_type3A_3265 : vector<16xi32> to vector<16xf32>
      %add3A_3267 = arith.addf %add3A_3262, %convert_element_type3A_3266 : vector<16xf32>
      %sub3A_3268 = arith.subf %sub3A_3238, %convert_element_type3A_3266 : vector<16xf32>
      %gt3A_3269 = arith.cmpf ogt, %get3A_1801, %get3A_1785 : vector<16xf32>
      %convert_element_type3A_3270 = arith.extui %gt3A_3269 : vector<16xi1> to vector<16xi32>
      %convert_element_type3A_3271 = arith.sitofp %convert_element_type3A_3270 : vector<16xi32> to vector<16xf32>
      %add3A_3272 = arith.addf %add3A_3267, %convert_element_type3A_3271 : vector<16xf32>
      %sub3A_3273 = arith.subf %sub3A_3243, %convert_element_type3A_3271 : vector<16xf32>
      %gt3A_3274 = arith.cmpf ogt, %get3A_1805, %get3A_1785 : vector<16xf32>
      %convert_element_type3A_3275 = arith.extui %gt3A_3274 : vector<16xi1> to vector<16xi32>
      %convert_element_type3A_3276 = arith.sitofp %convert_element_type3A_3275 : vector<16xi32> to vector<16xf32>
      %add3A_3277 = arith.addf %add3A_3272, %convert_element_type3A_3276 : vector<16xf32>
      %sub3A_3278 = arith.subf %sub3A_3248, %convert_element_type3A_3276 : vector<16xf32>
      %gt3A_3279 = arith.cmpf ogt, %get3A_1809, %get3A_1785 : vector<16xf32>
      %convert_element_type3A_3280 = arith.extui %gt3A_3279 : vector<16xi1> to vector<16xi32>
      %convert_element_type3A_3281 = arith.sitofp %convert_element_type3A_3280 : vector<16xi32> to vector<16xf32>
      %add3A_3282 = arith.addf %add3A_3277, %convert_element_type3A_3281 : vector<16xf32>
      %sub3A_3283 = arith.subf %sub3A_3253, %convert_element_type3A_3281 : vector<16xf32>
      %gt3A_3284 = arith.cmpf ogt, %get3A_1793, %get3A_1789 : vector<16xf32>
      %convert_element_type3A_3285 = arith.extui %gt3A_3284 : vector<16xi1> to vector<16xi32>
      %convert_element_type3A_3286 = arith.sitofp %convert_element_type3A_3285 : vector<16xi32> to vector<16xf32>
      %add3A_3287 = arith.addf %sub3A_3258, %convert_element_type3A_3286 : vector<16xf32>
      %sub3A_3288 = arith.subf %sub3A_3263, %convert_element_type3A_3286 : vector<16xf32>
      %gt3A_3289 = arith.cmpf ogt, %get3A_1797, %get3A_1789 : vector<16xf32>
      %convert_element_type3A_3290 = arith.extui %gt3A_3289 : vector<16xi1> to vector<16xi32>
      %convert_element_type3A_3291 = arith.sitofp %convert_element_type3A_3290 : vector<16xi32> to vector<16xf32>
      %add3A_3292 = arith.addf %add3A_3287, %convert_element_type3A_3291 : vector<16xf32>
      %sub3A_3293 = arith.subf %sub3A_3268, %convert_element_type3A_3291 : vector<16xf32>
      %gt3A_3294 = arith.cmpf ogt, %get3A_1801, %get3A_1789 : vector<16xf32>
      %convert_element_type3A_3295 = arith.extui %gt3A_3294 : vector<16xi1> to vector<16xi32>
      %convert_element_type3A_3296 = arith.sitofp %convert_element_type3A_3295 : vector<16xi32> to vector<16xf32>
      %add3A_3297 = arith.addf %add3A_3292, %convert_element_type3A_3296 : vector<16xf32>
      %sub3A_3298 = arith.subf %sub3A_3273, %convert_element_type3A_3296 : vector<16xf32>
      %gt3A_3299 = arith.cmpf ogt, %get3A_1805, %get3A_1789 : vector<16xf32>
      %convert_element_type3A_3300 = arith.extui %gt3A_3299 : vector<16xi1> to vector<16xi32>
      %convert_element_type3A_3301 = arith.sitofp %convert_element_type3A_3300 : vector<16xi32> to vector<16xf32>
      %add3A_3302 = arith.addf %add3A_3297, %convert_element_type3A_3301 : vector<16xf32>
      %sub3A_3303 = arith.subf %sub3A_3278, %convert_element_type3A_3301 : vector<16xf32>
      %gt3A_3304 = arith.cmpf ogt, %get3A_1809, %get3A_1789 : vector<16xf32>
      %convert_element_type3A_3305 = arith.extui %gt3A_3304 : vector<16xi1> to vector<16xi32>
      %convert_element_type3A_3306 = arith.sitofp %convert_element_type3A_3305 : vector<16xi32> to vector<16xf32>
      %add3A_3307 = arith.addf %add3A_3302, %convert_element_type3A_3306 : vector<16xf32>
      %sub3A_3308 = arith.subf %sub3A_3283, %convert_element_type3A_3306 : vector<16xf32>
      %gt3A_3309 = arith.cmpf ogt, %get3A_1797, %get3A_1793 : vector<16xf32>
      %convert_element_type3A_3310 = arith.extui %gt3A_3309 : vector<16xi1> to vector<16xi32>
      %convert_element_type3A_3311 = arith.sitofp %convert_element_type3A_3310 : vector<16xi32> to vector<16xf32>
      %add3A_3312 = arith.addf %sub3A_3288, %convert_element_type3A_3311 : vector<16xf32>
      %sub3A_3313 = arith.subf %sub3A_3293, %convert_element_type3A_3311 : vector<16xf32>
      %gt3A_3314 = arith.cmpf ogt, %get3A_1801, %get3A_1793 : vector<16xf32>
      %convert_element_type3A_3315 = arith.extui %gt3A_3314 : vector<16xi1> to vector<16xi32>
      %convert_element_type3A_3316 = arith.sitofp %convert_element_type3A_3315 : vector<16xi32> to vector<16xf32>
      %add3A_3317 = arith.addf %add3A_3312, %convert_element_type3A_3316 : vector<16xf32>
      %sub3A_3318 = arith.subf %sub3A_3298, %convert_element_type3A_3316 : vector<16xf32>
      %gt3A_3319 = arith.cmpf ogt, %get3A_1805, %get3A_1793 : vector<16xf32>
      %convert_element_type3A_3320 = arith.extui %gt3A_3319 : vector<16xi1> to vector<16xi32>
      %convert_element_type3A_3321 = arith.sitofp %convert_element_type3A_3320 : vector<16xi32> to vector<16xf32>
      %add3A_3322 = arith.addf %add3A_3317, %convert_element_type3A_3321 : vector<16xf32>
      %sub3A_3323 = arith.subf %sub3A_3303, %convert_element_type3A_3321 : vector<16xf32>
      %gt3A_3324 = arith.cmpf ogt, %get3A_1809, %get3A_1793 : vector<16xf32>
      %convert_element_type3A_3325 = arith.extui %gt3A_3324 : vector<16xi1> to vector<16xi32>
      %convert_element_type3A_3326 = arith.sitofp %convert_element_type3A_3325 : vector<16xi32> to vector<16xf32>
      %add3A_3327 = arith.addf %add3A_3322, %convert_element_type3A_3326 : vector<16xf32>
      %sub3A_3328 = arith.subf %sub3A_3308, %convert_element_type3A_3326 : vector<16xf32>
      %gt3A_3329 = arith.cmpf ogt, %get3A_1801, %get3A_1797 : vector<16xf32>
      %convert_element_type3A_3330 = arith.extui %gt3A_3329 : vector<16xi1> to vector<16xi32>
      %convert_element_type3A_3331 = arith.sitofp %convert_element_type3A_3330 : vector<16xi32> to vector<16xf32>
      %add3A_3332 = arith.addf %sub3A_3313, %convert_element_type3A_3331 : vector<16xf32>
      %sub3A_3333 = arith.subf %sub3A_3318, %convert_element_type3A_3331 : vector<16xf32>
      %gt3A_3334 = arith.cmpf ogt, %get3A_1805, %get3A_1797 : vector<16xf32>
      %convert_element_type3A_3335 = arith.extui %gt3A_3334 : vector<16xi1> to vector<16xi32>
      %convert_element_type3A_3336 = arith.sitofp %convert_element_type3A_3335 : vector<16xi32> to vector<16xf32>
      %add3A_3337 = arith.addf %add3A_3332, %convert_element_type3A_3336 : vector<16xf32>
      %sub3A_3338 = arith.subf %sub3A_3323, %convert_element_type3A_3336 : vector<16xf32>
      %gt3A_3339 = arith.cmpf ogt, %get3A_1809, %get3A_1797 : vector<16xf32>
      %convert_element_type3A_3340 = arith.extui %gt3A_3339 : vector<16xi1> to vector<16xi32>
      %convert_element_type3A_3341 = arith.sitofp %convert_element_type3A_3340 : vector<16xi32> to vector<16xf32>
      %add3A_3342 = arith.addf %add3A_3337, %convert_element_type3A_3341 : vector<16xf32>
      %sub3A_3343 = arith.subf %sub3A_3328, %convert_element_type3A_3341 : vector<16xf32>
      %gt3A_3344 = arith.cmpf ogt, %get3A_1805, %get3A_1801 : vector<16xf32>
      %convert_element_type3A_3345 = arith.extui %gt3A_3344 : vector<16xi1> to vector<16xi32>
      %convert_element_type3A_3346 = arith.sitofp %convert_element_type3A_3345 : vector<16xi32> to vector<16xf32>
      %add3A_3347 = arith.addf %sub3A_3333, %convert_element_type3A_3346 : vector<16xf32>
      %sub3A_3348 = arith.subf %sub3A_3338, %convert_element_type3A_3346 : vector<16xf32>
      %gt3A_3349 = arith.cmpf ogt, %get3A_1809, %get3A_1801 : vector<16xf32>
      %convert_element_type3A_3350 = arith.extui %gt3A_3349 : vector<16xi1> to vector<16xi32>
      %convert_element_type3A_3351 = arith.sitofp %convert_element_type3A_3350 : vector<16xi32> to vector<16xf32>
      %add3A_3352 = arith.addf %add3A_3347, %convert_element_type3A_3351 : vector<16xf32>
      %sub3A_3353 = arith.subf %sub3A_3343, %convert_element_type3A_3351 : vector<16xf32>
      %gt3A_3354 = arith.cmpf ogt, %get3A_1809, %get3A_1805 : vector<16xf32>
      %convert_element_type3A_3355 = arith.extui %gt3A_3354 : vector<16xi1> to vector<16xi32>
      %convert_element_type3A_3356 = arith.sitofp %convert_element_type3A_3355 : vector<16xi32> to vector<16xf32>
      %add3A_3357 = arith.addf %sub3A_3348, %convert_element_type3A_3356 : vector<16xf32>
      %sub3A_3358 = arith.subf %sub3A_3353, %convert_element_type3A_3356 : vector<16xf32>
      %get3A_3359 = arith.constant 0 : index
      %get3A_3360 = tpu.vector_load %arg7[%get3A_3359] {strides = array<i32>} : memref<400xf32, #tpu.memory_space<vmem>>, vector<16xf32>,
      %neg3A = arith.constant 0.000000e+00 : f32
      %neg3A_3361 = vector.broadcast %neg3A : f32 to vector<16xf32>
      %neg3A_3362 = arith.subf %neg3A_3361, %get3A_3360 : vector<16xf32>
      %exp3A = math.exp %neg3A_3362 : vector<16xf32>
      %sub3A_3363 = arith.subf %add3A_1977, %get3A_3360 : vector<16xf32>
      %sub3A_3364 = arith.subf %sub3A_3363, %get3A_1713 : vector<16xf32>
      %max3A = arith.constant 0.000000e+00 : f32
      %max3A_3365 = vector.broadcast %max3A : f32 to vector<16xf32>
      %max3A_3366 = arith.maximumf %sub3A_3364, %max3A_3365 : vector<16xf32>
      %mul3A_3367 = arith.mulf %max3A_3366, %exp3A : vector<16xf32>
      %add3A_3368 = arith.addf %scan3A_11, %mul3A_3367 : vector<16xf32>
      %get3A_3369 = arith.constant 16 : index
      %get3A_3370 = tpu.vector_load %arg7[%get3A_3369] {strides = array<i32>} : memref<400xf32, #tpu.memory_space<vmem>>, vector<16xf32>,
      %neg3A_3371 = arith.constant 0.000000e+00 : f32
      %neg3A_3372 = vector.broadcast %neg3A_3371 : f32 to vector<16xf32>
      %neg3A_3373 = arith.subf %neg3A_3372, %get3A_3370 : vector<16xf32>
      %exp3A_3374 = math.exp %neg3A_3373 : vector<16xf32>
      %sub3A_3375 = arith.subf %add3A_2092, %get3A_3370 : vector<16xf32>
      %sub3A_3376 = arith.subf %sub3A_3375, %get3A_1717 : vector<16xf32>
      %max3A_3377 = arith.constant 0.000000e+00 : f32
      %max3A_3378 = vector.broadcast %max3A_3377 : f32 to vector<16xf32>
      %max3A_3379 = arith.maximumf %sub3A_3376, %max3A_3378 : vector<16xf32>
      %mul3A_3380 = arith.mulf %max3A_3379, %exp3A_3374 : vector<16xf32>
      %add3A_3381 = arith.addf %add3A_3368, %mul3A_3380 : vector<16xf32>
      %get3A_3382 = arith.constant 32 : index
      %get3A_3383 = tpu.vector_load %arg7[%get3A_3382] {strides = array<i32>} : memref<400xf32, #tpu.memory_space<vmem>>, vector<16xf32>,
      %neg3A_3384 = arith.constant 0.000000e+00 : f32
      %neg3A_3385 = vector.broadcast %neg3A_3384 : f32 to vector<16xf32>
      %neg3A_3386 = arith.subf %neg3A_3385, %get3A_3383 : vector<16xf32>
      %exp3A_3387 = math.exp %neg3A_3386 : vector<16xf32>
      %sub3A_3388 = arith.subf %add3A_2202, %get3A_3383 : vector<16xf32>
      %sub3A_3389 = arith.subf %sub3A_3388, %get3A_1721 : vector<16xf32>
      %max3A_3390 = arith.constant 0.000000e+00 : f32
      %max3A_3391 = vector.broadcast %max3A_3390 : f32 to vector<16xf32>
      %max3A_3392 = arith.maximumf %sub3A_3389, %max3A_3391 : vector<16xf32>
      %mul3A_3393 = arith.mulf %max3A_3392, %exp3A_3387 : vector<16xf32>
      %add3A_3394 = arith.addf %add3A_3381, %mul3A_3393 : vector<16xf32>
      %get3A_3395 = arith.constant 48 : index
      %get3A_3396 = tpu.vector_load %arg7[%get3A_3395] {strides = array<i32>} : memref<400xf32, #tpu.memory_space<vmem>>, vector<16xf32>,
      %neg3A_3397 = arith.constant 0.000000e+00 : f32
      %neg3A_3398 = vector.broadcast %neg3A_3397 : f32 to vector<16xf32>
      %neg3A_3399 = arith.subf %neg3A_3398, %get3A_3396 : vector<16xf32>
      %exp3A_3400 = math.exp %neg3A_3399 : vector<16xf32>
      %sub3A_3401 = arith.subf %add3A_2307, %get3A_3396 : vector<16xf32>
      %sub3A_3402 = arith.subf %sub3A_3401, %get3A_1725 : vector<16xf32>
      %max3A_3403 = arith.constant 0.000000e+00 : f32
      %max3A_3404 = vector.broadcast %max3A_3403 : f32 to vector<16xf32>
      %max3A_3405 = arith.maximumf %sub3A_3402, %max3A_3404 : vector<16xf32>
      %mul3A_3406 = arith.mulf %max3A_3405, %exp3A_3400 : vector<16xf32>
      %add3A_3407 = arith.addf %add3A_3394, %mul3A_3406 : vector<16xf32>
      %get3A_3408 = arith.constant 64 : index
      %get3A_3409 = tpu.vector_load %arg7[%get3A_3408] {strides = array<i32>} : memref<400xf32, #tpu.memory_space<vmem>>, vector<16xf32>,
      %neg3A_3410 = arith.constant 0.000000e+00 : f32
      %neg3A_3411 = vector.broadcast %neg3A_3410 : f32 to vector<16xf32>
      %neg3A_3412 = arith.subf %neg3A_3411, %get3A_3409 : vector<16xf32>
      %exp3A_3413 = math.exp %neg3A_3412 : vector<16xf32>
      %sub3A_3414 = arith.subf %add3A_2407, %get3A_3409 : vector<16xf32>
      %sub3A_3415 = arith.subf %sub3A_3414, %get3A_1729 : vector<16xf32>
      %max3A_3416 = arith.constant 0.000000e+00 : f32
      %max3A_3417 = vector.broadcast %max3A_3416 : f32 to vector<16xf32>
      %max3A_3418 = arith.maximumf %sub3A_3415, %max3A_3417 : vector<16xf32>
      %mul3A_3419 = arith.mulf %max3A_3418, %exp3A_3413 : vector<16xf32>
      %add3A_3420 = arith.addf %add3A_3407, %mul3A_3419 : vector<16xf32>
      %get3A_3421 = arith.constant 80 : index
      %get3A_3422 = tpu.vector_load %arg7[%get3A_3421] {strides = array<i32>} : memref<400xf32, #tpu.memory_space<vmem>>, vector<16xf32>,
      %neg3A_3423 = arith.constant 0.000000e+00 : f32
      %neg3A_3424 = vector.broadcast %neg3A_3423 : f32 to vector<16xf32>
      %neg3A_3425 = arith.subf %neg3A_3424, %get3A_3422 : vector<16xf32>
      %exp3A_3426 = math.exp %neg3A_3425 : vector<16xf32>
      %sub3A_3427 = arith.subf %add3A_2502, %get3A_3422 : vector<16xf32>
      %sub3A_3428 = arith.subf %sub3A_3427, %get3A_1733 : vector<16xf32>
      %max3A_3429 = arith.constant 0.000000e+00 : f32
      %max3A_3430 = vector.broadcast %max3A_3429 : f32 to vector<16xf32>
      %max3A_3431 = arith.maximumf %sub3A_3428, %max3A_3430 : vector<16xf32>
      %mul3A_3432 = arith.mulf %max3A_3431, %exp3A_3426 : vector<16xf32>
      %add3A_3433 = arith.addf %add3A_3420, %mul3A_3432 : vector<16xf32>
      %get3A_3434 = arith.constant 96 : index
      %get3A_3435 = tpu.vector_load %arg7[%get3A_3434] {strides = array<i32>} : memref<400xf32, #tpu.memory_space<vmem>>, vector<16xf32>,
      %neg3A_3436 = arith.constant 0.000000e+00 : f32
      %neg3A_3437 = vector.broadcast %neg3A_3436 : f32 to vector<16xf32>
      %neg3A_3438 = arith.subf %neg3A_3437, %get3A_3435 : vector<16xf32>
      %exp3A_3439 = math.exp %neg3A_3438 : vector<16xf32>
      %sub3A_3440 = arith.subf %add3A_2592, %get3A_3435 : vector<16xf32>
      %sub3A_3441 = arith.subf %sub3A_3440, %get3A_1737 : vector<16xf32>
      %max3A_3442 = arith.constant 0.000000e+00 : f32
      %max3A_3443 = vector.broadcast %max3A_3442 : f32 to vector<16xf32>
      %max3A_3444 = arith.maximumf %sub3A_3441, %max3A_3443 : vector<16xf32>
      %mul3A_3445 = arith.mulf %max3A_3444, %exp3A_3439 : vector<16xf32>
      %add3A_3446 = arith.addf %add3A_3433, %mul3A_3445 : vector<16xf32>
      %get3A_3447 = arith.constant 112 : index
      %get3A_3448 = tpu.vector_load %arg7[%get3A_3447] {strides = array<i32>} : memref<400xf32, #tpu.memory_space<vmem>>, vector<16xf32>,
      %neg3A_3449 = arith.constant 0.000000e+00 : f32
      %neg3A_3450 = vector.broadcast %neg3A_3449 : f32 to vector<16xf32>
      %neg3A_3451 = arith.subf %neg3A_3450, %get3A_3448 : vector<16xf32>
      %exp3A_3452 = math.exp %neg3A_3451 : vector<16xf32>
      %sub3A_3453 = arith.subf %add3A_2677, %get3A_3448 : vector<16xf32>
      %sub3A_3454 = arith.subf %sub3A_3453, %get3A_1741 : vector<16xf32>
      %max3A_3455 = arith.constant 0.000000e+00 : f32
      %max3A_3456 = vector.broadcast %max3A_3455 : f32 to vector<16xf32>
      %max3A_3457 = arith.maximumf %sub3A_3454, %max3A_3456 : vector<16xf32>
      %mul3A_3458 = arith.mulf %max3A_3457, %exp3A_3452 : vector<16xf32>
      %add3A_3459 = arith.addf %add3A_3446, %mul3A_3458 : vector<16xf32>
      %get3A_3460 = arith.constant 128 : index
      %get3A_3461 = tpu.vector_load %arg7[%get3A_3460] {strides = array<i32>} : memref<400xf32, #tpu.memory_space<vmem>>, vector<16xf32>,
      %neg3A_3462 = arith.constant 0.000000e+00 : f32
      %neg3A_3463 = vector.broadcast %neg3A_3462 : f32 to vector<16xf32>
      %neg3A_3464 = arith.subf %neg3A_3463, %get3A_3461 : vector<16xf32>
      %exp3A_3465 = math.exp %neg3A_3464 : vector<16xf32>
      %sub3A_3466 = arith.subf %add3A_2757, %get3A_3461 : vector<16xf32>
      %sub3A_3467 = arith.subf %sub3A_3466, %get3A_1745 : vector<16xf32>
      %max3A_3468 = arith.constant 0.000000e+00 : f32
      %max3A_3469 = vector.broadcast %max3A_3468 : f32 to vector<16xf32>
      %max3A_3470 = arith.maximumf %sub3A_3467, %max3A_3469 : vector<16xf32>
      %mul3A_3471 = arith.mulf %max3A_3470, %exp3A_3465 : vector<16xf32>
      %add3A_3472 = arith.addf %add3A_3459, %mul3A_3471 : vector<16xf32>
      %get3A_3473 = arith.constant 144 : index
      %get3A_3474 = tpu.vector_load %arg7[%get3A_3473] {strides = array<i32>} : memref<400xf32, #tpu.memory_space<vmem>>, vector<16xf32>,
      %neg3A_3475 = arith.constant 0.000000e+00 : f32
      %neg3A_3476 = vector.broadcast %neg3A_3475 : f32 to vector<16xf32>
      %neg3A_3477 = arith.subf %neg3A_3476, %get3A_3474 : vector<16xf32>
      %exp3A_3478 = math.exp %neg3A_3477 : vector<16xf32>
      %sub3A_3479 = arith.subf %add3A_2832, %get3A_3474 : vector<16xf32>
      %sub3A_3480 = arith.subf %sub3A_3479, %get3A_1749 : vector<16xf32>
      %max3A_3481 = arith.constant 0.000000e+00 : f32
      %max3A_3482 = vector.broadcast %max3A_3481 : f32 to vector<16xf32>
      %max3A_3483 = arith.maximumf %sub3A_3480, %max3A_3482 : vector<16xf32>
      %mul3A_3484 = arith.mulf %max3A_3483, %exp3A_3478 : vector<16xf32>
      %add3A_3485 = arith.addf %add3A_3472, %mul3A_3484 : vector<16xf32>
      %get3A_3486 = arith.constant 160 : index
      %get3A_3487 = tpu.vector_load %arg7[%get3A_3486] {strides = array<i32>} : memref<400xf32, #tpu.memory_space<vmem>>, vector<16xf32>,
      %neg3A_3488 = arith.constant 0.000000e+00 : f32
      %neg3A_3489 = vector.broadcast %neg3A_3488 : f32 to vector<16xf32>
      %neg3A_3490 = arith.subf %neg3A_3489, %get3A_3487 : vector<16xf32>
      %exp3A_3491 = math.exp %neg3A_3490 : vector<16xf32>
      %sub3A_3492 = arith.subf %add3A_2902, %get3A_3487 : vector<16xf32>
      %sub3A_3493 = arith.subf %sub3A_3492, %get3A_1753 : vector<16xf32>
      %max3A_3494 = arith.constant 0.000000e+00 : f32
      %max3A_3495 = vector.broadcast %max3A_3494 : f32 to vector<16xf32>
      %max3A_3496 = arith.maximumf %sub3A_3493, %max3A_3495 : vector<16xf32>
      %mul3A_3497 = arith.mulf %max3A_3496, %exp3A_3491 : vector<16xf32>
      %add3A_3498 = arith.addf %add3A_3485, %mul3A_3497 : vector<16xf32>
      %get3A_3499 = arith.constant 176 : index
      %get3A_3500 = tpu.vector_load %arg7[%get3A_3499] {strides = array<i32>} : memref<400xf32, #tpu.memory_space<vmem>>, vector<16xf32>,
      %neg3A_3501 = arith.constant 0.000000e+00 : f32
      %neg3A_3502 = vector.broadcast %neg3A_3501 : f32 to vector<16xf32>
      %neg3A_3503 = arith.subf %neg3A_3502, %get3A_3500 : vector<16xf32>
      %exp3A_3504 = math.exp %neg3A_3503 : vector<16xf32>
      %sub3A_3505 = arith.subf %add3A_2967, %get3A_3500 : vector<16xf32>
      %sub3A_3506 = arith.subf %sub3A_3505, %get3A_1757 : vector<16xf32>
      %max3A_3507 = arith.constant 0.000000e+00 : f32
      %max3A_3508 = vector.broadcast %max3A_3507 : f32 to vector<16xf32>
      %max3A_3509 = arith.maximumf %sub3A_3506, %max3A_3508 : vector<16xf32>
      %mul3A_3510 = arith.mulf %max3A_3509, %exp3A_3504 : vector<16xf32>
      %add3A_3511 = arith.addf %add3A_3498, %mul3A_3510 : vector<16xf32>
      %get3A_3512 = arith.constant 192 : index
      %get3A_3513 = tpu.vector_load %arg7[%get3A_3512] {strides = array<i32>} : memref<400xf32, #tpu.memory_space<vmem>>, vector<16xf32>,
      %neg3A_3514 = arith.constant 0.000000e+00 : f32
      %neg3A_3515 = vector.broadcast %neg3A_3514 : f32 to vector<16xf32>
      %neg3A_3516 = arith.subf %neg3A_3515, %get3A_3513 : vector<16xf32>
      %exp3A_3517 = math.exp %neg3A_3516 : vector<16xf32>
      %sub3A_3518 = arith.subf %add3A_3027, %get3A_3513 : vector<16xf32>
      %sub3A_3519 = arith.subf %sub3A_3518, %get3A_1761 : vector<16xf32>
      %max3A_3520 = arith.constant 0.000000e+00 : f32
      %max3A_3521 = vector.broadcast %max3A_3520 : f32 to vector<16xf32>
      %max3A_3522 = arith.maximumf %sub3A_3519, %max3A_3521 : vector<16xf32>
      %mul3A_3523 = arith.mulf %max3A_3522, %exp3A_3517 : vector<16xf32>
      %add3A_3524 = arith.addf %add3A_3511, %mul3A_3523 : vector<16xf32>
      %get3A_3525 = arith.constant 208 : index
      %get3A_3526 = tpu.vector_load %arg7[%get3A_3525] {strides = array<i32>} : memref<400xf32, #tpu.memory_space<vmem>>, vector<16xf32>,
      %neg3A_3527 = arith.constant 0.000000e+00 : f32
      %neg3A_3528 = vector.broadcast %neg3A_3527 : f32 to vector<16xf32>
      %neg3A_3529 = arith.subf %neg3A_3528, %get3A_3526 : vector<16xf32>
      %exp3A_3530 = math.exp %neg3A_3529 : vector<16xf32>
      %sub3A_3531 = arith.subf %add3A_3082, %get3A_3526 : vector<16xf32>
      %sub3A_3532 = arith.subf %sub3A_3531, %get3A_1765 : vector<16xf32>
      %max3A_3533 = arith.constant 0.000000e+00 : f32
      %max3A_3534 = vector.broadcast %max3A_3533 : f32 to vector<16xf32>
      %max3A_3535 = arith.maximumf %sub3A_3532, %max3A_3534 : vector<16xf32>
      %mul3A_3536 = arith.mulf %max3A_3535, %exp3A_3530 : vector<16xf32>
      %add3A_3537 = arith.addf %add3A_3524, %mul3A_3536 : vector<16xf32>
      %get3A_3538 = arith.constant 224 : index
      %get3A_3539 = tpu.vector_load %arg7[%get3A_3538] {strides = array<i32>} : memref<400xf32, #tpu.memory_space<vmem>>, vector<16xf32>,
      %neg3A_3540 = arith.constant 0.000000e+00 : f32
      %neg3A_3541 = vector.broadcast %neg3A_3540 : f32 to vector<16xf32>
      %neg3A_3542 = arith.subf %neg3A_3541, %get3A_3539 : vector<16xf32>
      %exp3A_3543 = math.exp %neg3A_3542 : vector<16xf32>
      %sub3A_3544 = arith.subf %add3A_3132, %get3A_3539 : vector<16xf32>
      %sub3A_3545 = arith.subf %sub3A_3544, %get3A_1769 : vector<16xf32>
      %max3A_3546 = arith.constant 0.000000e+00 : f32
      %max3A_3547 = vector.broadcast %max3A_3546 : f32 to vector<16xf32>
      %max3A_3548 = arith.maximumf %sub3A_3545, %max3A_3547 : vector<16xf32>
      %mul3A_3549 = arith.mulf %max3A_3548, %exp3A_3543 : vector<16xf32>
      %add3A_3550 = arith.addf %add3A_3537, %mul3A_3549 : vector<16xf32>
      %get3A_3551 = arith.constant 240 : index
      %get3A_3552 = tpu.vector_load %arg7[%get3A_3551] {strides = array<i32>} : memref<400xf32, #tpu.memory_space<vmem>>, vector<16xf32>,
      %neg3A_3553 = arith.constant 0.000000e+00 : f32
      %neg3A_3554 = vector.broadcast %neg3A_3553 : f32 to vector<16xf32>
      %neg3A_3555 = arith.subf %neg3A_3554, %get3A_3552 : vector<16xf32>
      %exp3A_3556 = math.exp %neg3A_3555 : vector<16xf32>
      %sub3A_3557 = arith.subf %add3A_3177, %get3A_3552 : vector<16xf32>
      %sub3A_3558 = arith.subf %sub3A_3557, %get3A_1773 : vector<16xf32>
      %max3A_3559 = arith.constant 0.000000e+00 : f32
      %max3A_3560 = vector.broadcast %max3A_3559 : f32 to vector<16xf32>
      %max3A_3561 = arith.maximumf %sub3A_3558, %max3A_3560 : vector<16xf32>
      %mul3A_3562 = arith.mulf %max3A_3561, %exp3A_3556 : vector<16xf32>
      %add3A_3563 = arith.addf %add3A_3550, %mul3A_3562 : vector<16xf32>
      %get3A_3564 = arith.constant 256 : index
      %get3A_3565 = tpu.vector_load %arg7[%get3A_3564] {strides = array<i32>} : memref<400xf32, #tpu.memory_space<vmem>>, vector<16xf32>,
      %neg3A_3566 = arith.constant 0.000000e+00 : f32
      %neg3A_3567 = vector.broadcast %neg3A_3566 : f32 to vector<16xf32>
      %neg3A_3568 = arith.subf %neg3A_3567, %get3A_3565 : vector<16xf32>
      %exp3A_3569 = math.exp %neg3A_3568 : vector<16xf32>
      %sub3A_3570 = arith.subf %add3A_3217, %get3A_3565 : vector<16xf32>
      %sub3A_3571 = arith.subf %sub3A_3570, %get3A_1777 : vector<16xf32>
      %max3A_3572 = arith.constant 0.000000e+00 : f32
      %max3A_3573 = vector.broadcast %max3A_3572 : f32 to vector<16xf32>
      %max3A_3574 = arith.maximumf %sub3A_3571, %max3A_3573 : vector<16xf32>
      %mul3A_3575 = arith.mulf %max3A_3574, %exp3A_3569 : vector<16xf32>
      %add3A_3576 = arith.addf %add3A_3563, %mul3A_3575 : vector<16xf32>
      %get3A_3577 = arith.constant 272 : index
      %get3A_3578 = tpu.vector_load %arg7[%get3A_3577] {strides = array<i32>} : memref<400xf32, #tpu.memory_space<vmem>>, vector<16xf32>,
      %neg3A_3579 = arith.constant 0.000000e+00 : f32
      %neg3A_3580 = vector.broadcast %neg3A_3579 : f32 to vector<16xf32>
      %neg3A_3581 = arith.subf %neg3A_3580, %get3A_3578 : vector<16xf32>
      %exp3A_3582 = math.exp %neg3A_3581 : vector<16xf32>
      %sub3A_3583 = arith.subf %add3A_3252, %get3A_3578 : vector<16xf32>
      %sub3A_3584 = arith.subf %sub3A_3583, %get3A_1781 : vector<16xf32>
      %max3A_3585 = arith.constant 0.000000e+00 : f32
      %max3A_3586 = vector.broadcast %max3A_3585 : f32 to vector<16xf32>
      %max3A_3587 = arith.maximumf %sub3A_3584, %max3A_3586 : vector<16xf32>
      %mul3A_3588 = arith.mulf %max3A_3587, %exp3A_3582 : vector<16xf32>
      %add3A_3589 = arith.addf %add3A_3576, %mul3A_3588 : vector<16xf32>
      %get3A_3590 = arith.constant 288 : index
      %get3A_3591 = tpu.vector_load %arg7[%get3A_3590] {strides = array<i32>} : memref<400xf32, #tpu.memory_space<vmem>>, vector<16xf32>,
      %neg3A_3592 = arith.constant 0.000000e+00 : f32
      %neg3A_3593 = vector.broadcast %neg3A_3592 : f32 to vector<16xf32>
      %neg3A_3594 = arith.subf %neg3A_3593, %get3A_3591 : vector<16xf32>
      %exp3A_3595 = math.exp %neg3A_3594 : vector<16xf32>
      %sub3A_3596 = arith.subf %add3A_3282, %get3A_3591 : vector<16xf32>
      %sub3A_3597 = arith.subf %sub3A_3596, %get3A_1785 : vector<16xf32>
      %max3A_3598 = arith.constant 0.000000e+00 : f32
      %max3A_3599 = vector.broadcast %max3A_3598 : f32 to vector<16xf32>
      %max3A_3600 = arith.maximumf %sub3A_3597, %max3A_3599 : vector<16xf32>
      %mul3A_3601 = arith.mulf %max3A_3600, %exp3A_3595 : vector<16xf32>
      %add3A_3602 = arith.addf %add3A_3589, %mul3A_3601 : vector<16xf32>
      %get3A_3603 = arith.constant 304 : index
      %get3A_3604 = tpu.vector_load %arg7[%get3A_3603] {strides = array<i32>} : memref<400xf32, #tpu.memory_space<vmem>>, vector<16xf32>,
      %neg3A_3605 = arith.constant 0.000000e+00 : f32
      %neg3A_3606 = vector.broadcast %neg3A_3605 : f32 to vector<16xf32>
      %neg3A_3607 = arith.subf %neg3A_3606, %get3A_3604 : vector<16xf32>
      %exp3A_3608 = math.exp %neg3A_3607 : vector<16xf32>
      %sub3A_3609 = arith.subf %add3A_3307, %get3A_3604 : vector<16xf32>
      %sub3A_3610 = arith.subf %sub3A_3609, %get3A_1789 : vector<16xf32>
      %max3A_3611 = arith.constant 0.000000e+00 : f32
      %max3A_3612 = vector.broadcast %max3A_3611 : f32 to vector<16xf32>
      %max3A_3613 = arith.maximumf %sub3A_3610, %max3A_3612 : vector<16xf32>
      %mul3A_3614 = arith.mulf %max3A_3613, %exp3A_3608 : vector<16xf32>
      %add3A_3615 = arith.addf %add3A_3602, %mul3A_3614 : vector<16xf32>
      %get3A_3616 = arith.constant 320 : index
      %get3A_3617 = tpu.vector_load %arg7[%get3A_3616] {strides = array<i32>} : memref<400xf32, #tpu.memory_space<vmem>>, vector<16xf32>,
      %neg3A_3618 = arith.constant 0.000000e+00 : f32
      %neg3A_3619 = vector.broadcast %neg3A_3618 : f32 to vector<16xf32>
      %neg3A_3620 = arith.subf %neg3A_3619, %get3A_3617 : vector<16xf32>
      %exp3A_3621 = math.exp %neg3A_3620 : vector<16xf32>
      %sub3A_3622 = arith.subf %add3A_3327, %get3A_3617 : vector<16xf32>
      %sub3A_3623 = arith.subf %sub3A_3622, %get3A_1793 : vector<16xf32>
      %max3A_3624 = arith.constant 0.000000e+00 : f32
      %max3A_3625 = vector.broadcast %max3A_3624 : f32 to vector<16xf32>
      %max3A_3626 = arith.maximumf %sub3A_3623, %max3A_3625 : vector<16xf32>
      %mul3A_3627 = arith.mulf %max3A_3626, %exp3A_3621 : vector<16xf32>
      %add3A_3628 = arith.addf %add3A_3615, %mul3A_3627 : vector<16xf32>
      %get3A_3629 = arith.constant 336 : index
      %get3A_3630 = tpu.vector_load %arg7[%get3A_3629] {strides = array<i32>} : memref<400xf32, #tpu.memory_space<vmem>>, vector<16xf32>,
      %neg3A_3631 = arith.constant 0.000000e+00 : f32
      %neg3A_3632 = vector.broadcast %neg3A_3631 : f32 to vector<16xf32>
      %neg3A_3633 = arith.subf %neg3A_3632, %get3A_3630 : vector<16xf32>
      %exp3A_3634 = math.exp %neg3A_3633 : vector<16xf32>
      %sub3A_3635 = arith.subf %add3A_3342, %get3A_3630 : vector<16xf32>
      %sub3A_3636 = arith.subf %sub3A_3635, %get3A_1797 : vector<16xf32>
      %max3A_3637 = arith.constant 0.000000e+00 : f32
      %max3A_3638 = vector.broadcast %max3A_3637 : f32 to vector<16xf32>
      %max3A_3639 = arith.maximumf %sub3A_3636, %max3A_3638 : vector<16xf32>
      %mul3A_3640 = arith.mulf %max3A_3639, %exp3A_3634 : vector<16xf32>
      %add3A_3641 = arith.addf %add3A_3628, %mul3A_3640 : vector<16xf32>
      %get3A_3642 = arith.constant 352 : index
      %get3A_3643 = tpu.vector_load %arg7[%get3A_3642] {strides = array<i32>} : memref<400xf32, #tpu.memory_space<vmem>>, vector<16xf32>,
      %neg3A_3644 = arith.constant 0.000000e+00 : f32
      %neg3A_3645 = vector.broadcast %neg3A_3644 : f32 to vector<16xf32>
      %neg3A_3646 = arith.subf %neg3A_3645, %get3A_3643 : vector<16xf32>
      %exp3A_3647 = math.exp %neg3A_3646 : vector<16xf32>
      %sub3A_3648 = arith.subf %add3A_3352, %get3A_3643 : vector<16xf32>
      %sub3A_3649 = arith.subf %sub3A_3648, %get3A_1801 : vector<16xf32>
      %max3A_3650 = arith.constant 0.000000e+00 : f32
      %max3A_3651 = vector.broadcast %max3A_3650 : f32 to vector<16xf32>
      %max3A_3652 = arith.maximumf %sub3A_3649, %max3A_3651 : vector<16xf32>
      %mul3A_3653 = arith.mulf %max3A_3652, %exp3A_3647 : vector<16xf32>
      %add3A_3654 = arith.addf %add3A_3641, %mul3A_3653 : vector<16xf32>
      %get3A_3655 = arith.constant 368 : index
      %get3A_3656 = tpu.vector_load %arg7[%get3A_3655] {strides = array<i32>} : memref<400xf32, #tpu.memory_space<vmem>>, vector<16xf32>,
      %neg3A_3657 = arith.constant 0.000000e+00 : f32
      %neg3A_3658 = vector.broadcast %neg3A_3657 : f32 to vector<16xf32>
      %neg3A_3659 = arith.subf %neg3A_3658, %get3A_3656 : vector<16xf32>
      %exp3A_3660 = math.exp %neg3A_3659 : vector<16xf32>
      %sub3A_3661 = arith.subf %add3A_3357, %get3A_3656 : vector<16xf32>
      %sub3A_3662 = arith.subf %sub3A_3661, %get3A_1805 : vector<16xf32>
      %max3A_3663 = arith.constant 0.000000e+00 : f32
      %max3A_3664 = vector.broadcast %max3A_3663 : f32 to vector<16xf32>
      %max3A_3665 = arith.maximumf %sub3A_3662, %max3A_3664 : vector<16xf32>
      %mul3A_3666 = arith.mulf %max3A_3665, %exp3A_3660 : vector<16xf32>
      %add3A_3667 = arith.addf %add3A_3654, %mul3A_3666 : vector<16xf32>
      %get3A_3668 = arith.constant 384 : index
      %get3A_3669 = tpu.vector_load %arg7[%get3A_3668] {strides = array<i32>} : memref<400xf32, #tpu.memory_space<vmem>>, vector<16xf32>,
      %neg3A_3670 = arith.constant 0.000000e+00 : f32
      %neg3A_3671 = vector.broadcast %neg3A_3670 : f32 to vector<16xf32>
      %neg3A_3672 = arith.subf %neg3A_3671, %get3A_3669 : vector<16xf32>
      %exp3A_3673 = math.exp %neg3A_3672 : vector<16xf32>
      %sub3A_3674 = arith.subf %sub3A_3358, %get3A_3669 : vector<16xf32>
      %sub3A_3675 = arith.subf %sub3A_3674, %get3A_1809 : vector<16xf32>
      %max3A_3676 = arith.constant 0.000000e+00 : f32
      %max3A_3677 = vector.broadcast %max3A_3676 : f32 to vector<16xf32>
      %max3A_3678 = arith.maximumf %sub3A_3675, %max3A_3677 : vector<16xf32>
      %mul3A_3679 = arith.mulf %max3A_3678, %exp3A_3673 : vector<16xf32>
      %add3A_3680 = arith.addf %add3A_3667, %mul3A_3679 : vector<16xf32>
      scf.yield %add3A_3680 : vector<16xf32>
    }
    %scan3A_8 = arith.constant 32 : i32
    %swap3A = arith.constant 0 : index
    %swap3A_9 = tpu.vector_load %arg8[%swap3A] {strides = array<i32>} : memref<16xf32, #tpu.memory_space<vmem>>, vector<16xf32>,
    tpu.vector_store %arg8[%swap3A], %scan3A_7 {strides = array<i32>} : memref<16xf32, #tpu.memory_space<vmem>>, vector<16xf32>,
    "tpu.region"() ({
      %run_scoped3A = tpu.sem_alloc : memref<!tpu.dma_semaphore, #tpu.memory_space<semaphore_mem>>
      %dma_start3A = arith.constant 0 : i32
      %dma_start3A_10 = tpu.memref_slice %arg4[%add3A, %dma_start3A] : memref<32x16xf32, #tpu.memory_space<hbm>> -> memref<1x16xf32, #tpu.memory_space<hbm>>
      %dma_start3A_11 = tpu.memref_squeeze %dma_start3A_10 : memref<1x16xf32, #tpu.memory_space<hbm>> -> memref<16xf32, #tpu.memory_space<hbm>>
      %dma_start3A_12 = arith.constant 0 : i32
      %dma_start3A_13 = tpu.memref_slice %arg4[%add3A, %dma_start3A_12] : memref<32x16xf32, #tpu.memory_space<hbm>> -> memref<1x16xf32, #tpu.memory_space<hbm>>
      %dma_start3A_14 = tpu.memref_squeeze %dma_start3A_13 : memref<1x16xf32, #tpu.memory_space<hbm>> -> memref<16xf32, #tpu.memory_space<hbm>>
      tpu.enqueue_dma source(%arg8 : memref<16xf32, #tpu.memory_space<vmem>>) target(%dma_start3A_14 : memref<16xf32, #tpu.memory_space<hbm>>) target_semaphore(%run_scoped3A : memref<!tpu.dma_semaphore, #tpu.memory_space<semaphore_mem>>)
      %dma_wait3A = arith.constant 0 : i32
      %dma_wait3A_15 = tpu.memref_slice %arg4[%add3A, %dma_wait3A] : memref<32x16xf32, #tpu.memory_space<hbm>> -> memref<1x16xf32, #tpu.memory_space<hbm>>
      %dma_wait3A_16 = tpu.memref_squeeze %dma_wait3A_15 : memref<1x16xf32, #tpu.memory_space<hbm>> -> memref<16xf32, #tpu.memory_space<hbm>>
      %dma_wait3A_17 = arith.constant 0 : i32
      %dma_wait3A_18 = tpu.memref_slice %arg4[%add3A, %dma_wait3A_17] : memref<32x16xf32, #tpu.memory_space<hbm>> -> memref<1x16xf32, #tpu.memory_space<hbm>>
      %dma_wait3A_19 = tpu.memref_squeeze %dma_wait3A_18 : memref<1x16xf32, #tpu.memory_space<hbm>> -> memref<16xf32, #tpu.memory_space<hbm>>
      tpu.wait_dma2 semaphore(%run_scoped3A : memref<!tpu.dma_semaphore, #tpu.memory_space<semaphore_mem>>) src(%arg8 : memref<16xf32, #tpu.memory_space<vmem>>) dst(%dma_wait3A_19 : memref<16xf32, #tpu.memory_space<hbm>>)
      tpu.yield
    }) : () -> ()
    return
  }
}

module attributes {stable_mosaic.version = 14 : i64} {
  func.func @body(%arg0: i32, %arg1: memref<2048x25xf32, #tpu.memory_space<vmem>>, %arg2: memref<25x25xf32, #tpu.memory_space<vmem>>, %arg3: memref<1x25xf32, #tpu.memory_space<vmem>>, %arg4: memref<2048x25xf32, #tpu.memory_space<vmem>>) attributes {dimension_semantics = [#tpu.dimension_semantics<arbitrary>], iteration_bounds = array<i64: 8>, scalar_prefetch = 0 : i64, scratch_operands = 0 : i64, tpu.core_type = #tpu.core_type<tc>, window_params = [{transform_indices = @transform_0, window_bounds = array<i64: 2048, 25>}, {pipeline_mode = #tpu.pipeline_mode<synchronous>, transform_indices = @transform_1, window_bounds = array<i64: 25, 25>}, {pipeline_mode = #tpu.pipeline_mode<synchronous>, transform_indices = @transform_2, window_bounds = array<i64: 1, 25>}, {transform_indices = @transform_3, window_bounds = array<i64: 2048, 25>}]} {
    %get3A = arith.constant 0 : index
    %get3A_0 = arith.constant 0 : index
    %get3A_1 = vector.load %arg1[%get3A, %get3A_0] : memref<2048x25xf32, #tpu.memory_space<vmem>>, vector<2048x25xf32>
    %get3A_2 = arith.constant 0 : index
    %get3A_3 = arith.constant 0 : index
    %get3A_4 = vector.load %arg2[%get3A_2, %get3A_3] : memref<25x25xf32, #tpu.memory_space<vmem>>, vector<25x25xf32>
    %dot_general3A = arith.constant dense<0.000000e+00> : vector<2048x25xf32>
    %dot_general3A_5 = tpu.matmul %get3A_1, %get3A_4, %dot_general3A {dimension_numbers = #tpu.dot_dimension_numbers<[1], [0], [0], [1], [0, 0, 1, 1], [], []>, transpose_lhs_hint = false} : vector<2048x25xf32>, vector<25x25xf32>, vector<2048x25xf32> -> vector<2048x25xf32>
    %get3A_6 = arith.constant 0 : index
    %get3A_7 = arith.constant 0 : index
    %get3A_8 = vector.load %arg3[%get3A_6, %get3A_7] : memref<1x25xf32, #tpu.memory_space<vmem>>, vector<1x25xf32>
    %add3A = vector.broadcast %get3A_8 : vector<1x25xf32> to vector<2048x25xf32>
    %add3A_9 = arith.addf %dot_general3A_5, %add3A : vector<2048x25xf32>
    %swap3A = arith.constant 0 : index
    %swap3A_10 = arith.constant 0 : index
    %swap3A_11 = vector.load %arg4[%swap3A, %swap3A_10] : memref<2048x25xf32, #tpu.memory_space<vmem>>, vector<2048x25xf32>
    tpu.vector_store %arg4[%swap3A, %swap3A_10], %add3A_9 {strides = array<i32>} : memref<2048x25xf32, #tpu.memory_space<vmem>>, vector<2048x25xf32>,
    return
  }
  func.func @transform_0(%arg0: i32) -> (i32, i32) {
    %c0_i32 = arith.constant 0 : i32
    %c0_i32_0 = arith.constant 0 : i32
    return %arg0, %c0_i32 : i32, i32
  }
  func.func @transform_1(%arg0: i32) -> (i32, i32) {
    %c0_i32 = arith.constant 0 : i32
    %c0_i32_0 = arith.constant 0 : i32
    %c0_i32_1 = arith.constant 0 : i32
    return %c0_i32, %c0_i32_0 : i32, i32
  }
  func.func @transform_2(%arg0: i32) -> (i32, i32) {
    %c0_i32 = arith.constant 0 : i32
    %c0_i32_0 = arith.constant 0 : i32
    %c0_i32_1 = arith.constant 0 : i32
    return %c0_i32, %c0_i32_0 : i32, i32
  }
  func.func @transform_3(%arg0: i32) -> (i32, i32) {
    %c0_i32 = arith.constant 0 : i32
    %c0_i32_0 = arith.constant 0 : i32
    return %arg0, %c0_i32 : i32, i32
  }
}

</mosaic_0001>

<sc_bundles>
// kernel: kernel.4.cloned.1.call-start
scs
__scs_entry_jumppad:
0x0: {  	(pc) =	sbr.rel $0x88, $3  }
0x1: {  	(tag) =	ssettag $0x0;
	lr =	simm.s32 $0x1  }
0x2: {  	[smem:$0x3F9D] =	sst lr;
	_ =	strace $0xD0000000  }
0x3: {  	_ = 	snop  }
0x4: {  	_ = 	snop  }
0x5: {  	_ = 	snop  }
0x6: {  	_ = 	snop  }
0x7: {  	_ = 	snop  }
__scs_overlays_trampoline_lowered:
0x8: {  	[smem:$0x3FAC] =	sst s0  }
0x9: {  	[smem:$0x3FAD] =	sst s1  }
0xa: {  	[smem:$0x3FAE] =	sst s2  }
0xb: {  	[smem:$0x3FAF] =	sst s3  }
0xc: {  	[smem:$0x3FB0] =	sst s4  }
0xd: {  	[smem:$0x3FB1] =	sst s5  }
0xe: {  	[smem:$0x3FB2] =	sst s6  }
0xf: {  	[smem:$0x3FB3] =	sst s7  }
0x10: {  	[smem:$0x3FB4] =	sst s8  }
0x11: {  	[smem:$0x3FB5] =	sst s9;
	s0 =	simm.s32 @!p0 $0x0  }
0x12: {  	s1 =	sld [smem:$0x3F9B];
	s0 =	simm.s32 @p0 $0x1  }
0x13: {  	[smem:$0x3FB6] =	sst s0;
	s0 =	simm.s32 @!p1 $0x0  }
0x14: {  	s2 =	sld [smem:$0x3F9A];
	s0 =	simm.s32 @p1 $0x1  }
0x15: {  	[smem:$0x3FB7] =	sst s0;
	s0 =	simm.s32 @!p2 $0x0  }
0x16: {  	s3 =	sld [smem:$0x3FDB];
	s0 =	simm.s32 @p2 $0x1  }
0x17: {  	s4 =	simm.s32 $0x1BF5;
	[smem:$0x3FB9] =	sst s0  }
0x18: {  	s0 =	sld [smem:$0x3F9C];
	_ =	swait.ge [sflag:s4], $0x0  }
0x19: {  	s7 =	sld [smem:$0x3F9D]  }
0x1a: {  	s8 =	sadd.s32 $0xFFFFE003, lr  }
0x1b: {  	s9 =	sadd.s32 $0xFFFFFEF7, lr;
	s5 =	simm.s32 $0xFFFFFFFF;
	p2 =	slt.u32 s8, $0xFFFFF086  }
0x1c: {  	p1 =	slt.u32 s9, $0xF7A;
	s5 =	simm.s32 @!p2 $0x0  }
0x1d: {  	s5 =	simm.s32 @p1 $0x1;
	p0 =	seq.s32 s7, s2  }
0x1e: {  	s7 =	smul.u32 @!p0 $0xF7A, s2;
	p2 =	seq.s32 @!p0 s5, $0x0  }
0x1f: {  	s9 =	smul.u32 $0xF7A, s1;
	s8 =	simm.s32 @!p0 $0x1BF5;
	p2 =	por !p2, p0  }
0x20: {  	[sflag:s8] =	ssyncset.s32 @!p0 $0xFFFFF086;
	s6 =	sadd.s32 @!p0 s3, s7;
	s7 =	simm.s32 @!p0 $0x108  }
0x21: {  	s3 =	sadd.s32 s3, s9;
	s6 =	sadd.s32 @!p0 $0x88, s6;
	s7 =	simm.s32 @p2 $0x1082  }
0x22: {  	[simem:s7], [sflag:s8] =	dma.local @!p0 [hbm:s6], $0xF7A  }
0x23: {  	s9 =	sor.u32 $0xD0000000, s2;
	s6 =	simm.s32 $0x108;
	_ =	swait.ge @!p0 [sflag:s8], $0x0  }
0x24: {  	s3 =	sadd.s32 $0x88, s3;
	s6 =	simm.s32 @!p1 $0x1082;
	[sflag:s4] =	ssyncset.s32 $0xFFFFF086  }
0x25: {  	[simem:s6], [sflag:s4] =	dma.local [hbm:s3], $0xF7A  }
0x26: {  	[smem:$0x3F9D] =	sst s1;
	(tag) =	ssettag s2;
	_ =	strace s9  }
0x27: {  	s1 =	sld [smem:$0x3FAD]  }
0x28: {  	s2 =	sld [smem:$0x3FAE]  }
0x29: {  	s4 =	sld [smem:$0x3FB0]  }
0x2a: {  	p0 =	seq.s32 s5, $0x0;
	s5 =	sld [smem:$0x3FB1]  }
0x2b: {  	s6 =	sld [smem:$0x3FB2]  }
0x2c: {  	s7 =	sld [smem:$0x3FB3]  }
0x2d: {  	s3 =	simm.s32 $0x108;
	s8 =	sld [smem:$0x3FB4]  }
0x2e: {  	s3 =	simm.s32 @!p0 $0x1082;
	s9 =	sld [smem:$0x3FB5]  }
0x2f: {  	lr =	sadd.s32 s0, s3;
	s0 =	sld [smem:$0x3FAC]  }
0x30: {  	s3 =	sld [smem:$0x3FAF]  }
0x31: {  	[smem:$0x3FB8] =	sst s10  }
0x32: {  	s10 =	sld [smem:$0x3FB6];
	_ =	sdelay $0x3  }
0x33: {  	p0 =	seq.s32 s10, $0x1;
	s10 =	sld [smem:$0x3FB8];
	_ =	sdelay $0x3  }
0x34: {  	[smem:$0x3FB8] =	sst s10  }
0x35: {  	s10 =	sld [smem:$0x3FB7];
	_ =	sdelay $0x3  }
0x36: {  	p1 =	seq.s32 s10, $0x1;
	s10 =	sld [smem:$0x3FB8];
	_ =	sdelay $0x3  }
0x37: {  	[smem:$0x3FB8] =	sst s10  }
0x38: {  	s10 =	sld [smem:$0x3FB9]  }
0x39: {  	_ = 	snop;
	(pc) =	sbr.ind lr, $3  }
0x3a: {  	_ = 	snop  }
0x3b: {  	_ = 	snop  }
0x3c: {  	p2 =	seq.s32 s10, $0x1;
	s10 =	sld [smem:$0x3FB8]  }
0x3d: {  	_ =	shalt  }
0x3e: {  	_ =	shalt  }
0x3f: {  	_ =	shalt  }
0x40: {  	_ =	shalt  }
0x41: {  	_ =	shalt  }
0x42: {  	_ =	shalt  }
0x43: {  	_ =	shalt  }
0x44: {  	_ =	shalt  }
0x45: {  	_ =	shalt  }
0x46: {  	_ =	shalt  }
0x47: {  	_ =	shalt  }
0x48: {  	_ =	shalt  }
0x49: {  	_ =	shalt  }
0x4a: {  	_ =	shalt  }
0x4b: {  	_ =	shalt  }
0x4c: {  	_ =	shalt  }
0x4d: {  	_ =	shalt  }
0x4e: {  	_ =	shalt  }
0x4f: {  	_ =	shalt  }
0x50: {  	_ =	shalt  }
0x51: {  	_ =	shalt  }
0x52: {  	_ =	shalt  }
0x53: {  	_ =	shalt  }
0x54: {  	_ =	shalt  }
0x55: {  	_ =	shalt  }
0x56: {  	_ =	shalt  }
0x57: {  	_ =	shalt  }
0x58: {  	_ =	shalt  }
0x59: {  	_ =	shalt  }
0x5a: {  	_ =	shalt  }
0x5b: {  	_ =	shalt  }
0x5c: {  	_ =	shalt  }
0x5d: {  	_ =	shalt  }
0x5e: {  	_ =	shalt  }
0x5f: {  	_ =	shalt  }
0x60: {  	_ =	shalt  }
0x61: {  	_ =	shalt  }
0x62: {  	_ =	shalt  }
0x63: {  	_ =	shalt  }
0x64: {  	_ =	shalt  }
0x65: {  	_ =	shalt  }
0x66: {  	_ =	shalt  }
0x67: {  	_ =	shalt  }
0x68: {  	_ =	shalt  }
0x69: {  	_ =	shalt  }
0x6a: {  	_ =	shalt  }
0x6b: {  	_ =	shalt  }
0x6c: {  	_ =	shalt  }
0x6d: {  	_ =	shalt  }
0x6e: {  	_ =	shalt  }
0x6f: {  	_ =	shalt  }
0x70: {  	_ =	shalt  }
0x71: {  	_ =	shalt  }
0x72: {  	_ =	shalt  }
0x73: {  	_ =	shalt  }
0x74: {  	_ =	shalt  }
0x75: {  	_ =	shalt  }
0x76: {  	_ =	shalt  }
0x77: {  	_ =	shalt  }
0x78: {  	_ =	shalt  }
0x79: {  	_ =	shalt  }
0x7a: {  	_ =	shalt  }
0x7b: {  	_ =	shalt  }
0x7c: {  	_ =	shalt  }
0x7d: {  	_ =	shalt  }
0x7e: {  	_ =	shalt  }
0x7f: {  	_ =	shalt  }
0x80: {  	_ =	shalt  }
0x81: {  	_ =	shalt  }
0x82: {  	_ =	shalt  }
0x83: {  	_ =	shalt  }
0x84: {  	_ =	shalt  }
0x85: {  	_ =	shalt  }
0x86: {  	_ =	shalt  }
0x87: {  	_ =	shalt  }
.Lfunc_end0:
.L_simem_size_0:
called_computation_lowered:
.L_overlay_start_0:
0x88: {  	s2 =	sld [smem:$0x3FD9]  }
0x89: {  	s3 =	sld [smem:$0x3FFE];
	_ =	sdelay $0x1  }
0x8a: {  	s1 =	srdreg.scid  }
0x8b: {  	s0 =	sand.u32 $0x1, s1  }
0x8c: {  	s17 =	sshll.u32 s0, $0xA;
	s2 =	sadd.s32 s3, s2  }
0x8d: {  	s2 =	sadd.s32 s2, s17  }
0x8e: {  	[smem:$0x3FC4] =	sst s2  }
0x8f: {  	_ = 	snop  }
0x90: {  	s2 =	sld [smem:$0x3FC8];
	(tm) =	ssettm $0x1  }
0x91: {  	s18 =	sld [smem:$0x3FFB];
	_ =	sdelay $0x3  }
0x92: {  	_ =	strace s18  }
0x93: {  	s3 =	sld [smem:$0x3FFC];
	_ =	sdelay $0x3  }
0x94: {  	_ =	strace s3  }
0x95: {  	s3 =	sld [smem:$0x3FFD];
	_ =	sdelay $0x3  }
0x96: {  	_ =	strace s3  }
0x97: {  	_ =	strace $0x8FFFFFFF  }
0x98: {  	s19 =	sld [smem:$0x3FDB];
	_ =	sdelay $0x1  }
0x99: {  	s4 =	simm.s32 $_scs_section_size  }
0x9a: {  	s5 =	simm.s32 $_size__tile_overlayer_lowered;
	s6 =	simm.s32 $_tile_overlayer_lowered  }
0x9b: {  	s22 =	simm.s32 $0x1BFF;
	s21 =	sshll.u32 s6, $0x1;
	s3 =	sadd.s32 s4, s19  }
0x9c: {  	s7 =	simm.s32 $0x0;
	s20 =	sshll.u32 s5, $0x1;
	s5 =	sadd.s32 s21, s3  }
0x9d: {  	[timem:s7], [sflag:s22] =	dma.local [hbm:s5], s20  }
0x9e: {  	_ =	swait.ge [sflag:s22], s20  }
0x9f: {  	s4 =	ssub.s32 $0x0, s20;
	[sflag:s22] =	ssyncset.done $0x0  }
0xa0: {  	[sflag:s22] =	ssyncadd.s32 s4;
	_ =	sdelay $0x1  }
0xa1: {  	s23 =	simm.s32 $0x1B8B  }
0xa2: {  	_ =	swait.ge [sflag:s23], $0x1  }
0xa3: {  	[sflag:s23] =	ssyncset.done $0x0  }
0xa4: {  	s25 =	simm.s32 $0x1B8E;
	s24 =	sld [smem:$0x3FFE];
	[sflag:s23] =	ssyncadd.s32 $0xFFFFFFFF  }
0xa5: {  	s26 =	simm.s32 $execute0_lowered;
	[smem:$0x3FD2] =	sst s25  }
0xa6: {  	s5 =	sshll.u32 s26, $0x1;
	_ =	strace $0x80000046;
	[dreg:$0x1] =	wrdreg $0xFFFFFFFF  }
0xa7: {  	s28 =	simm.s32 $_size_execute0_lowered;
	s3 =	sadd.s32 s3, s5;
	[dreg:$0x0] =	wrdreg $0x0  }
0xa8: {  	s5 =	sshll.u32 s28, $0x1;
	[dreg:$0x2] =	wrdreg s3  }
0xa9: {  	[dreg:$0x3] =	wrdreg s5  }
0xaa: {  	[dreg:$0x4] =	wrdreg $0xC0  }
0xab: {  	_ =	task [dreg:s7], $0x5FFFF  }
0xac: {  	[dreg:$0x1] =	wrdreg $0xFFFFFFFF  }
0xad: {  	[dreg:$0x0] =	wrdreg $0x60  }
0xae: {  	[dreg:$0x2] =	wrdreg s24  }
0xaf: {  	[dreg:$0x3] =	wrdreg s2  }
0xb0: {  	[dreg:$0x4] =	wrdreg $0x9  }
0xb1: {  	_ =	task.clear_ibuf [dreg:s7], $0x5FFFF;
	_ =	strace $0x90000046  }
0xb2: {  	s29 =	simm.s32 $0x9;
	_ =	strace $0x80000048  }
0xb3: {  	_ =	swait.ge [sflag:s29], $0x1  }
0xb4: {  	[sflag:s29] =	ssyncadd.s32 $0xFFFFFFFF  }
0xb5: {  	_ =	strace $0x90000048  }
0xb6: {  	_ =	sfence  }
0xb7: {  	s30 =	sld [smem:$0x0];
	_ =	sdelay $0x2  }
0xb8: {  	s31 =	sshll.u32 s1, $0xD;
	s1 =	sshrl.u32 s1, $0x2  }
0xb9: {  	s3 =	sand.u32 $0x4000, s31;
	s1 =	sadd.s32 s1, s30  }
0xba: {  	s0 =	sor.u32 s3, s0;
	s1 =	sshll.u32 s1, $0x11  }
0xbb: {  	s0 =	sor.u32 s1, s0  }
0xbc: {  	s0 =	sadd.s32 $0x8F2B, s0  }
0xbd: {  	[sflag:s0] =	ssyncadd.remote.s32 $0x1  }
0xbe: {  	_ =	sfence.sel $0xFFFF  }
0xbf: {  	[dreg:$0x0] =	wrdreg $0xFFFFFFFF;
	(pc) =	sbr.abs _section_cstart, $3  }
0xc0: {  	[dreg:$0x1] =	wrdreg $0xFFFFFFFF  }
0xc1: {  	_ =	task.clear_ibuf [dreg:s7], $0x2FFFF;
	_ =	strace $0x9FFFFFFF  }
0xc2: {  	(tm) =	ssettm $0x7FFFFFFF  }
0xc3: {  	_ =	shalt  }
tec
execute0_lowered:
.L_overlay_start_1:
0x0: {  	(tag) =	ssettag $0x1  }
0x1: {  	s3 =	rddreg [dreg:$0x0]  }
0x2: {  	s4 =	rddreg [dreg:$0x1]  }
0x3: {  	s0 =	rddreg [dreg:$0x2];
	s5 =	srdreg.scid  }
0x4: {  	s1 =	stileid.u32;
	s2 =	simm.s32 $0x0;
	s10 =	simm.s32 $0x4000  }
0x5: {  	s11 =	simm.s32 $0x8200;
	s5 =	sand.u32 $0x1, s5;
	s6 =	sshll.u32 s1, $0x1  }
0x6: {  	s12 =	simm.s32 $0x0;
	[smem:$0x7FF] =	sst s2;
	s6 =	sor.u32 s5, s6  }
0x7: {  	_ =	strace $0x80000047;
	s5 =	ssub.s32 $0x2, s5;
	s7 =	sshll.u32 s6, $0x9  }
0x8: {  	s6 =	sshll.u32 s6, $0x4;
	s9 =	sshrl.u32 s5, $0x1;
	s8 =	sadd.s32 s7, s3  }
0x9: {  	s6 =	sadd.s32 s6, s3;
	s9 =	ssub.s32 s5, s9;
	s4 =	sadd.s32 s4, s7  }
0xa: {  	s7 =	simm.s32 $0x1000;
	s3 =	sadd.s32 $0x400, s8;
	s5 =	sadd.s32 $0x10400, s6  }
0xb: {  	v60 =	vimm.s32 $0x0;
	s6 =	smax.u32 s9, $0x1;
	s8 =	simm.s32 $0x20000;
	s9 =	simm.s32 $0x1  }
.LBB2_1:
0xc: {  	[tilespmem:s2], [sflag:$0x1] =	stream.strided.gather [hbm4b:s3+s7], $0x4000, s8, s7, $0x38;
	[tilespmem:$0x8280] =	vst v63  }
0xd: {  	_ =	swait.ge [sflag:s9], $0x4000  }
0xe: {  	[sflag:s9] =	ssyncset.done $0x0  }
0xf: {  	[sflag:s9] =	ssyncadd.s32 $0xFFFFC000  }
0x10: {  	[tilespmem:s10], [sflag:$0x1] =	stream.strided.gather [hbm4b:s4+s7], $0x4000, s8, s7, $0x38;
	[tilespmem:$0x8280] =	vst v63  }
0x11: {  	_ =	swait.ge [sflag:s9], $0x4000  }
0x12: {  	[sflag:s9] =	ssyncset.done $0x0  }
0x13: {  	v0 =	vimm.f32 $0.0e+00;
	s13 =	simm.s32 $0x0;
	s14 =	simm.s32 $0x0;
	[sflag:s9] =	ssyncadd.s32 $0xFFFFC000  }
.LBB2_2:
0x14: {  	s15 =	sand.u32 $0x70, s14;
	s16 =	sand.u32 $0xC00, s13  }
0x15: {  	s15 =	sor.u32 s15, s16  }
0x16: {  	v3 =	vld [tilespmem:s15+$0x4000]  }
0x17: {  	s30 =	sand.u32 $0xFFFFFC00, s13;
	v2 =	vld [tilespmem:s15+$0x4080]  }
0x18: {  	s17 =	sadd.s32 s30, s14;
	v1 =	vld [tilespmem:s15+$0x4100]  }
0x19: {  	s20 =	sor.u32 $0x180, s17;
	v6 =	vld [tilespmem:s15+$0x4200]  }
0x1a: {  	v5 =	vld [tilespmem:s20+$0x4000]  }
0x1b: {  	v7 =	vld [tilespmem:s15+$0x4280]  }
0x1c: {  	v8 =	vld [tilespmem:s15+$0x4300]  }
0x1d: {  	vm0 =	vlt.f32 v2, v3;
	vm1 =	vlt.f32 v1, v3  }
0x1e: {  	v4 =	vsel vm0, $0x3F800000, v60;
	v18 =	vsel vm1, $0x3F800000, v60  }
0x1f: {  	s31 =	sor.u32 s14, s13;
	vm8 =	vlt.f32 v6, v3;
	vm7 =	vlt.f32 v5, v3;
	v9 =	vadd.f32 v18, v4  }
0x20: {  	s21 =	sor.u32 $0x380, s31;
	vm9 =	vlt.f32 v7, v3;
	v19 =	vsel vm7, $0x3F800000, v60;
	v29 =	vsub.f32 $2.000000000e+00, v18;
	v18 =	vld [tilespmem:s15+$0x6000]  }
0x21: {  	vm10 =	vlt.f32 v8, v3;
	v20 =	vsel vm8, $0x3F800000, v60;
	v10 =	vadd.f32 v19, v9;
	v9 =	vld [tilespmem:s21+$0x4000]  }
0x22: {  	v21 =	vsel vm9, $0x3F800000, v60;
	v22 =	vsel vm10, $0x3F800000, v60;
	v31 =	vsub.f32 $3.000000000e+00, v19;
	v19 =	vld [tilespmem:s15+$0x6080]  }
0x23: {  	vm9 =	vlt.f32 v1, v2;
	v4 =	vsub.f32 $1.000000000e+00, v4;
	v11 =	vadd.f32 v20, v10  }
0x24: {  	v32 =	vsub.f32 $5.000000000e+00, v21;
	v33 =	vsub.f32 $6.000000000e+00, v22;
	v42 =	vsel vm9, $0x3F800000, v60;
	v10 =	vld [tilespmem:s15+$0x5000]  }
0x25: {  	v4 =	vadd.f32 v42, v4;
	vm8 =	vlt.f32 v18, v3;
	v12 =	vadd.f32 v21, v11  }
0x26: {  	v29 =	vsub.f32 v29, v42;
	v56 =	vsel vm8, $0x3F800000, v60;
	vm11 =	vlt.f32 v9, v3  }
0x27: {  	v11 =	vld [tilespmem:s15+$0x5080];
	v41 =	vsub.f32 $1.600000000e+01, v56;
	vm10 =	vlt.f32 v19, v3;
	v13 =	vadd.f32 v22, v12  }
0x28: {  	v23 =	vsel vm11, $0x3F800000, v60;
	v57 =	vsel vm10, $0x3F800000, v60;
	vm11 =	vlt.f32 v5, v2  }
0x29: {  	s19 =	sor.u32 $0x1180, s17;
	s17 =	sor.u32 $0x2180, s17;
	v12 =	vld [tilespmem:s15+$0x5100];
	vm12 =	vlt.f32 v10, v3;
	v34 =	vsub.f32 $7.000000000e+00, v23;
	v43 =	vsel vm11, $0x3F800000, v60  }
0x2a: {  	v21 =	vld [tilespmem:s17+$0x4000];
	v44 =	vsub.f32 $1.700000000e+01, v57;
	vm8 =	vlt.f32 v10, v2;
	v14 =	vadd.f32 v23, v13  }
0x2b: {  	v13 =	vld [tilespmem:s19+$0x4000];
	v24 =	vsel vm12, $0x3F800000, v60;
	v4 =	vadd.f32 v43, v4;
	v31 =	vsub.f32 v31, v43  }
0x2c: {  	vm13 =	vlt.f32 v11, v3;
	v35 =	vsub.f32 $8.000000000e+00, v24;
	vm10 =	vlt.f32 v11, v2  }
0x2d: {  	v15 =	vadd.f32 v24, v14;
	v25 =	vsel vm13, $0x3F800000, v60;
	vm13 =	vlt.f32 v6, v2  }
0x2e: {  	v14 =	vld [tilespmem:s15+$0x5200];
	vm14 =	vlt.f32 v12, v3;
	v45 =	vsel vm13, $0x3F800000, v60;
	vm11 =	vlt.f32 v12, v2  }
0x2f: {  	v16 =	vadd.f32 v25, v15;
	v26 =	vsel vm14, $0x3F800000, v60;
	v25 =	vsub.f32 $9.000000000e+00, v25  }
0x30: {  	vm14 =	vlt.f32 v21, v3;
	v4 =	vadd.f32 v45, v4;
	vm15 =	vlt.f32 v13, v3  }
0x31: {  	v15 =	vld [tilespmem:s15+$0x5280];
	v36 =	vsub.f32 $1.000000000e+01, v26;
	v59 =	vsel vm14, $0x3F800000, v60;
	vm13 =	vlt.f32 v13, v2  }
0x32: {  	v17 =	vadd.f32 v26, v16;
	v27 =	vsel vm15, $0x3F800000, v60;
	vm15 =	vlt.f32 v7, v2  }
0x33: {  	v22 =	vld [tilespmem:s15+$0x6200];
	v48 =	vsub.f32 $1.900000000e+01, v59;
	vm4 =	vlt.f32 v14, v3;
	v37 =	vsub.f32 $1.100000000e+01, v27  }
0x34: {  	v47 =	vsel vm15, $0x3F800000, v60;
	vm15 =	vlt.f32 v14, v2;
	v28 =	vadd.f32 v27, v17  }
0x35: {  	v16 =	vld [tilespmem:s15+$0x5300];
	v30 =	vsel vm4, $0x3F800000, v60;
	v4 =	vadd.f32 v47, v4;
	vm4 =	vlt.f32 v8, v2  }
0x36: {  	v32 =	vsub.f32 v32, v47;
	vm5 =	vlt.f32 v15, v3;
	v49 =	vsel vm4, $0x3F800000, v60  }
0x37: {  	s18 =	sor.u32 $0x1380, s31;
	vm4 =	vlt.f32 v15, v2;
	v50 =	vadd.f32 v30, v28;
	v28 =	vsub.f32 $4.000000000e+00, v20  }
0x38: {  	v17 =	vld [tilespmem:s18+$0x4000];
	v51 =	vsel vm5, $0x3F800000, v60;
	v30 =	vsub.f32 $1.200000000e+01, v30;
	vm5 =	vlt.f32 v22, v3  }
0x39: {  	v4 =	vadd.f32 v49, v4;
	v42 =	vsel vm4, $0x3F800000, v60;
	v33 =	vsub.f32 v33, v49  }
0x3a: {  	v24 =	vld [tilespmem:s15+$0x6280];
	vm4 =	vlt.f32 v9, v1;
	vm6 =	vlt.f32 v16, v3;
	v38 =	vsub.f32 $1.300000000e+01, v51  }
0x3b: {  	v52 =	vadd.f32 v51, v50;
	v53 =	vsel vm6, $0x3F800000, v60;
	v50 =	vsel vm5, $0x3F800000, v60  }
0x3c: {  	vm6 =	vlt.f32 v9, v2;
	v28 =	vsub.f32 v28, v45;
	vm5 =	vlt.f32 v16, v2  }
0x3d: {  	v20 =	vld [tilespmem:s15+$0x6100];
	vm7 =	vlt.f32 v17, v3;
	v39 =	vsub.f32 $1.400000000e+01, v53;
	v51 =	vsel vm6, $0x3F800000, v60  }
0x3e: {  	v62 =	vsel vm5, $0x3F800000, v60;
	vm6 =	vlt.f32 v17, v2;
	v54 =	vadd.f32 v53, v52  }
0x3f: {  	s16 =	sor.u32 $0x2380, s31;
	v38 =	vsub.f32 v38, v42;
	vm5 =	vlt.f32 v24, v2;
	v55 =	vsel vm7, $0x3F800000, v60  }
0x40: {  	v26 =	vld [tilespmem:s16+$0x4000];
	vm7 =	vlt.f32 v24, v3;
	v4 =	vadd.f32 v51, v4;
	v23 =	vadd.f32 v55, v54  }
0x41: {  	v34 =	vsub.f32 v34, v51;
	v63 =	vsel vm6, $0x3F800000, v60;
	vm6 =	vlt.f32 v10, v1  }
0x42: {  	v40 =	vsub.f32 $1.500000000e+01, v55;
	vm12 =	vlt.f32 v20, v3;
	v23 =	vadd.f32 v56, v23  }
0x43: {  	v52 =	vsel vm7, $0x3F800000, v60;
	vm7 =	vlt.f32 v18, v2;
	v39 =	vsub.f32 v39, v62  }
0x44: {  	v58 =	vsel vm12, $0x3F800000, v60;
	v54 =	vsel vm8, $0x3F800000, v60;
	v23 =	vadd.f32 v57, v23  }
0x45: {  	vm12 =	vlt.f32 v26, v3;
	v47 =	vsel vm7, $0x3F800000, v60;
	v46 =	vsub.f32 $1.800000000e+01, v58  }
0x46: {  	vm8 =	vlt.f32 v19, v2;
	v4 =	vadd.f32 v54, v4;
	v23 =	vadd.f32 v58, v23  }
0x47: {  	v35 =	vsub.f32 v35, v54;
	v40 =	vsub.f32 v40, v63;
	v49 =	vsel vm8, $0x3F800000, v60  }
0x48: {  	vm8 =	vlt.f32 v11, v1;
	v56 =	vsel vm10, $0x3F800000, v60;
	v61 =	vadd.f32 v59, v23;
	v23 =	vld [tilespmem:s15+$0x6300]  }
0x49: {  	vm10 =	vlt.f32 v20, v2;
	v4 =	vadd.f32 v56, v4;
	v25 =	vsub.f32 v25, v56  }
0x4a: {  	v51 =	vsel vm10, $0x3F800000, v60;
	v56 =	vsel vm5, $0x3F800000, v60;
	vm10 =	vlt.f32 v12, v1  }
0x4b: {  	vm5 =	vlt.f32 v18, v1;
	v57 =	vsel vm11, $0x3F800000, v60;
	v27 =	vadd.f32 v50, v61  }
0x4c: {  	vm11 =	vlt.f32 v6, v1;
	v43 =	vsub.f32 v46, v51;
	v4 =	vadd.f32 v57, v4  }
0x4d: {  	v36 =	vsub.f32 v36, v57;
	v53 =	vadd.f32 v52, v27;
	v27 =	vld [tilespmem:s15+$0x7000];
	vm9 =	vlt.f32 v23, v3  }
0x4e: {  	v58 =	vsel vm12, $0x3F800000, v60;
	vm12 =	vlt.f32 v21, v2;
	v55 =	vsel vm9, $0x3F800000, v60  }
0x4f: {  	v50 =	vsub.f32 $2.000000000e+01, v50;
	vm7 =	vlt.f32 v23, v2;
	v53 =	vadd.f32 v55, v53  }
0x50: {  	v52 =	vsub.f32 $2.100000000e+01, v52;
	vm9 =	vlt.f32 v5, v1;
	v57 =	vsel vm7, $0x3F800000, v60  }
0x51: {  	vm7 =	vlt.f32 v6, v5;
	v55 =	vsub.f32 $2.200000000e+01, v55;
	v53 =	vadd.f32 v58, v53  }
0x52: {  	vm14 =	vlt.f32 v27, v3;
	v3 =	vsel vm13, $0x3F800000, v60;
	v58 =	vsub.f32 $2.300000000e+01, v58  }
0x53: {  	vm13 =	vlt.f32 v7, v1;
	v4 =	vadd.f32 v3, v4;
	v3 =	vsub.f32 v37, v3  }
0x54: {  	v59 =	vsel vm14, $0x3F800000, v60;
	v37 =	vsub.f32 v41, v47;
	v41 =	vsub.f32 v44, v49  }
0x55: {  	v44 =	vsel vm11, $0x3F800000, v60;
	v46 =	vsel vm13, $0x3F800000, v60;
	vm14 =	vlt.f32 v22, v2  }
0x56: {  	vm11 =	vlt.f32 v13, v1;
	vm13 =	vlt.f32 v14, v1;
	v61 =	vadd.f32 v59, v53  }
0x57: {  	v53 =	vsel vm15, $0x3F800000, v60;
	v59 =	vsub.f32 $2.400000000e+01, v59;
	vm15 =	vlt.f32 v8, v1  }
0x58: {  	v54 =	vsel vm14, $0x3F800000, v60;
	vm14 =	vlt.f32 v15, v1;
	v28 =	vsub.f32 v28, v44  }
0x59: {  	v4 =	vadd.f32 v53, v4;
	v30 =	vsub.f32 v30, v53;
	v53 =	vsel vm12, $0x3F800000, v60  }
0x5a: {  	v32 =	vsub.f32 v32, v46;
	vm12 =	vlt.f32 v27, v2;
	v45 =	vsub.f32 v48, v53  }
0x5b: {  	v48 =	vsel vm15, $0x3F800000, v60;
	vm15 =	vlt.f32 v16, v1;
	v4 =	vadd.f32 v42, v4  }
0x5c: {  	v42 =	vsel vm9, $0x3F800000, v60;
	vm9 =	vlt.f32 v26, v2;
	v2 =	vsel vm11, $0x3F800000, v60  }
0x5d: {  	v33 =	vsub.f32 v33, v48;
	vm11 =	vlt.f32 v8, v5;
	v29 =	vadd.f32 v42, v29  }
0x5e: {  	v31 =	vsub.f32 v31, v42;
	v42 =	vsel vm7, $0x3F800000, v60;
	v4 =	vadd.f32 v62, v4  }
0x5f: {  	vm7 =	vlt.f32 v13, v5;
	v62 =	vsel vm9, $0x3F800000, v60;
	v28 =	vsub.f32 v28, v42  }
0x60: {  	vm9 =	vlt.f32 v7, v5;
	v29 =	vadd.f32 v44, v29;
	v4 =	vadd.f32 v63, v4  }
0x61: {  	v31 =	vadd.f32 v42, v31;
	v63 =	vsel vm12, $0x3F800000, v60;
	vm12 =	vlt.f32 v9, v5  }
0x62: {  	v29 =	vadd.f32 v46, v29;
	v46 =	vsel vm11, $0x3F800000, v60;
	v4 =	vadd.f32 v47, v4  }
0x63: {  	vm11 =	vlt.f32 v15, v5;
	v47 =	vsub.f32 v50, v54;
	v50 =	vsub.f32 v52, v56  }
0x64: {  	v52 =	vsel vm8, $0x3F800000, v60;
	vm8 =	vlt.f32 v20, v1;
	v33 =	vsub.f32 v33, v46  }
0x65: {  	v29 =	vadd.f32 v48, v29;
	v48 =	vsel vm15, $0x3F800000, v60;
	v25 =	vsub.f32 v25, v52  }
0x66: {  	vm15 =	vlt.f32 v24, v1;
	v4 =	vadd.f32 v49, v4;
	v49 =	vsel vm4, $0x3F800000, v60  }
0x67: {  	vm4 =	vlt.f32 v17, v1;
	v39 =	vsub.f32 v39, v48;
	v29 =	vadd.f32 v49, v29  }
0x68: {  	v34 =	vsub.f32 v34, v49;
	v49 =	vsel vm5, $0x3F800000, v60;
	vm5 =	vlt.f32 v23, v1  }
0x69: {  	v4 =	vadd.f32 v51, v4;
	v51 =	vsel vm6, $0x3F800000, v60;
	v37 =	vsub.f32 v37, v49  }
0x6a: {  	vm6 =	vlt.f32 v19, v1;
	v29 =	vadd.f32 v51, v29;
	v35 =	vsub.f32 v35, v51  }
0x6b: {  	v51 =	vsel vm6, $0x3F800000, v60;
	vm6 =	vlt.f32 v12, v5;
	v4 =	vadd.f32 v53, v4  }
0x6c: {  	v53 =	vsub.f32 v55, v57;
	v55 =	vsel vm10, $0x3F800000, v60;
	vm10 =	vlt.f32 v21, v1  }
0x6d: {  	v29 =	vadd.f32 v52, v29;
	v36 =	vsub.f32 v36, v55;
	v52 =	vsel vm8, $0x3F800000, v60  }
0x6e: {  	vm8 =	vlt.f32 v26, v1;
	v4 =	vadd.f32 v54, v4;
	v54 =	vsub.f32 v58, v62  }
0x6f: {  	v43 =	vsub.f32 v43, v52;
	v58 =	vsel vm15, $0x3F800000, v60;
	vm15 =	vlt.f32 v19, v5  }
0x70: {  	v29 =	vadd.f32 v55, v29;
	v55 =	vsel vm10, $0x3F800000, v60;
	v4 =	vadd.f32 v56, v4  }
0x71: {  	v50 =	vsub.f32 v50, v58;
	vm10 =	vlt.f32 v27, v1;
	v44 =	vsub.f32 v45, v55  }
0x72: {  	v45 =	vsel vm12, $0x3F800000, v60;
	vm12 =	vlt.f32 v16, v5;
	v4 =	vadd.f32 v57, v4  }
0x73: {  	v29 =	vadd.f32 v2, v29;
	v2 =	vsub.f32 v3, v2;
	v3 =	vsel vm4, $0x3F800000, v60  }
0x74: {  	vm4 =	vlt.f32 v11, v5;
	v4 =	vadd.f32 v62, v4;
	v62 =	vsel vm13, $0x3F800000, v60  }
0x75: {  	v34 =	vsub.f32 v34, v45;
	vm13 =	vlt.f32 v22, v1;
	v29 =	vadd.f32 v62, v29  }
0x76: {  	v30 =	vsub.f32 v30, v62;
	v56 =	vsel vm13, $0x3F800000, v60;
	v62 =	vsel vm8, $0x3F800000, v60  }
0x77: {  	v57 =	vadd.f32 v63, v4;
	v4 =	vsub.f32 v59, v63;
	v63 =	vsel vm14, $0x3F800000, v60  }
0x78: {  	vm13 =	vlt.f32 v17, v5;
	vm8 =	vlt.f32 v9, v6;
	v29 =	vadd.f32 v63, v29  }
0x79: {  	vm14 =	vlt.f32 v10, v5;
	v47 =	vsub.f32 v47, v56;
	v59 =	vsel vm5, $0x3F800000, v60  }
0x7a: {  	v54 =	vsub.f32 v54, v62;
	vm5 =	vlt.f32 v7, v6;
	v29 =	vadd.f32 v48, v29  }
0x7b: {  	v38 =	vsub.f32 v38, v63;
	v63 =	vsel vm10, $0x3F800000, v60;
	vm10 =	vlt.f32 v10, v6  }
0x7c: {  	v4 =	vsub.f32 v4, v63;
	v48 =	vsel vm4, $0x3F800000, v60;
	v29 =	vadd.f32 v3, v29  }
0x7d: {  	v3 =	vsub.f32 v40, v3;
	v40 =	vsub.f32 v41, v51;
	v41 =	vsel vm9, $0x3F800000, v60  }
0x7e: {  	vm4 =	vlt.f32 v20, v5;
	vm9 =	vlt.f32 v14, v5;
	v31 =	vadd.f32 v41, v31  }
0x7f: {  	v25 =	vsub.f32 v25, v48;
	v1 =	vsel vm9, $0x3F800000, v60;
	v29 =	vadd.f32 v49, v29  }
0x80: {  	v32 =	vsub.f32 v32, v41;
	v49 =	vsel vm14, $0x3F800000, v60;
	v31 =	vadd.f32 v46, v31  }
0x81: {  	vm9 =	vlt.f32 v22, v5;
	v35 =	vsub.f32 v35, v49;
	v29 =	vadd.f32 v51, v29  }
0x82: {  	vm14 =	vlt.f32 v18, v5;
	v51 =	vsub.f32 v53, v59;
	v31 =	vadd.f32 v45, v31  }
0x83: {  	v53 =	vsel vm7, $0x3F800000, v60;
	vm7 =	vlt.f32 v8, v6;
	v29 =	vadd.f32 v52, v29  }
0x84: {  	v2 =	vsub.f32 v2, v53;
	v45 =	vsel vm10, $0x3F800000, v60;
	v31 =	vadd.f32 v49, v31  }
0x85: {  	vm10 =	vlt.f32 v18, v6;
	v52 =	vsel vm6, $0x3F800000, v60;
	v29 =	vadd.f32 v55, v29  }
0x86: {  	vm6 =	vlt.f32 v21, v5;
	v35 =	vsub.f32 v35, v45;
	v31 =	vadd.f32 v48, v31  }
0x87: {  	v49 =	vsel vm13, $0x3F800000, v60;
	v36 =	vsub.f32 v36, v52;
	v29 =	vadd.f32 v56, v29  }
0x88: {  	vm13 =	vlt.f32 v23, v5;
	v3 =	vsub.f32 v3, v49;
	v31 =	vadd.f32 v52, v31  }
0x89: {  	v29 =	vadd.f32 v58, v29;
	v58 =	vsel vm15, $0x3F800000, v60;
	vm15 =	vlt.f32 v13, v6  }
0x8a: {  	v31 =	vadd.f32 v53, v31;
	v53 =	vsel vm14, $0x3F800000, v60;
	vm14 =	vlt.f32 v12, v6  }
0x8b: {  	v29 =	vadd.f32 v59, v29;
	v37 =	vsub.f32 v37, v53;
	v59 =	vsel vm4, $0x3F800000, v60  }
0x8c: {  	vm4 =	vlt.f32 v26, v5;
	v31 =	vadd.f32 v1, v31;
	v1 =	vsub.f32 v30, v1  }
0x8d: {  	v29 =	vadd.f32 v62, v29;
	v62 =	vsel vm11, $0x3F800000, v60;
	vm11 =	vlt.f32 v24, v5  }
0x8e: {  	v31 =	vadd.f32 v62, v31;
	v52 =	vsel vm11, $0x3F800000, v60;
	vm11 =	vlt.f32 v19, v6  }
0x8f: {  	v55 =	vadd.f32 v63, v29;
	v63 =	vsel vm12, $0x3F800000, v60;
	v29 =	vsub.f32 v38, v62  }
0x90: {  	v38 =	vsub.f32 v40, v58;
	v40 =	vsel vm5, $0x3F800000, v60;
	v62 =	vsel vm6, $0x3F800000, v60  }
0x91: {  	vm12 =	vlt.f32 v11, v6;
	v46 =	vsub.f32 v50, v52;
	v50 =	vsel vm15, $0x3F800000, v60  }
0x92: {  	vm5 =	vlt.f32 v14, v6;
	vm6 =	vlt.f32 v27, v5;
	v31 =	vadd.f32 v63, v31  }
0x93: {  	vm15 =	vlt.f32 v9, v7;
	v28 =	vadd.f32 v40, v28;
	v41 =	vsub.f32 v44, v62  }
0x94: {  	v32 =	vsub.f32 v32, v40;
	v31 =	vadd.f32 v49, v31;
	v49 =	vsel vm9, $0x3F800000, v60  }
0x95: {  	v2 =	vsub.f32 v2, v50;
	vm9 =	vlt.f32 v17, v6;
	v44 =	vsub.f32 v47, v49  }
0x96: {  	v47 =	vsel vm12, $0x3F800000, v60;
	vm12 =	vlt.f32 v20, v6;
	v56 =	vadd.f32 v53, v31  }
0x97: {  	v31 =	vsub.f32 v39, v63;
	v39 =	vsub.f32 v43, v59;
	v63 =	vsel vm7, $0x3F800000, v60  }
0x98: {  	v43 =	vsel vm8, $0x3F800000, v60;
	v53 =	vsel vm13, $0x3F800000, v60;
	vm7 =	vlt.f32 v15, v6  }
0x99: {  	vm8 =	vlt.f32 v16, v6;
	v25 =	vsub.f32 v25, v47;
	v28 =	vadd.f32 v63, v28  }
0x9a: {  	vm13 =	vlt.f32 v8, v7;
	v48 =	vsub.f32 v51, v53;
	v33 =	vsub.f32 v33, v63  }
0x9b: {  	v63 =	vsel vm8, $0x3F800000, v60;
	v34 =	vsub.f32 v34, v43;
	vm8 =	vlt.f32 v12, v7  }
0x9c: {  	v30 =	vadd.f32 v58, v56;
	v56 =	vsel vm4, $0x3F800000, v60;
	v58 =	vsel vm5, $0x3F800000, v60  }
0x9d: {  	vm4 =	vlt.f32 v22, v6;
	vm5 =	vlt.f32 v10, v7;
	v28 =	vadd.f32 v43, v28  }
0x9e: {  	v51 =	vsub.f32 v54, v56;
	v1 =	vsub.f32 v1, v58;
	v54 =	vsel vm12, $0x3F800000, v60  }
0x9f: {  	v42 =	vsel vm5, $0x3F800000, v60;
	vm12 =	vlt.f32 v14, v7;
	vm5 =	vlt.f32 v18, v7  }
0xa0: {  	v30 =	vadd.f32 v59, v30;
	v59 =	vsel vm6, $0x3F800000, v60;
	v35 =	vsub.f32 v35, v42  }
0xa1: {  	vm6 =	vlt.f32 v11, v7;
	v28 =	vadd.f32 v45, v28;
	v4 =	vsub.f32 v4, v59  }
0xa2: {  	v43 =	vsel vm6, $0x3F800000, v60;
	v45 =	vsel vm8, $0x3F800000, v60;
	vm6 =	vlt.f32 v19, v7  }
0xa3: {  	vm8 =	vlt.f32 v21, v7;
	v30 =	vadd.f32 v62, v30;
	v62 =	vsel vm7, $0x3F800000, v60  }
0xa4: {  	vm7 =	vlt.f32 v24, v6;
	v25 =	vsub.f32 v25, v43;
	v28 =	vadd.f32 v47, v28  }
0xa5: {  	v47 =	vsel vm9, $0x3F800000, v60;
	v29 =	vsub.f32 v29, v62;
	vm9 =	vlt.f32 v23, v6  }
0xa6: {  	v30 =	vadd.f32 v49, v30;
	v49 =	vsel vm14, $0x3F800000, v60;
	v3 =	vsub.f32 v3, v47  }
0xa7: {  	vm14 =	vlt.f32 v21, v6;
	v28 =	vadd.f32 v49, v28;
	v36 =	vsub.f32 v36, v49  }
0xa8: {  	v30 =	vadd.f32 v52, v30;
	v52 =	vsel vm11, $0x3F800000, v60;
	vm11 =	vlt.f32 v26, v6  }
0xa9: {  	v28 =	vadd.f32 v50, v28;
	v50 =	vsel vm10, $0x3F800000, v60;
	v36 =	vsub.f32 v36, v45  }
0xaa: {  	vm10 =	vlt.f32 v13, v7;
	v30 =	vadd.f32 v53, v30;
	v5 =	vsub.f32 v37, v50  }
0xab: {  	v37 =	vsub.f32 v39, v54;
	v39 =	vsel vm15, $0x3F800000, v60;
	vm15 =	vlt.f32 v16, v7  }
0xac: {  	v28 =	vadd.f32 v58, v28;
	v58 =	vsel vm4, $0x3F800000, v60;
	vm4 =	vlt.f32 v17, v7  }
0xad: {  	v34 =	vsub.f32 v34, v39;
	v30 =	vadd.f32 v56, v30;
	v56 =	vsel vm14, $0x3F800000, v60  }
0xae: {  	vm14 =	vlt.f32 v27, v6;
	v28 =	vadd.f32 v62, v28;
	v40 =	vsub.f32 v41, v56  }
0xaf: {  	v41 =	vsub.f32 v44, v58;
	v62 =	vsel vm9, $0x3F800000, v60;
	v53 =	vadd.f32 v59, v30  }
0xb0: {  	vm9 =	vlt.f32 v9, v8;
	v30 =	vsub.f32 v31, v63;
	v31 =	vsub.f32 v38, v52  }
0xb1: {  	v38 =	vsel vm13, $0x3F800000, v60;
	v59 =	vsel vm7, $0x3F800000, v60;
	vm13 =	vlt.f32 v15, v7  }
0xb2: {  	vm7 =	vlt.f32 v20, v7;
	v28 =	vadd.f32 v63, v28;
	v32 =	vadd.f32 v38, v32  }
0xb3: {  	v44 =	vsub.f32 v46, v59;
	v63 =	vsel vm10, $0x3F800000, v60;
	v33 =	vsub.f32 v33, v38  }
0xb4: {  	v46 =	vsel vm8, $0x3F800000, v60;
	vm10 =	vlt.f32 v10, v8;
	v28 =	vadd.f32 v47, v28  }
0xb5: {  	vm8 =	vlt.f32 v27, v7;
	v2 =	vsub.f32 v2, v63;
	v32 =	vadd.f32 v39, v32  }
0xb6: {  	v38 =	vsel vm10, $0x3F800000, v60;
	v47 =	vsub.f32 v48, v62;
	v28 =	vadd.f32 v50, v28  }
0xb7: {  	vm10 =	vlt.f32 v17, v8;
	v35 =	vsub.f32 v35, v38;
	v32 =	vadd.f32 v42, v32  }
0xb8: {  	v42 =	vsel vm6, $0x3F800000, v60;
	vm6 =	vlt.f32 v26, v7;
	v28 =	vadd.f32 v52, v28  }
0xb9: {  	v32 =	vadd.f32 v43, v32;
	v52 =	vsel vm11, $0x3F800000, v60;
	vm11 =	vlt.f32 v22, v7  }
0xba: {  	v48 =	vsub.f32 v51, v52;
	v49 =	vsel vm11, $0x3F800000, v60;
	vm11 =	vlt.f32 v18, v8  }
0xbb: {  	v28 =	vadd.f32 v54, v28;
	v32 =	vadd.f32 v45, v32;
	v54 =	vsel vm12, $0x3F800000, v60  }
0xbc: {  	v45 =	vsel vm7, $0x3F800000, v60;
	vm12 =	vlt.f32 v11, v8;
	v39 =	vsub.f32 v41, v49  }
0xbd: {  	vm7 =	vlt.f32 v15, v8;
	v1 =	vsub.f32 v1, v54;
	v28 =	vadd.f32 v56, v28  }
0xbe: {  	v32 =	vadd.f32 v63, v32;
	v56 =	vsel vm13, $0x3F800000, v60;
	v63 =	vsel vm5, $0x3F800000, v60  }
0xbf: {  	vm13 =	vlt.f32 v24, v7;
	v6 =	vsub.f32 v29, v56;
	v5 =	vsub.f32 v5, v63  }
0xc0: {  	vm5 =	vlt.f32 v14, v8;
	v29 =	vsub.f32 v31, v42;
	v31 =	vsub.f32 v37, v45  }
0xc1: {  	v37 =	vsel vm9, $0x3F800000, v60;
	v50 =	vsel vm13, $0x3F800000, v60;
	vm9 =	vlt.f32 v16, v8  }
0xc2: {  	vm13 =	vlt.f32 v20, v8;
	v28 =	vadd.f32 v58, v28;
	v32 =	vadd.f32 v54, v32  }
0xc3: {  	v58 =	vsel vm14, $0x3F800000, v60;
	v33 =	vadd.f32 v37, v33;
	vm14 =	vlt.f32 v12, v8  }
0xc4: {  	v34 =	vsub.f32 v34, v37;
	v4 =	vsub.f32 v4, v58;
	v41 =	vsel vm14, $0x3F800000, v60  }
0xc5: {  	vm14 =	vlt.f32 v21, v8;
	v28 =	vadd.f32 v59, v28;
	v32 =	vadd.f32 v56, v32  }
0xc6: {  	v59 =	vsel vm15, $0x3F800000, v60;
	v33 =	vadd.f32 v38, v33;
	vm15 =	vlt.f32 v23, v7  }
0xc7: {  	v56 =	vsel vm5, $0x3F800000, v60;
	v36 =	vsub.f32 v36, v41;
	vm5 =	vlt.f32 v22, v8  }
0xc8: {  	v1 =	vsub.f32 v1, v56;
	v28 =	vadd.f32 v62, v28;
	v62 =	vsel vm4, $0x3F800000, v60  }
0xc9: {  	v32 =	vadd.f32 v59, v32;
	vm4 =	vlt.f32 v13, v8;
	v3 =	vsub.f32 v3, v62  }
0xca: {  	v54 =	vsel vm4, $0x3F800000, v60;
	vm4 =	vlt.f32 v11, v9;
	v28 =	vadd.f32 v52, v28  }
0xcb: {  	v32 =	vadd.f32 v62, v32;
	v52 =	vsel vm15, $0x3F800000, v60;
	v62 =	vsel vm8, $0x3F800000, v60  }
0xcc: {  	v2 =	vsub.f32 v2, v54;
	vm15 =	vlt.f32 v10, v9;
	v4 =	vsub.f32 v4, v62  }
0xcd: {  	vm8 =	vlt.f32 v13, v9;
	v51 =	vadd.f32 v58, v28;
	v32 =	vadd.f32 v63, v32  }
0xce: {  	v28 =	vsub.f32 v30, v59;
	v58 =	vsel vm6, $0x3F800000, v60;
	v59 =	vsel vm7, $0x3F800000, v60  }
0xcf: {  	v63 =	vsel vm9, $0x3F800000, v60;
	vm6 =	vlt.f32 v12, v9;
	v6 =	vsub.f32 v6, v59  }
0xd0: {  	v43 =	vadd.f32 v42, v32;
	v32 =	vsub.f32 v40, v46;
	v40 =	vsel vm12, $0x3F800000, v60  }
0xd1: {  	vm7 =	vlt.f32 v24, v8;
	v42 =	vsub.f32 v44, v50;
	v33 =	vadd.f32 v40, v33  }
0xd2: {  	vm9 =	vlt.f32 v23, v8;
	v7 =	vsub.f32 v28, v63;
	v30 =	vadd.f32 v45, v43  }
0xd3: {  	v38 =	vsel vm6, $0x3F800000, v60;
	v25 =	vsub.f32 v25, v40;
	v33 =	vadd.f32 v41, v33  }
0xd4: {  	vm6 =	vlt.f32 v20, v9;
	v43 =	vsub.f32 v47, v52;
	v30 =	vadd.f32 v46, v30  }
0xd5: {  	vm12 =	vlt.f32 v19, v8;
	v46 =	vsub.f32 v48, v58;
	v33 =	vadd.f32 v54, v33  }
0xd6: {  	v30 =	vadd.f32 v49, v30;
	v49 =	vsel vm10, $0x3F800000, v60;
	vm10 =	vlt.f32 v14, v9  }
0xd7: {  	v33 =	vadd.f32 v56, v33;
	v3 =	vsub.f32 v3, v49;
	v56 =	vsel vm13, $0x3F800000, v60  }
0xd8: {  	vm13 =	vlt.f32 v16, v9;
	v30 =	vadd.f32 v50, v30;
	v50 =	vsel vm11, $0x3F800000, v60  }
0xd9: {  	vm11 =	vlt.f32 v15, v9;
	v33 =	vadd.f32 v59, v33;
	v5 =	vsub.f32 v5, v50  }
0xda: {  	v59 =	vsel vm5, $0x3F800000, v60;
	vm5 =	vlt.f32 v19, v9;
	v30 =	vadd.f32 v52, v30  }
0xdb: {  	v52 =	vsel vm12, $0x3F800000, v60;
	v37 =	vsub.f32 v39, v59;
	vm12 =	vlt.f32 v26, v8  }
0xdc: {  	v39 =	vsel vm6, $0x3F800000, v60;
	vm6 =	vlt.f32 v17, v10;
	v33 =	vadd.f32 v63, v33  }
0xdd: {  	v28 =	vsub.f32 v29, v52;
	v29 =	vsub.f32 v31, v56;
	v63 =	vsel vm8, $0x3F800000, v60  }
0xde: {  	vm8 =	vlt.f32 v11, v10;
	v30 =	vadd.f32 v58, v30;
	v58 =	vsel vm14, $0x3F800000, v60  }
0xdf: {  	vm14 =	vlt.f32 v27, v8;
	v2 =	vsub.f32 v2, v63;
	v33 =	vadd.f32 v49, v33  }
0xe0: {  	v31 =	vsub.f32 v32, v58;
	v32 =	vsel vm4, $0x3F800000, v60;
	v49 =	vsel vm9, $0x3F800000, v60  }
0xe1: {  	vm4 =	vlt.f32 v18, v9;
	v8 =	vsub.f32 v29, v39;
	vm9 =	vlt.f32 v22, v9  }
0xe2: {  	v48 =	vadd.f32 v62, v30;
	v62 =	vsel vm7, $0x3F800000, v60;
	v41 =	vsub.f32 v43, v49  }
0xe3: {  	v25 =	vsub.f32 v25, v32;
	vm7 =	vlt.f32 v21, v9;
	v47 =	vsel vm9, $0x3F800000, v60  }
0xe4: {  	vm9 =	vlt.f32 v19, v10;
	v33 =	vadd.f32 v50, v33;
	v40 =	vsub.f32 v42, v62  }
0xe5: {  	v50 =	vsel vm10, $0x3F800000, v60;
	v43 =	vsel vm7, $0x3F800000, v60;
	vm10 =	vlt.f32 v12, v10  }
0xe6: {  	vm7 =	vlt.f32 v27, v9;
	v1 =	vsub.f32 v1, v50;
	v31 =	vsub.f32 v31, v43  }
0xe7: {  	v54 =	vadd.f32 v52, v33;
	v33 =	vsel vm15, $0x3F800000, v60;
	v52 =	vsel vm11, $0x3F800000, v60  }
0xe8: {  	vm15 =	vlt.f32 v17, v9;
	v34 =	vadd.f32 v33, v34;
	v33 =	vsub.f32 v35, v33  }
0xe9: {  	vm11 =	vlt.f32 v13, v10;
	v35 =	vsub.f32 v36, v38;
	v6 =	vsub.f32 v6, v52  }
0xea: {  	v36 =	vsel vm11, $0x3F800000, v60;
	vm11 =	vlt.f32 v21, v10;
	v30 =	vadd.f32 v56, v54  }
0xeb: {  	v54 =	vsel vm12, $0x3F800000, v60;
	v56 =	vsel vm13, $0x3F800000, v60;
	v2 =	vsub.f32 v2, v36  }
0xec: {  	vm12 =	vlt.f32 v24, v9;
	v34 =	vadd.f32 v32, v34;
	v44 =	vsub.f32 v46, v54  }
0xed: {  	vm13 =	vlt.f32 v14, v10;
	v7 =	vsub.f32 v7, v56;
	v30 =	vadd.f32 v58, v30  }
0xee: {  	v32 =	vsub.f32 v37, v47;
	v58 =	vsel vm14, $0x3F800000, v60;
	v34 =	vadd.f32 v38, v34  }
0xef: {  	vm14 =	vlt.f32 v23, v9;
	v4 =	vsub.f32 v4, v58;
	v30 =	vadd.f32 v59, v30  }
0xf0: {  	v59 =	vsel vm15, $0x3F800000, v60;
	vm15 =	vlt.f32 v15, v10;
	v34 =	vadd.f32 v63, v34  }
0xf1: {  	v63 =	vsel vm5, $0x3F800000, v60;
	v3 =	vsub.f32 v3, v59;
	vm5 =	vlt.f32 v16, v10  }
0xf2: {  	v30 =	vadd.f32 v62, v30;
	v62 =	vsel vm4, $0x3F800000, v60;
	v28 =	vsub.f32 v28, v63  }
0xf3: {  	vm4 =	vlt.f32 v26, v9;
	v34 =	vadd.f32 v50, v34;
	v5 =	vsub.f32 v5, v62  }
0xf4: {  	v50 =	vsel vm13, $0x3F800000, v60;
	vm13 =	vlt.f32 v22, v10;
	v30 =	vadd.f32 v49, v30  }
0xf5: {  	v49 =	vsel vm12, $0x3F800000, v60;
	v1 =	vsub.f32 v1, v50;
	v34 =	vadd.f32 v52, v34  }
0xf6: {  	vm12 =	vlt.f32 v12, v11;
	v52 =	vsel vm14, $0x3F800000, v60;
	v37 =	vsub.f32 v40, v49  }
0xf7: {  	vm14 =	vlt.f32 v13, v11;
	v30 =	vadd.f32 v54, v30;
	v34 =	vadd.f32 v56, v34  }
0xf8: {  	v54 =	vsel vm15, $0x3F800000, v60;
	vm15 =	vlt.f32 v24, v10;
	v56 =	vsel vm4, $0x3F800000, v60  }
0xf9: {  	v6 =	vsub.f32 v6, v54;
	vm4 =	vlt.f32 v14, v11;
	v34 =	vadd.f32 v59, v34  }
0xfa: {  	v46 =	vadd.f32 v58, v30;
	v30 =	vsel vm8, $0x3F800000, v60;
	v58 =	vsel vm5, $0x3F800000, v60  }
0xfb: {  	vm8 =	vlt.f32 v18, v10;
	vm5 =	vlt.f32 v23, v10;
	v34 =	vadd.f32 v62, v34  }
0xfc: {  	v33 =	vadd.f32 v30, v33;
	v59 =	vsel vm6, $0x3F800000, v60;
	v25 =	vsub.f32 v25, v30  }
0xfd: {  	v7 =	vsub.f32 v7, v58;
	v62 =	vsel vm7, $0x3F800000, v60;
	v34 =	vadd.f32 v63, v34  }
0xfe: {  	vm6 =	vlt.f32 v15, v11;
	v3 =	vsub.f32 v3, v59;
	v4 =	vsub.f32 v4, v62  }
0xff: {  	v63 =	vsel vm8, $0x3F800000, v60;
	v42 =	vadd.f32 v39, v34;
	v34 =	vsel vm10, $0x3F800000, v60  }
0x100: {  	vm7 =	vlt.f32 v16, v11;
	v5 =	vsub.f32 v5, v63;
	v33 =	vadd.f32 v34, v33  }
0x101: {  	vm8 =	vlt.f32 v26, v10;
	v39 =	vsub.f32 v41, v52;
	v45 =	vadd.f32 v43, v42  }
0x102: {  	v41 =	vsub.f32 v44, v56;
	vm10 =	vlt.f32 v20, v10;
	v33 =	vadd.f32 v36, v33  }
0x103: {  	v29 =	vadd.f32 v47, v45;
	v45 =	vsel vm9, $0x3F800000, v60;
	v47 =	vsel vm10, $0x3F800000, v60  }
0x104: {  	vm9 =	vlt.f32 v17, v11;
	vm10 =	vlt.f32 v27, v10;
	v33 =	vadd.f32 v50, v33  }
0x105: {  	v28 =	vsub.f32 v28, v45;
	v8 =	vsub.f32 v8, v47;
	v50 =	vsel vm13, $0x3F800000, v60  }
0x106: {  	vm13 =	vlt.f32 v20, v11;
	v29 =	vadd.f32 v49, v29;
	v49 =	vsel vm11, $0x3F800000, v60  }
0x107: {  	v32 =	vsub.f32 v32, v50;
	vm11 =	vlt.f32 v18, v11;
	v33 =	vadd.f32 v54, v33  }
0x108: {  	v54 =	vsel vm15, $0x3F800000, v60;
	vm15 =	vlt.f32 v13, v12;
	v29 =	vadd.f32 v52, v29  }
0x109: {  	v52 =	vsel vm14, $0x3F800000, v60;
	v36 =	vsub.f32 v37, v54;
	vm14 =	vlt.f32 v21, v11  }
0x10a: {  	v33 =	vadd.f32 v58, v33;
	v58 =	vsel vm5, $0x3F800000, v60;
	v2 =	vsub.f32 v2, v52  }
0x10b: {  	vm5 =	vlt.f32 v14, v12;
	v29 =	vadd.f32 v56, v29;
	v56 =	vsel vm4, $0x3F800000, v60  }
0x10c: {  	v37 =	vsub.f32 v39, v58;
	vm4 =	vlt.f32 v22, v11;
	v33 =	vadd.f32 v59, v33  }
0x10d: {  	v59 =	vsel vm6, $0x3F800000, v60;
	v1 =	vsub.f32 v1, v56;
	vm6 =	vlt.f32 v24, v11  }
0x10e: {  	v9 =	vadd.f32 v62, v29;
	v29 =	vsub.f32 v31, v49;
	v31 =	vsel vm12, $0x3F800000, v60  }
0x10f: {  	v62 =	vsel vm7, $0x3F800000, v60;
	vm12 =	vlt.f32 v19, v11;
	v6 =	vsub.f32 v6, v59  }
0x110: {  	vm7 =	vlt.f32 v15, v12;
	v44 =	vadd.f32 v63, v33;
	v33 =	vsub.f32 v35, v34  }
0x111: {  	v25 =	vadd.f32 v31, v25;
	v63 =	vsel vm8, $0x3F800000, v60;
	v7 =	vsub.f32 v7, v62  }
0x112: {  	vm8 =	vlt.f32 v23, v11;
	v40 =	vsub.f32 v41, v63;
	v30 =	vadd.f32 v45, v44  }
0x113: {  	v25 =	vadd.f32 v52, v25;
	v45 =	vsel vm9, $0x3F800000, v60;
	v31 =	vsub.f32 v33, v31  }
0x114: {  	v52 =	vsel vm13, $0x3F800000, v60;
	vm9 =	vlt.f32 v16, v12;
	v44 =	vsel vm8, $0x3F800000, v60  }
0x115: {  	vm13 =	vlt.f32 v27, v11;
	vm8 =	vlt.f32 v15, v13;
	v3 =	vsub.f32 v3, v45  }
0x116: {  	v8 =	vsub.f32 v8, v52;
	v42 =	vsel vm8, $0x3F800000, v60;
	vm8 =	vlt.f32 v24, v13  }
0x117: {  	v30 =	vadd.f32 v47, v30;
	v25 =	vadd.f32 v56, v25;
	v47 =	vsel vm10, $0x3F800000, v60  }
0x118: {  	v56 =	vsel vm15, $0x3F800000, v60;
	vm10 =	vlt.f32 v17, v12;
	v4 =	vsub.f32 v4, v47  }
0x119: {  	vm15 =	vlt.f32 v20, v12;
	v31 =	vadd.f32 v56, v31;
	v2 =	vsub.f32 v2, v56  }
0x11a: {  	v56 =	vsel vm15, $0x3F800000, v60;
	vm15 =	vlt.f32 v19, v13;
	v30 =	vadd.f32 v49, v30  }
0x11b: {  	v25 =	vadd.f32 v59, v25;
	v49 =	vsel vm11, $0x3F800000, v60;
	v59 =	vsel vm5, $0x3F800000, v60  }
0x11c: {  	vm11 =	vlt.f32 v26, v11;
	v8 =	vsub.f32 v8, v56;
	v5 =	vsub.f32 v5, v49  }
0x11d: {  	vm5 =	vlt.f32 v22, v12;
	v31 =	vadd.f32 v59, v31;
	v1 =	vsub.f32 v1, v59  }
0x11e: {  	v59 =	vsel vm5, $0x3F800000, v60;
	vm5 =	vlt.f32 v21, v13;
	v30 =	vadd.f32 v50, v30  }
0x11f: {  	v25 =	vadd.f32 v62, v25;
	v50 =	vsel vm12, $0x3F800000, v60;
	v62 =	vsel vm6, $0x3F800000, v60  }
0x120: {  	vm12 =	vlt.f32 v18, v12;
	v28 =	vsub.f32 v28, v50;
	v35 =	vsub.f32 v36, v62  }
0x121: {  	vm6 =	vlt.f32 v14, v13;
	v36 =	vsub.f32 v37, v44;
	v30 =	vadd.f32 v54, v30  }
0x122: {  	v25 =	vadd.f32 v45, v25;
	v54 =	vsel vm14, $0x3F800000, v60;
	v45 =	vsel vm9, $0x3F800000, v60  }
0x123: {  	vm14 =	vlt.f32 v19, v12;
	vm9 =	vlt.f32 v23, v12;
	v29 =	vsub.f32 v29, v54  }
0x124: {  	v7 =	vsub.f32 v7, v45;
	v43 =	vsel vm9, $0x3F800000, v60;
	vm9 =	vlt.f32 v16, v14  }
0x125: {  	v30 =	vadd.f32 v58, v30;
	v25 =	vadd.f32 v49, v25;
	v58 =	vsel vm4, $0x3F800000, v60  }
0x126: {  	v49 =	vsel vm11, $0x3F800000, v60;
	vm4 =	vlt.f32 v21, v12;
	v34 =	vsub.f32 v36, v43  }
0x127: {  	vm11 =	vlt.f32 v26, v12;
	v32 =	vsub.f32 v32, v58;
	v39 =	vsub.f32 v40, v49  }
0x128: {  	v30 =	vadd.f32 v63, v30;
	v25 =	vadd.f32 v50, v25;
	v63 =	vsel vm7, $0x3F800000, v60  }
0x129: {  	v50 =	vsel vm12, $0x3F800000, v60;
	vm7 =	vlt.f32 v24, v12;
	v31 =	vadd.f32 v63, v31  }
0x12a: {  	vm12 =	vlt.f32 v17, v13;
	v6 =	vsub.f32 v6, v63;
	v5 =	vsub.f32 v5, v50  }
0x12b: {  	v63 =	vsel vm6, $0x3F800000, v60;
	v41 =	vsel vm7, $0x3F800000, v60;
	vm6 =	vlt.f32 v22, v13  }
0x12c: {  	vm7 =	vlt.f32 v15, v14;
	v10 =	vadd.f32 v47, v30;
	v25 =	vadd.f32 v52, v25  }
0x12d: {  	v47 =	vsel vm10, $0x3F800000, v60;
	v52 =	vsel vm13, $0x3F800000, v60;
	v2 =	vadd.f32 v63, v2  }
0x12e: {  	vm10 =	vlt.f32 v16, v13;
	vm13 =	vlt.f32 v18, v13;
	v1 =	vsub.f32 v1, v63  }
0x12f: {  	v63 =	vsel vm9, $0x3F800000, v60;
	vm9 =	vlt.f32 v23, v14;
	v31 =	vadd.f32 v45, v31  }
0x130: {  	v4 =	vsub.f32 v4, v52;
	v3 =	vsub.f32 v3, v47;
	v45 =	vsel vm11, $0x3F800000, v60  }
0x131: {  	v6 =	vsub.f32 v6, v42;
	vm11 =	vlt.f32 v17, v14;
	v25 =	vadd.f32 v54, v25  }
0x132: {  	v54 =	vsel vm14, $0x3F800000, v60;
	v2 =	vadd.f32 v42, v2;
	v36 =	vsub.f32 v39, v45  }
0x133: {  	vm14 =	vlt.f32 v27, v12;
	v42 =	vsel vm11, $0x3F800000, v60;
	v31 =	vadd.f32 v47, v31  }
0x134: {  	vm11 =	vlt.f32 v18, v15;
	v47 =	vsel vm12, $0x3F800000, v60;
	vm12 =	vlt.f32 v18, v14  }
0x135: {  	v25 =	vadd.f32 v58, v25;
	v58 =	vsel vm4, $0x3F800000, v60;
	v31 =	vadd.f32 v50, v31  }
0x136: {  	vm4 =	vlt.f32 v20, v13;
	v3 =	vsub.f32 v3, v47;
	v29 =	vsub.f32 v29, v58  }
0x137: {  	v50 =	vsel vm14, $0x3F800000, v60;
	v25 =	vadd.f32 v62, v25;
	v31 =	vadd.f32 v54, v31  }
0x138: {  	vm14 =	vlt.f32 v19, v14;
	v4 =	vsub.f32 v4, v50;
	v3 =	vsub.f32 v3, v42  }
0x139: {  	v25 =	vadd.f32 v44, v25;
	v44 =	vsel vm10, $0x3F800000, v60;
	v31 =	vadd.f32 v56, v31  }
0x13a: {  	vm10 =	vlt.f32 v23, v13;
	v2 =	vadd.f32 v44, v2;
	v7 =	vsub.f32 v7, v44  }
0x13b: {  	v56 =	vsel vm5, $0x3F800000, v60;
	vm5 =	vlt.f32 v21, v14;
	v25 =	vadd.f32 v49, v25  }
0x13c: {  	v49 =	vsel vm13, $0x3F800000, v60;
	v29 =	vsub.f32 v29, v56;
	v31 =	vadd.f32 v58, v31  }
0x13d: {  	vm13 =	vlt.f32 v26, v13;
	v2 =	vadd.f32 v47, v2;
	v5 =	vsub.f32 v5, v49  }
0x13e: {  	v58 =	vsel vm6, $0x3F800000, v60;
	v44 =	vsel vm13, $0x3F800000, v60;
	v7 =	vsub.f32 v7, v63  }
0x13f: {  	vm6 =	vlt.f32 v22, v14;
	v11 =	vadd.f32 v52, v25;
	v25 =	vsub.f32 v28, v54  }
0x140: {  	vm13 =	vlt.f32 v19, v15;
	v28 =	vsub.f32 v32, v59;
	v32 =	vsub.f32 v35, v41  }
0x141: {  	v52 =	vsel vm15, $0x3F800000, v60;
	v54 =	vsel vm4, $0x3F800000, v60;
	vm15 =	vlt.f32 v27, v13  }
0x142: {  	vm4 =	vlt.f32 v20, v14;
	v36 =	vsub.f32 v36, v44;
	v40 =	vsel vm13, $0x3F800000, v60  }
0x143: {  	vm13 =	vlt.f32 v27, v15;
	v62 =	vadd.f32 v59, v31;
	v2 =	vadd.f32 v49, v2  }
0x144: {  	v8 =	vsub.f32 v8, v54;
	v59 =	vsel vm7, $0x3F800000, v60;
	v47 =	vsel vm15, $0x3F800000, v60  }
0x145: {  	v49 =	vsel vm5, $0x3F800000, v60;
	vm7 =	vlt.f32 v24, v14;
	v25 =	vsub.f32 v25, v52  }
0x146: {  	vm15 =	vlt.f32 v20, v15;
	v1 =	vadd.f32 v59, v1;
	v28 =	vsub.f32 v28, v58  }
0x147: {  	vm5 =	vlt.f32 v22, v15;
	v4 =	vsub.f32 v4, v47;
	v6 =	vsub.f32 v6, v59  }
0x148: {  	v30 =	vadd.f32 v41, v62;
	v2 =	vadd.f32 v52, v2;
	v62 =	vsel vm8, $0x3F800000, v60  }
0x149: {  	v41 =	vsel vm10, $0x3F800000, v60;
	v52 =	vsub.f32 v29, v49;
	vm8 =	vlt.f32 v16, v15  }
0x14a: {  	vm10 =	vlt.f32 v17, v15;
	v1 =	vadd.f32 v63, v1;
	v32 =	vsub.f32 v32, v62  }
0x14b: {  	v33 =	vsub.f32 v34, v41;
	v59 =	vsel vm10, $0x3F800000, v60;
	vm10 =	vlt.f32 v26, v15  }
0x14c: {  	v30 =	vadd.f32 v43, v30;
	v2 =	vadd.f32 v54, v2;
	v43 =	vsel vm12, $0x3F800000, v60  }
0x14d: {  	v54 =	vsel vm7, $0x3F800000, v60;
	vm12 =	vlt.f32 v26, v14;
	v3 =	vsub.f32 v3, v59  }
0x14e: {  	vm7 =	vlt.f32 v17, v16;
	v1 =	vadd.f32 v42, v1;
	v5 =	vsub.f32 v5, v43  }
0x14f: {  	v29 =	vsub.f32 v32, v54;
	v63 =	vsel vm12, $0x3F800000, v60;
	vm12 =	vlt.f32 v20, v16  }
0x150: {  	v30 =	vadd.f32 v45, v30;
	v2 =	vadd.f32 v56, v2;
	v45 =	vsel vm14, $0x3F800000, v60  }
0x151: {  	v56 =	vsel vm8, $0x3F800000, v60;
	v34 =	vsub.f32 v36, v63;
	v1 =	vadd.f32 v43, v1  }
0x152: {  	vm14 =	vlt.f32 v27, v14;
	v25 =	vsub.f32 v25, v45;
	v6 =	vadd.f32 v56, v6  }
0x153: {  	vm8 =	vlt.f32 v23, v15;
	v7 =	vsub.f32 v7, v56;
	v12 =	vadd.f32 v50, v30  }
0x154: {  	v2 =	vadd.f32 v58, v2;
	v50 =	vsel vm6, $0x3F800000, v60;
	v58 =	vsel vm9, $0x3F800000, v60  }
0x155: {  	vm6 =	vlt.f32 v24, v15;
	v1 =	vadd.f32 v45, v1;
	v28 =	vsub.f32 v28, v50  }
0x156: {  	vm9 =	vlt.f32 v18, v16;
	v6 =	vadd.f32 v59, v6;
	v31 =	vsub.f32 v33, v58  }
0x157: {  	v25 =	vsub.f32 v25, v40;
	v43 =	vsel vm6, $0x3F800000, v60;
	v45 =	vsel vm8, $0x3F800000, v60  }
0x158: {  	vm6 =	vlt.f32 v18, v17;
	vm8 =	vlt.f32 v26, v16;
	v2 =	vadd.f32 v62, v2  }
0x159: {  	v62 =	vsel vm11, $0x3F800000, v60;
	vm11 =	vlt.f32 v19, v16;
	v37 =	vsel vm8, $0x3F800000, v60  }
0x15a: {  	vm8 =	vlt.f32 v22, v18;
	v6 =	vadd.f32 v62, v6;
	v5 =	vsub.f32 v5, v62  }
0x15b: {  	v31 =	vsub.f32 v31, v45;
	v2 =	vadd.f32 v41, v2;
	v41 =	vsel vm14, $0x3F800000, v60  }
0x15c: {  	vm14 =	vlt.f32 v21, v16;
	v6 =	vadd.f32 v40, v6;
	v4 =	vsub.f32 v4, v41  }
0x15d: {  	v56 =	vsel vm14, $0x3F800000, v60;
	v2 =	vadd.f32 v44, v2;
	v44 =	vsel vm7, $0x3F800000, v60  }
0x15e: {  	vm14 =	vlt.f32 v23, v17;
	vm7 =	vlt.f32 v19, v17;
	v7 =	vadd.f32 v44, v7  }
0x15f: {  	v3 =	vsub.f32 v3, v44;
	v36 =	vsel vm7, $0x3F800000, v60;
	vm7 =	vlt.f32 v27, v17  }
0x160: {  	v13 =	vadd.f32 v47, v2;
	v2 =	vsel vm4, $0x3F800000, v60;
	vm4 =	vlt.f32 v21, v15  }
0x161: {  	v47 =	vsel vm9, $0x3F800000, v60;
	vm9 =	vlt.f32 v20, v17;
	v1 =	vadd.f32 v2, v1  }
0x162: {  	v2 =	vsub.f32 v8, v2;
	v42 =	vsel vm4, $0x3F800000, v60;
	v7 =	vadd.f32 v47, v7  }
0x163: {  	v5 =	vsub.f32 v5, v47;
	vm4 =	vlt.f32 v24, v16;
	v38 =	vsel vm9, $0x3F800000, v60  }
0x164: {  	vm9 =	vlt.f32 v24, v18;
	v8 =	vsub.f32 v52, v42;
	v52 =	vsel vm12, $0x3F800000, v60  }
0x165: {  	v59 =	vsel vm4, $0x3F800000, v60;
	vm12 =	vlt.f32 v22, v17;
	v1 =	vadd.f32 v49, v1  }
0x166: {  	vm4 =	vlt.f32 v20, v18;
	v49 =	vsel vm10, $0x3F800000, v60;
	vm10 =	vlt.f32 v27, v16  }
0x167: {  	v32 =	vsub.f32 v34, v49;
	v1 =	vadd.f32 v50, v1;
	v50 =	vsel vm11, $0x3F800000, v60  }
0x168: {  	v39 =	vsel vm10, $0x3F800000, v60;
	vm10 =	vlt.f32 v23, v18;
	v7 =	vadd.f32 v50, v7  }
0x169: {  	vm11 =	vlt.f32 v21, v17;
	v25 =	vsub.f32 v25, v50;
	v1 =	vadd.f32 v54, v1  }
0x16a: {  	v40 =	vsel vm11, $0x3F800000, v60;
	v50 =	vsel vm7, $0x3F800000, v60;
	v54 =	vsel vm13, $0x3F800000, v60  }
0x16b: {  	vm11 =	vlt.f32 v20, v19;
	v4 =	vsub.f32 v4, v54;
	v1 =	vadd.f32 v58, v1  }
0x16c: {  	vm7 =	vlt.f32 v26, v19;
	v7 =	vadd.f32 v52, v7;
	v25 =	vsub.f32 v25, v36  }
0x16d: {  	v4 =	vsub.f32 v4, v39;
	v1 =	vadd.f32 v63, v1;
	v63 =	vsel vm6, $0x3F800000, v60  }
0x16e: {  	vm13 =	vlt.f32 v24, v17;
	v7 =	vadd.f32 v56, v7;
	v3 =	vadd.f32 v63, v3  }
0x16f: {  	vm6 =	vlt.f32 v21, v18;
	v5 =	vsub.f32 v5, v63;
	v4 =	vsub.f32 v4, v50  }
0x170: {  	v14 =	vadd.f32 v41, v1;
	v1 =	vsel vm15, $0x3F800000, v60;
	vm15 =	vlt.f32 v22, v16  }
0x171: {  	v41 =	vsel vm12, $0x3F800000, v60;
	vm12 =	vlt.f32 v26, v18;
	v6 =	vadd.f32 v1, v6  }
0x172: {  	v1 =	vsub.f32 v2, v1;
	v2 =	vsel vm5, $0x3F800000, v60;
	v58 =	vsel vm15, $0x3F800000, v60  }
0x173: {  	vm5 =	vlt.f32 v23, v16;
	v3 =	vadd.f32 v36, v3;
	vm15 =	vlt.f32 v19, v18  }
0x174: {  	v7 =	vadd.f32 v58, v7;
	v62 =	vsel vm5, $0x3F800000, v60;
	v44 =	vsel vm15, $0x3F800000, v60  }
0x175: {  	vm5 =	vlt.f32 v26, v17;
	vm15 =	vlt.f32 v27, v18;
	v6 =	vadd.f32 v42, v6  }
0x176: {  	v1 =	vsub.f32 v1, v52;
	v3 =	vadd.f32 v38, v3;
	v42 =	vsel vm13, $0x3F800000, v60  }
0x177: {  	v5 =	vadd.f32 v44, v5;
	v47 =	vsel vm5, $0x3F800000, v60;
	v25 =	vsub.f32 v25, v44  }
0x178: {  	vm13 =	vlt.f32 v21, v19;
	v63 =	vsel vm15, $0x3F800000, v60;
	vm5 =	vlt.f32 v23, v19  }
0x179: {  	vm15 =	vlt.f32 v27, v20;
	v7 =	vadd.f32 v59, v7;
	v4 =	vsub.f32 v4, v63  }
0x17a: {  	v35 =	vsel vm5, $0x3F800000, v60;
	v6 =	vadd.f32 v2, v6;
	v2 =	vsub.f32 v28, v2  }
0x17b: {  	[tilespmem:$0x1FEB0] =	vst v53;
	vm5 =	vlt.f32 v26, v21;
	v28 =	vsub.f32 v29, v43;
	v3 =	vadd.f32 v40, v3  }
0x17c: {  	[tilespmem:$0x8030] =	vst v53;
	v1 =	vsub.f32 v1, v38;
	v38 =	vsel vm7, $0x3F800000, v60;
	v53 =	vsel vm5, $0x3F800000, v60  }
0x17d: {  	vm7 =	vlt.f32 v27, v21;
	v7 =	vadd.f32 v62, v7;
	v6 =	vadd.f32 v43, v6  }
0x17e: {  	v2 =	vsub.f32 v2, v58;
	v3 =	vadd.f32 v41, v3;
	v43 =	vsel vm14, $0x3F800000, v60  }
0x17f: {  	v58 =	vsel vm12, $0x3F800000, v60;
	vm14 =	vlt.f32 v22, v19;
	vm12 =	vlt.f32 v22, v21  }
0x180: {  	v7 =	vadd.f32 v37, v7;
	v44 =	vsel vm12, $0x3F800000, v60;
	v6 =	vadd.f32 v45, v6  }
0x181: {  	v2 =	vsub.f32 v2, v41;
	v3 =	vadd.f32 v42, v3;
	v45 =	vsel vm4, $0x3F800000, v60  }
0x182: {  	vm12 =	vlt.f32 v26, v24;
	v16 =	vadd.f32 v39, v7;
	v5 =	vadd.f32 v45, v5  }
0x183: {  	v1 =	vsub.f32 v1, v45;
	v6 =	vadd.f32 v49, v6;
	v49 =	vsel vm6, $0x3F800000, v60  }
0x184: {  	vm4 =	vlt.f32 v24, v19;
	v3 =	vadd.f32 v43, v3;
	v5 =	vadd.f32 v49, v5  }
0x185: {  	v34 =	vsel vm4, $0x3F800000, v60;
	v15 =	vadd.f32 v54, v6;
	v6 =	vsub.f32 v8, v56  }
0x186: {  	vm4 =	vlt.f32 v23, v21;
	v8 =	vsub.f32 v28, v59;
	v28 =	vsub.f32 v31, v62  }
0x187: {  	vm6 =	vlt.f32 v21, v20;
	v31 =	vsub.f32 v32, v37;
	v3 =	vadd.f32 v47, v3  }
0x188: {  	v54 =	vsel vm9, $0x3F800000, v60;
	v56 =	vsel vm11, $0x3F800000, v60;
	v59 =	vsel vm13, $0x3F800000, v60  }
0x189: {  	v62 =	vsel vm14, $0x3F800000, v60;
	v37 =	vsel vm6, $0x3F800000, v60;
	vm9 =	vlt.f32 v27, v19  }
0x18a: {  	vm11 =	vlt.f32 v23, v20;
	v25 =	vadd.f32 v56, v25;
	v1 =	vsub.f32 v1, v56  }
0x18b: {  	vm13 =	vlt.f32 v26, v20;
	v6 =	vsub.f32 v6, v40;
	v7 =	vsub.f32 v8, v42  }
0x18c: {  	v8 =	vsub.f32 v28, v43;
	v52 =	vadd.f32 v50, v3;
	v3 =	vsel vm8, $0x3F800000, v60  }
0x18d: {  	vm14 =	vlt.f32 v24, v21;
	v30 =	vsub.f32 v31, v47;
	v5 =	vadd.f32 v3, v5  }
0x18e: {  	v40 =	vsel vm9, $0x3F800000, v60;
	v2 =	vsub.f32 v2, v3;
	v25 =	vadd.f32 v59, v25  }
0x18f: {  	vm6 =	vlt.f32 v24, v22;
	v1 =	vadd.f32 v37, v1;
	v4 =	vsub.f32 v4, v40  }
0x190: {  	vm8 =	vlt.f32 v22, v20;
	v6 =	vsub.f32 v6, v49;
	v7 =	vsub.f32 v7, v54  }
0x191: {  	v39 =	vsel vm8, $0x3F800000, v60;
	v5 =	vadd.f32 v54, v5;
	v25 =	vadd.f32 v62, v25  }
0x192: {  	[tilespmem:$0x1FE70] =	vst v61;
	v49 =	vsel vm15, $0x3F800000, v60;
	v2 =	vsub.f32 v2, v62;
	v1 =	vadd.f32 v39, v1  }
0x193: {  	[tilespmem:$0x8000] =	vst v61;
	v3 =	vsel vm10, $0x3F800000, v60;
	v4 =	vsub.f32 v4, v49;
	v6 =	vsub.f32 v6, v59  }
0x194: {  	[tilespmem:$0x1FE80] =	vst v57;
	vm10 =	vlt.f32 v24, v20;
	v5 =	vadd.f32 v3, v5;
	v3 =	vsub.f32 v8, v3  }
0x195: {  	[tilespmem:$0x8010] =	vst v57;
	v42 =	vsel vm10, $0x3F800000, v60;
	v8 =	vsub.f32 v30, v58;
	v25 =	vadd.f32 v34, v25  }
0x196: {  	[tilespmem:$0x1FE90] =	vst v55;
	v45 =	vsel vm13, $0x3F800000, v60;
	v1 =	vadd.f32 v42, v1;
	v2 =	vsub.f32 v2, v39  }
0x197: {  	[tilespmem:$0x8020] =	vst v55;
	v55 =	vsel vm6, $0x3F800000, v60;
	v6 =	vsub.f32 v6, v37;
	v5 =	vadd.f32 v58, v5  }
0x198: {  	[tilespmem:$0x8040] =	vst v51;
	v43 =	vsel vm11, $0x3F800000, v60;
	v36 =	vadd.f32 v35, v25;
	v3 =	vsub.f32 v3, v35  }
0x199: {  	[tilespmem:$0x8050] =	vst v48;
	v56 =	vsel vm7, $0x3F800000, v60;
	v8 =	vsub.f32 v8, v38;
	v1 =	vadd.f32 v43, v1  }
0x19a: {  	[tilespmem:$0x8060] =	vst v46;
	vm13 =	vlt.f32 v27, v24;
	v2 =	vsub.f32 v2, v44;
	v6 =	vadd.f32 v44, v6  }
0x19b: {  	[tilespmem:$0x8070] =	vst v9;
	v47 =	vsel vm14, $0x3F800000, v60;
	v33 =	vadd.f32 v63, v5;
	v5 =	vsub.f32 v7, v34  }
0x19c: {  	[tilespmem:$0x8080] =	vst v10;
	vm9 =	vlt.f32 v26, v22;
	v7 =	vadd.f32 v38, v36;
	v3 =	vsub.f32 v3, v43  }
0x19d: {  	[tilespmem:$0x1FF30] =	vst v11;
	vm11 =	vlt.f32 v27, v22;
	v1 =	vadd.f32 v45, v1;
	v8 =	vsub.f32 v8, v45  }
0x19e: {  	[tilespmem:$0x8090] =	vst v11;
	vm8 =	vlt.f32 v23, v22;
	v2 =	vadd.f32 v55, v2;
	v6 =	vadd.f32 v47, v6  }
0x19f: {  	[tilespmem:$0x1FF40] =	vst v12;
	v58 =	vsel vm8, $0x3F800000, v60;
	v41 =	vadd.f32 v40, v7;
	v5 =	vsub.f32 v5, v42  }
0x1a0: {  	[tilespmem:$0x80A0] =	vst v12;
	v50 =	vadd.f32 v49, v1;
	v1 =	vsel vm4, $0x3F800000, v60;
	v54 =	vsub.f32 v8, v53  }
0x1a1: {  	[tilespmem:$0x1FF50] =	vst v13;
	v11 =	vsel vm13, $0x3F800000, v60;
	v2 =	vadd.f32 v58, v2;
	v6 =	vadd.f32 v1, v6  }
0x1a2: {  	[tilespmem:$0x80B0] =	vst v13;
	v59 =	vsel vm9, $0x3F800000, v60;
	v1 =	vsub.f32 v3, v1;
	v5 =	vsub.f32 v5, v47  }
0x1a3: {  	[tilespmem:$0x80C0] =	vst v14;
	vm10 =	vlt.f32 v23, v24;
	v2 =	vadd.f32 v59, v2;
	v3 =	vadd.f32 v53, v6  }
0x1a4: {  	[tilespmem:$0x80E0] =	vst v16;
	v62 =	vsel vm11, $0x3F800000, v60;
	v1 =	vsub.f32 v1, v58;
	v5 =	vsub.f32 v5, v55  }
0x1a5: {  	[tilespmem:$0x80D0] =	vst v15;
	v61 =	vsel vm10, $0x3F800000, v60;
	v63 =	vadd.f32 v62, v2;
	v57 =	vadd.f32 v56, v3  }
0x1a6: {  	vm14 =	vlt.f32 v26, v23;
	[tilespmem:$0x1FF90] =	vst v52;
	v3 =	vsub.f32 v4, v56;
	v1 =	vsub.f32 v1, v61  }
0x1a7: {  	v12 =	vsel vm14, $0x3F800000, v60;
	[tilespmem:$0x80F0] =	vst v52;
	v4 =	vsub.f32 v54, v59;
	v5 =	vadd.f32 v61, v5  }
0x1a8: {  	[tilespmem:$0x8100] =	vst v33;
	v2 =	vsel vm12, $0x3F800000, v60;
	v3 =	vsub.f32 v3, v62;
	v1 =	vadd.f32 v12, v1  }
0x1a9: {  	vm15 =	vlt.f32 v27, v23;
	[tilespmem:$0x8110] =	vst v41;
	v5 =	vadd.f32 v2, v5;
	v2 =	vsub.f32 v4, v2  }
0x1aa: {  	v13 =	vsel vm15, $0x3F800000, v60;
	[tilespmem:$0x8120] =	vst v50;
	v3 =	vsub.f32 v3, v11  }
0x1ab: {  	vm4 =	vlt.f32 v27, v26;
	[tilespmem:$0x8140] =	vst v63;
	v26 =	vadd.f32 v13, v1;
	v2 =	vsub.f32 v2, v12  }
0x1ac: {  	[tilespmem:$0x8130] =	vst v57;
	v52 =	vadd.f32 v11, v5;
	v1 =	vsub.f32 v3, v13;
	v3 =	vsel vm4, $0x3F800000, v60  }
0x1ad: {  	[tilespmem:$0x8160] =	vst v26;
	v53 =	vadd.f32 v3, v2  }
0x1ae: {  	[tilespmem:$0x8150] =	vst v52;
	v1 =	vsub.f32 v1, v3  }
0x1af: {  	[tilespmem:$0x8170] =	vst v53  }
0x1b0: {  	[tilespmem:$0x8180] =	vst v1  }
0x1b1: {  	[tilespmem:$0x1FED0] =	vst v51;
	v51 =	vld [tilespmem:s15+$0x0]  }
0x1b2: {  	[tilespmem:$0x1FFC0] =	vst v50;
	v50 =	vld [tilespmem:s15+$0x80]  }
0x1b3: {  	v49 =	vld [tilespmem:s15+$0x100]  }
0x1b4: {  	[tilespmem:$0x1FF00] =	vst v46;
	v46 =	vld [tilespmem:s20+$0x0]  }
0x1b5: {  	v47 =	vld [tilespmem:s15+$0x200]  }
0x1b6: {  	v40 =	vld [tilespmem:s15+$0x280]  }
0x1b7: {  	v42 =	vld [tilespmem:s15+$0x300]  }
0x1b8: {  	v39 =	vld [tilespmem:s21+$0x0]  }
0x1b9: {  	v37 =	vld [tilespmem:s15+$0x1000]  }
0x1ba: {  	[tilespmem:$0x1FFA0] =	vst v33;
	v33 =	vld [tilespmem:s15+$0x1080]  }
0x1bb: {  	v30 =	vld [tilespmem:s15+$0x1100]  }
0x1bc: {  	vm5 =	vgt.f32 v50, v51  }
0x1bd: {  	vm6 =	vgt.f32 v49, v51;
	vm7 =	vgt.f32 v46, v51;
	vm8 =	vgt.f32 v47, v51  }
0x1be: {  	vm9 =	vgt.f32 v40, v51;
	vm10 =	vgt.f32 v42, v51;
	vm11 =	vgt.f32 v39, v51  }
0x1bf: {  	[tilespmem:$0x1FF60] =	vst v14;
	v29 =	vld [tilespmem:s19+$0x0];
	vm12 =	vgt.f32 v37, v51;
	vm13 =	vgt.f32 v33, v51;
	vm14 =	vgt.f32 v49, v50  }
0x1c0: {  	[tilespmem:$0x1FFF0] =	vst v1;
	v31 =	vld [tilespmem:s15+$0x1200];
	vm15 =	vgt.f32 v30, v51;
	vm4 =	vgt.f32 v46, v50;
	v1 =	vsel vm5, $0x3F800000, v60  }
0x1c1: {  	[tilespmem:$0x1FF70] =	vst v15;
	v32 =	vld [tilespmem:s15+$0x1280];
	v2 =	vsel vm6, $0x3F800000, v60;
	v14 =	vsel vm7, $0x3F800000, v60;
	v15 =	vsel vm8, $0x3F800000, v60  }
0x1c2: {  	[tilespmem:$0x1FF80] =	vst v16;
	v16 =	vsel vm9, $0x3F800000, v60;
	v17 =	vsel vm10, $0x3F800000, v60;
	v18 =	vsel vm11, $0x3F800000, v60  }
0x1c3: {  	v27 =	vld [tilespmem:s15+$0x1300];
	v19 =	vsel vm12, $0x3F800000, v60;
	v20 =	vsel vm13, $0x3F800000, v60;
	v21 =	vsel vm14, $0x3F800000, v60  }
0x1c4: {  	v22 =	vsel vm15, $0x3F800000, v60;
	v23 =	vsel vm4, $0x3F800000, v60;
	vm5 =	vgt.f32 v29, v51  }
0x1c5: {  	vm6 =	vgt.f32 v47, v50;
	vm7 =	vgt.f32 v40, v50;
	vm8 =	vgt.f32 v31, v51  }
0x1c6: {  	v28 =	vld [tilespmem:s18+$0x0];
	vm9 =	vgt.f32 v42, v50;
	vm10 =	vgt.f32 v32, v51;
	v3 =	vadd.f32 v2, v1  }
0x1c7: {  	vm11 =	vgt.f32 v39, v50;
	v1 =	vsub.f32 $1.000000000e+00, v1;
	v2 =	vsub.f32 $2.000000000e+00, v2  }
0x1c8: {  	vm12 =	vgt.f32 v27, v51;
	v4 =	vsub.f32 $3.000000000e+00, v14;
	v5 =	vsub.f32 $4.000000000e+00, v15  }
0x1c9: {  	vm13 =	vgt.f32 v37, v50;
	v6 =	vsub.f32 $5.000000000e+00, v16;
	v7 =	vsub.f32 $6.000000000e+00, v17  }
0x1ca: {  	v34 =	vld [tilespmem:s15+$0x2000];
	vm14 =	vgt.f32 v33, v50;
	v8 =	vsub.f32 $7.000000000e+00, v18;
	v3 =	vadd.f32 v14, v3  }
0x1cb: {  	[tilespmem:$0x1FF10] =	vst v9;
	vm15 =	vgt.f32 v28, v51;
	v35 =	vsub.f32 $8.000000000e+00, v19;
	v36 =	vsub.f32 $9.000000000e+00, v20  }
0x1cc: {  	[tilespmem:$0x1FFB0] =	vst v41;
	vm4 =	vgt.f32 v30, v50;
	v41 =	vsub.f32 $1.000000000e+01, v22;
	v3 =	vadd.f32 v15, v3  }
0x1cd: {  	[tilespmem:$0x1FF20] =	vst v10;
	v38 =	vld [tilespmem:s15+$0x2080];
	v9 =	vsel vm7, $0x3F800000, v60;
	v10 =	vsel vm8, $0x3F800000, v60;
	v11 =	vsel vm9, $0x3F800000, v60  }
0x1ce: {  	v12 =	vsel vm10, $0x3F800000, v60;
	v13 =	vsel vm11, $0x3F800000, v60;
	v3 =	vadd.f32 v16, v3  }
0x1cf: {  	v43 =	vsel vm4, $0x3F800000, v60;
	vm7 =	vgt.f32 v32, v50;
	vm8 =	vgt.f32 v34, v51  }
0x1d0: {  	[tilespmem:$0x1FEF0] =	vst v48;
	vm9 =	vgt.f32 v27, v50;
	v48 =	vsub.f32 $1.200000000e+01, v10;
	v3 =	vadd.f32 v17, v3  }
0x1d1: {  	[tilespmem:$0x1FFD0] =	vst v57;
	vm10 =	vgt.f32 v28, v50;
	v57 =	vsub.f32 $1.300000000e+01, v12;
	v1 =	vadd.f32 v21, v1  }
0x1d2: {  	vm11 =	vgt.f32 v38, v51;
	v61 =	vsub.f32 v2, v21;
	v3 =	vadd.f32 v18, v3  }
0x1d3: {  	v14 =	vsel vm12, $0x3F800000, v60;
	v24 =	vsub.f32 v6, v9;
	v1 =	vadd.f32 v23, v1  }
0x1d4: {  	vm12 =	vgt.f32 v34, v50;
	v3 =	vadd.f32 v19, v3;
	v19 =	vsel vm6, $0x3F800000, v60  }
0x1d5: {  	[tilespmem:$0x1FEE0] =	vst v0;
	v0 =	vsub.f32 $1.400000000e+01, v14;
	v6 =	vsel vm12, $0x3F800000, v60;
	v1 =	vadd.f32 v19, v1  }
0x1d6: {  	vm12 =	vgt.f32 v40, v49;
	v15 =	vsel vm13, $0x3F800000, v60;
	v23 =	vsub.f32 v4, v23  }
0x1d7: {  	vm13 =	vgt.f32 v38, v50;
	v21 =	vsub.f32 v35, v15;
	v1 =	vadd.f32 v9, v1  }
0x1d8: {  	v17 =	vsel vm14, $0x3F800000, v60;
	v18 =	vsel vm5, $0x3F800000, v60;
	v3 =	vadd.f32 v20, v3  }
0x1d9: {  	vm5 =	vgt.f32 v29, v50;
	v44 =	vsub.f32 $1.100000000e+01, v18;
	v1 =	vadd.f32 v11, v1  }
0x1da: {  	vm6 =	vgt.f32 v31, v50;
	v25 =	vsub.f32 v5, v19;
	v3 =	vadd.f32 v22, v3  }
0x1db: {  	v19 =	vsub.f32 v36, v17;
	v5 =	vsel vm11, $0x3F800000, v60;
	v1 =	vadd.f32 v13, v1  }
0x1dc: {  	v36 =	vld [tilespmem:s15+$0x2200];
	vm11 =	vgt.f32 v47, v49;
	v20 =	vsub.f32 v8, v13;
	v3 =	vadd.f32 v18, v3  }
0x1dd: {  	v8 =	vsel vm13, $0x3F800000, v60;
	v22 =	vsub.f32 v7, v11;
	v1 =	vadd.f32 v15, v1  }
0x1de: {  	v9 =	vsel vm15, $0x3F800000, v60;
	v7 =	vsub.f32 $1.700000000e+01, v5;
	v3 =	vadd.f32 v10, v3  }
0x1df: {  	v18 =	vsub.f32 v41, v43;
	v13 =	vsel vm6, $0x3F800000, v60;
	v62 =	vadd.f32 v17, v1  }
0x1e0: {  	v10 =	vsel vm5, $0x3F800000, v60;
	v55 =	vsub.f32 v48, v13;
	v3 =	vadd.f32 v12, v3  }
0x1e1: {  	[tilespmem:$0x1FFE0] =	vst v63;
	vm6 =	vgt.f32 v36, v51;
	v54 =	vsub.f32 v44, v10;
	v63 =	vadd.f32 v43, v62  }
0x1e2: {  	v15 =	vsel vm7, $0x3F800000, v60;
	v12 =	vsub.f32 $1.500000000e+01, v9;
	v16 =	vadd.f32 v14, v3  }
0x1e3: {  	v56 =	vsub.f32 v57, v15;
	v17 =	vsel vm9, $0x3F800000, v60;
	v11 =	vadd.f32 v10, v63  }
0x1e4: {  	v57 =	vsub.f32 v0, v17;
	v43 =	vld [tilespmem:s15+$0x2100];
	v59 =	vadd.f32 v9, v16;
	v16 =	vsel vm8, $0x3F800000, v60  }
0x1e5: {  	v63 =	vsel vm10, $0x3F800000, v60;
	v41 =	vsub.f32 $1.600000000e+01, v16;
	v14 =	vadd.f32 v13, v11  }
0x1e6: {  	vm7 =	vgt.f32 v36, v50;
	v48 =	vadd.f32 v16, v59;
	v58 =	vsub.f32 v12, v63  }
0x1e7: {  	vm9 =	vgt.f32 v46, v49;
	v59 =	vsub.f32 v7, v8;
	v35 =	vadd.f32 v15, v14  }
0x1e8: {  	v12 =	vsel vm6, $0x3F800000, v60;
	vm6 =	vgt.f32 v33, v49;
	v13 =	vsel vm7, $0x3F800000, v60  }
0x1e9: {  	v45 =	vadd.f32 v5, v48;
	vm14 =	vgt.f32 v43, v51;
	v35 =	vadd.f32 v17, v35  }
0x1ea: {  	vm4 =	vgt.f32 v43, v50;
	v48 =	vsub.f32 $2.000000000e+01, v12;
	v17 =	vsub.f32 v41, v6;
	v41 =	vld [tilespmem:s15+$0x2280]  }
0x1eb: {  	v9 =	vsel vm14, $0x3F800000, v60;
	vm14 =	vgt.f32 v42, v49;
	v4 =	vadd.f32 v63, v35;
	v35 =	vld [tilespmem:s17+$0x0]  }
0x1ec: {  	v45 =	vadd.f32 v9, v45;
	v63 =	vsel vm4, $0x3F800000, v60;
	vm4 =	vgt.f32 v39, v49  }
0x1ed: {  	v10 =	vsub.f32 $1.800000000e+01, v9;
	v9 =	vsel vm4, $0x3F800000, v60;
	v44 =	vadd.f32 v6, v4  }
0x1ee: {  	vm4 =	vgt.f32 v34, v49;
	v6 =	vsel vm6, $0x3F800000, v60;
	vm6 =	vgt.f32 v47, v46  }
0x1ef: {  	vm8 =	vgt.f32 v41, v51;
	vm10 =	vgt.f32 v41, v50;
	v44 =	vadd.f32 v8, v44  }
0x1f0: {  	v15 =	vsel vm10, $0x3F800000, v60;
	vm10 =	vgt.f32 v29, v49;
	vm15 =	vgt.f32 v35, v51  }
0x1f1: {  	vm5 =	vgt.f32 v35, v50;
	v11 =	vsel vm15, $0x3F800000, v60;
	v44 =	vadd.f32 v63, v44  }
0x1f2: {  	v1 =	vsel vm5, $0x3F800000, v60;
	v63 =	vsub.f32 v10, v63;
	v10 =	vsel vm14, $0x3F800000, v60  }
0x1f3: {  	vm5 =	vgt.f32 v37, v49;
	v45 =	vadd.f32 v11, v45;
	v62 =	vsub.f32 $1.900000000e+01, v11  }
0x1f4: {  	vm14 =	vgt.f32 v27, v49;
	v11 =	vsel vm11, $0x3F800000, v60;
	v44 =	vadd.f32 v1, v44  }
0x1f5: {  	v16 =	vsub.f32 v62, v1;
	v45 =	vadd.f32 v12, v45;
	v12 =	vsel vm9, $0x3F800000, v60  }
0x1f6: {  	v1 =	vsel vm8, $0x3F800000, v60;
	v3 =	vadd.f32 v13, v44;
	v44 =	vld [tilespmem:s15+$0x2300];
	v14 =	vadd.f32 v12, v61  }
0x1f7: {  	v8 =	vsel vm5, $0x3F800000, v60;
	v62 =	vsub.f32 v48, v13;
	v48 =	vadd.f32 v1, v45;
	v45 =	vld [tilespmem:s16+$0x0]  }
0x1f8: {  	vm5 =	vgt.f32 v38, v49;
	v2 =	vsub.f32 $2.100000000e+01, v1;
	v1 =	vadd.f32 v11, v14  }
0x1f9: {  	vm8 =	vgt.f32 v30, v49;
	v61 =	vsel vm12, $0x3F800000, v60;
	v4 =	vadd.f32 v15, v3  }
0x1fa: {  	vm12 =	vgt.f32 v31, v49;
	v15 =	vsub.f32 v2, v15;
	v1 =	vadd.f32 v61, v1  }
0x1fb: {  	v11 =	vsub.f32 v25, v11;
	vm13 =	vgt.f32 v44, v51;
	vm15 =	vgt.f32 v44, v50  }
0x1fc: {  	v0 =	vsel vm13, $0x3F800000, v60;
	v1 =	vadd.f32 v10, v1;
	vm2 =	vgt.f32 v45, v51  }
0x1fd: {  	vm7 =	vgt.f32 v45, v50;
	vm13 =	vgt.f32 v32, v49;
	v10 =	vsub.f32 v22, v10  }
0x1fe: {  	v3 =	vadd.f32 v0, v48;
	v2 =	vsub.f32 $2.200000000e+01, v0;
	v0 =	vsel vm15, $0x3F800000, v60  }
0x1ff: {  	vm15 =	vgt.f32 v28, v49;
	v5 =	vadd.f32 v0, v4;
	v1 =	vadd.f32 v9, v1  }
0x200: {  	v4 =	vsel vm8, $0x3F800000, v60;
	v9 =	vsub.f32 v20, v9;
	v25 =	vsel vm15, $0x3F800000, v60  }
0x201: {  	v48 =	vld [tilespmem:s15+$0x3000];
	vm8 =	vgt.f32 v40, v46;
	v14 =	vsub.f32 v2, v0;
	v2 =	vsel vm2, $0x3F800000, v60  }
0x202: {  	vm15 =	vgt.f32 v33, v46;
	v0 =	vsel vm7, $0x3F800000, v60;
	v7 =	vadd.f32 v2, v3  }
0x203: {  	vm7 =	vgt.f32 v43, v49;
	v1 =	vadd.f32 v8, v1;
	v3 =	vsub.f32 $2.300000000e+01, v2  }
0x204: {  	v5 =	vadd.f32 v0, v5;
	v8 =	vsub.f32 v21, v8;
	v21 =	vsel vm6, $0x3F800000, v60  }
0x205: {  	vm6 =	vgt.f32 v45, v49;
	v11 =	vsub.f32 v11, v21;
	v1 =	vadd.f32 v6, v1  }
0x206: {  	vm9 =	vgt.f32 v48, v51;
	v13 =	vsub.f32 v3, v0;
	v3 =	vsel vm10, $0x3F800000, v60  }
0x207: {  	vm11 =	vgt.f32 v48, v50;
	v6 =	vsub.f32 v19, v6;
	v19 =	vsub.f32 v58, v25  }
0x208: {  	v58 =	vsel vm7, $0x3F800000, v60;
	vm10 =	vgt.f32 v42, v46;
	vm7 =	vgt.f32 v29, v46  }
0x209: {  	v22 =	vsub.f32 v63, v58;
	v2 =	vadd.f32 v4, v1;
	v1 =	vsel vm9, $0x3F800000, v60  }
0x20a: {  	v4 =	vsub.f32 v18, v4;
	vm9 =	vgt.f32 v35, v49;
	v0 =	vadd.f32 v1, v7  }
0x20b: {  	v1 =	vsub.f32 $2.400000000e+01, v1;
	v7 =	vsel vm11, $0x3F800000, v60;
	v2 =	vadd.f32 v3, v2  }
0x20c: {  	vm11 =	vgt.f32 v36, v49;
	v5 =	vadd.f32 v7, v5;
	v3 =	vsub.f32 v54, v3  }
0x20d: {  	[tilespmem:$0x1FEA0] =	vst v0;
	v0 =	vsel vm12, $0x3F800000, v60;
	v1 =	vsub.f32 v1, v7;
	v7 =	vsel vm13, $0x3F800000, v60  }
0x20e: {  	vm12 =	vgt.f32 v39, v46;
	vm13 =	vgt.f32 v37, v46;
	v2 =	vadd.f32 v0, v2  }
0x20f: {  	[tilespmem:$0x1FEC0] =	vst v5;
	v5 =	vsub.f32 v23, v12;
	v12 =	vsub.f32 v24, v61;
	v24 =	vsel vm14, $0x3F800000, v60  }
0x210: {  	v0 =	vsub.f32 v55, v0;
	v55 =	vsel vm4, $0x3F800000, v60;
	v23 =	vsel vm8, $0x3F800000, v60  }
0x211: {  	v61 =	vsel vm11, $0x3F800000, v60;
	vm14 =	vgt.f32 v41, v49;
	vm4 =	vgt.f32 v44, v49  }
0x212: {  	vm8 =	vgt.f32 v31, v46;
	vm11 =	vgt.f32 v27, v46;
	v20 =	vsub.f32 v57, v24  }
0x213: {  	v57 =	vsel vm5, $0x3F800000, v60;
	v17 =	vsub.f32 v17, v55;
	v63 =	vsel vm14, $0x3F800000, v60  }
0x214: {  	vm5 =	vgt.f32 v30, v46;
	v2 =	vadd.f32 v7, v2;
	v7 =	vsub.f32 v56, v7  }
0x215: {  	vm14 =	vgt.f32 v38, v46;
	v18 =	vsub.f32 v59, v57;
	v5 =	vadd.f32 v21, v5  }
0x216: {  	v59 =	vsel vm9, $0x3F800000, v60;
	v56 =	vsel vm13, $0x3F800000, v60;
	v15 =	vsub.f32 v15, v63  }
0x217: {  	vm9 =	vgt.f32 v48, v49;
	v12 =	vsub.f32 v12, v23;
	v16 =	vsub.f32 v16, v59  }
0x218: {  	vm13 =	vgt.f32 v34, v46;
	v8 =	vsub.f32 v8, v56;
	v2 =	vadd.f32 v24, v2  }
0x219: {  	v5 =	vadd.f32 v23, v5;
	v24 =	vsub.f32 v62, v61;
	v62 =	vsel vm6, $0x3F800000, v60  }
0x21a: {  	vm6 =	vgt.f32 v35, v46;
	v2 =	vadd.f32 v25, v2;
	v25 =	vsel vm10, $0x3F800000, v60  }
0x21b: {  	v13 =	vsub.f32 v13, v62;
	vm10 =	vgt.f32 v32, v46;
	v5 =	vadd.f32 v25, v5  }
0x21c: {  	v10 =	vsub.f32 v10, v25;
	v2 =	vadd.f32 v55, v2;
	v55 =	vsel vm12, $0x3F800000, v60  }
0x21d: {  	vm12 =	vgt.f32 v28, v46;
	v5 =	vadd.f32 v55, v5;
	v9 =	vsub.f32 v9, v55  }
0x21e: {  	v55 =	vsel vm12, $0x3F800000, v60;
	vm12 =	vgt.f32 v30, v47;
	v2 =	vadd.f32 v57, v2  }
0x21f: {  	v57 =	vsel vm15, $0x3F800000, v60;
	v19 =	vsub.f32 v19, v55;
	vm15 =	vgt.f32 v40, v47  }
0x220: {  	v5 =	vadd.f32 v56, v5;
	v6 =	vsub.f32 v6, v57;
	v56 =	vsel vm13, $0x3F800000, v60  }
0x221: {  	vm13 =	vgt.f32 v44, v46;
	v2 =	vadd.f32 v58, v2;
	v58 =	vsel vm7, $0x3F800000, v60  }
0x222: {  	v17 =	vsub.f32 v17, v56;
	vm7 =	vgt.f32 v39, v47;
	v5 =	vadd.f32 v57, v5  }
0x223: {  	v3 =	vsub.f32 v3, v58;
	v57 =	vsel vm14, $0x3F800000, v60;
	vm14 =	vgt.f32 v29, v47  }
0x224: {  	v2 =	vadd.f32 v59, v2;
	v59 =	vsel vm5, $0x3F800000, v60;
	v18 =	vsub.f32 v18, v57  }
0x225: {  	vm5 =	vgt.f32 v42, v47;
	v5 =	vadd.f32 v59, v5;
	v4 =	vsub.f32 v4, v59  }
0x226: {  	v23 =	vsel vm5, $0x3F800000, v60;
	v59 =	vsel vm6, $0x3F800000, v60;
	vm5 =	vgt.f32 v32, v47  }
0x227: {  	vm6 =	vgt.f32 v48, v46;
	v2 =	vadd.f32 v61, v2;
	v61 =	vsel vm4, $0x3F800000, v60  }
0x228: {  	vm4 =	vgt.f32 v43, v46;
	v16 =	vsub.f32 v16, v59;
	v10 =	vsub.f32 v10, v23  }
0x229: {  	v14 =	vsub.f32 v14, v61;
	v5 =	vadd.f32 v58, v5;
	v58 =	vsel vm4, $0x3F800000, v60  }
0x22a: {  	vm4 =	vgt.f32 v31, v47;
	v2 =	vadd.f32 v63, v2;
	v63 =	vsel vm11, $0x3F800000, v60  }
0x22b: {  	v21 =	vsub.f32 v22, v58;
	v22 =	vsel vm7, $0x3F800000, v60;
	vm11 =	vgt.f32 v41, v46  }
0x22c: {  	vm7 =	vgt.f32 v27, v47;
	v2 =	vadd.f32 v61, v2;
	v61 =	vsel vm8, $0x3F800000, v60  }
0x22d: {  	v9 =	vsub.f32 v9, v22;
	vm8 =	vgt.f32 v36, v46;
	v5 =	vadd.f32 v61, v5  }
0x22e: {  	v0 =	vsub.f32 v0, v61;
	v61 =	vsel vm8, $0x3F800000, v60;
	v2 =	vadd.f32 v62, v2  }
0x22f: {  	vm8 =	vgt.f32 v28, v47;
	v62 =	vsel vm9, $0x3F800000, v60;
	v24 =	vsub.f32 v24, v61  }
0x230: {  	vm9 =	vgt.f32 v37, v47;
	v1 =	vsub.f32 v1, v62;
	v54 =	vadd.f32 v62, v2  }
0x231: {  	v2 =	vsel vm10, $0x3F800000, v60;
	vm10 =	vgt.f32 v33, v47;
	v62 =	vsel vm11, $0x3F800000, v60  }
0x232: {  	vm11 =	vgt.f32 v43, v47;
	v5 =	vadd.f32 v2, v5;
	v2 =	vsub.f32 v7, v2  }
0x233: {  	v7 =	vsub.f32 v20, v63;
	v20 =	vsel vm15, $0x3F800000, v60;
	v25 =	vsel vm10, $0x3F800000, v60  }
0x234: {  	v15 =	vsub.f32 v15, v62;
	vm15 =	vgt.f32 v45, v46;
	v11 =	vadd.f32 v20, v11  }
0x235: {  	vm10 =	vgt.f32 v38, v47;
	v12 =	vsub.f32 v12, v20;
	v5 =	vadd.f32 v63, v5  }
0x236: {  	v20 =	vsel vm8, $0x3F800000, v60;
	v6 =	vsub.f32 v6, v25;
	v11 =	vadd.f32 v23, v11  }
0x237: {  	vm8 =	vgt.f32 v44, v47;
	v63 =	vsel vm13, $0x3F800000, v60;
	v5 =	vadd.f32 v55, v5  }
0x238: {  	vm13 =	vgt.f32 v35, v47;
	v14 =	vsub.f32 v14, v63;
	v11 =	vadd.f32 v22, v11  }
0x239: {  	v5 =	vadd.f32 v56, v5;
	v56 =	vsel vm9, $0x3F800000, v60;
	vm9 =	vgt.f32 v34, v47  }
0x23a: {  	v11 =	vadd.f32 v56, v11;
	v8 =	vsub.f32 v8, v56;
	v56 =	vsel vm11, $0x3F800000, v60  }
0x23b: {  	vm11 =	vgt.f32 v31, v40;
	v5 =	vadd.f32 v57, v5;
	v57 =	vsel vm12, $0x3F800000, v60  }
0x23c: {  	vm12 =	vgt.f32 v42, v40;
	v11 =	vadd.f32 v25, v11;
	v4 =	vsub.f32 v4, v57  }
0x23d: {  	v5 =	vadd.f32 v58, v5;
	v58 =	vsel vm4, $0x3F800000, v60;
	vm4 =	vgt.f32 v37, v40  }
0x23e: {  	v11 =	vadd.f32 v57, v11;
	v0 =	vsub.f32 v0, v58;
	v57 =	vsel vm13, $0x3F800000, v60  }
0x23f: {  	vm13 =	vgt.f32 v32, v40;
	v5 =	vadd.f32 v59, v5;
	v59 =	vsel vm14, $0x3F800000, v60  }
0x240: {  	vm14 =	vgt.f32 v39, v40;
	v16 =	vsub.f32 v16, v57;
	v11 =	vadd.f32 v59, v11  }
0x241: {  	v3 =	vsub.f32 v3, v59;
	v22 =	vsel vm14, $0x3F800000, v60;
	v5 =	vadd.f32 v61, v5  }
0x242: {  	vm14 =	vgt.f32 v27, v40;
	v61 =	vsel vm15, $0x3F800000, v60;
	v9 =	vsub.f32 v9, v22  }
0x243: {  	vm15 =	vgt.f32 v36, v47;
	v11 =	vadd.f32 v58, v11;
	v5 =	vadd.f32 v62, v5  }
0x244: {  	v13 =	vsub.f32 v13, v61;
	v58 =	vsel vm15, $0x3F800000, v60;
	vm15 =	vgt.f32 v28, v40  }
0x245: {  	v62 =	vsel vm6, $0x3F800000, v60;
	vm6 =	vgt.f32 v33, v40;
	v5 =	vadd.f32 v63, v5  }
0x246: {  	v23 =	vsub.f32 v24, v58;
	v1 =	vsub.f32 v1, v62;
	v63 =	vsel vm10, $0x3F800000, v60  }
0x247: {  	vm10 =	vgt.f32 v45, v47;
	v5 =	vadd.f32 v61, v5;
	v61 =	vsel vm5, $0x3F800000, v60  }
0x248: {  	v18 =	vsub.f32 v18, v63;
	vm5 =	vgt.f32 v41, v47;
	v11 =	vadd.f32 v61, v11  }
0x249: {  	v2 =	vsub.f32 v2, v61;
	v55 =	vadd.f32 v62, v5;
	v5 =	vsel vm7, $0x3F800000, v60  }
0x24a: {  	v59 =	vsel vm5, $0x3F800000, v60;
	v61 =	vsel vm8, $0x3F800000, v60;
	v11 =	vadd.f32 v5, v11  }
0x24b: {  	vm5 =	vgt.f32 v38, v40;
	vm8 =	vgt.f32 v35, v40;
	v62 =	vsel vm9, $0x3F800000, v60  }
0x24c: {  	vm7 =	vgt.f32 v30, v40;
	v15 =	vsub.f32 v15, v59;
	v11 =	vadd.f32 v20, v11  }
0x24d: {  	vm9 =	vgt.f32 v29, v40;
	v14 =	vsub.f32 v14, v61;
	v5 =	vsub.f32 v7, v5  }
0x24e: {  	v17 =	vsub.f32 v17, v62;
	v24 =	vsel vm7, $0x3F800000, v60;
	v11 =	vadd.f32 v62, v11  }
0x24f: {  	vm7 =	vgt.f32 v39, v42;
	v4 =	vsub.f32 v4, v24;
	v62 =	vsel vm10, $0x3F800000, v60  }
0x250: {  	vm10 =	vgt.f32 v36, v40;
	v13 =	vsub.f32 v13, v62;
	v25 =	vadd.f32 v63, v11  }
0x251: {  	v11 =	vsub.f32 v19, v20;
	v19 =	vsub.f32 v21, v56;
	v20 =	vsel vm12, $0x3F800000, v60  }
0x252: {  	v21 =	vsel vm4, $0x3F800000, v60;
	vm12 =	vgt.f32 v48, v47;
	v12 =	vadd.f32 v20, v12  }
0x253: {  	vm4 =	vgt.f32 v34, v40;
	v10 =	vsub.f32 v10, v20;
	v8 =	vsub.f32 v8, v21  }
0x254: {  	v20 =	vsel vm7, $0x3F800000, v60;
	vm7 =	vgt.f32 v27, v42;
	v7 =	vadd.f32 v56, v25  }
0x255: {  	v25 =	vsel vm6, $0x3F800000, v60;
	v9 =	vsub.f32 v9, v20;
	v12 =	vadd.f32 v22, v12  }
0x256: {  	vm6 =	vgt.f32 v43, v40;
	v6 =	vsub.f32 v6, v25;
	v7 =	vadd.f32 v57, v7  }
0x257: {  	v10 =	vadd.f32 v20, v10;
	v57 =	vsel vm9, $0x3F800000, v60;
	v12 =	vadd.f32 v21, v12  }
0x258: {  	vm9 =	vgt.f32 v37, v42;
	v3 =	vsub.f32 v3, v57;
	v7 =	vadd.f32 v58, v7  }
0x259: {  	v58 =	vsel vm12, $0x3F800000, v60;
	vm12 =	vgt.f32 v30, v42;
	v12 =	vadd.f32 v25, v12  }
0x25a: {  	v1 =	vsub.f32 v1, v58;
	v25 =	vsel vm5, $0x3F800000, v60;
	vm5 =	vgt.f32 v45, v40  }
0x25b: {  	v7 =	vadd.f32 v59, v7;
	v59 =	vsel vm11, $0x3F800000, v60;
	vm11 =	vgt.f32 v33, v42  }
0x25c: {  	v12 =	vadd.f32 v24, v12;
	v0 =	vsub.f32 v0, v59;
	v24 =	vsel vm4, $0x3F800000, v60  }
0x25d: {  	v22 =	vsel vm11, $0x3F800000, v60;
	vm4 =	vgt.f32 v31, v42;
	vm11 =	vgt.f32 v38, v42  }
0x25e: {  	v7 =	vadd.f32 v61, v7;
	v61 =	vsel vm13, $0x3F800000, v60;
	v17 =	vsub.f32 v17, v24  }
0x25f: {  	vm13 =	vgt.f32 v41, v40;
	v6 =	vsub.f32 v6, v22;
	v12 =	vadd.f32 v57, v12  }
0x260: {  	v2 =	vsub.f32 v2, v61;
	v57 =	vsel vm6, $0x3F800000, v60;
	vm6 =	vgt.f32 v32, v42  }
0x261: {  	v7 =	vadd.f32 v62, v7;
	v62 =	vsel vm14, $0x3F800000, v60;
	vm14 =	vgt.f32 v29, v42  }
0x262: {  	v12 =	vadd.f32 v59, v12;
	v5 =	vsub.f32 v5, v62;
	v59 =	vsel vm10, $0x3F800000, v60  }
0x263: {  	vm10 =	vgt.f32 v34, v42;
	v56 =	vadd.f32 v58, v7;
	v58 =	vsel vm8, $0x3F800000, v60  }
0x264: {  	v21 =	vsub.f32 v23, v59;
	v23 =	vsel vm12, $0x3F800000, v60;
	vm8 =	vgt.f32 v48, v40  }
0x265: {  	vm12 =	vgt.f32 v43, v42;
	v63 =	vadd.f32 v61, v12;
	v12 =	vsub.f32 v18, v25  }
0x266: {  	v18 =	vsub.f32 v19, v57;
	v19 =	vsel vm9, $0x3F800000, v60;
	v16 =	vsub.f32 v16, v58  }
0x267: {  	v61 =	vsel vm13, $0x3F800000, v60;
	vm9 =	vgt.f32 v28, v42;
	v4 =	vsub.f32 v4, v23  }
0x268: {  	vm13 =	vgt.f32 v35, v42;
	v10 =	vadd.f32 v19, v10;
	v15 =	vsub.f32 v15, v61  }
0x269: {  	v8 =	vsub.f32 v8, v19;
	v7 =	vadd.f32 v62, v63;
	v63 =	vsel vm15, $0x3F800000, v60  }
0x26a: {  	vm15 =	vgt.f32 v44, v40;
	v11 =	vsub.f32 v11, v63;
	v10 =	vadd.f32 v22, v10  }
0x26b: {  	v62 =	vsel vm15, $0x3F800000, v60;
	vm15 =	vgt.f32 v36, v42;
	v7 =	vadd.f32 v63, v7  }
0x26c: {  	v14 =	vsub.f32 v14, v62;
	v63 =	vsel vm5, $0x3F800000, v60;
	vm5 =	vgt.f32 v30, v39  }
0x26d: {  	v10 =	vadd.f32 v23, v10;
	v7 =	vadd.f32 v24, v7;
	v24 =	vsel vm4, $0x3F800000, v60  }
0x26e: {  	v13 =	vsub.f32 v13, v63;
	vm4 =	vgt.f32 v33, v39;
	v0 =	vsub.f32 v0, v24  }
0x26f: {  	v20 =	vsel vm4, $0x3F800000, v60;
	vm4 =	vgt.f32 v38, v39;
	v7 =	vadd.f32 v25, v7  }
0x270: {  	v25 =	vsel vm14, $0x3F800000, v60;
	vm14 =	vgt.f32 v37, v39;
	v6 =	vsub.f32 v6, v20  }
0x271: {  	v10 =	vadd.f32 v25, v10;
	v3 =	vsub.f32 v3, v25;
	v25 =	vsel vm13, $0x3F800000, v60  }
0x272: {  	vm13 =	vgt.f32 v48, v42;
	v7 =	vadd.f32 v57, v7;
	v16 =	vsub.f32 v16, v25  }
0x273: {  	v10 =	vadd.f32 v24, v10;
	v24 =	vsel vm12, $0x3F800000, v60;
	vm12 =	vgt.f32 v27, v39  }
0x274: {  	v7 =	vadd.f32 v58, v7;
	v58 =	vsel vm6, $0x3F800000, v60;
	vm6 =	vgt.f32 v41, v42  }
0x275: {  	v10 =	vadd.f32 v58, v10;
	v2 =	vsub.f32 v2, v58;
	v58 =	vsel vm15, $0x3F800000, v60  }
0x276: {  	vm15 =	vgt.f32 v34, v39;
	v7 =	vadd.f32 v59, v7;
	v59 =	vsel vm7, $0x3F800000, v60  }
0x277: {  	v19 =	vsub.f32 v21, v58;
	v21 =	vsel vm5, $0x3F800000, v60;
	vm7 =	vgt.f32 v29, v39  }
0x278: {  	vm5 =	vgt.f32 v43, v39;
	v10 =	vadd.f32 v59, v10;
	v5 =	vsub.f32 v5, v59  }
0x279: {  	v59 =	vsel vm6, $0x3F800000, v60;
	v23 =	vsel vm7, $0x3F800000, v60;
	v7 =	vadd.f32 v61, v7  }
0x27a: {  	v4 =	vsub.f32 v4, v21;
	vm6 =	vgt.f32 v35, v39;
	vm7 =	vgt.f32 v33, v37  }
0x27b: {  	v61 =	vsel vm8, $0x3F800000, v60;
	v15 =	vsub.f32 v15, v59;
	v7 =	vadd.f32 v62, v7  }
0x27c: {  	vm8 =	vgt.f32 v44, v42;
	v3 =	vsub.f32 v3, v23;
	v1 =	vsub.f32 v1, v61  }
0x27d: {  	v62 =	vsel vm10, $0x3F800000, v60;
	vm10 =	vgt.f32 v45, v42;
	v7 =	vadd.f32 v63, v7  }
0x27e: {  	v17 =	vsub.f32 v17, v62;
	v63 =	vsel vm11, $0x3F800000, v60;
	vm11 =	vgt.f32 v32, v39  }
0x27f: {  	v12 =	vsub.f32 v12, v63;
	v57 =	vadd.f32 v61, v7;
	v61 =	vsel vm9, $0x3F800000, v60  }
0x280: {  	vm9 =	vgt.f32 v31, v39;
	v10 =	vadd.f32 v61, v10;
	v7 =	vsub.f32 v11, v61  }
0x281: {  	v11 =	vsub.f32 v18, v24;
	v18 =	vsel vm14, $0x3F800000, v60;
	v61 =	vsel vm8, $0x3F800000, v60  }
0x282: {  	v22 =	vsel vm9, $0x3F800000, v60;
	vm14 =	vgt.f32 v28, v39;
	vm8 =	vgt.f32 v36, v39  }
0x283: {  	vm9 =	vgt.f32 v30, v37;
	v9 =	vadd.f32 v18, v9;
	v14 =	vsub.f32 v14, v61  }
0x284: {  	v8 =	vsub.f32 v8, v18;
	v0 =	vsub.f32 v0, v22;
	v18 =	vsel vm7, $0x3F800000, v60  }
0x285: {  	v10 =	vadd.f32 v62, v10;
	v62 =	vsel vm10, $0x3F800000, v60;
	v6 =	vsub.f32 v6, v18  }
0x286: {  	vm7 =	vgt.f32 v34, v37;
	v9 =	vadd.f32 v20, v9;
	v13 =	vsub.f32 v13, v62  }
0x287: {  	vm10 =	vgt.f32 v41, v39;
	v8 =	vadd.f32 v18, v8;
	v10 =	vadd.f32 v63, v10  }
0x288: {  	v63 =	vsel vm13, $0x3F800000, v60;
	vm13 =	vgt.f32 v44, v39;
	v9 =	vadd.f32 v21, v9  }
0x289: {  	v1 =	vsub.f32 v1, v63;
	v10 =	vadd.f32 v24, v10;
	v24 =	vsel vm12, $0x3F800000, v60  }
0x28a: {  	vm12 =	vgt.f32 v31, v37;
	v9 =	vadd.f32 v23, v9;
	v5 =	vsub.f32 v5, v24  }
0x28b: {  	v20 =	vsel vm12, $0x3F800000, v60;
	vm12 =	vgt.f32 v30, v33;
	v10 =	vadd.f32 v25, v10  }
0x28c: {  	v25 =	vsel vm11, $0x3F800000, v60;
	vm11 =	vgt.f32 v29, v37;
	v9 =	vadd.f32 v22, v9  }
0x28d: {  	v2 =	vsub.f32 v2, v25;
	v21 =	vsel vm11, $0x3F800000, v60;
	v10 =	vadd.f32 v58, v10  }
0x28e: {  	vm11 =	vgt.f32 v36, v37;
	v3 =	vsub.f32 v3, v21;
	v9 =	vadd.f32 v25, v9  }
0x28f: {  	v25 =	vsel vm5, $0x3F800000, v60;
	vm5 =	vgt.f32 v48, v39;
	v10 =	vadd.f32 v59, v10  }
0x290: {  	v11 =	vsub.f32 v11, v25;
	v59 =	vsel vm6, $0x3F800000, v60;
	v9 =	vadd.f32 v24, v9  }
0x291: {  	vm6 =	vgt.f32 v28, v37;
	v10 =	vadd.f32 v61, v10;
	v61 =	vsel vm14, $0x3F800000, v60  }
0x292: {  	v16 =	vsub.f32 v16, v59;
	vm14 =	vgt.f32 v32, v37;
	v9 =	vadd.f32 v61, v9  }
0x293: {  	v7 =	vsub.f32 v7, v61;
	v61 =	vsel vm8, $0x3F800000, v60;
	v23 =	vsel vm14, $0x3F800000, v60  }
0x294: {  	vm8 =	vgt.f32 v38, v37;
	vm14 =	vgt.f32 v41, v37;
	v10 =	vadd.f32 v62, v10  }
0x295: {  	v62 =	vsel vm15, $0x3F800000, v60;
	v19 =	vsub.f32 v19, v61;
	vm15 =	vgt.f32 v45, v39  }
0x296: {  	v2 =	vsub.f32 v2, v23;
	v24 =	vsel vm14, $0x3F800000, v60;
	vm14 =	vgt.f32 v36, v33  }
0x297: {  	v9 =	vadd.f32 v62, v9;
	v58 =	vadd.f32 v63, v10;
	v63 =	vsel vm4, $0x3F800000, v60  }
0x298: {  	v10 =	vsub.f32 v17, v62;
	v17 =	vsel vm9, $0x3F800000, v60;
	v62 =	vsel vm10, $0x3F800000, v60  }
0x299: {  	vm4 =	vgt.f32 v27, v37;
	vm9 =	vgt.f32 v43, v37;
	v9 =	vadd.f32 v63, v9  }
0x29a: {  	vm10 =	vgt.f32 v35, v37;
	v12 =	vsub.f32 v12, v63;
	v8 =	vadd.f32 v17, v8  }
0x29b: {  	v15 =	vsub.f32 v15, v62;
	v63 =	vsel vm13, $0x3F800000, v60;
	v22 =	vsel vm4, $0x3F800000, v60  }
0x29c: {  	v4 =	vsub.f32 v4, v17;
	v17 =	vsub.f32 v0, v20;
	v0 =	vsel vm8, $0x3F800000, v60  }
0x29d: {  	vm13 =	vgt.f32 v29, v33;
	vm4 =	vgt.f32 v44, v37;
	v14 =	vsub.f32 v14, v63  }
0x29e: {  	vm8 =	vgt.f32 v28, v33;
	v5 =	vsub.f32 v5, v22;
	v9 =	vadd.f32 v25, v9  }
0x29f: {  	v8 =	vadd.f32 v21, v8;
	v25 =	vsel vm4, $0x3F800000, v60;
	v21 =	vsel vm8, $0x3F800000, v60  }
0x2a0: {  	vm4 =	vgt.f32 v31, v30;
	vm8 =	vgt.f32 v27, v30;
	v9 =	vadd.f32 v59, v9  }
0x2a1: {  	v8 =	vadd.f32 v20, v8;
	v59 =	vsel vm15, $0x3F800000, v60;
	vm15 =	vgt.f32 v31, v33  }
0x2a2: {  	v14 =	vsub.f32 v14, v25;
	v13 =	vsub.f32 v13, v59;
	v20 =	vsel vm15, $0x3F800000, v60  }
0x2a3: {  	vm15 =	vgt.f32 v29, v30;
	v9 =	vadd.f32 v61, v9;
	v8 =	vadd.f32 v23, v8  }
0x2a4: {  	v61 =	vsel vm5, $0x3F800000, v60;
	v23 =	vsel vm9, $0x3F800000, v60;
	v17 =	vsub.f32 v17, v20  }
0x2a5: {  	vm5 =	vgt.f32 v32, v33;
	v9 =	vadd.f32 v62, v9;
	v8 =	vadd.f32 v22, v8  }
0x2a6: {  	v1 =	vsub.f32 v1, v61;
	v11 =	vsub.f32 v11, v23;
	v62 =	vsel vm6, $0x3F800000, v60  }
0x2a7: {  	vm9 =	vgt.f32 v48, v37;
	v9 =	vadd.f32 v63, v9;
	v8 =	vadd.f32 v62, v8  }
0x2a8: {  	v7 =	vsub.f32 v7, v62;
	v63 =	vsel vm7, $0x3F800000, v60;
	vm7 =	vgt.f32 v27, v33  }
0x2a9: {  	v22 =	vsel vm7, $0x3F800000, v60;
	v9 =	vadd.f32 v59, v9;
	v8 =	vadd.f32 v63, v8  }
0x2aa: {  	vm6 =	vgt.f32 v45, v37;
	v7 =	vsub.f32 v7, v21;
	v5 =	vsub.f32 v5, v22  }
0x2ab: {  	vm7 =	vgt.f32 v44, v33;
	v59 =	vadd.f32 v61, v9;
	v8 =	vadd.f32 v0, v8  }
0x2ac: {  	v9 =	vsub.f32 v10, v63;
	v10 =	vsub.f32 v12, v0;
	v0 =	vsel vm10, $0x3F800000, v60  }
0x2ad: {  	v61 =	vsel vm6, $0x3F800000, v60;
	vm10 =	vgt.f32 v34, v33;
	v63 =	vsel vm9, $0x3F800000, v60  }
0x2ae: {  	vm6 =	vgt.f32 v32, v30;
	vm9 =	vgt.f32 v45, v33;
	v12 =	vsub.f32 v16, v0  }
0x2af: {  	v16 =	vsel vm12, $0x3F800000, v60;
	v13 =	vsub.f32 v13, v61;
	v1 =	vsub.f32 v1, v63  }
0x2b0: {  	vm12 =	vgt.f32 v43, v33;
	v8 =	vadd.f32 v23, v8;
	v6 =	vadd.f32 v16, v6  }
0x2b1: {  	v4 =	vsub.f32 v4, v16;
	v16 =	vsel vm15, $0x3F800000, v60;
	vm15 =	vgt.f32 v35, v30  }
0x2b2: {  	v8 =	vadd.f32 v0, v8;
	v0 =	vsel vm11, $0x3F800000, v60;
	vm11 =	vgt.f32 v38, v33  }
0x2b3: {  	v4 =	vadd.f32 v16, v4;
	v18 =	vsub.f32 v19, v0;
	v19 =	vsel vm13, $0x3F800000, v60  }
0x2b4: {  	vm13 =	vgt.f32 v35, v33;
	v8 =	vadd.f32 v0, v8;
	v0 =	vadd.f32 v19, v6  }
0x2b5: {  	v6 =	vsub.f32 v15, v24;
	v15 =	vsel vm5, $0x3F800000, v60;
	v3 =	vsub.f32 v3, v19  }
0x2b6: {  	vm5 =	vgt.f32 v41, v33;
	v19 =	vsel vm8, $0x3F800000, v60;
	v2 =	vsub.f32 v2, v15  }
0x2b7: {  	vm8 =	vgt.f32 v27, v29;
	v5 =	vsub.f32 v5, v19;
	v8 =	vadd.f32 v24, v8  }
0x2b8: {  	v0 =	vadd.f32 v20, v0;
	v24 =	vsel vm13, $0x3F800000, v60;
	v3 =	vsub.f32 v3, v16  }
0x2b9: {  	vm13 =	vgt.f32 v38, v30;
	v12 =	vsub.f32 v12, v24;
	v8 =	vadd.f32 v25, v8  }
0x2ba: {  	v0 =	vadd.f32 v15, v0;
	v25 =	vsel vm14, $0x3F800000, v60;
	vm14 =	vgt.f32 v43, v30  }
0x2bb: {  	v15 =	vsub.f32 v18, v25;
	v18 =	vsel vm4, $0x3F800000, v60;
	vm4 =	vgt.f32 v36, v30  }
0x2bc: {  	v8 =	vadd.f32 v61, v8;
	v0 =	vadd.f32 v22, v0;
	v61 =	vsel vm10, $0x3F800000, v60  }
0x2bd: {  	v22 =	vsel vm12, $0x3F800000, v60;
	v4 =	vadd.f32 v18, v4;
	vm10 =	vgt.f32 v28, v30  }
0x2be: {  	vm12 =	vgt.f32 v48, v33;
	v16 =	vsub.f32 v17, v18;
	v11 =	vsub.f32 v11, v22  }
0x2bf: {  	v62 =	vadd.f32 v21, v0;
	v0 =	vadd.f32 v63, v8;
	v63 =	vsel vm11, $0x3F800000, v60  }
0x2c0: {  	v8 =	vsub.f32 v9, v61;
	vm11 =	vgt.f32 v34, v30;
	v10 =	vsub.f32 v10, v63  }
0x2c1: {  	v62 =	vadd.f32 v61, v62;
	v61 =	vsel vm5, $0x3F800000, v60;
	vm5 =	vgt.f32 v31, v29  }
0x2c2: {  	v6 =	vsub.f32 v6, v61;
	v17 =	vsel vm5, $0x3F800000, v60;
	vm5 =	vgt.f32 v36, v29  }
0x2c3: {  	v20 =	vadd.f32 v63, v62;
	v62 =	vsel vm7, $0x3F800000, v60;
	v63 =	vsel vm9, $0x3F800000, v60  }
0x2c4: {  	v3 =	vadd.f32 v17, v3;
	vm7 =	vgt.f32 v32, v29;
	vm9 =	vgt.f32 v44, v30  }
0x2c5: {  	v14 =	vsub.f32 v14, v62;
	v13 =	vsub.f32 v13, v63;
	v18 =	vsel vm7, $0x3F800000, v60  }
0x2c6: {  	vm7 =	vgt.f32 v41, v29;
	v23 =	vadd.f32 v22, v20;
	v20 =	vsel vm6, $0x3F800000, v60  }
0x2c7: {  	v22 =	vsel vm10, $0x3F800000, v60;
	vm6 =	vgt.f32 v41, v30;
	v3 =	vadd.f32 v18, v3  }
0x2c8: {  	vm10 =	vgt.f32 v28, v29;
	v4 =	vadd.f32 v20, v4;
	v2 =	vsub.f32 v2, v20  }
0x2c9: {  	v7 =	vsub.f32 v7, v22;
	v20 =	vsel vm10, $0x3F800000, v60;
	vm10 =	vgt.f32 v28, v31  }
0x2ca: {  	v9 =	vadd.f32 v24, v23;
	v24 =	vsel vm11, $0x3F800000, v60;
	v23 =	vsel vm14, $0x3F800000, v60  }
0x2cb: {  	vm11 =	vgt.f32 v45, v30;
	v4 =	vadd.f32 v19, v4;
	v8 =	vsub.f32 v8, v24  }
0x2cc: {  	vm14 =	vgt.f32 v38, v29;
	v2 =	vsub.f32 v2, v18;
	v9 =	vadd.f32 v25, v9  }
0x2cd: {  	v7 =	vsub.f32 v7, v20;
	v25 =	vsel vm12, $0x3F800000, v60;
	v4 =	vadd.f32 v22, v4  }
0x2ce: {  	vm12 =	vgt.f32 v34, v29;
	v1 =	vsub.f32 v1, v25;
	v9 =	vadd.f32 v61, v9  }
0x2cf: {  	v19 =	vsel vm12, $0x3F800000, v60;
	v22 =	vsel vm5, $0x3F800000, v60;
	vm12 =	vgt.f32 v34, v31  }
0x2d0: {  	vm5 =	vgt.f32 v36, v31;
	v8 =	vsub.f32 v8, v19;
	v9 =	vadd.f32 v62, v9  }
0x2d1: {  	v4 =	vadd.f32 v24, v4;
	v24 =	vsel vm15, $0x3F800000, v60;
	vm15 =	vgt.f32 v43, v29  }
0x2d2: {  	v12 =	vsub.f32 v12, v24;
	v62 =	vsel vm6, $0x3F800000, v60;
	v9 =	vadd.f32 v63, v9  }
0x2d3: {  	vm6 =	vgt.f32 v32, v31;
	v6 =	vsub.f32 v6, v62;
	v63 =	vsel vm13, $0x3F800000, v60  }
0x2d4: {  	vm13 =	vgt.f32 v48, v30;
	v4 =	vadd.f32 v63, v4;
	v61 =	vadd.f32 v25, v9  }
0x2d5: {  	v9 =	vsub.f32 v10, v63;
	v10 =	vsub.f32 v11, v23;
	v25 =	vsel vm4, $0x3F800000, v60  }
0x2d6: {  	v63 =	vsel vm9, $0x3F800000, v60;
	vm4 =	vgt.f32 v35, v29;
	vm9 =	vgt.f32 v44, v29  }
0x2d7: {  	v4 =	vadd.f32 v23, v4;
	v11 =	vsub.f32 v15, v25;
	v15 =	vsel vm8, $0x3F800000, v60  }
0x2d8: {  	v14 =	vsub.f32 v14, v63;
	v21 =	vsel vm4, $0x3F800000, v60;
	vm8 =	vgt.f32 v27, v31  }
0x2d9: {  	v23 =	vsel vm7, $0x3F800000, v60;
	vm4 =	vgt.f32 v35, v31;
	v3 =	vadd.f32 v15, v3  }
0x2da: {  	vm7 =	vgt.f32 v41, v31;
	v5 =	vsub.f32 v5, v15;
	v12 =	vsub.f32 v12, v21  }
0x2db: {  	v15 =	vsel vm6, $0x3F800000, v60;
	v6 =	vsub.f32 v6, v23;
	vm6 =	vgt.f32 v27, v32  }
0x2dc: {  	v4 =	vadd.f32 v24, v4;
	v24 =	vsel vm11, $0x3F800000, v60;
	v11 =	vsub.f32 v11, v22  }
0x2dd: {  	vm11 =	vgt.f32 v45, v29;
	v2 =	vsub.f32 v2, v15;
	v3 =	vadd.f32 v20, v3  }
0x2de: {  	v13 =	vsub.f32 v13, v24;
	v20 =	vsel vm5, $0x3F800000, v60;
	v4 =	vadd.f32 v25, v4  }
0x2df: {  	vm5 =	vgt.f32 v41, v32;
	v25 =	vsel vm13, $0x3F800000, v60;
	v11 =	vsub.f32 v11, v20  }
0x2e0: {  	vm13 =	vgt.f32 v38, v31;
	v3 =	vadd.f32 v19, v3;
	v4 =	vadd.f32 v62, v4  }
0x2e1: {  	v1 =	vsub.f32 v1, v25;
	v19 =	vsel vm12, $0x3F800000, v60;
	v18 =	vsel vm13, $0x3F800000, v60  }
0x2e2: {  	vm12 =	vgt.f32 v38, v32;
	v4 =	vadd.f32 v63, v4;
	v63 =	vsel vm15, $0x3F800000, v60  }
0x2e3: {  	vm13 =	vgt.f32 v43, v32;
	vm15 =	vgt.f32 v43, v31;
	v10 =	vsub.f32 v10, v63  }
0x2e4: {  	v4 =	vadd.f32 v24, v4;
	v24 =	vsel vm14, $0x3F800000, v60;
	vm14 =	vgt.f32 v48, v29  }
0x2e5: {  	v3 =	vadd.f32 v24, v3;
	v9 =	vsub.f32 v9, v24;
	v24 =	vsel vm9, $0x3F800000, v60  }
0x2e6: {  	vm9 =	vgt.f32 v44, v31;
	v62 =	vadd.f32 v25, v4;
	v25 =	vsub.f32 v16, v17  }
0x2e7: {  	v17 =	vsel vm8, $0x3F800000, v60;
	v14 =	vsub.f32 v14, v24;
	v16 =	vsub.f32 v8, v19  }
0x2e8: {  	vm8 =	vgt.f32 v28, v32;
	v3 =	vadd.f32 v63, v3;
	v5 =	vsub.f32 v5, v17  }
0x2e9: {  	v9 =	vsub.f32 v9, v18;
	v4 =	vadd.f32 v15, v25;
	v25 =	vsel vm10, $0x3F800000, v60  }
0x2ea: {  	v15 =	vsel vm8, $0x3F800000, v60;
	vm10 =	vgt.f32 v34, v32;
	vm8 =	vgt.f32 v34, v27  }
0x2eb: {  	v3 =	vadd.f32 v21, v3;
	v7 =	vsub.f32 v7, v25;
	v21 =	vsel vm7, $0x3F800000, v60  }
0x2ec: {  	vm7 =	vgt.f32 v44, v32;
	v4 =	vadd.f32 v17, v4;
	v6 =	vsub.f32 v6, v21  }
0x2ed: {  	v17 =	vsel vm12, $0x3F800000, v60;
	vm12 =	vgt.f32 v43, v27;
	v3 =	vadd.f32 v22, v3  }
0x2ee: {  	v22 =	vsel vm9, $0x3F800000, v60;
	v9 =	vsub.f32 v9, v17;
	vm9 =	vgt.f32 v45, v32  }
0x2ef: {  	v4 =	vadd.f32 v25, v4;
	v25 =	vsel vm4, $0x3F800000, v60;
	v14 =	vsub.f32 v14, v22  }
0x2f0: {  	vm4 =	vgt.f32 v36, v32;
	v3 =	vadd.f32 v23, v3;
	v23 =	vsel vm11, $0x3F800000, v60  }
0x2f1: {  	vm11 =	vgt.f32 v45, v31;
	v4 =	vadd.f32 v19, v4;
	v13 =	vsub.f32 v13, v23  }
0x2f2: {  	v19 =	vsel vm13, $0x3F800000, v60;
	vm13 =	vgt.f32 v35, v27;
	v3 =	vadd.f32 v24, v3  }
0x2f3: {  	v24 =	vsel vm14, $0x3F800000, v60;
	vm14 =	vgt.f32 v48, v31;
	v4 =	vadd.f32 v18, v4  }
0x2f4: {  	v1 =	vsub.f32 v1, v24;
	v18 =	vsel vm10, $0x3F800000, v60;
	v3 =	vadd.f32 v23, v3  }
0x2f5: {  	vm10 =	vgt.f32 v38, v27;
	v23 =	vsel vm11, $0x3F800000, v60;
	vm11 =	vgt.f32 v48, v32  }
0x2f6: {  	v13 =	vsub.f32 v13, v23;
	v63 =	vadd.f32 v24, v3;
	v3 =	vsel vm15, $0x3F800000, v60  }
0x2f7: {  	vm15 =	vgt.f32 v35, v32;
	v24 =	vsel vm14, $0x3F800000, v60;
	v4 =	vadd.f32 v3, v4  }
0x2f8: {  	v3 =	vsub.f32 v10, v3;
	v10 =	vsub.f32 v12, v25;
	v12 =	vsel vm6, $0x3F800000, v60  }
0x2f9: {  	vm14 =	vgt.f32 v36, v27;
	v1 =	vsub.f32 v1, v24;
	v2 =	vadd.f32 v12, v2  }
0x2fa: {  	vm6 =	vgt.f32 v28, v27;
	v5 =	vsub.f32 v5, v12;
	v12 =	vsub.f32 v7, v15  }
0x2fb: {  	v4 =	vadd.f32 v25, v4;
	v25 =	vsel vm15, $0x3F800000, v60;
	v3 =	vsub.f32 v3, v19  }
0x2fc: {  	vm15 =	vgt.f32 v41, v27;
	v2 =	vadd.f32 v15, v2;
	v15 =	vsub.f32 v16, v18  }
0x2fd: {  	v16 =	vsel vm8, $0x3F800000, v60;
	vm8 =	vgt.f32 v43, v28;
	v4 =	vadd.f32 v20, v4  }
0x2fe: {  	v20 =	vsel vm5, $0x3F800000, v60;
	vm5 =	vgt.f32 v44, v27;
	v2 =	vadd.f32 v18, v2  }
0x2ff: {  	v18 =	vsel vm4, $0x3F800000, v60;
	v6 =	vsub.f32 v6, v20;
	v4 =	vadd.f32 v21, v4  }
0x300: {  	vm4 =	vgt.f32 v34, v28;
	v11 =	vsub.f32 v11, v18;
	v2 =	vadd.f32 v17, v2  }
0x301: {  	v21 =	vsel vm7, $0x3F800000, v60;
	vm7 =	vgt.f32 v45, v27;
	v4 =	vadd.f32 v22, v4  }
0x302: {  	v14 =	vsub.f32 v14, v21;
	v22 =	vsel vm9, $0x3F800000, v60;
	v2 =	vadd.f32 v19, v2  }
0x303: {  	v13 =	vsub.f32 v13, v22;
	v4 =	vadd.f32 v23, v4;
	v23 =	vsel vm10, $0x3F800000, v60  }
0x304: {  	vm9 =	vgt.f32 v35, v28;
	v2 =	vadd.f32 v25, v2;
	v9 =	vsub.f32 v9, v23  }
0x305: {  	vm10 =	vgt.f32 v48, v27;
	v8 =	vadd.f32 v24, v4;
	v4 =	vsub.f32 v10, v25  }
0x306: {  	v10 =	vsel vm6, $0x3F800000, v60;
	v24 =	vsel vm11, $0x3F800000, v60;
	v25 =	vsel vm12, $0x3F800000, v60  }
0x307: {  	vm6 =	vgt.f32 v38, v28;
	v2 =	vadd.f32 v18, v2;
	v5 =	vadd.f32 v10, v5  }
0x308: {  	vm11 =	vgt.f32 v36, v28;
	v1 =	vsub.f32 v1, v24;
	v3 =	vsub.f32 v3, v25  }
0x309: {  	vm12 =	vgt.f32 v41, v28;
	v2 =	vadd.f32 v20, v2;
	v5 =	vadd.f32 v16, v5  }
0x30a: {  	v20 =	vsub.f32 v12, v10;
	v12 =	vsub.f32 v15, v16;
	v15 =	vsel vm4, $0x3F800000, v60  }
0x30b: {  	vm4 =	vgt.f32 v43, v34;
	v2 =	vadd.f32 v21, v2;
	v5 =	vadd.f32 v23, v5  }
0x30c: {  	v21 =	vsel vm13, $0x3F800000, v60;
	v23 =	vsel vm15, $0x3F800000, v60;
	v12 =	vsub.f32 v12, v15  }
0x30d: {  	vm13 =	vgt.f32 v44, v28;
	vm15 =	vgt.f32 v45, v28;
	v4 =	vsub.f32 v4, v21  }
0x30e: {  	v19 =	vsel vm13, $0x3F800000, v60;
	v2 =	vadd.f32 v22, v2;
	v22 =	vsel vm14, $0x3F800000, v60  }
0x30f: {  	vm13 =	vgt.f32 v48, v34;
	v10 =	vsub.f32 v11, v22;
	v11 =	vsub.f32 v6, v23  }
0x310: {  	vm14 =	vgt.f32 v38, v34;
	v7 =	vadd.f32 v24, v2;
	v2 =	vadd.f32 v25, v5  }
0x311: {  	v5 =	vadd.f32 v15, v20;
	v24 =	vsel vm5, $0x3F800000, v60;
	v25 =	vsel vm6, $0x3F800000, v60  }
0x312: {  	v20 =	vsel vm14, $0x3F800000, v60;
	vm5 =	vgt.f32 v35, v34;
	v14 =	vsub.f32 v14, v24  }
0x313: {  	vm6 =	vgt.f32 v48, v28;
	v9 =	vsub.f32 v9, v25;
	v12 =	vadd.f32 v20, v12  }
0x314: {  	vm14 =	vgt.f32 v36, v38;
	v2 =	vadd.f32 v21, v2;
	v5 =	vadd.f32 v25, v5  }
0x315: {  	v21 =	vsel vm7, $0x3F800000, v60;
	v25 =	vsel vm12, $0x3F800000, v60;
	vm7 =	vgt.f32 v36, v34  }
0x316: {  	vm12 =	vgt.f32 v35, v38;
	v13 =	vsub.f32 v13, v21;
	v11 =	vsub.f32 v11, v25  }
0x317: {  	v9 =	vsub.f32 v9, v20;
	v2 =	vadd.f32 v22, v2;
	v22 =	vsel vm8, $0x3F800000, v60  }
0x318: {  	vm8 =	vgt.f32 v41, v34;
	v5 =	vadd.f32 v22, v5;
	v3 =	vsub.f32 v3, v22  }
0x319: {  	v22 =	vsel vm4, $0x3F800000, v60;
	vm4 =	vgt.f32 v44, v38;
	v2 =	vadd.f32 v23, v2  }
0x31a: {  	v23 =	vsel vm9, $0x3F800000, v60;
	v12 =	vadd.f32 v22, v12;
	vm9 =	vgt.f32 v44, v34  }
0x31b: {  	v5 =	vadd.f32 v23, v5;
	v4 =	vsub.f32 v4, v23;
	v23 =	vsel vm5, $0x3F800000, v60  }
0x31c: {  	v3 =	vsub.f32 v3, v22;
	v20 =	vsel vm9, $0x3F800000, v60;
	vm5 =	vgt.f32 v35, v43  }
0x31d: {  	vm9 =	vgt.f32 v48, v38;
	v2 =	vadd.f32 v24, v2;
	v24 =	vsel vm10, $0x3F800000, v60  }
0x31e: {  	v12 =	vadd.f32 v23, v12;
	vm10 =	vgt.f32 v43, v38;
	v15 =	vsel vm5, $0x3F800000, v60  }
0x31f: {  	vm5 =	vgt.f32 v48, v35;
	v2 =	vadd.f32 v21, v2;
	v21 =	vsel vm15, $0x3F800000, v60  }
0x320: {  	v1 =	vsub.f32 v1, v24;
	vm15 =	vgt.f32 v41, v38;
	v13 =	vsub.f32 v13, v21  }
0x321: {  	v6 =	vadd.f32 v24, v2;
	v2 =	vsel vm11, $0x3F800000, v60;
	v24 =	vsel vm6, $0x3F800000, v60  }
0x322: {  	vm11 =	vgt.f32 v45, v34;
	v5 =	vadd.f32 v2, v5;
	v2 =	vsub.f32 v10, v2  }
0x323: {  	vm6 =	vgt.f32 v45, v38;
	v10 =	vsub.f32 v14, v19;
	v1 =	vsub.f32 v1, v24  }
0x324: {  	v14 =	vsub.f32 v4, v23;
	v22 =	vsel vm11, $0x3F800000, v60;
	vm11 =	vgt.f32 v45, v43  }
0x325: {  	v13 =	vsub.f32 v13, v22;
	v5 =	vadd.f32 v25, v5;
	v25 =	vsel vm7, $0x3F800000, v60  }
0x326: {  	v10 =	vsub.f32 v10, v20;
	vm7 =	vgt.f32 v36, v43;
	v12 =	vadd.f32 v25, v12  }
0x327: {  	v2 =	vsub.f32 v2, v25;
	v25 =	vsel vm13, $0x3F800000, v60;
	v16 =	vsel vm7, $0x3F800000, v60  }
0x328: {  	vm13 =	vgt.f32 v48, v43;
	v5 =	vadd.f32 v19, v5;
	v19 =	vsel vm8, $0x3F800000, v60  }
0x329: {  	vm7 =	vgt.f32 v44, v36;
	v1 =	vsub.f32 v1, v25;
	v12 =	vadd.f32 v19, v12  }
0x32a: {  	v11 =	vsub.f32 v11, v19;
	v5 =	vadd.f32 v21, v5;
	v21 =	vsel vm10, $0x3F800000, v60  }
0x32b: {  	v12 =	vadd.f32 v20, v12;
	v9 =	vadd.f32 v21, v9;
	v20 =	vsel vm14, $0x3F800000, v60  }
0x32c: {  	v3 =	vsub.f32 v3, v21;
	v21 =	vsel vm15, $0x3F800000, v60;
	v5 =	vadd.f32 v24, v5  }
0x32d: {  	v24 =	vsel vm12, $0x3F800000, v60;
	v2 =	vsub.f32 v2, v20;
	v11 =	vsub.f32 v11, v21  }
0x32e: {  	vm8 =	vgt.f32 v41, v43;
	v23 =	vadd.f32 v22, v12;
	v9 =	vadd.f32 v24, v9  }
0x32f: {  	v12 =	vsub.f32 v14, v24;
	v22 =	vsel vm4, $0x3F800000, v60;
	v3 =	vadd.f32 v15, v3  }
0x330: {  	v24 =	vsel vm8, $0x3F800000, v60;
	v10 =	vsub.f32 v10, v22;
	v2 =	vsub.f32 v2, v16  }
0x331: {  	vm14 =	vgt.f32 v41, v35;
	v11 =	vsub.f32 v11, v24;
	v4 =	vadd.f32 v25, v23  }
0x332: {  	v9 =	vadd.f32 v20, v9;
	v23 =	vsel vm6, $0x3F800000, v60;
	v3 =	vadd.f32 v16, v3  }
0x333: {  	v12 =	vsub.f32 v12, v15;
	v20 =	vsel vm14, $0x3F800000, v60;
	v13 =	vsub.f32 v13, v23  }
0x334: {  	vm10 =	vgt.f32 v44, v43;
	v11 =	vsub.f32 v11, v20;
	v9 =	vadd.f32 v21, v9  }
0x335: {  	v25 =	vadd.f32 v24, v3;
	v21 =	vsel vm9, $0x3F800000, v60;
	v24 =	vsel vm11, $0x3F800000, v60  }
0x336: {  	v17 =	vld [tilespmem:$0x1FE70];
	v9 =	vadd.f32 v22, v9;
	v22 =	vsub.f32 v1, v21;
	v1 =	vsel vm10, $0x3F800000, v60  }
0x337: {  	v18 =	vld [tilespmem:$0x1FE80];
	vm12 =	vgt.f32 v36, v35;
	v13 =	vsub.f32 v13, v24;
	v10 =	vsub.f32 v10, v1  }
0x338: {  	v9 =	vadd.f32 v23, v9;
	v23 =	vadd.f32 v1, v25;
	v25 =	vsel vm12, $0x3F800000, v60  }
0x339: {  	v19 =	vsel vm13, $0x3F800000, v60;
	v12 =	vadd.f32 v25, v12;
	v14 =	vsub.f32 v2, v25  }
0x33a: {  	vm15 =	vgt.f32 v44, v35;
	v3 =	vadd.f32 v21, v9;
	v1 =	vadd.f32 v24, v23  }
0x33b: {  	vm4 =	vgt.f32 v45, v35;
	v9 =	vsub.f32 v22, v19;
	v21 =	vsub.f32 $0.0e+00, v17  }
0x33c: {  	vm6 =	vgt.f32 v41, v36;
	v23 =	vsub.f32 $0.0e+00, v18;
	v1 =	vadd.f32 v19, v1;
	v19 =	vld [tilespmem:$0x1FE90]  }
0x33d: {  	v2 =	vsel vm15, $0x3F800000, v60;
	v12 =	vadd.f32 v20, v12;
	v22 =	vmul.f32 $1.442695020e+00, v21  }
0x33e: {  	v25 =	vsel vm5, $0x3F800000, v60;
	v10 =	vsub.f32 v10, v2;
	v24 =	vmul.f32 $1.442695020e+00, v23  }
0x33f: {  	v21 =	vsel vm6, $0x3F800000, v60;
	v12 =	vadd.f32 v2, v12;
	(erf) = vpow2.f32 v22;
	v22 =	vld [tilespmem:$0x1FEA0]  }
0x340: {  	v2 =	vsel vm4, $0x3F800000, v60;
	v14 =	vadd.f32 v21, v14;
	v11 =	vsub.f32 v11, v21  }
0x341: {  	v23 =	vsel vm7, $0x3F800000, v60;
	v21 =	vld [tilespmem:$0x1FED0];
	v12 =	vadd.f32 v2, v12;
	v20 =	vsub.f32 $0.0e+00, v19  }
0x342: {  	v10 =	vsub.f32 v10, v23;
	(erf) = vpow2.f32 v24;
	v24 =	vadd.f32 v23, v14;
	v23 =	vld [tilespmem:$0x1FEC0]  }
0x343: {  	v13 =	vsub.f32 v13, v2;
	v2 =	vadd.f32 v25, v12;
	v12 =	vmul.f32 $1.442695020e+00, v20;
	v20 =	vld [tilespmem:$0x1FEB0]  }
0x344: {  	v15 =	vsub.f32 v22, v17  }
0x345: {  	vm8 =	vgt.f32 v45, v36;
	v9 =	vsub.f32 v9, v25  }
0x346: {  	v56 =	vsub.f32 v56, v21;
	v25 =	vsub.f32 v15, v51;
	v51 =	vsel vm8, $0x3F800000, v60  }
0x347: {  	(erf) = vpow2.f32 v12;
	v15 =	vsub.f32 v23, v18;
	v12 =	vadd.f32 v51, v24  }
0x348: {  	vm13 =	vgt.f32 v45, v44;
	v13 =	vsub.f32 v13, v51;
	v22 =	vsub.f32 $0.0e+00, v20  }
0x349: {  	v51 =	vsub.f32 v54, v19;
	v54 =	vld [tilespmem:$0x1FEE0];
	v14 =	vmax.f32 v25, $0.0e+00;
	v25 =	vsub.f32 $0.0e+00, v21  }
0x34a: {  	vm14 =	vgt.f32 v48, v44;
	vm9 =	vgt.f32 v48, v36;
	v16 =	vmul.f32 $1.442695020e+00, v22  }
0x34b: {  	v17 =	vsub.f32 v56, v47;
	v24 =	vpop (erf);
	v15 =	vsub.f32 v15, v50;
	v21 =	vld [tilespmem:$0x1FF10];
	v22 =	vmul.f32 $1.442695020e+00, v25  }
0x34c: {  	v14 =	vmul.f32 v14, v24;
	v55 =	vsub.f32 v55, v20;
	v20 =	vld [tilespmem:$0x1FF00];
	(erf) = vpow2.f32 v16  }
0x34d: {  	v23 =	vsub.f32 v51, v49;
	v24 =	vpop (erf);
	v15 =	vmax.f32 v15, $0.0e+00;
	(erf) = vpow2.f32 v22;
	v22 =	vld [tilespmem:$0x1FEF0]  }
0x34e: {  	v15 =	vmul.f32 v15, v24;
	v25 =	vsel vm9, $0x3F800000, v60;
	v14 =	vadd.f32 v14, v54  }
0x34f: {  	v50 =	vmax.f32 v23, $0.0e+00;
	v23 =	vld [tilespmem:$0x1FF20];
	v49 =	vadd.f32 v25, v12;
	v9 =	vsub.f32 v9, v25  }
0x350: {  	vm11 =	vgt.f32 v45, v41;
	v16 =	vsub.f32 v55, v46;
	v55 =	vsub.f32 $0.0e+00, v21  }
0x351: {  	vm10 =	vgt.f32 v44, v41;
	v59 =	vsub.f32 v59, v21;
	v14 =	vadd.f32 v14, v15  }
0x352: {  	v56 =	vmax.f32 v17, $0.0e+00;
	v21 =	vld [tilespmem:$0x1FFC0];
	v25 =	vsub.f32 $0.0e+00, v20;
	v51 =	vpop (erf);
	v54 =	vsub.f32 $0.0e+00, v22  }
0x353: {  	v39 =	vsub.f32 v59, v39;
	v12 =	vmul.f32 v50, v51;
	v51 =	vsel vm10, $0x3F800000, v60  }
0x354: {  	v46 =	vsub.f32 $0.0e+00, v23;
	v0 =	vsub.f32 v0, v23;
	v24 =	vmul.f32 $1.442695020e+00, v54  }
0x355: {  	v47 =	vmul.f32 $1.442695020e+00, v25;
	v11 =	vadd.f32 v51, v11;
	v10 =	vsub.f32 v10, v51  }
0x356: {  	v51 =	vsub.f32 v58, v20;
	(erf) = vpow2.f32 v24;
	v24 =	vmul.f32 $1.442695020e+00, v55;
	v55 =	vld [tilespmem:$0x1FF30]  }
0x357: {  	v50 =	vmax.f32 v16, $0.0e+00;
	v12 =	vadd.f32 v14, v12;
	v1 =	vsub.f32 v1, v21  }
0x358: {  	v0 =	vsub.f32 v0, v37;
	v54 =	vpop (erf);
	(erf) = vpow2.f32 v47;
	v47 =	vmul.f32 $1.442695020e+00, v46  }
0x359: {  	v1 =	vsub.f32 v1, v43;
	v15 =	vmul.f32 v50, v54;
	(erf) = vpow2.f32 v24;
	v24 =	vld [tilespmem:$0x1FF40]  }
0x35a: {  	v25 =	vpop (erf);
	v50 =	vsub.f32 v57, v22;
	v54 =	vsel vm11, $0x3F800000, v60;
	(erf) = vpow2.f32 v47;
	v47 =	vld [tilespmem:$0x1FF50]  }
0x35b: {  	v57 =	vsub.f32 v51, v42;
	v14 =	vmul.f32 v56, v25;
	v56 =	vsub.f32 $0.0e+00, v55  }
0x35c: {  	vm12 =	vgt.f32 v48, v41;
	v11 =	vadd.f32 v54, v11;
	v12 =	vadd.f32 v12, v15  }
0x35d: {  	v13 =	vsub.f32 v13, v54;
	v16 =	vsub.f32 v50, v40;
	v15 =	vmul.f32 $1.442695020e+00, v56  }
0x35e: {  	v0 =	vmax.f32 v0, $0.0e+00;
	v12 =	vadd.f32 v12, v14;
	v25 =	vsub.f32 $0.0e+00, v24;
	v56 =	vld [tilespmem:$0x1FF60]  }
0x35f: {  	v54 =	vsub.f32 v61, v55;
	v61 =	vld [tilespmem:$0x1FF70];
	v50 =	vsub.f32 $0.0e+00, v47;
	v58 =	vpop (erf);
	(erf) = vpow2.f32 v15  }
0x360: {  	v16 =	vmax.f32 v16, $0.0e+00;
	v14 =	vmax.f32 v57, $0.0e+00;
	v42 =	vmul.f32 $1.442695020e+00, v25  }
0x361: {  	v23 =	vsub.f32 v62, v24;
	v15 =	vmax.f32 v39, $0.0e+00;
	v17 =	vmul.f32 $1.442695020e+00, v50  }
0x362: {  	v25 =	vsub.f32 v63, v47;
	v16 =	vmul.f32 v16, v58;
	v40 =	vpop (erf);
	(erf) = vpow2.f32 v42  }
0x363: {  	v39 =	vld [tilespmem:$0x1FF80];
	v58 =	vsub.f32 v54, v33;
	v46 =	vpop (erf);
	v57 =	vsub.f32 $0.0e+00, v56;
	(erf) = vpow2.f32 v17  }
0x364: {  	v22 =	vsub.f32 $0.0e+00, v61;
	v7 =	vsub.f32 v7, v61;
	v14 =	vmul.f32 v14, v40  }
0x365: {  	v47 =	vld [tilespmem:$0x1FF90];
	v37 =	vsub.f32 v25, v29;
	v12 =	vadd.f32 v12, v16;
	v59 =	vmul.f32 $1.442695020e+00, v57  }
0x366: {  	v51 =	vmul.f32 v15, v46;
	v16 =	vmul.f32 $1.442695020e+00, v22;
	v8 =	vsub.f32 v8, v56  }
0x367: {  	v63 =	vld [tilespmem:$0x1FFB0];
	v55 =	vpop (erf);
	v7 =	vsub.f32 v7, v32;
	v12 =	vadd.f32 v12, v14;
	(erf) = vpow2.f32 v59  }
0x368: {  	v22 =	vsub.f32 $0.0e+00, v21;
	v40 =	vsub.f32 $0.0e+00, v39;
	v57 =	vld [tilespmem:$0x1FFA0];
	v24 =	vpop (erf);
	(erf) = vpow2.f32 v16  }
0x369: {  	v0 =	vmul.f32 v0, v55;
	v42 =	vmax.f32 v37, $0.0e+00;
	v12 =	vadd.f32 v12, v51  }
0x36a: {  	v8 =	vsub.f32 v8, v31;
	v50 =	vsub.f32 $0.0e+00, v47;
	v15 =	vmul.f32 $1.442695020e+00, v40  }
0x36b: {  	v14 =	vmax.f32 v58, $0.0e+00;
	v0 =	vadd.f32 v12, v0;
	v12 =	vsub.f32 v23, v30;
	v33 =	vpop (erf)  }
0x36c: {  	v19 =	vsub.f32 $0.0e+00, v63;
	v54 =	vmul.f32 $1.442695020e+00, v50;
	v46 =	vpop (erf);
	(erf) = vpow2.f32 v15  }
0x36d: {  	v14 =	vmul.f32 v14, v24;
	v58 =	vsub.f32 $0.0e+00, v57;
	v12 =	vmax.f32 v12, $0.0e+00  }
0x36e: {  	v6 =	vsub.f32 v6, v39;
	v5 =	vsub.f32 v5, v47;
	v12 =	vmul.f32 v12, v33  }
0x36f: {  	v0 =	vadd.f32 v0, v14;
	v62 =	vmul.f32 $1.442695020e+00, v58;
	(erf) = vpow2.f32 v54  }
0x370: {  	v8 =	vmax.f32 v8, $0.0e+00;
	v20 =	vmul.f32 $1.442695020e+00, v19;
	v30 =	vsel vm12, $0x3F800000, v60;
	v51 =	vpop (erf)  }
0x371: {  	v0 =	vadd.f32 v0, v12;
	v12 =	vmul.f32 v42, v46;
	v56 =	vpop (erf);
	(erf) = vpow2.f32 v62  }
0x372: {  	v6 =	vsub.f32 v6, v27;
	v23 =	vmul.f32 $1.442695020e+00, v22;
	v11 =	vadd.f32 v30, v11  }
0x373: {  	v0 =	vadd.f32 v0, v12;
	v8 =	vmul.f32 v8, v51;
	(erf) = vpow2.f32 v20  }
0x374: {  	v7 =	vmax.f32 v7, $0.0e+00;
	v9 =	vsub.f32 v9, v30;
	v4 =	vsub.f32 v4, v57;
	v30 =	vld [tilespmem:$0x1FFD0]  }
0x375: {  	v0 =	vadd.f32 v0, v8;
	v7 =	vmul.f32 v7, v56;
	v25 =	vpop (erf);
	(erf) = vpow2.f32 v23  }
0x376: {  	v1 =	vmax.f32 v1, $0.0e+00;
	v5 =	vsub.f32 v5, v28;
	v6 =	vmax.f32 v6, $0.0e+00  }
0x377: {  	v4 =	vsub.f32 v4, v34;
	v34 =	vld [tilespmem:$0x1FFE0];
	v0 =	vadd.f32 v0, v7;
	v6 =	vmul.f32 v6, v25  }
0x378: {  	v55 =	vsel vm13, $0x3F800000, v60;
	v3 =	vsub.f32 v3, v63;
	v5 =	vmax.f32 v5, $0.0e+00;
	v29 =	vpop (erf)  }
0x379: {  	v31 =	vsub.f32 $0.0e+00, v30;
	v5 =	vmul.f32 v5, v29;
	v0 =	vadd.f32 v0, v6  }
0x37a: {  	v47 =	vsub.f32 $0.0e+00, v53;
	v3 =	vsub.f32 v3, v38;
	v4 =	vmax.f32 v4, $0.0e+00;
	v33 =	vpop (erf)  }
0x37b: {  	v32 =	vmul.f32 $1.442695020e+00, v31;
	v0 =	vadd.f32 v0, v5;
	v4 =	vmul.f32 v4, v33  }
0x37c: {  	v40 =	vsub.f32 $0.0e+00, v52;
	v3 =	vmax.f32 v3, $0.0e+00;
	v37 =	vsub.f32 $0.0e+00, v34;
	v38 =	vpop (erf)  }
0x37d: {  	v50 =	vld [tilespmem:$0x1FFF0];
	(erf) = vpow2.f32 v32;
	v3 =	vmul.f32 v3, v38;
	v0 =	vadd.f32 v0, v4  }
0x37e: {  	v43 =	vmul.f32 $1.442695020e+00, v40;
	v46 =	vsub.f32 $0.0e+00, v26;
	v39 =	vmul.f32 $1.442695020e+00, v37;
	v42 =	vpop (erf)  }
0x37f: {  	v2 =	vsub.f32 v2, v30;
	v1 =	vmul.f32 v1, v42;
	v0 =	vadd.f32 v0, v3  }
0x380: {  	v59 =	vadd.f32 v55, v10;
	(erf) = vpow2.f32 v39;
	v3 =	vmul.f32 $1.442695020e+00, v46  }
0x381: {  	(erf) = vpow2.f32 v43;
	v0 =	vadd.f32 v0, v1;
	v1 =	vsub.f32 v2, v35  }
0x382: {  	(erf) = vpow2.f32 v3;
	v2 =	vmul.f32 $1.442695020e+00, v47;
	v3 =	vsub.f32 $0.0e+00, v50  }
0x383: {  	vm15 =	vgt.f32 v48, v45;
	v24 =	vsel vm14, $0x3F800000, v60  }
0x384: {  	v61 =	vsub.f32 v13, v55;
	v27 =	vadd.f32 v24, v59;
	v3 =	vmul.f32 $1.442695020e+00, v3  }
0x385: {  	v28 =	vsub.f32 v9, v24;
	v51 =	vsub.f32 v49, v34;
	(erf) = vpow2.f32 v2  }
0x386: {  	v54 =	vsub.f32 v11, v52;
	v1 =	vmax.f32 v1, $0.0e+00;
	v2 =	vpop (erf);
	(erf) = vpow2.f32 v3  }
0x387: {  	v3 =	vsel vm15, $0x3F800000, v60;
	v1 =	vmul.f32 v1, v2;
	v2 =	vsub.f32 v51, v36  }
0x388: {  	v55 =	vsub.f32 v54, v41;
	v58 =	vadd.f32 v3, v61  }
0x389: {  	v56 =	vsub.f32 v27, v26;
	v57 =	vpop (erf);
	v3 =	vsub.f32 v28, v3;
	v2 =	vmax.f32 v2, $0.0e+00  }
0x38a: {  	v0 =	vadd.f32 v0, v1;
	v59 =	vsub.f32 v58, v53;
	v1 =	vmul.f32 v2, v57  }
0x38b: {  	v4 =	vmax.f32 v55, $0.0e+00;
	v61 =	vpop (erf);
	v3 =	vsub.f32 v3, v50;
	v2 =	vsub.f32 v56, v44  }
0x38c: {  	v0 =	vadd.f32 v0, v1;
	v1 =	vmul.f32 v4, v61  }
0x38d: {  	v62 =	vsub.f32 v59, v45;
	v63 =	vpop (erf);
	v2 =	vmax.f32 v2, $0.0e+00  }
0x38e: {  	v0 =	vadd.f32 v0, v1;
	v1 =	vmul.f32 v2, v63  }
0x38f: {  	p0 =	sne.s32 s14, $0x1F0;
	v4 =	vmax.f32 v62, $0.0e+00;
	v2 =	vsub.f32 v3, v48;
	v3 =	vpop (erf)  }
.Ltmp0:
0x390: {  	v0 =	vadd.f32 v0, v1;
	v1 =	vmul.f32 v4, v3;
	(pc) =	sbr.rel @p0 .LBB2_2-.Ltmp0, $3  }
0x391: {  	v3 =	vpop (erf);
	v2 =	vmax.f32 v2, $0.0e+00  }
0x392: {  	v0 =	vadd.f32 v0, v1;
	v1 =	vmul.f32 v2, v3;
	_ =	sdelay $0x1  }
0x393: {  	s13 =	sadd.s32 $0x80, s13;
	s14 =	sadd.s32 $0x10, s14;
	v0 =	vadd.f32 v0, v1  }
0x394: {  	s12 =	sadd.s32 $0x1, s12  }
0x395: {  	p0 =	sne.s32 s12, s6  }
.Ltmp1:
0x396: {  	[tilespmem:$0x8200] =	vst v0;
	(pc) =	sbr.rel @p0 .LBB2_1-.Ltmp1, $4  }
0x397: {  	[hbm4b:s5+s2] =	stream.linear.scatter [tilespmem:s11], [sflag:$0x1], $0x80, $0x38;
	[tilespmem:$0x8280] =	vst v63  }
0x398: {  	_ =	swait.ge [sflag:s9], $0x80  }
0x399: {  	[sflag:s9] =	ssyncset.done $0x0  }
0x39a: {  	[sflag:s9] =	ssyncadd.s32 $0xFFFFFF80  }
0x39b: {  	_ =	sfence.sel $0x180000  }
0x39c: {  	[bflag:$0x0] =	sbarrier.arrive $0xFFFF  }
0x39d: {  	p0 =	sne.s32 s1, $0x0;
	_ =	strace $0x90000047  }
0x39e: {  	s0 =	sadd.s32 @!p0 $0x100000, s0;
	[bflag:$0x2] =	sbarrier.arrive $0xFFFF  }
0x39f: {  	[sflag:s0] =	ssyncadd.tile.s32 @!p0 $0x1;
	_ =	shalt  }
.Lfunc_end2:
_tile_overlayer_lowered:
.L_overlay_start_2:
0x3a0: {  	(tag) =	ssettag $0x2  }
0x3a1: {  	s0 =	rddreg [dreg:$0x0];
	s2 =	stileid.u32  }
0x3a2: {  	s1 =	rddreg [dreg:$0x1];
	p0 =	sne.s32 s2, $0x0  }
0x3a3: {  	s3 =	rddreg [dreg:$0x2];
	[bflag:$0x3] =	sbarrier.arrive $0xFFFF;
	s2 =	simm.s32 @!p0 $0x1C01  }
0x3a4: {  	[timem:s3], [sflag:s2] =	dma.local @!p0 [hbm:s0], s1  }
0x3a5: {  	s0 =	simm.s32 @!p0 $0x1  }
0x3a6: {  	_ =	swait.ge @!p0 [sflag:s0], s1  }
0x3a7: {  	s1 =	ssub.s32 @!p0 $0x0, s1;
	[sflag:s0] =	ssyncset.done @!p0 $0x0  }
0x3a8: {  	[sflag:s0] =	ssyncadd.s32 @!p0 s1  }
0x3a9: {  	[bflag:$0x3] =	sbarrier.arrive $0xFFFF  }
0x3aa: {  	_ =	shalt  }

</sc_bundles>
